<compile_context>
chip_gen: v7x
topology: tpu7x:2x2x1
jax: 0.10.2.dev20260603
libtpu: 0.0.44.dev20260713+nightly
codegen_flags: <defaults>
</compile_context>

<pallas_src>
import functools

import jax
import jax.numpy as jnp
from jax import lax
from jax.experimental import pallas as pl
from jax.experimental.pallas import tpu as pltpu
from jax.experimental.pallas import tpu_sc as plsc

_EPS = 0.5
_N = 4096
_NC = 2
_NS = 16
_NW = _NC * _NS
_ROWS_PER_W = _N // _NW
_CHUNK = 4
_DEPTH = 3
_NCHUNK = _ROWS_PER_W // _CHUNK
_LANES = 16

_mesh = plsc.VectorSubcoreMesh(core_axis_name="c", subcore_axis_name="s")

_scratch = (
    [pltpu.VMEM((_CHUNK, _N), jnp.float32) for _ in range(2 * _DEPTH)]
    + [pltpu.SemaphoreType.DMA for _ in range(2 * _DEPTH)]
)


@functools.partial(
    pl.kernel,
    out_type=jax.ShapeDtypeStruct((_N, _N), jnp.float32),
    mesh=_mesh,
    scratch_types=_scratch,
)
def _sc_mask(adj_hbm, out_hbm, *bufs_and_sems):
    ibufs = bufs_and_sems[:_DEPTH]
    obufs = bufs_and_sems[_DEPTH : 2 * _DEPTH]
    isems = bufs_and_sems[2 * _DEPTH : 3 * _DEPTH]
    osems = bufs_and_sems[3 * _DEPTH :]

    wid = lax.axis_index("s") * _NC + lax.axis_index("c")
    base = wid * _ROWS_PER_W

    def start_in(k):
        b = k % _DEPTH
        return pltpu.async_copy(
            adj_hbm.at[pl.ds(base + k * _CHUNK, _CHUNK)], ibufs[b], isems[b]
        )

    def compute(b):
        def body(j, carry):
            c = j * _LANES
            for r in range(_CHUNK):
                v = ibufs[b][r, pl.ds(c, _LANES)]
                obufs[b][r, pl.ds(c, _LANES)] = jnp.where(v > _EPS, v, 0.0)
            return carry

        lax.fori_loop(0, _N // _LANES, body, 0)

    cp_in = [start_in(k) for k in range(_DEPTH)]
    pending_out = [None] * _DEPTH
    for k in range(_NCHUNK):
        b = k % _DEPTH
        cp_in[b].wait()
        if pending_out[b] is not None:
            pending_out[b].wait()
        compute(b)
        pending_out[b] = pltpu.async_copy(
            obufs[b], out_hbm.at[pl.ds(base + k * _CHUNK, _CHUNK)], osems[b]
        )
        if k + _DEPTH < _NCHUNK:
            cp_in[b] = start_in(k + _DEPTH)
    for b in range(_DEPTH):
        if pending_out[b] is not None:
            pending_out[b].wait()


def kernel(adj):
    return _sc_mask(adj)

# --- scband reference (transcript-rebuilt; emitter-appended) ---
"""Pipeline reference for scband-epsilon-nn-69217692942512 (READ-ONLY COPY).

The authoritative reference and input builder live on the scoring server;
editing this copy changes nothing except your own understanding.
"""

import jax, jax.numpy as jnp
import numpy as np

EPSILON = 0.5

def setup_inputs(seed: int = 0) -> dict:
    key = jax.random.key(seed)
    adj = jax.random.uniform(key, (4096, 4096), dtype=jnp.float32)
    return {"adj": adj}

def reference(adj):
    # Dense-path enn: mask elements > epsilon; set_value is None so keep original values.
    mask = adj > EPSILON
    new_adj = adj * mask
    return new_adj

if __name__ == "__main__":
    import jax
    _d = setup_inputs()
    print(jax.jit(kernel)(*tuple(_d.values())))

</pallas_src>

<mosaic_0001>
#map = affine_map<(d0, d1) -> (0, 0)>
module attributes {stable_mosaic.version = 14 : i64} {
  func.func @_sc_mask(%arg0: i32, %arg1: i32, %arg2: memref<4096x4096xf32, #tpu.memory_space<hbm>>, %arg3: memref<4096x4096xf32, #tpu.memory_space<hbm>>, %arg4: memref<4x4096xf32, #tpu.memory_space<vmem>>, %arg5: memref<4x4096xf32, #tpu.memory_space<vmem>>, %arg6: memref<4x4096xf32, #tpu.memory_space<vmem>>, %arg7: memref<4x4096xf32, #tpu.memory_space<vmem>>, %arg8: memref<4x4096xf32, #tpu.memory_space<vmem>>, %arg9: memref<4x4096xf32, #tpu.memory_space<vmem>>, %arg10: memref<!tpu.dma_semaphore, #tpu.memory_space<semaphore_mem>>, %arg11: memref<!tpu.dma_semaphore, #tpu.memory_space<semaphore_mem>>, %arg12: memref<!tpu.dma_semaphore, #tpu.memory_space<semaphore_mem>>, %arg13: memref<!tpu.dma_semaphore, #tpu.memory_space<semaphore_mem>>, %arg14: memref<!tpu.dma_semaphore, #tpu.memory_space<semaphore_mem>>, %arg15: memref<!tpu.dma_semaphore, #tpu.memory_space<semaphore_mem>>) attributes {dimension_semantics = [#tpu.dimension_semantics<core_parallel>, #tpu.dimension_semantics<subcore_parallel>], iteration_bounds = array<i64: 2, 16>, scalar_prefetch = 0 : i64, scratch_operands = 12 : i64, tpu.core_type = #tpu.core_type<sc_vector_subcore>, window_params = [{transform_indices = #map}, {transform_indices = #map}]} {
    %mul3A = arith.constant 2 : i32
    %mul3A_0 = arith.muli %arg1, %mul3A : i32
    %add3A = arith.addi %mul3A_0, %arg0 : i32
    %mul3A_1 = arith.constant 128 : i32
    %mul3A_2 = arith.muli %add3A, %mul3A_1 : i32
    %add3A_3 = arith.constant 0 : i32
    %add3A_4 = arith.addi %mul3A_2, %add3A_3 : i32
    %dma_start3A = arith.constant 0 : i32
    %dma_start3A_5 = tpu.memref_slice %arg2[%add3A_4, %dma_start3A] : memref<4096x4096xf32, #tpu.memory_space<hbm>> -> memref<4x4096xf32, #tpu.memory_space<hbm>>
    %dma_start3A_6 = arith.constant 0 : i32
    %dma_start3A_7 = tpu.memref_slice %arg2[%add3A_4, %dma_start3A_6] : memref<4096x4096xf32, #tpu.memory_space<hbm>> -> memref<4x4096xf32, #tpu.memory_space<hbm>>
    tpu.enqueue_dma source(%dma_start3A_7 : memref<4x4096xf32, #tpu.memory_space<hbm>>) target(%arg4 : memref<4x4096xf32, #tpu.memory_space<vmem>>) target_semaphore(%arg10 : memref<!tpu.dma_semaphore, #tpu.memory_space<semaphore_mem>>)
    %add3A_8 = arith.constant 4 : i32
    %add3A_9 = arith.addi %mul3A_2, %add3A_8 : i32
    %dma_start3A_10 = arith.constant 0 : i32
    %dma_start3A_11 = tpu.memref_slice %arg2[%add3A_9, %dma_start3A_10] : memref<4096x4096xf32, #tpu.memory_space<hbm>> -> memref<4x4096xf32, #tpu.memory_space<hbm>>
    %dma_start3A_12 = arith.constant 0 : i32
    %dma_start3A_13 = tpu.memref_slice %arg2[%add3A_9, %dma_start3A_12] : memref<4096x4096xf32, #tpu.memory_space<hbm>> -> memref<4x4096xf32, #tpu.memory_space<hbm>>
    tpu.enqueue_dma source(%dma_start3A_13 : memref<4x4096xf32, #tpu.memory_space<hbm>>) target(%arg5 : memref<4x4096xf32, #tpu.memory_space<vmem>>) target_semaphore(%arg11 : memref<!tpu.dma_semaphore, #tpu.memory_space<semaphore_mem>>)
    %add3A_14 = arith.constant 8 : i32
    %add3A_15 = arith.addi %mul3A_2, %add3A_14 : i32
    %dma_start3A_16 = arith.constant 0 : i32
    %dma_start3A_17 = tpu.memref_slice %arg2[%add3A_15, %dma_start3A_16] : memref<4096x4096xf32, #tpu.memory_space<hbm>> -> memref<4x4096xf32, #tpu.memory_space<hbm>>
    %dma_start3A_18 = arith.constant 0 : i32
    %dma_start3A_19 = tpu.memref_slice %arg2[%add3A_15, %dma_start3A_18] : memref<4096x4096xf32, #tpu.memory_space<hbm>> -> memref<4x4096xf32, #tpu.memory_space<hbm>>
    tpu.enqueue_dma source(%dma_start3A_19 : memref<4x4096xf32, #tpu.memory_space<hbm>>) target(%arg6 : memref<4x4096xf32, #tpu.memory_space<vmem>>) target_semaphore(%arg12 : memref<!tpu.dma_semaphore, #tpu.memory_space<semaphore_mem>>)
    %dma_wait3A = arith.constant 0 : i32
    %dma_wait3A_20 = tpu.memref_slice %arg2[%add3A_4, %dma_wait3A] : memref<4096x4096xf32, #tpu.memory_space<hbm>> -> memref<4x4096xf32, #tpu.memory_space<hbm>>
    %dma_wait3A_21 = arith.constant 0 : i32
    %dma_wait3A_22 = tpu.memref_slice %arg2[%add3A_4, %dma_wait3A_21] : memref<4096x4096xf32, #tpu.memory_space<hbm>> -> memref<4x4096xf32, #tpu.memory_space<hbm>>
    tpu.wait_dma2 semaphore(%arg10 : memref<!tpu.dma_semaphore, #tpu.memory_space<semaphore_mem>>) src(%dma_wait3A_22 : memref<4x4096xf32, #tpu.memory_space<hbm>>) dst(%arg4 : memref<4x4096xf32, #tpu.memory_space<vmem>>)
    %scan3A = arith.constant 0 : i32
    %scan3A_23 = arith.constant 0 : i32
    %scan3A_24 = arith.constant 256 : i32
    %scan3A_25 = arith.addi %scan3A_23, %scan3A_24 : i32
    %scan3A_26 = arith.constant 1 : i32
    scf.for %scan3A_832 = %scan3A_23 to %scan3A_25 step %scan3A_26  : i32 {
      %mul3A_833 = arith.constant 16 : i32
      %mul3A_834 = arith.muli %scan3A_832, %mul3A_833 : i32
      %get3A = arith.constant 0 : i32
      %get3A_835 = arith.index_cast %get3A : i32 to index
      %get3A_836 = arith.index_cast %mul3A_834 : i32 to index
      %get3A_837 = tpu.vector_load %arg4[%get3A_835, %get3A_836] {strides = array<i32>} : memref<4x4096xf32, #tpu.memory_space<vmem>>, vector<1x16xf32>,
      %get3A_838 = vector.shape_cast %get3A_837 : vector<1x16xf32> to vector<16xf32>
      %gt3A = arith.constant 5.000000e-01 : f32
      %gt3A_839 = vector.broadcast %gt3A : f32 to vector<16xf32>
      %gt3A_840 = arith.cmpf ogt, %get3A_838, %gt3A_839 : vector<16xf32>
      %jit3A = arith.constant 0.000000e+00 : f32
      %broadcast_in_dim3A = vector.broadcast %jit3A : f32 to vector<16xf32>
      %select_n3A = arith.select %gt3A_840, %get3A_838, %broadcast_in_dim3A : vector<16xi1>, vector<16xf32>
      %swap3A = arith.constant 0 : i32
      %swap3A_841 = arith.index_cast %swap3A : i32 to index
      %swap3A_842 = arith.index_cast %mul3A_834 : i32 to index
      %swap3A_843 = tpu.vector_load %arg7[%swap3A_841, %swap3A_842] {strides = array<i32>} : memref<4x4096xf32, #tpu.memory_space<vmem>>, vector<1x16xf32>,
      %swap3A_844 = vector.shape_cast %swap3A_843 : vector<1x16xf32> to vector<16xf32>
      %swap3A_845 = vector.shape_cast %select_n3A : vector<16xf32> to vector<1x16xf32>
      tpu.vector_store %arg7[%swap3A_841, %swap3A_842], %swap3A_845 {strides = array<i32>} : memref<4x4096xf32, #tpu.memory_space<vmem>>, vector<1x16xf32>,
      %get3A_846 = arith.constant 1 : i32
      %get3A_847 = arith.index_cast %get3A_846 : i32 to index
      %get3A_848 = arith.index_cast %mul3A_834 : i32 to index
      %get3A_849 = tpu.vector_load %arg4[%get3A_847, %get3A_848] {strides = array<i32>} : memref<4x4096xf32, #tpu.memory_space<vmem>>, vector<1x16xf32>,
      %get3A_850 = vector.shape_cast %get3A_849 : vector<1x16xf32> to vector<16xf32>
      %gt3A_851 = arith.constant 5.000000e-01 : f32
      %gt3A_852 = vector.broadcast %gt3A_851 : f32 to vector<16xf32>
      %gt3A_853 = arith.cmpf ogt, %get3A_850, %gt3A_852 : vector<16xf32>
      %jit3A_854 = arith.constant 0.000000e+00 : f32
      %broadcast_in_dim3A_855 = vector.broadcast %jit3A_854 : f32 to vector<16xf32>
      %select_n3A_856 = arith.select %gt3A_853, %get3A_850, %broadcast_in_dim3A_855 : vector<16xi1>, vector<16xf32>
      %swap3A_857 = arith.constant 1 : i32
      %swap3A_858 = arith.index_cast %swap3A_857 : i32 to index
      %swap3A_859 = arith.index_cast %mul3A_834 : i32 to index
      %swap3A_860 = tpu.vector_load %arg7[%swap3A_858, %swap3A_859] {strides = array<i32>} : memref<4x4096xf32, #tpu.memory_space<vmem>>, vector<1x16xf32>,
      %swap3A_861 = vector.shape_cast %swap3A_860 : vector<1x16xf32> to vector<16xf32>
      %swap3A_862 = vector.shape_cast %select_n3A_856 : vector<16xf32> to vector<1x16xf32>
      tpu.vector_store %arg7[%swap3A_858, %swap3A_859], %swap3A_862 {strides = array<i32>} : memref<4x4096xf32, #tpu.memory_space<vmem>>, vector<1x16xf32>,
      %get3A_863 = arith.constant 2 : i32
      %get3A_864 = arith.index_cast %get3A_863 : i32 to index
      %get3A_865 = arith.index_cast %mul3A_834 : i32 to index
      %get3A_866 = tpu.vector_load %arg4[%get3A_864, %get3A_865] {strides = array<i32>} : memref<4x4096xf32, #tpu.memory_space<vmem>>, vector<1x16xf32>,
      %get3A_867 = vector.shape_cast %get3A_866 : vector<1x16xf32> to vector<16xf32>
      %gt3A_868 = arith.constant 5.000000e-01 : f32
      %gt3A_869 = vector.broadcast %gt3A_868 : f32 to vector<16xf32>
      %gt3A_870 = arith.cmpf ogt, %get3A_867, %gt3A_869 : vector<16xf32>
      %jit3A_871 = arith.constant 0.000000e+00 : f32
      %broadcast_in_dim3A_872 = vector.broadcast %jit3A_871 : f32 to vector<16xf32>
      %select_n3A_873 = arith.select %gt3A_870, %get3A_867, %broadcast_in_dim3A_872 : vector<16xi1>, vector<16xf32>
      %swap3A_874 = arith.constant 2 : i32
      %swap3A_875 = arith.index_cast %swap3A_874 : i32 to index
      %swap3A_876 = arith.index_cast %mul3A_834 : i32 to index
      %swap3A_877 = tpu.vector_load %arg7[%swap3A_875, %swap3A_876] {strides = array<i32>} : memref<4x4096xf32, #tpu.memory_space<vmem>>, vector<1x16xf32>,
      %swap3A_878 = vector.shape_cast %swap3A_877 : vector<1x16xf32> to vector<16xf32>
      %swap3A_879 = vector.shape_cast %select_n3A_873 : vector<16xf32> to vector<1x16xf32>
      tpu.vector_store %arg7[%swap3A_875, %swap3A_876], %swap3A_879 {strides = array<i32>} : memref<4x4096xf32, #tpu.memory_space<vmem>>, vector<1x16xf32>,
      %get3A_880 = arith.constant 3 : i32
      %get3A_881 = arith.index_cast %get3A_880 : i32 to index
      %get3A_882 = arith.index_cast %mul3A_834 : i32 to index
      %get3A_883 = tpu.vector_load %arg4[%get3A_881, %get3A_882] {strides = array<i32>} : memref<4x4096xf32, #tpu.memory_space<vmem>>, vector<1x16xf32>,
      %get3A_884 = vector.shape_cast %get3A_883 : vector<1x16xf32> to vector<16xf32>
      %gt3A_885 = arith.constant 5.000000e-01 : f32
      %gt3A_886 = vector.broadcast %gt3A_885 : f32 to vector<16xf32>
      %gt3A_887 = arith.cmpf ogt, %get3A_884, %gt3A_886 : vector<16xf32>
      %jit3A_888 = arith.constant 0.000000e+00 : f32
      %broadcast_in_dim3A_889 = vector.broadcast %jit3A_888 : f32 to vector<16xf32>
      %select_n3A_890 = arith.select %gt3A_887, %get3A_884, %broadcast_in_dim3A_889 : vector<16xi1>, vector<16xf32>
      %swap3A_891 = arith.constant 3 : i32
      %swap3A_892 = arith.index_cast %swap3A_891 : i32 to index
      %swap3A_893 = arith.index_cast %mul3A_834 : i32 to index
      %swap3A_894 = tpu.vector_load %arg7[%swap3A_892, %swap3A_893] {strides = array<i32>} : memref<4x4096xf32, #tpu.memory_space<vmem>>, vector<1x16xf32>,
      %swap3A_895 = vector.shape_cast %swap3A_894 : vector<1x16xf32> to vector<16xf32>
      %swap3A_896 = vector.shape_cast %select_n3A_890 : vector<16xf32> to vector<1x16xf32>
      tpu.vector_store %arg7[%swap3A_892, %swap3A_893], %swap3A_896 {strides = array<i32>} : memref<4x4096xf32, #tpu.memory_space<vmem>>, vector<1x16xf32>,
    }
    %scan3A_27 = arith.constant 256 : i32
    %add3A_28 = arith.constant 0 : i32
    %add3A_29 = arith.addi %mul3A_2, %add3A_28 : i32
    %dma_start3A_30 = arith.constant 0 : i32
    %dma_start3A_31 = tpu.memref_slice %arg3[%add3A_29, %dma_start3A_30] : memref<4096x4096xf32, #tpu.memory_space<hbm>> -> memref<4x4096xf32, #tpu.memory_space<hbm>>
    %dma_start3A_32 = arith.constant 0 : i32
    %dma_start3A_33 = tpu.memref_slice %arg3[%add3A_29, %dma_start3A_32] : memref<4096x4096xf32, #tpu.memory_space<hbm>> -> memref<4x4096xf32, #tpu.memory_space<hbm>>
    tpu.enqueue_dma source(%arg7 : memref<4x4096xf32, #tpu.memory_space<vmem>>) target(%dma_start3A_33 : memref<4x4096xf32, #tpu.memory_space<hbm>>) target_semaphore(%arg13 : memref<!tpu.dma_semaphore, #tpu.memory_space<semaphore_mem>>)
    %add3A_34 = arith.constant 12 : i32
    %add3A_35 = arith.addi %mul3A_2, %add3A_34 : i32
    %dma_start3A_36 = arith.constant 0 : i32
    %dma_start3A_37 = tpu.memref_slice %arg2[%add3A_35, %dma_start3A_36] : memref<4096x4096xf32, #tpu.memory_space<hbm>> -> memref<4x4096xf32, #tpu.memory_space<hbm>>
    %dma_start3A_38 = arith.constant 0 : i32
    %dma_start3A_39 = tpu.memref_slice %arg2[%add3A_35, %dma_start3A_38] : memref<4096x4096xf32, #tpu.memory_space<hbm>> -> memref<4x4096xf32, #tpu.memory_space<hbm>>
    tpu.enqueue_dma source(%dma_start3A_39 : memref<4x4096xf32, #tpu.memory_space<hbm>>) target(%arg4 : memref<4x4096xf32, #tpu.memory_space<vmem>>) target_semaphore(%arg10 : memref<!tpu.dma_semaphore, #tpu.memory_space<semaphore_mem>>)
    %dma_wait3A_40 = arith.constant 0 : i32
    %dma_wait3A_41 = tpu.memref_slice %arg2[%add3A_9, %dma_wait3A_40] : memref<4096x4096xf32, #tpu.memory_space<hbm>> -> memref<4x4096xf32, #tpu.memory_space<hbm>>
    %dma_wait3A_42 = arith.constant 0 : i32
    %dma_wait3A_43 = tpu.memref_slice %arg2[%add3A_9, %dma_wait3A_42] : memref<4096x4096xf32, #tpu.memory_space<hbm>> -> memref<4x4096xf32, #tpu.memory_space<hbm>>
    tpu.wait_dma2 semaphore(%arg11 : memref<!tpu.dma_semaphore, #tpu.memory_space<semaphore_mem>>) src(%dma_wait3A_43 : memref<4x4096xf32, #tpu.memory_space<hbm>>) dst(%arg5 : memref<4x4096xf32, #tpu.memory_space<vmem>>)
    %scan3A_44 = arith.constant 0 : i32
    %scan3A_45 = arith.constant 0 : i32
    %scan3A_46 = arith.constant 256 : i32
    %scan3A_47 = arith.addi %scan3A_45, %scan3A_46 : i32
    %scan3A_48 = arith.constant 1 : i32
    scf.for %scan3A_832 = %scan3A_45 to %scan3A_47 step %scan3A_48  : i32 {
      %mul3A_833 = arith.constant 16 : i32
      %mul3A_834 = arith.muli %scan3A_832, %mul3A_833 : i32
      %get3A = arith.constant 0 : i32
      %get3A_835 = arith.index_cast %get3A : i32 to index
      %get3A_836 = arith.index_cast %mul3A_834 : i32 to index
      %get3A_837 = tpu.vector_load %arg5[%get3A_835, %get3A_836] {strides = array<i32>} : memref<4x4096xf32, #tpu.memory_space<vmem>>, vector<1x16xf32>,
      %get3A_838 = vector.shape_cast %get3A_837 : vector<1x16xf32> to vector<16xf32>
      %gt3A = arith.constant 5.000000e-01 : f32
      %gt3A_839 = vector.broadcast %gt3A : f32 to vector<16xf32>
      %gt3A_840 = arith.cmpf ogt, %get3A_838, %gt3A_839 : vector<16xf32>
      %jit3A = arith.constant 0.000000e+00 : f32
      %broadcast_in_dim3A = vector.broadcast %jit3A : f32 to vector<16xf32>
      %select_n3A = arith.select %gt3A_840, %get3A_838, %broadcast_in_dim3A : vector<16xi1>, vector<16xf32>
      %swap3A = arith.constant 0 : i32
      %swap3A_841 = arith.index_cast %swap3A : i32 to index
      %swap3A_842 = arith.index_cast %mul3A_834 : i32 to index
      %swap3A_843 = tpu.vector_load %arg8[%swap3A_841, %swap3A_842] {strides = array<i32>} : memref<4x4096xf32, #tpu.memory_space<vmem>>, vector<1x16xf32>,
      %swap3A_844 = vector.shape_cast %swap3A_843 : vector<1x16xf32> to vector<16xf32>
      %swap3A_845 = vector.shape_cast %select_n3A : vector<16xf32> to vector<1x16xf32>
      tpu.vector_store %arg8[%swap3A_841, %swap3A_842], %swap3A_845 {strides = array<i32>} : memref<4x4096xf32, #tpu.memory_space<vmem>>, vector<1x16xf32>,
      %get3A_846 = arith.constant 1 : i32
      %get3A_847 = arith.index_cast %get3A_846 : i32 to index
      %get3A_848 = arith.index_cast %mul3A_834 : i32 to index
      %get3A_849 = tpu.vector_load %arg5[%get3A_847, %get3A_848] {strides = array<i32>} : memref<4x4096xf32, #tpu.memory_space<vmem>>, vector<1x16xf32>,
      %get3A_850 = vector.shape_cast %get3A_849 : vector<1x16xf32> to vector<16xf32>
      %gt3A_851 = arith.constant 5.000000e-01 : f32
      %gt3A_852 = vector.broadcast %gt3A_851 : f32 to vector<16xf32>
      %gt3A_853 = arith.cmpf ogt, %get3A_850, %gt3A_852 : vector<16xf32>
      %jit3A_854 = arith.constant 0.000000e+00 : f32
      %broadcast_in_dim3A_855 = vector.broadcast %jit3A_854 : f32 to vector<16xf32>
      %select_n3A_856 = arith.select %gt3A_853, %get3A_850, %broadcast_in_dim3A_855 : vector<16xi1>, vector<16xf32>
      %swap3A_857 = arith.constant 1 : i32
      %swap3A_858 = arith.index_cast %swap3A_857 : i32 to index
      %swap3A_859 = arith.index_cast %mul3A_834 : i32 to index
      %swap3A_860 = tpu.vector_load %arg8[%swap3A_858, %swap3A_859] {strides = array<i32>} : memref<4x4096xf32, #tpu.memory_space<vmem>>, vector<1x16xf32>,
      %swap3A_861 = vector.shape_cast %swap3A_860 : vector<1x16xf32> to vector<16xf32>
      %swap3A_862 = vector.shape_cast %select_n3A_856 : vector<16xf32> to vector<1x16xf32>
      tpu.vector_store %arg8[%swap3A_858, %swap3A_859], %swap3A_862 {strides = array<i32>} : memref<4x4096xf32, #tpu.memory_space<vmem>>, vector<1x16xf32>,
      %get3A_863 = arith.constant 2 : i32
      %get3A_864 = arith.index_cast %get3A_863 : i32 to index
      %get3A_865 = arith.index_cast %mul3A_834 : i32 to index
      %get3A_866 = tpu.vector_load %arg5[%get3A_864, %get3A_865] {strides = array<i32>} : memref<4x4096xf32, #tpu.memory_space<vmem>>, vector<1x16xf32>,
      %get3A_867 = vector.shape_cast %get3A_866 : vector<1x16xf32> to vector<16xf32>
      %gt3A_868 = arith.constant 5.000000e-01 : f32
      %gt3A_869 = vector.broadcast %gt3A_868 : f32 to vector<16xf32>
      %gt3A_870 = arith.cmpf ogt, %get3A_867, %gt3A_869 : vector<16xf32>
      %jit3A_871 = arith.constant 0.000000e+00 : f32
      %broadcast_in_dim3A_872 = vector.broadcast %jit3A_871 : f32 to vector<16xf32>
      %select_n3A_873 = arith.select %gt3A_870, %get3A_867, %broadcast_in_dim3A_872 : vector<16xi1>, vector<16xf32>
      %swap3A_874 = arith.constant 2 : i32
      %swap3A_875 = arith.index_cast %swap3A_874 : i32 to index
      %swap3A_876 = arith.index_cast %mul3A_834 : i32 to index
      %swap3A_877 = tpu.vector_load %arg8[%swap3A_875, %swap3A_876] {strides = array<i32>} : memref<4x4096xf32, #tpu.memory_space<vmem>>, vector<1x16xf32>,
      %swap3A_878 = vector.shape_cast %swap3A_877 : vector<1x16xf32> to vector<16xf32>
      %swap3A_879 = vector.shape_cast %select_n3A_873 : vector<16xf32> to vector<1x16xf32>
      tpu.vector_store %arg8[%swap3A_875, %swap3A_876], %swap3A_879 {strides = array<i32>} : memref<4x4096xf32, #tpu.memory_space<vmem>>, vector<1x16xf32>,
      %get3A_880 = arith.constant 3 : i32
      %get3A_881 = arith.index_cast %get3A_880 : i32 to index
      %get3A_882 = arith.index_cast %mul3A_834 : i32 to index
      %get3A_883 = tpu.vector_load %arg5[%get3A_881, %get3A_882] {strides = array<i32>} : memref<4x4096xf32, #tpu.memory_space<vmem>>, vector<1x16xf32>,
      %get3A_884 = vector.shape_cast %get3A_883 : vector<1x16xf32> to vector<16xf32>
      %gt3A_885 = arith.constant 5.000000e-01 : f32
      %gt3A_886 = vector.broadcast %gt3A_885 : f32 to vector<16xf32>
      %gt3A_887 = arith.cmpf ogt, %get3A_884, %gt3A_886 : vector<16xf32>
      %jit3A_888 = arith.constant 0.000000e+00 : f32
      %broadcast_in_dim3A_889 = vector.broadcast %jit3A_888 : f32 to vector<16xf32>
      %select_n3A_890 = arith.select %gt3A_887, %get3A_884, %broadcast_in_dim3A_889 : vector<16xi1>, vector<16xf32>
      %swap3A_891 = arith.constant 3 : i32
      %swap3A_892 = arith.index_cast %swap3A_891 : i32 to index
      %swap3A_893 = arith.index_cast %mul3A_834 : i32 to index
      %swap3A_894 = tpu.vector_load %arg8[%swap3A_892, %swap3A_893] {strides = array<i32>} : memref<4x4096xf32, #tpu.memory_space<vmem>>, vector<1x16xf32>,
      %swap3A_895 = vector.shape_cast %swap3A_894 : vector<1x16xf32> to vector<16xf32>
      %swap3A_896 = vector.shape_cast %select_n3A_890 : vector<16xf32> to vector<1x16xf32>
      tpu.vector_store %arg8[%swap3A_892, %swap3A_893], %swap3A_896 {strides = array<i32>} : memref<4x4096xf32, #tpu.memory_space<vmem>>, vector<1x16xf32>,
    }
    %scan3A_49 = arith.constant 256 : i32
    %add3A_50 = arith.constant 4 : i32
    %add3A_51 = arith.addi %mul3A_2, %add3A_50 : i32
    %dma_start3A_52 = arith.constant 0 : i32
    %dma_start3A_53 = tpu.memref_slice %arg3[%add3A_51, %dma_start3A_52] : memref<4096x4096xf32, #tpu.memory_space<hbm>> -> memref<4x4096xf32, #tpu.memory_space<hbm>>
    %dma_start3A_54 = arith.constant 0 : i32
    %dma_start3A_55 = tpu.memref_slice %arg3[%add3A_51, %dma_start3A_54] : memref<4096x4096xf32, #tpu.memory_space<hbm>> -> memref<4x4096xf32, #tpu.memory_space<hbm>>
    tpu.enqueue_dma source(%arg8 : memref<4x4096xf32, #tpu.memory_space<vmem>>) target(%dma_start3A_55 : memref<4x4096xf32, #tpu.memory_space<hbm>>) target_semaphore(%arg14 : memref<!tpu.dma_semaphore, #tpu.memory_space<semaphore_mem>>)
    %add3A_56 = arith.constant 16 : i32
    %add3A_57 = arith.addi %mul3A_2, %add3A_56 : i32
    %dma_start3A_58 = arith.constant 0 : i32
    %dma_start3A_59 = tpu.memref_slice %arg2[%add3A_57, %dma_start3A_58] : memref<4096x4096xf32, #tpu.memory_space<hbm>> -> memref<4x4096xf32, #tpu.memory_space<hbm>>
    %dma_start3A_60 = arith.constant 0 : i32
    %dma_start3A_61 = tpu.memref_slice %arg2[%add3A_57, %dma_start3A_60] : memref<4096x4096xf32, #tpu.memory_space<hbm>> -> memref<4x4096xf32, #tpu.memory_space<hbm>>
    tpu.enqueue_dma source(%dma_start3A_61 : memref<4x4096xf32, #tpu.memory_space<hbm>>) target(%arg5 : memref<4x4096xf32, #tpu.memory_space<vmem>>) target_semaphore(%arg11 : memref<!tpu.dma_semaphore, #tpu.memory_space<semaphore_mem>>)
    %dma_wait3A_62 = arith.constant 0 : i32
    %dma_wait3A_63 = tpu.memref_slice %arg2[%add3A_15, %dma_wait3A_62] : memref<4096x4096xf32, #tpu.memory_space<hbm>> -> memref<4x4096xf32, #tpu.memory_space<hbm>>
    %dma_wait3A_64 = arith.constant 0 : i32
    %dma_wait3A_65 = tpu.memref_slice %arg2[%add3A_15, %dma_wait3A_64] : memref<4096x4096xf32, #tpu.memory_space<hbm>> -> memref<4x4096xf32, #tpu.memory_space<hbm>>
    tpu.wait_dma2 semaphore(%arg12 : memref<!tpu.dma_semaphore, #tpu.memory_space<semaphore_mem>>) src(%dma_wait3A_65 : memref<4x4096xf32, #tpu.memory_space<hbm>>) dst(%arg6 : memref<4x4096xf32, #tpu.memory_space<vmem>>)
    %scan3A_66 = arith.constant 0 : i32
    %scan3A_67 = arith.constant 0 : i32
    %scan3A_68 = arith.constant 256 : i32
    %scan3A_69 = arith.addi %scan3A_67, %scan3A_68 : i32
    %scan3A_70 = arith.constant 1 : i32
    scf.for %scan3A_832 = %scan3A_67 to %scan3A_69 step %scan3A_70  : i32 {
      %mul3A_833 = arith.constant 16 : i32
      %mul3A_834 = arith.muli %scan3A_832, %mul3A_833 : i32
      %get3A = arith.constant 0 : i32
      %get3A_835 = arith.index_cast %get3A : i32 to index
      %get3A_836 = arith.index_cast %mul3A_834 : i32 to index
      %get3A_837 = tpu.vector_load %arg6[%get3A_835, %get3A_836] {strides = array<i32>} : memref<4x4096xf32, #tpu.memory_space<vmem>>, vector<1x16xf32>,
      %get3A_838 = vector.shape_cast %get3A_837 : vector<1x16xf32> to vector<16xf32>
      %gt3A = arith.constant 5.000000e-01 : f32
      %gt3A_839 = vector.broadcast %gt3A : f32 to vector<16xf32>
      %gt3A_840 = arith.cmpf ogt, %get3A_838, %gt3A_839 : vector<16xf32>
      %jit3A = arith.constant 0.000000e+00 : f32
      %broadcast_in_dim3A = vector.broadcast %jit3A : f32 to vector<16xf32>
      %select_n3A = arith.select %gt3A_840, %get3A_838, %broadcast_in_dim3A : vector<16xi1>, vector<16xf32>
      %swap3A = arith.constant 0 : i32
      %swap3A_841 = arith.index_cast %swap3A : i32 to index
      %swap3A_842 = arith.index_cast %mul3A_834 : i32 to index
      %swap3A_843 = tpu.vector_load %arg9[%swap3A_841, %swap3A_842] {strides = array<i32>} : memref<4x4096xf32, #tpu.memory_space<vmem>>, vector<1x16xf32>,
      %swap3A_844 = vector.shape_cast %swap3A_843 : vector<1x16xf32> to vector<16xf32>
      %swap3A_845 = vector.shape_cast %select_n3A : vector<16xf32> to vector<1x16xf32>
      tpu.vector_store %arg9[%swap3A_841, %swap3A_842], %swap3A_845 {strides = array<i32>} : memref<4x4096xf32, #tpu.memory_space<vmem>>, vector<1x16xf32>,
      %get3A_846 = arith.constant 1 : i32
      %get3A_847 = arith.index_cast %get3A_846 : i32 to index
      %get3A_848 = arith.index_cast %mul3A_834 : i32 to index
      %get3A_849 = tpu.vector_load %arg6[%get3A_847, %get3A_848] {strides = array<i32>} : memref<4x4096xf32, #tpu.memory_space<vmem>>, vector<1x16xf32>,
      %get3A_850 = vector.shape_cast %get3A_849 : vector<1x16xf32> to vector<16xf32>
      %gt3A_851 = arith.constant 5.000000e-01 : f32
      %gt3A_852 = vector.broadcast %gt3A_851 : f32 to vector<16xf32>
      %gt3A_853 = arith.cmpf ogt, %get3A_850, %gt3A_852 : vector<16xf32>
      %jit3A_854 = arith.constant 0.000000e+00 : f32
      %broadcast_in_dim3A_855 = vector.broadcast %jit3A_854 : f32 to vector<16xf32>
      %select_n3A_856 = arith.select %gt3A_853, %get3A_850, %broadcast_in_dim3A_855 : vector<16xi1>, vector<16xf32>
      %swap3A_857 = arith.constant 1 : i32
      %swap3A_858 = arith.index_cast %swap3A_857 : i32 to index
      %swap3A_859 = arith.index_cast %mul3A_834 : i32 to index
      %swap3A_860 = tpu.vector_load %arg9[%swap3A_858, %swap3A_859] {strides = array<i32>} : memref<4x4096xf32, #tpu.memory_space<vmem>>, vector<1x16xf32>,
      %swap3A_861 = vector.shape_cast %swap3A_860 : vector<1x16xf32> to vector<16xf32>
      %swap3A_862 = vector.shape_cast %select_n3A_856 : vector<16xf32> to vector<1x16xf32>
      tpu.vector_store %arg9[%swap3A_858, %swap3A_859], %swap3A_862 {strides = array<i32>} : memref<4x4096xf32, #tpu.memory_space<vmem>>, vector<1x16xf32>,
      %get3A_863 = arith.constant 2 : i32
      %get3A_864 = arith.index_cast %get3A_863 : i32 to index
      %get3A_865 = arith.index_cast %mul3A_834 : i32 to index
      %get3A_866 = tpu.vector_load %arg6[%get3A_864, %get3A_865] {strides = array<i32>} : memref<4x4096xf32, #tpu.memory_space<vmem>>, vector<1x16xf32>,
      %get3A_867 = vector.shape_cast %get3A_866 : vector<1x16xf32> to vector<16xf32>
      %gt3A_868 = arith.constant 5.000000e-01 : f32
      %gt3A_869 = vector.broadcast %gt3A_868 : f32 to vector<16xf32>
      %gt3A_870 = arith.cmpf ogt, %get3A_867, %gt3A_869 : vector<16xf32>
      %jit3A_871 = arith.constant 0.000000e+00 : f32
      %broadcast_in_dim3A_872 = vector.broadcast %jit3A_871 : f32 to vector<16xf32>
      %select_n3A_873 = arith.select %gt3A_870, %get3A_867, %broadcast_in_dim3A_872 : vector<16xi1>, vector<16xf32>
      %swap3A_874 = arith.constant 2 : i32
      %swap3A_875 = arith.index_cast %swap3A_874 : i32 to index
      %swap3A_876 = arith.index_cast %mul3A_834 : i32 to index
      %swap3A_877 = tpu.vector_load %arg9[%swap3A_875, %swap3A_876] {strides = array<i32>} : memref<4x4096xf32, #tpu.memory_space<vmem>>, vector<1x16xf32>,
      %swap3A_878 = vector.shape_cast %swap3A_877 : vector<1x16xf32> to vector<16xf32>
      %swap3A_879 = vector.shape_cast %select_n3A_873 : vector<16xf32> to vector<1x16xf32>
      tpu.vector_store %arg9[%swap3A_875, %swap3A_876], %swap3A_879 {strides = array<i32>} : memref<4x4096xf32, #tpu.memory_space<vmem>>, vector<1x16xf32>,
      %get3A_880 = arith.constant 3 : i32
      %get3A_881 = arith.index_cast %get3A_880 : i32 to index
      %get3A_882 = arith.index_cast %mul3A_834 : i32 to index
      %get3A_883 = tpu.vector_load %arg6[%get3A_881, %get3A_882] {strides = array<i32>} : memref<4x4096xf32, #tpu.memory_space<vmem>>, vector<1x16xf32>,
      %get3A_884 = vector.shape_cast %get3A_883 : vector<1x16xf32> to vector<16xf32>
      %gt3A_885 = arith.constant 5.000000e-01 : f32
      %gt3A_886 = vector.broadcast %gt3A_885 : f32 to vector<16xf32>
      %gt3A_887 = arith.cmpf ogt, %get3A_884, %gt3A_886 : vector<16xf32>
      %jit3A_888 = arith.constant 0.000000e+00 : f32
      %broadcast_in_dim3A_889 = vector.broadcast %jit3A_888 : f32 to vector<16xf32>
      %select_n3A_890 = arith.select %gt3A_887, %get3A_884, %broadcast_in_dim3A_889 : vector<16xi1>, vector<16xf32>
      %swap3A_891 = arith.constant 3 : i32
      %swap3A_892 = arith.index_cast %swap3A_891 : i32 to index
      %swap3A_893 = arith.index_cast %mul3A_834 : i32 to index
      %swap3A_894 = tpu.vector_load %arg9[%swap3A_892, %swap3A_893] {strides = array<i32>} : memref<4x4096xf32, #tpu.memory_space<vmem>>, vector<1x16xf32>,
      %swap3A_895 = vector.shape_cast %swap3A_894 : vector<1x16xf32> to vector<16xf32>
      %swap3A_896 = vector.shape_cast %select_n3A_890 : vector<16xf32> to vector<1x16xf32>
      tpu.vector_store %arg9[%swap3A_892, %swap3A_893], %swap3A_896 {strides = array<i32>} : memref<4x4096xf32, #tpu.memory_space<vmem>>, vector<1x16xf32>,
    }
    %scan3A_71 = arith.constant 256 : i32
    %add3A_72 = arith.constant 8 : i32
    %add3A_73 = arith.addi %mul3A_2, %add3A_72 : i32
    %dma_start3A_74 = arith.constant 0 : i32
    %dma_start3A_75 = tpu.memref_slice %arg3[%add3A_73, %dma_start3A_74] : memref<4096x4096xf32, #tpu.memory_space<hbm>> -> memref<4x4096xf32, #tpu.memory_space<hbm>>
    %dma_start3A_76 = arith.constant 0 : i32
    %dma_start3A_77 = tpu.memref_slice %arg3[%add3A_73, %dma_start3A_76] : memref<4096x4096xf32, #tpu.memory_space<hbm>> -> memref<4x4096xf32, #tpu.memory_space<hbm>>
    tpu.enqueue_dma source(%arg9 : memref<4x4096xf32, #tpu.memory_space<vmem>>) target(%dma_start3A_77 : memref<4x4096xf32, #tpu.memory_space<hbm>>) target_semaphore(%arg15 : memref<!tpu.dma_semaphore, #tpu.memory_space<semaphore_mem>>)
    %add3A_78 = arith.constant 20 : i32
    %add3A_79 = arith.addi %mul3A_2, %add3A_78 : i32
    %dma_start3A_80 = arith.constant 0 : i32
    %dma_start3A_81 = tpu.memref_slice %arg2[%add3A_79, %dma_start3A_80] : memref<4096x4096xf32, #tpu.memory_space<hbm>> -> memref<4x4096xf32, #tpu.memory_space<hbm>>
    %dma_start3A_82 = arith.constant 0 : i32
    %dma_start3A_83 = tpu.memref_slice %arg2[%add3A_79, %dma_start3A_82] : memref<4096x4096xf32, #tpu.memory_space<hbm>> -> memref<4x4096xf32, #tpu.memory_space<hbm>>
    tpu.enqueue_dma source(%dma_start3A_83 : memref<4x4096xf32, #tpu.memory_space<hbm>>) target(%arg6 : memref<4x4096xf32, #tpu.memory_space<vmem>>) target_semaphore(%arg12 : memref<!tpu.dma_semaphore, #tpu.memory_space<semaphore_mem>>)
    %dma_wait3A_84 = arith.constant 0 : i32
    %dma_wait3A_85 = tpu.memref_slice %arg2[%add3A_35, %dma_wait3A_84] : memref<4096x4096xf32, #tpu.memory_space<hbm>> -> memref<4x4096xf32, #tpu.memory_space<hbm>>
    %dma_wait3A_86 = arith.constant 0 : i32
    %dma_wait3A_87 = tpu.memref_slice %arg2[%add3A_35, %dma_wait3A_86] : memref<4096x4096xf32, #tpu.memory_space<hbm>> -> memref<4x4096xf32, #tpu.memory_space<hbm>>
    tpu.wait_dma2 semaphore(%arg10 : memref<!tpu.dma_semaphore, #tpu.memory_space<semaphore_mem>>) src(%dma_wait3A_87 : memref<4x4096xf32, #tpu.memory_space<hbm>>) dst(%arg4 : memref<4x4096xf32, #tpu.memory_space<vmem>>)
    %dma_wait3A_88 = arith.constant 0 : i32
    %dma_wait3A_89 = tpu.memref_slice %arg3[%add3A_29, %dma_wait3A_88] : memref<4096x4096xf32, #tpu.memory_space<hbm>> -> memref<4x4096xf32, #tpu.memory_space<hbm>>
    %dma_wait3A_90 = arith.constant 0 : i32
    %dma_wait3A_91 = tpu.memref_slice %arg3[%add3A_29, %dma_wait3A_90] : memref<4096x4096xf32, #tpu.memory_space<hbm>> -> memref<4x4096xf32, #tpu.memory_space<hbm>>
    tpu.wait_dma2 semaphore(%arg13 : memref<!tpu.dma_semaphore, #tpu.memory_space<semaphore_mem>>) src(%arg7 : memref<4x4096xf32, #tpu.memory_space<vmem>>) dst(%dma_wait3A_91 : memref<4x4096xf32, #tpu.memory_space<hbm>>)
    %scan3A_92 = arith.constant 0 : i32
    %scan3A_93 = arith.constant 0 : i32
    %scan3A_94 = arith.constant 256 : i32
    %scan3A_95 = arith.addi %scan3A_93, %scan3A_94 : i32
    %scan3A_96 = arith.constant 1 : i32
    scf.for %scan3A_832 = %scan3A_93 to %scan3A_95 step %scan3A_96  : i32 {
      %mul3A_833 = arith.constant 16 : i32
      %mul3A_834 = arith.muli %scan3A_832, %mul3A_833 : i32
      %get3A = arith.constant 0 : i32
      %get3A_835 = arith.index_cast %get3A : i32 to index
      %get3A_836 = arith.index_cast %mul3A_834 : i32 to index
      %get3A_837 = tpu.vector_load %arg4[%get3A_835, %get3A_836] {strides = array<i32>} : memref<4x4096xf32, #tpu.memory_space<vmem>>, vector<1x16xf32>,
      %get3A_838 = vector.shape_cast %get3A_837 : vector<1x16xf32> to vector<16xf32>
      %gt3A = arith.constant 5.000000e-01 : f32
      %gt3A_839 = vector.broadcast %gt3A : f32 to vector<16xf32>
      %gt3A_840 = arith.cmpf ogt, %get3A_838, %gt3A_839 : vector<16xf32>
      %jit3A = arith.constant 0.000000e+00 : f32
      %broadcast_in_dim3A = vector.broadcast %jit3A : f32 to vector<16xf32>
      %select_n3A = arith.select %gt3A_840, %get3A_838, %broadcast_in_dim3A : vector<16xi1>, vector<16xf32>
      %swap3A = arith.constant 0 : i32
      %swap3A_841 = arith.index_cast %swap3A : i32 to index
      %swap3A_842 = arith.index_cast %mul3A_834 : i32 to index
      %swap3A_843 = tpu.vector_load %arg7[%swap3A_841, %swap3A_842] {strides = array<i32>} : memref<4x4096xf32, #tpu.memory_space<vmem>>, vector<1x16xf32>,
      %swap3A_844 = vector.shape_cast %swap3A_843 : vector<1x16xf32> to vector<16xf32>
      %swap3A_845 = vector.shape_cast %select_n3A : vector<16xf32> to vector<1x16xf32>
      tpu.vector_store %arg7[%swap3A_841, %swap3A_842], %swap3A_845 {strides = array<i32>} : memref<4x4096xf32, #tpu.memory_space<vmem>>, vector<1x16xf32>,
      %get3A_846 = arith.constant 1 : i32
      %get3A_847 = arith.index_cast %get3A_846 : i32 to index
      %get3A_848 = arith.index_cast %mul3A_834 : i32 to index
      %get3A_849 = tpu.vector_load %arg4[%get3A_847, %get3A_848] {strides = array<i32>} : memref<4x4096xf32, #tpu.memory_space<vmem>>, vector<1x16xf32>,
      %get3A_850 = vector.shape_cast %get3A_849 : vector<1x16xf32> to vector<16xf32>
      %gt3A_851 = arith.constant 5.000000e-01 : f32
      %gt3A_852 = vector.broadcast %gt3A_851 : f32 to vector<16xf32>
      %gt3A_853 = arith.cmpf ogt, %get3A_850, %gt3A_852 : vector<16xf32>
      %jit3A_854 = arith.constant 0.000000e+00 : f32
      %broadcast_in_dim3A_855 = vector.broadcast %jit3A_854 : f32 to vector<16xf32>
      %select_n3A_856 = arith.select %gt3A_853, %get3A_850, %broadcast_in_dim3A_855 : vector<16xi1>, vector<16xf32>
      %swap3A_857 = arith.constant 1 : i32
      %swap3A_858 = arith.index_cast %swap3A_857 : i32 to index
      %swap3A_859 = arith.index_cast %mul3A_834 : i32 to index
      %swap3A_860 = tpu.vector_load %arg7[%swap3A_858, %swap3A_859] {strides = array<i32>} : memref<4x4096xf32, #tpu.memory_space<vmem>>, vector<1x16xf32>,
      %swap3A_861 = vector.shape_cast %swap3A_860 : vector<1x16xf32> to vector<16xf32>
      %swap3A_862 = vector.shape_cast %select_n3A_856 : vector<16xf32> to vector<1x16xf32>
      tpu.vector_store %arg7[%swap3A_858, %swap3A_859], %swap3A_862 {strides = array<i32>} : memref<4x4096xf32, #tpu.memory_space<vmem>>, vector<1x16xf32>,
      %get3A_863 = arith.constant 2 : i32
      %get3A_864 = arith.index_cast %get3A_863 : i32 to index
      %get3A_865 = arith.index_cast %mul3A_834 : i32 to index
      %get3A_866 = tpu.vector_load %arg4[%get3A_864, %get3A_865] {strides = array<i32>} : memref<4x4096xf32, #tpu.memory_space<vmem>>, vector<1x16xf32>,
      %get3A_867 = vector.shape_cast %get3A_866 : vector<1x16xf32> to vector<16xf32>
      %gt3A_868 = arith.constant 5.000000e-01 : f32
      %gt3A_869 = vector.broadcast %gt3A_868 : f32 to vector<16xf32>
      %gt3A_870 = arith.cmpf ogt, %get3A_867, %gt3A_869 : vector<16xf32>
      %jit3A_871 = arith.constant 0.000000e+00 : f32
      %broadcast_in_dim3A_872 = vector.broadcast %jit3A_871 : f32 to vector<16xf32>
      %select_n3A_873 = arith.select %gt3A_870, %get3A_867, %broadcast_in_dim3A_872 : vector<16xi1>, vector<16xf32>
      %swap3A_874 = arith.constant 2 : i32
      %swap3A_875 = arith.index_cast %swap3A_874 : i32 to index
      %swap3A_876 = arith.index_cast %mul3A_834 : i32 to index
      %swap3A_877 = tpu.vector_load %arg7[%swap3A_875, %swap3A_876] {strides = array<i32>} : memref<4x4096xf32, #tpu.memory_space<vmem>>, vector<1x16xf32>,
      %swap3A_878 = vector.shape_cast %swap3A_877 : vector<1x16xf32> to vector<16xf32>
      %swap3A_879 = vector.shape_cast %select_n3A_873 : vector<16xf32> to vector<1x16xf32>
      tpu.vector_store %arg7[%swap3A_875, %swap3A_876], %swap3A_879 {strides = array<i32>} : memref<4x4096xf32, #tpu.memory_space<vmem>>, vector<1x16xf32>,
      %get3A_880 = arith.constant 3 : i32
      %get3A_881 = arith.index_cast %get3A_880 : i32 to index
      %get3A_882 = arith.index_cast %mul3A_834 : i32 to index
      %get3A_883 = tpu.vector_load %arg4[%get3A_881, %get3A_882] {strides = array<i32>} : memref<4x4096xf32, #tpu.memory_space<vmem>>, vector<1x16xf32>,
      %get3A_884 = vector.shape_cast %get3A_883 : vector<1x16xf32> to vector<16xf32>
      %gt3A_885 = arith.constant 5.000000e-01 : f32
      %gt3A_886 = vector.broadcast %gt3A_885 : f32 to vector<16xf32>
      %gt3A_887 = arith.cmpf ogt, %get3A_884, %gt3A_886 : vector<16xf32>
      %jit3A_888 = arith.constant 0.000000e+00 : f32
      %broadcast_in_dim3A_889 = vector.broadcast %jit3A_888 : f32 to vector<16xf32>
      %select_n3A_890 = arith.select %gt3A_887, %get3A_884, %broadcast_in_dim3A_889 : vector<16xi1>, vector<16xf32>
      %swap3A_891 = arith.constant 3 : i32
      %swap3A_892 = arith.index_cast %swap3A_891 : i32 to index
      %swap3A_893 = arith.index_cast %mul3A_834 : i32 to index
      %swap3A_894 = tpu.vector_load %arg7[%swap3A_892, %swap3A_893] {strides = array<i32>} : memref<4x4096xf32, #tpu.memory_space<vmem>>, vector<1x16xf32>,
      %swap3A_895 = vector.shape_cast %swap3A_894 : vector<1x16xf32> to vector<16xf32>
      %swap3A_896 = vector.shape_cast %select_n3A_890 : vector<16xf32> to vector<1x16xf32>
      tpu.vector_store %arg7[%swap3A_892, %swap3A_893], %swap3A_896 {strides = array<i32>} : memref<4x4096xf32, #tpu.memory_space<vmem>>, vector<1x16xf32>,
    }
    %scan3A_97 = arith.constant 256 : i32
    %add3A_98 = arith.constant 12 : i32
    %add3A_99 = arith.addi %mul3A_2, %add3A_98 : i32
    %dma_start3A_100 = arith.constant 0 : i32
    %dma_start3A_101 = tpu.memref_slice %arg3[%add3A_99, %dma_start3A_100] : memref<4096x4096xf32, #tpu.memory_space<hbm>> -> memref<4x4096xf32, #tpu.memory_space<hbm>>
    %dma_start3A_102 = arith.constant 0 : i32
    %dma_start3A_103 = tpu.memref_slice %arg3[%add3A_99, %dma_start3A_102] : memref<4096x4096xf32, #tpu.memory_space<hbm>> -> memref<4x4096xf32, #tpu.memory_space<hbm>>
    tpu.enqueue_dma source(%arg7 : memref<4x4096xf32, #tpu.memory_space<vmem>>) target(%dma_start3A_103 : memref<4x4096xf32, #tpu.memory_space<hbm>>) target_semaphore(%arg13 : memref<!tpu.dma_semaphore, #tpu.memory_space<semaphore_mem>>)
    %add3A_104 = arith.constant 24 : i32
    %add3A_105 = arith.addi %mul3A_2, %add3A_104 : i32
    %dma_start3A_106 = arith.constant 0 : i32
    %dma_start3A_107 = tpu.memref_slice %arg2[%add3A_105, %dma_start3A_106] : memref<4096x4096xf32, #tpu.memory_space<hbm>> -> memref<4x4096xf32, #tpu.memory_space<hbm>>
    %dma_start3A_108 = arith.constant 0 : i32
    %dma_start3A_109 = tpu.memref_slice %arg2[%add3A_105, %dma_start3A_108] : memref<4096x4096xf32, #tpu.memory_space<hbm>> -> memref<4x4096xf32, #tpu.memory_space<hbm>>
    tpu.enqueue_dma source(%dma_start3A_109 : memref<4x4096xf32, #tpu.memory_space<hbm>>) target(%arg4 : memref<4x4096xf32, #tpu.memory_space<vmem>>) target_semaphore(%arg10 : memref<!tpu.dma_semaphore, #tpu.memory_space<semaphore_mem>>)
    %dma_wait3A_110 = arith.constant 0 : i32
    %dma_wait3A_111 = tpu.memref_slice %arg2[%add3A_57, %dma_wait3A_110] : memref<4096x4096xf32, #tpu.memory_space<hbm>> -> memref<4x4096xf32, #tpu.memory_space<hbm>>
    %dma_wait3A_112 = arith.constant 0 : i32
    %dma_wait3A_113 = tpu.memref_slice %arg2[%add3A_57, %dma_wait3A_112] : memref<4096x4096xf32, #tpu.memory_space<hbm>> -> memref<4x4096xf32, #tpu.memory_space<hbm>>
    tpu.wait_dma2 semaphore(%arg11 : memref<!tpu.dma_semaphore, #tpu.memory_space<semaphore_mem>>) src(%dma_wait3A_113 : memref<4x4096xf32, #tpu.memory_space<hbm>>) dst(%arg5 : memref<4x4096xf32, #tpu.memory_space<vmem>>)
    %dma_wait3A_114 = arith.constant 0 : i32
    %dma_wait3A_115 = tpu.memref_slice %arg3[%add3A_51, %dma_wait3A_114] : memref<4096x4096xf32, #tpu.memory_space<hbm>> -> memref<4x4096xf32, #tpu.memory_space<hbm>>
    %dma_wait3A_116 = arith.constant 0 : i32
    %dma_wait3A_117 = tpu.memref_slice %arg3[%add3A_51, %dma_wait3A_116] : memref<4096x4096xf32, #tpu.memory_space<hbm>> -> memref<4x4096xf32, #tpu.memory_space<hbm>>
    tpu.wait_dma2 semaphore(%arg14 : memref<!tpu.dma_semaphore, #tpu.memory_space<semaphore_mem>>) src(%arg8 : memref<4x4096xf32, #tpu.memory_space<vmem>>) dst(%dma_wait3A_117 : memref<4x4096xf32, #tpu.memory_space<hbm>>)
    %scan3A_118 = arith.constant 0 : i32
    %scan3A_119 = arith.constant 0 : i32
    %scan3A_120 = arith.constant 256 : i32
    %scan3A_121 = arith.addi %scan3A_119, %scan3A_120 : i32
    %scan3A_122 = arith.constant 1 : i32
    scf.for %scan3A_832 = %scan3A_119 to %scan3A_121 step %scan3A_122  : i32 {
      %mul3A_833 = arith.constant 16 : i32
      %mul3A_834 = arith.muli %scan3A_832, %mul3A_833 : i32
      %get3A = arith.constant 0 : i32
      %get3A_835 = arith.index_cast %get3A : i32 to index
      %get3A_836 = arith.index_cast %mul3A_834 : i32 to index
      %get3A_837 = tpu.vector_load %arg5[%get3A_835, %get3A_836] {strides = array<i32>} : memref<4x4096xf32, #tpu.memory_space<vmem>>, vector<1x16xf32>,
      %get3A_838 = vector.shape_cast %get3A_837 : vector<1x16xf32> to vector<16xf32>
      %gt3A = arith.constant 5.000000e-01 : f32
      %gt3A_839 = vector.broadcast %gt3A : f32 to vector<16xf32>
      %gt3A_840 = arith.cmpf ogt, %get3A_838, %gt3A_839 : vector<16xf32>
      %jit3A = arith.constant 0.000000e+00 : f32
      %broadcast_in_dim3A = vector.broadcast %jit3A : f32 to vector<16xf32>
      %select_n3A = arith.select %gt3A_840, %get3A_838, %broadcast_in_dim3A : vector<16xi1>, vector<16xf32>
      %swap3A = arith.constant 0 : i32
      %swap3A_841 = arith.index_cast %swap3A : i32 to index
      %swap3A_842 = arith.index_cast %mul3A_834 : i32 to index
      %swap3A_843 = tpu.vector_load %arg8[%swap3A_841, %swap3A_842] {strides = array<i32>} : memref<4x4096xf32, #tpu.memory_space<vmem>>, vector<1x16xf32>,
      %swap3A_844 = vector.shape_cast %swap3A_843 : vector<1x16xf32> to vector<16xf32>
      %swap3A_845 = vector.shape_cast %select_n3A : vector<16xf32> to vector<1x16xf32>
      tpu.vector_store %arg8[%swap3A_841, %swap3A_842], %swap3A_845 {strides = array<i32>} : memref<4x4096xf32, #tpu.memory_space<vmem>>, vector<1x16xf32>,
      %get3A_846 = arith.constant 1 : i32
      %get3A_847 = arith.index_cast %get3A_846 : i32 to index
      %get3A_848 = arith.index_cast %mul3A_834 : i32 to index
      %get3A_849 = tpu.vector_load %arg5[%get3A_847, %get3A_848] {strides = array<i32>} : memref<4x4096xf32, #tpu.memory_space<vmem>>, vector<1x16xf32>,
      %get3A_850 = vector.shape_cast %get3A_849 : vector<1x16xf32> to vector<16xf32>
      %gt3A_851 = arith.constant 5.000000e-01 : f32
      %gt3A_852 = vector.broadcast %gt3A_851 : f32 to vector<16xf32>
      %gt3A_853 = arith.cmpf ogt, %get3A_850, %gt3A_852 : vector<16xf32>
      %jit3A_854 = arith.constant 0.000000e+00 : f32
      %broadcast_in_dim3A_855 = vector.broadcast %jit3A_854 : f32 to vector<16xf32>
      %select_n3A_856 = arith.select %gt3A_853, %get3A_850, %broadcast_in_dim3A_855 : vector<16xi1>, vector<16xf32>
      %swap3A_857 = arith.constant 1 : i32
      %swap3A_858 = arith.index_cast %swap3A_857 : i32 to index
      %swap3A_859 = arith.index_cast %mul3A_834 : i32 to index
      %swap3A_860 = tpu.vector_load %arg8[%swap3A_858, %swap3A_859] {strides = array<i32>} : memref<4x4096xf32, #tpu.memory_space<vmem>>, vector<1x16xf32>,
      %swap3A_861 = vector.shape_cast %swap3A_860 : vector<1x16xf32> to vector<16xf32>
      %swap3A_862 = vector.shape_cast %select_n3A_856 : vector<16xf32> to vector<1x16xf32>
      tpu.vector_store %arg8[%swap3A_858, %swap3A_859], %swap3A_862 {strides = array<i32>} : memref<4x4096xf32, #tpu.memory_space<vmem>>, vector<1x16xf32>,
      %get3A_863 = arith.constant 2 : i32
      %get3A_864 = arith.index_cast %get3A_863 : i32 to index
      %get3A_865 = arith.index_cast %mul3A_834 : i32 to index
      %get3A_866 = tpu.vector_load %arg5[%get3A_864, %get3A_865] {strides = array<i32>} : memref<4x4096xf32, #tpu.memory_space<vmem>>, vector<1x16xf32>,
      %get3A_867 = vector.shape_cast %get3A_866 : vector<1x16xf32> to vector<16xf32>
      %gt3A_868 = arith.constant 5.000000e-01 : f32
      %gt3A_869 = vector.broadcast %gt3A_868 : f32 to vector<16xf32>
      %gt3A_870 = arith.cmpf ogt, %get3A_867, %gt3A_869 : vector<16xf32>
      %jit3A_871 = arith.constant 0.000000e+00 : f32
      %broadcast_in_dim3A_872 = vector.broadcast %jit3A_871 : f32 to vector<16xf32>
      %select_n3A_873 = arith.select %gt3A_870, %get3A_867, %broadcast_in_dim3A_872 : vector<16xi1>, vector<16xf32>
      %swap3A_874 = arith.constant 2 : i32
      %swap3A_875 = arith.index_cast %swap3A_874 : i32 to index
      %swap3A_876 = arith.index_cast %mul3A_834 : i32 to index
      %swap3A_877 = tpu.vector_load %arg8[%swap3A_875, %swap3A_876] {strides = array<i32>} : memref<4x4096xf32, #tpu.memory_space<vmem>>, vector<1x16xf32>,
      %swap3A_878 = vector.shape_cast %swap3A_877 : vector<1x16xf32> to vector<16xf32>
      %swap3A_879 = vector.shape_cast %select_n3A_873 : vector<16xf32> to vector<1x16xf32>
      tpu.vector_store %arg8[%swap3A_875, %swap3A_876], %swap3A_879 {strides = array<i32>} : memref<4x4096xf32, #tpu.memory_space<vmem>>, vector<1x16xf32>,
      %get3A_880 = arith.constant 3 : i32
      %get3A_881 = arith.index_cast %get3A_880 : i32 to index
      %get3A_882 = arith.index_cast %mul3A_834 : i32 to index
      %get3A_883 = tpu.vector_load %arg5[%get3A_881, %get3A_882] {strides = array<i32>} : memref<4x4096xf32, #tpu.memory_space<vmem>>, vector<1x16xf32>,
      %get3A_884 = vector.shape_cast %get3A_883 : vector<1x16xf32> to vector<16xf32>
      %gt3A_885 = arith.constant 5.000000e-01 : f32
      %gt3A_886 = vector.broadcast %gt3A_885 : f32 to vector<16xf32>
      %gt3A_887 = arith.cmpf ogt, %get3A_884, %gt3A_886 : vector<16xf32>
      %jit3A_888 = arith.constant 0.000000e+00 : f32
      %broadcast_in_dim3A_889 = vector.broadcast %jit3A_888 : f32 to vector<16xf32>
      %select_n3A_890 = arith.select %gt3A_887, %get3A_884, %broadcast_in_dim3A_889 : vector<16xi1>, vector<16xf32>
      %swap3A_891 = arith.constant 3 : i32
      %swap3A_892 = arith.index_cast %swap3A_891 : i32 to index
      %swap3A_893 = arith.index_cast %mul3A_834 : i32 to index
      %swap3A_894 = tpu.vector_load %arg8[%swap3A_892, %swap3A_893] {strides = array<i32>} : memref<4x4096xf32, #tpu.memory_space<vmem>>, vector<1x16xf32>,
      %swap3A_895 = vector.shape_cast %swap3A_894 : vector<1x16xf32> to vector<16xf32>
      %swap3A_896 = vector.shape_cast %select_n3A_890 : vector<16xf32> to vector<1x16xf32>
      tpu.vector_store %arg8[%swap3A_892, %swap3A_893], %swap3A_896 {strides = array<i32>} : memref<4x4096xf32, #tpu.memory_space<vmem>>, vector<1x16xf32>,
    }
    %scan3A_123 = arith.constant 256 : i32
    %add3A_124 = arith.constant 16 : i32
    %add3A_125 = arith.addi %mul3A_2, %add3A_124 : i32
    %dma_start3A_126 = arith.constant 0 : i32
    %dma_start3A_127 = tpu.memref_slice %arg3[%add3A_125, %dma_start3A_126] : memref<4096x4096xf32, #tpu.memory_space<hbm>> -> memref<4x4096xf32, #tpu.memory_space<hbm>>
    %dma_start3A_128 = arith.constant 0 : i32
    %dma_start3A_129 = tpu.memref_slice %arg3[%add3A_125, %dma_start3A_128] : memref<4096x4096xf32, #tpu.memory_space<hbm>> -> memref<4x4096xf32, #tpu.memory_space<hbm>>
    tpu.enqueue_dma source(%arg8 : memref<4x4096xf32, #tpu.memory_space<vmem>>) target(%dma_start3A_129 : memref<4x4096xf32, #tpu.memory_space<hbm>>) target_semaphore(%arg14 : memref<!tpu.dma_semaphore, #tpu.memory_space<semaphore_mem>>)
    %add3A_130 = arith.constant 28 : i32
    %add3A_131 = arith.addi %mul3A_2, %add3A_130 : i32
    %dma_start3A_132 = arith.constant 0 : i32
    %dma_start3A_133 = tpu.memref_slice %arg2[%add3A_131, %dma_start3A_132] : memref<4096x4096xf32, #tpu.memory_space<hbm>> -> memref<4x4096xf32, #tpu.memory_space<hbm>>
    %dma_start3A_134 = arith.constant 0 : i32
    %dma_start3A_135 = tpu.memref_slice %arg2[%add3A_131, %dma_start3A_134] : memref<4096x4096xf32, #tpu.memory_space<hbm>> -> memref<4x4096xf32, #tpu.memory_space<hbm>>
    tpu.enqueue_dma source(%dma_start3A_135 : memref<4x4096xf32, #tpu.memory_space<hbm>>) target(%arg5 : memref<4x4096xf32, #tpu.memory_space<vmem>>) target_semaphore(%arg11 : memref<!tpu.dma_semaphore, #tpu.memory_space<semaphore_mem>>)
    %dma_wait3A_136 = arith.constant 0 : i32
    %dma_wait3A_137 = tpu.memref_slice %arg2[%add3A_79, %dma_wait3A_136] : memref<4096x4096xf32, #tpu.memory_space<hbm>> -> memref<4x4096xf32, #tpu.memory_space<hbm>>
    %dma_wait3A_138 = arith.constant 0 : i32
    %dma_wait3A_139 = tpu.memref_slice %arg2[%add3A_79, %dma_wait3A_138] : memref<4096x4096xf32, #tpu.memory_space<hbm>> -> memref<4x4096xf32, #tpu.memory_space<hbm>>
    tpu.wait_dma2 semaphore(%arg12 : memref<!tpu.dma_semaphore, #tpu.memory_space<semaphore_mem>>) src(%dma_wait3A_139 : memref<4x4096xf32, #tpu.memory_space<hbm>>) dst(%arg6 : memref<4x4096xf32, #tpu.memory_space<vmem>>)
    %dma_wait3A_140 = arith.constant 0 : i32
    %dma_wait3A_141 = tpu.memref_slice %arg3[%add3A_73, %dma_wait3A_140] : memref<4096x4096xf32, #tpu.memory_space<hbm>> -> memref<4x4096xf32, #tpu.memory_space<hbm>>
    %dma_wait3A_142 = arith.constant 0 : i32
    %dma_wait3A_143 = tpu.memref_slice %arg3[%add3A_73, %dma_wait3A_142] : memref<4096x4096xf32, #tpu.memory_space<hbm>> -> memref<4x4096xf32, #tpu.memory_space<hbm>>
    tpu.wait_dma2 semaphore(%arg15 : memref<!tpu.dma_semaphore, #tpu.memory_space<semaphore_mem>>) src(%arg9 : memref<4x4096xf32, #tpu.memory_space<vmem>>) dst(%dma_wait3A_143 : memref<4x4096xf32, #tpu.memory_space<hbm>>)
    %scan3A_144 = arith.constant 0 : i32
    %scan3A_145 = arith.constant 0 : i32
    %scan3A_146 = arith.constant 256 : i32
    %scan3A_147 = arith.addi %scan3A_145, %scan3A_146 : i32
    %scan3A_148 = arith.constant 1 : i32
    scf.for %scan3A_832 = %scan3A_145 to %scan3A_147 step %scan3A_148  : i32 {
      %mul3A_833 = arith.constant 16 : i32
      %mul3A_834 = arith.muli %scan3A_832, %mul3A_833 : i32
      %get3A = arith.constant 0 : i32
      %get3A_835 = arith.index_cast %get3A : i32 to index
      %get3A_836 = arith.index_cast %mul3A_834 : i32 to index
      %get3A_837 = tpu.vector_load %arg6[%get3A_835, %get3A_836] {strides = array<i32>} : memref<4x4096xf32, #tpu.memory_space<vmem>>, vector<1x16xf32>,
      %get3A_838 = vector.shape_cast %get3A_837 : vector<1x16xf32> to vector<16xf32>
      %gt3A = arith.constant 5.000000e-01 : f32
      %gt3A_839 = vector.broadcast %gt3A : f32 to vector<16xf32>
      %gt3A_840 = arith.cmpf ogt, %get3A_838, %gt3A_839 : vector<16xf32>
      %jit3A = arith.constant 0.000000e+00 : f32
      %broadcast_in_dim3A = vector.broadcast %jit3A : f32 to vector<16xf32>
      %select_n3A = arith.select %gt3A_840, %get3A_838, %broadcast_in_dim3A : vector<16xi1>, vector<16xf32>
      %swap3A = arith.constant 0 : i32
      %swap3A_841 = arith.index_cast %swap3A : i32 to index
      %swap3A_842 = arith.index_cast %mul3A_834 : i32 to index
      %swap3A_843 = tpu.vector_load %arg9[%swap3A_841, %swap3A_842] {strides = array<i32>} : memref<4x4096xf32, #tpu.memory_space<vmem>>, vector<1x16xf32>,
      %swap3A_844 = vector.shape_cast %swap3A_843 : vector<1x16xf32> to vector<16xf32>
      %swap3A_845 = vector.shape_cast %select_n3A : vector<16xf32> to vector<1x16xf32>
      tpu.vector_store %arg9[%swap3A_841, %swap3A_842], %swap3A_845 {strides = array<i32>} : memref<4x4096xf32, #tpu.memory_space<vmem>>, vector<1x16xf32>,
      %get3A_846 = arith.constant 1 : i32
      %get3A_847 = arith.index_cast %get3A_846 : i32 to index
      %get3A_848 = arith.index_cast %mul3A_834 : i32 to index
      %get3A_849 = tpu.vector_load %arg6[%get3A_847, %get3A_848] {strides = array<i32>} : memref<4x4096xf32, #tpu.memory_space<vmem>>, vector<1x16xf32>,
      %get3A_850 = vector.shape_cast %get3A_849 : vector<1x16xf32> to vector<16xf32>
      %gt3A_851 = arith.constant 5.000000e-01 : f32
      %gt3A_852 = vector.broadcast %gt3A_851 : f32 to vector<16xf32>
      %gt3A_853 = arith.cmpf ogt, %get3A_850, %gt3A_852 : vector<16xf32>
      %jit3A_854 = arith.constant 0.000000e+00 : f32
      %broadcast_in_dim3A_855 = vector.broadcast %jit3A_854 : f32 to vector<16xf32>
      %select_n3A_856 = arith.select %gt3A_853, %get3A_850, %broadcast_in_dim3A_855 : vector<16xi1>, vector<16xf32>
      %swap3A_857 = arith.constant 1 : i32
      %swap3A_858 = arith.index_cast %swap3A_857 : i32 to index
      %swap3A_859 = arith.index_cast %mul3A_834 : i32 to index
      %swap3A_860 = tpu.vector_load %arg9[%swap3A_858, %swap3A_859] {strides = array<i32>} : memref<4x4096xf32, #tpu.memory_space<vmem>>, vector<1x16xf32>,
      %swap3A_861 = vector.shape_cast %swap3A_860 : vector<1x16xf32> to vector<16xf32>
      %swap3A_862 = vector.shape_cast %select_n3A_856 : vector<16xf32> to vector<1x16xf32>
      tpu.vector_store %arg9[%swap3A_858, %swap3A_859], %swap3A_862 {strides = array<i32>} : memref<4x4096xf32, #tpu.memory_space<vmem>>, vector<1x16xf32>,
      %get3A_863 = arith.constant 2 : i32
      %get3A_864 = arith.index_cast %get3A_863 : i32 to index
      %get3A_865 = arith.index_cast %mul3A_834 : i32 to index
      %get3A_866 = tpu.vector_load %arg6[%get3A_864, %get3A_865] {strides = array<i32>} : memref<4x4096xf32, #tpu.memory_space<vmem>>, vector<1x16xf32>,
      %get3A_867 = vector.shape_cast %get3A_866 : vector<1x16xf32> to vector<16xf32>
      %gt3A_868 = arith.constant 5.000000e-01 : f32
      %gt3A_869 = vector.broadcast %gt3A_868 : f32 to vector<16xf32>
      %gt3A_870 = arith.cmpf ogt, %get3A_867, %gt3A_869 : vector<16xf32>
      %jit3A_871 = arith.constant 0.000000e+00 : f32
      %broadcast_in_dim3A_872 = vector.broadcast %jit3A_871 : f32 to vector<16xf32>
      %select_n3A_873 = arith.select %gt3A_870, %get3A_867, %broadcast_in_dim3A_872 : vector<16xi1>, vector<16xf32>
      %swap3A_874 = arith.constant 2 : i32
      %swap3A_875 = arith.index_cast %swap3A_874 : i32 to index
      %swap3A_876 = arith.index_cast %mul3A_834 : i32 to index
      %swap3A_877 = tpu.vector_load %arg9[%swap3A_875, %swap3A_876] {strides = array<i32>} : memref<4x4096xf32, #tpu.memory_space<vmem>>, vector<1x16xf32>,
      %swap3A_878 = vector.shape_cast %swap3A_877 : vector<1x16xf32> to vector<16xf32>
      %swap3A_879 = vector.shape_cast %select_n3A_873 : vector<16xf32> to vector<1x16xf32>
      tpu.vector_store %arg9[%swap3A_875, %swap3A_876], %swap3A_879 {strides = array<i32>} : memref<4x4096xf32, #tpu.memory_space<vmem>>, vector<1x16xf32>,
      %get3A_880 = arith.constant 3 : i32
      %get3A_881 = arith.index_cast %get3A_880 : i32 to index
      %get3A_882 = arith.index_cast %mul3A_834 : i32 to index
      %get3A_883 = tpu.vector_load %arg6[%get3A_881, %get3A_882] {strides = array<i32>} : memref<4x4096xf32, #tpu.memory_space<vmem>>, vector<1x16xf32>,
      %get3A_884 = vector.shape_cast %get3A_883 : vector<1x16xf32> to vector<16xf32>
      %gt3A_885 = arith.constant 5.000000e-01 : f32
      %gt3A_886 = vector.broadcast %gt3A_885 : f32 to vector<16xf32>
      %gt3A_887 = arith.cmpf ogt, %get3A_884, %gt3A_886 : vector<16xf32>
      %jit3A_888 = arith.constant 0.000000e+00 : f32
      %broadcast_in_dim3A_889 = vector.broadcast %jit3A_888 : f32 to vector<16xf32>
      %select_n3A_890 = arith.select %gt3A_887, %get3A_884, %broadcast_in_dim3A_889 : vector<16xi1>, vector<16xf32>
      %swap3A_891 = arith.constant 3 : i32
      %swap3A_892 = arith.index_cast %swap3A_891 : i32 to index
      %swap3A_893 = arith.index_cast %mul3A_834 : i32 to index
      %swap3A_894 = tpu.vector_load %arg9[%swap3A_892, %swap3A_893] {strides = array<i32>} : memref<4x4096xf32, #tpu.memory_space<vmem>>, vector<1x16xf32>,
      %swap3A_895 = vector.shape_cast %swap3A_894 : vector<1x16xf32> to vector<16xf32>
      %swap3A_896 = vector.shape_cast %select_n3A_890 : vector<16xf32> to vector<1x16xf32>
      tpu.vector_store %arg9[%swap3A_892, %swap3A_893], %swap3A_896 {strides = array<i32>} : memref<4x4096xf32, #tpu.memory_space<vmem>>, vector<1x16xf32>,
    }
    %scan3A_149 = arith.constant 256 : i32
    %add3A_150 = arith.constant 20 : i32
    %add3A_151 = arith.addi %mul3A_2, %add3A_150 : i32
    %dma_start3A_152 = arith.constant 0 : i32
    %dma_start3A_153 = tpu.memref_slice %arg3[%add3A_151, %dma_start3A_152] : memref<4096x4096xf32, #tpu.memory_space<hbm>> -> memref<4x4096xf32, #tpu.memory_space<hbm>>
    %dma_start3A_154 = arith.constant 0 : i32
    %dma_start3A_155 = tpu.memref_slice %arg3[%add3A_151, %dma_start3A_154] : memref<4096x4096xf32, #tpu.memory_space<hbm>> -> memref<4x4096xf32, #tpu.memory_space<hbm>>
    tpu.enqueue_dma source(%arg9 : memref<4x4096xf32, #tpu.memory_space<vmem>>) target(%dma_start3A_155 : memref<4x4096xf32, #tpu.memory_space<hbm>>) target_semaphore(%arg15 : memref<!tpu.dma_semaphore, #tpu.memory_space<semaphore_mem>>)
    %add3A_156 = arith.constant 32 : i32
    %add3A_157 = arith.addi %mul3A_2, %add3A_156 : i32
    %dma_start3A_158 = arith.constant 0 : i32
    %dma_start3A_159 = tpu.memref_slice %arg2[%add3A_157, %dma_start3A_158] : memref<4096x4096xf32, #tpu.memory_space<hbm>> -> memref<4x4096xf32, #tpu.memory_space<hbm>>
    %dma_start3A_160 = arith.constant 0 : i32
    %dma_start3A_161 = tpu.memref_slice %arg2[%add3A_157, %dma_start3A_160] : memref<4096x4096xf32, #tpu.memory_space<hbm>> -> memref<4x4096xf32, #tpu.memory_space<hbm>>
    tpu.enqueue_dma source(%dma_start3A_161 : memref<4x4096xf32, #tpu.memory_space<hbm>>) target(%arg6 : memref<4x4096xf32, #tpu.memory_space<vmem>>) target_semaphore(%arg12 : memref<!tpu.dma_semaphore, #tpu.memory_space<semaphore_mem>>)
    %dma_wait3A_162 = arith.constant 0 : i32
    %dma_wait3A_163 = tpu.memref_slice %arg2[%add3A_105, %dma_wait3A_162] : memref<4096x4096xf32, #tpu.memory_space<hbm>> -> memref<4x4096xf32, #tpu.memory_space<hbm>>
    %dma_wait3A_164 = arith.constant 0 : i32
    %dma_wait3A_165 = tpu.memref_slice %arg2[%add3A_105, %dma_wait3A_164] : memref<4096x4096xf32, #tpu.memory_space<hbm>> -> memref<4x4096xf32, #tpu.memory_space<hbm>>
    tpu.wait_dma2 semaphore(%arg10 : memref<!tpu.dma_semaphore, #tpu.memory_space<semaphore_mem>>) src(%dma_wait3A_165 : memref<4x4096xf32, #tpu.memory_space<hbm>>) dst(%arg4 : memref<4x4096xf32, #tpu.memory_space<vmem>>)
    %dma_wait3A_166 = arith.constant 0 : i32
    %dma_wait3A_167 = tpu.memref_slice %arg3[%add3A_99, %dma_wait3A_166] : memref<4096x4096xf32, #tpu.memory_space<hbm>> -> memref<4x4096xf32, #tpu.memory_space<hbm>>
    %dma_wait3A_168 = arith.constant 0 : i32
    %dma_wait3A_169 = tpu.memref_slice %arg3[%add3A_99, %dma_wait3A_168] : memref<4096x4096xf32, #tpu.memory_space<hbm>> -> memref<4x4096xf32, #tpu.memory_space<hbm>>
    tpu.wait_dma2 semaphore(%arg13 : memref<!tpu.dma_semaphore, #tpu.memory_space<semaphore_mem>>) src(%arg7 : memref<4x4096xf32, #tpu.memory_space<vmem>>) dst(%dma_wait3A_169 : memref<4x4096xf32, #tpu.memory_space<hbm>>)
    %scan3A_170 = arith.constant 0 : i32
    %scan3A_171 = arith.constant 0 : i32
    %scan3A_172 = arith.constant 256 : i32
    %scan3A_173 = arith.addi %scan3A_171, %scan3A_172 : i32
    %scan3A_174 = arith.constant 1 : i32
    scf.for %scan3A_832 = %scan3A_171 to %scan3A_173 step %scan3A_174  : i32 {
      %mul3A_833 = arith.constant 16 : i32
      %mul3A_834 = arith.muli %scan3A_832, %mul3A_833 : i32
      %get3A = arith.constant 0 : i32
      %get3A_835 = arith.index_cast %get3A : i32 to index
      %get3A_836 = arith.index_cast %mul3A_834 : i32 to index
      %get3A_837 = tpu.vector_load %arg4[%get3A_835, %get3A_836] {strides = array<i32>} : memref<4x4096xf32, #tpu.memory_space<vmem>>, vector<1x16xf32>,
      %get3A_838 = vector.shape_cast %get3A_837 : vector<1x16xf32> to vector<16xf32>
      %gt3A = arith.constant 5.000000e-01 : f32
      %gt3A_839 = vector.broadcast %gt3A : f32 to vector<16xf32>
      %gt3A_840 = arith.cmpf ogt, %get3A_838, %gt3A_839 : vector<16xf32>
      %jit3A = arith.constant 0.000000e+00 : f32
      %broadcast_in_dim3A = vector.broadcast %jit3A : f32 to vector<16xf32>
      %select_n3A = arith.select %gt3A_840, %get3A_838, %broadcast_in_dim3A : vector<16xi1>, vector<16xf32>
      %swap3A = arith.constant 0 : i32
      %swap3A_841 = arith.index_cast %swap3A : i32 to index
      %swap3A_842 = arith.index_cast %mul3A_834 : i32 to index
      %swap3A_843 = tpu.vector_load %arg7[%swap3A_841, %swap3A_842] {strides = array<i32>} : memref<4x4096xf32, #tpu.memory_space<vmem>>, vector<1x16xf32>,
      %swap3A_844 = vector.shape_cast %swap3A_843 : vector<1x16xf32> to vector<16xf32>
      %swap3A_845 = vector.shape_cast %select_n3A : vector<16xf32> to vector<1x16xf32>
      tpu.vector_store %arg7[%swap3A_841, %swap3A_842], %swap3A_845 {strides = array<i32>} : memref<4x4096xf32, #tpu.memory_space<vmem>>, vector<1x16xf32>,
      %get3A_846 = arith.constant 1 : i32
      %get3A_847 = arith.index_cast %get3A_846 : i32 to index
      %get3A_848 = arith.index_cast %mul3A_834 : i32 to index
      %get3A_849 = tpu.vector_load %arg4[%get3A_847, %get3A_848] {strides = array<i32>} : memref<4x4096xf32, #tpu.memory_space<vmem>>, vector<1x16xf32>,
      %get3A_850 = vector.shape_cast %get3A_849 : vector<1x16xf32> to vector<16xf32>
      %gt3A_851 = arith.constant 5.000000e-01 : f32
      %gt3A_852 = vector.broadcast %gt3A_851 : f32 to vector<16xf32>
      %gt3A_853 = arith.cmpf ogt, %get3A_850, %gt3A_852 : vector<16xf32>
      %jit3A_854 = arith.constant 0.000000e+00 : f32
      %broadcast_in_dim3A_855 = vector.broadcast %jit3A_854 : f32 to vector<16xf32>
      %select_n3A_856 = arith.select %gt3A_853, %get3A_850, %broadcast_in_dim3A_855 : vector<16xi1>, vector<16xf32>
      %swap3A_857 = arith.constant 1 : i32
      %swap3A_858 = arith.index_cast %swap3A_857 : i32 to index
      %swap3A_859 = arith.index_cast %mul3A_834 : i32 to index
      %swap3A_860 = tpu.vector_load %arg7[%swap3A_858, %swap3A_859] {strides = array<i32>} : memref<4x4096xf32, #tpu.memory_space<vmem>>, vector<1x16xf32>,
      %swap3A_861 = vector.shape_cast %swap3A_860 : vector<1x16xf32> to vector<16xf32>
      %swap3A_862 = vector.shape_cast %select_n3A_856 : vector<16xf32> to vector<1x16xf32>
      tpu.vector_store %arg7[%swap3A_858, %swap3A_859], %swap3A_862 {strides = array<i32>} : memref<4x4096xf32, #tpu.memory_space<vmem>>, vector<1x16xf32>,
      %get3A_863 = arith.constant 2 : i32
      %get3A_864 = arith.index_cast %get3A_863 : i32 to index
      %get3A_865 = arith.index_cast %mul3A_834 : i32 to index
      %get3A_866 = tpu.vector_load %arg4[%get3A_864, %get3A_865] {strides = array<i32>} : memref<4x4096xf32, #tpu.memory_space<vmem>>, vector<1x16xf32>,
      %get3A_867 = vector.shape_cast %get3A_866 : vector<1x16xf32> to vector<16xf32>
      %gt3A_868 = arith.constant 5.000000e-01 : f32
      %gt3A_869 = vector.broadcast %gt3A_868 : f32 to vector<16xf32>
      %gt3A_870 = arith.cmpf ogt, %get3A_867, %gt3A_869 : vector<16xf32>
      %jit3A_871 = arith.constant 0.000000e+00 : f32
      %broadcast_in_dim3A_872 = vector.broadcast %jit3A_871 : f32 to vector<16xf32>
      %select_n3A_873 = arith.select %gt3A_870, %get3A_867, %broadcast_in_dim3A_872 : vector<16xi1>, vector<16xf32>
      %swap3A_874 = arith.constant 2 : i32
      %swap3A_875 = arith.index_cast %swap3A_874 : i32 to index
      %swap3A_876 = arith.index_cast %mul3A_834 : i32 to index
      %swap3A_877 = tpu.vector_load %arg7[%swap3A_875, %swap3A_876] {strides = array<i32>} : memref<4x4096xf32, #tpu.memory_space<vmem>>, vector<1x16xf32>,
      %swap3A_878 = vector.shape_cast %swap3A_877 : vector<1x16xf32> to vector<16xf32>
      %swap3A_879 = vector.shape_cast %select_n3A_873 : vector<16xf32> to vector<1x16xf32>
      tpu.vector_store %arg7[%swap3A_875, %swap3A_876], %swap3A_879 {strides = array<i32>} : memref<4x4096xf32, #tpu.memory_space<vmem>>, vector<1x16xf32>,
      %get3A_880 = arith.constant 3 : i32
      %get3A_881 = arith.index_cast %get3A_880 : i32 to index
      %get3A_882 = arith.index_cast %mul3A_834 : i32 to index
      %get3A_883 = tpu.vector_load %arg4[%get3A_881, %get3A_882] {strides = array<i32>} : memref<4x4096xf32, #tpu.memory_space<vmem>>, vector<1x16xf32>,
      %get3A_884 = vector.shape_cast %get3A_883 : vector<1x16xf32> to vector<16xf32>
      %gt3A_885 = arith.constant 5.000000e-01 : f32
      %gt3A_886 = vector.broadcast %gt3A_885 : f32 to vector<16xf32>
      %gt3A_887 = arith.cmpf ogt, %get3A_884, %gt3A_886 : vector<16xf32>
      %jit3A_888 = arith.constant 0.000000e+00 : f32
      %broadcast_in_dim3A_889 = vector.broadcast %jit3A_888 : f32 to vector<16xf32>
      %select_n3A_890 = arith.select %gt3A_887, %get3A_884, %broadcast_in_dim3A_889 : vector<16xi1>, vector<16xf32>
      %swap3A_891 = arith.constant 3 : i32
      %swap3A_892 = arith.index_cast %swap3A_891 : i32 to index
      %swap3A_893 = arith.index_cast %mul3A_834 : i32 to index
      %swap3A_894 = tpu.vector_load %arg7[%swap3A_892, %swap3A_893] {strides = array<i32>} : memref<4x4096xf32, #tpu.memory_space<vmem>>, vector<1x16xf32>,
      %swap3A_895 = vector.shape_cast %swap3A_894 : vector<1x16xf32> to vector<16xf32>
      %swap3A_896 = vector.shape_cast %select_n3A_890 : vector<16xf32> to vector<1x16xf32>
      tpu.vector_store %arg7[%swap3A_892, %swap3A_893], %swap3A_896 {strides = array<i32>} : memref<4x4096xf32, #tpu.memory_space<vmem>>, vector<1x16xf32>,
    }
    %scan3A_175 = arith.constant 256 : i32
    %add3A_176 = arith.constant 24 : i32
    %add3A_177 = arith.addi %mul3A_2, %add3A_176 : i32
    %dma_start3A_178 = arith.constant 0 : i32
    %dma_start3A_179 = tpu.memref_slice %arg3[%add3A_177, %dma_start3A_178] : memref<4096x4096xf32, #tpu.memory_space<hbm>> -> memref<4x4096xf32, #tpu.memory_space<hbm>>
    %dma_start3A_180 = arith.constant 0 : i32
    %dma_start3A_181 = tpu.memref_slice %arg3[%add3A_177, %dma_start3A_180] : memref<4096x4096xf32, #tpu.memory_space<hbm>> -> memref<4x4096xf32, #tpu.memory_space<hbm>>
    tpu.enqueue_dma source(%arg7 : memref<4x4096xf32, #tpu.memory_space<vmem>>) target(%dma_start3A_181 : memref<4x4096xf32, #tpu.memory_space<hbm>>) target_semaphore(%arg13 : memref<!tpu.dma_semaphore, #tpu.memory_space<semaphore_mem>>)
    %add3A_182 = arith.constant 36 : i32
    %add3A_183 = arith.addi %mul3A_2, %add3A_182 : i32
    %dma_start3A_184 = arith.constant 0 : i32
    %dma_start3A_185 = tpu.memref_slice %arg2[%add3A_183, %dma_start3A_184] : memref<4096x4096xf32, #tpu.memory_space<hbm>> -> memref<4x4096xf32, #tpu.memory_space<hbm>>
    %dma_start3A_186 = arith.constant 0 : i32
    %dma_start3A_187 = tpu.memref_slice %arg2[%add3A_183, %dma_start3A_186] : memref<4096x4096xf32, #tpu.memory_space<hbm>> -> memref<4x4096xf32, #tpu.memory_space<hbm>>
    tpu.enqueue_dma source(%dma_start3A_187 : memref<4x4096xf32, #tpu.memory_space<hbm>>) target(%arg4 : memref<4x4096xf32, #tpu.memory_space<vmem>>) target_semaphore(%arg10 : memref<!tpu.dma_semaphore, #tpu.memory_space<semaphore_mem>>)
    %dma_wait3A_188 = arith.constant 0 : i32
    %dma_wait3A_189 = tpu.memref_slice %arg2[%add3A_131, %dma_wait3A_188] : memref<4096x4096xf32, #tpu.memory_space<hbm>> -> memref<4x4096xf32, #tpu.memory_space<hbm>>
    %dma_wait3A_190 = arith.constant 0 : i32
    %dma_wait3A_191 = tpu.memref_slice %arg2[%add3A_131, %dma_wait3A_190] : memref<4096x4096xf32, #tpu.memory_space<hbm>> -> memref<4x4096xf32, #tpu.memory_space<hbm>>
    tpu.wait_dma2 semaphore(%arg11 : memref<!tpu.dma_semaphore, #tpu.memory_space<semaphore_mem>>) src(%dma_wait3A_191 : memref<4x4096xf32, #tpu.memory_space<hbm>>) dst(%arg5 : memref<4x4096xf32, #tpu.memory_space<vmem>>)
    %dma_wait3A_192 = arith.constant 0 : i32
    %dma_wait3A_193 = tpu.memref_slice %arg3[%add3A_125, %dma_wait3A_192] : memref<4096x4096xf32, #tpu.memory_space<hbm>> -> memref<4x4096xf32, #tpu.memory_space<hbm>>
    %dma_wait3A_194 = arith.constant 0 : i32
    %dma_wait3A_195 = tpu.memref_slice %arg3[%add3A_125, %dma_wait3A_194] : memref<4096x4096xf32, #tpu.memory_space<hbm>> -> memref<4x4096xf32, #tpu.memory_space<hbm>>
    tpu.wait_dma2 semaphore(%arg14 : memref<!tpu.dma_semaphore, #tpu.memory_space<semaphore_mem>>) src(%arg8 : memref<4x4096xf32, #tpu.memory_space<vmem>>) dst(%dma_wait3A_195 : memref<4x4096xf32, #tpu.memory_space<hbm>>)
    %scan3A_196 = arith.constant 0 : i32
    %scan3A_197 = arith.constant 0 : i32
    %scan3A_198 = arith.constant 256 : i32
    %scan3A_199 = arith.addi %scan3A_197, %scan3A_198 : i32
    %scan3A_200 = arith.constant 1 : i32
    scf.for %scan3A_832 = %scan3A_197 to %scan3A_199 step %scan3A_200  : i32 {
      %mul3A_833 = arith.constant 16 : i32
      %mul3A_834 = arith.muli %scan3A_832, %mul3A_833 : i32
      %get3A = arith.constant 0 : i32
      %get3A_835 = arith.index_cast %get3A : i32 to index
      %get3A_836 = arith.index_cast %mul3A_834 : i32 to index
      %get3A_837 = tpu.vector_load %arg5[%get3A_835, %get3A_836] {strides = array<i32>} : memref<4x4096xf32, #tpu.memory_space<vmem>>, vector<1x16xf32>,
      %get3A_838 = vector.shape_cast %get3A_837 : vector<1x16xf32> to vector<16xf32>
      %gt3A = arith.constant 5.000000e-01 : f32
      %gt3A_839 = vector.broadcast %gt3A : f32 to vector<16xf32>
      %gt3A_840 = arith.cmpf ogt, %get3A_838, %gt3A_839 : vector<16xf32>
      %jit3A = arith.constant 0.000000e+00 : f32
      %broadcast_in_dim3A = vector.broadcast %jit3A : f32 to vector<16xf32>
      %select_n3A = arith.select %gt3A_840, %get3A_838, %broadcast_in_dim3A : vector<16xi1>, vector<16xf32>
      %swap3A = arith.constant 0 : i32
      %swap3A_841 = arith.index_cast %swap3A : i32 to index
      %swap3A_842 = arith.index_cast %mul3A_834 : i32 to index
      %swap3A_843 = tpu.vector_load %arg8[%swap3A_841, %swap3A_842] {strides = array<i32>} : memref<4x4096xf32, #tpu.memory_space<vmem>>, vector<1x16xf32>,
      %swap3A_844 = vector.shape_cast %swap3A_843 : vector<1x16xf32> to vector<16xf32>
      %swap3A_845 = vector.shape_cast %select_n3A : vector<16xf32> to vector<1x16xf32>
      tpu.vector_store %arg8[%swap3A_841, %swap3A_842], %swap3A_845 {strides = array<i32>} : memref<4x4096xf32, #tpu.memory_space<vmem>>, vector<1x16xf32>,
      %get3A_846 = arith.constant 1 : i32
      %get3A_847 = arith.index_cast %get3A_846 : i32 to index
      %get3A_848 = arith.index_cast %mul3A_834 : i32 to index
      %get3A_849 = tpu.vector_load %arg5[%get3A_847, %get3A_848] {strides = array<i32>} : memref<4x4096xf32, #tpu.memory_space<vmem>>, vector<1x16xf32>,
      %get3A_850 = vector.shape_cast %get3A_849 : vector<1x16xf32> to vector<16xf32>
      %gt3A_851 = arith.constant 5.000000e-01 : f32
      %gt3A_852 = vector.broadcast %gt3A_851 : f32 to vector<16xf32>
      %gt3A_853 = arith.cmpf ogt, %get3A_850, %gt3A_852 : vector<16xf32>
      %jit3A_854 = arith.constant 0.000000e+00 : f32
      %broadcast_in_dim3A_855 = vector.broadcast %jit3A_854 : f32 to vector<16xf32>
      %select_n3A_856 = arith.select %gt3A_853, %get3A_850, %broadcast_in_dim3A_855 : vector<16xi1>, vector<16xf32>
      %swap3A_857 = arith.constant 1 : i32
      %swap3A_858 = arith.index_cast %swap3A_857 : i32 to index
      %swap3A_859 = arith.index_cast %mul3A_834 : i32 to index
      %swap3A_860 = tpu.vector_load %arg8[%swap3A_858, %swap3A_859] {strides = array<i32>} : memref<4x4096xf32, #tpu.memory_space<vmem>>, vector<1x16xf32>,
      %swap3A_861 = vector.shape_cast %swap3A_860 : vector<1x16xf32> to vector<16xf32>
      %swap3A_862 = vector.shape_cast %select_n3A_856 : vector<16xf32> to vector<1x16xf32>
      tpu.vector_store %arg8[%swap3A_858, %swap3A_859], %swap3A_862 {strides = array<i32>} : memref<4x4096xf32, #tpu.memory_space<vmem>>, vector<1x16xf32>,
      %get3A_863 = arith.constant 2 : i32
      %get3A_864 = arith.index_cast %get3A_863 : i32 to index
      %get3A_865 = arith.index_cast %mul3A_834 : i32 to index
      %get3A_866 = tpu.vector_load %arg5[%get3A_864, %get3A_865] {strides = array<i32>} : memref<4x4096xf32, #tpu.memory_space<vmem>>, vector<1x16xf32>,
      %get3A_867 = vector.shape_cast %get3A_866 : vector<1x16xf32> to vector<16xf32>
      %gt3A_868 = arith.constant 5.000000e-01 : f32
      %gt3A_869 = vector.broadcast %gt3A_868 : f32 to vector<16xf32>
      %gt3A_870 = arith.cmpf ogt, %get3A_867, %gt3A_869 : vector<16xf32>
      %jit3A_871 = arith.constant 0.000000e+00 : f32
      %broadcast_in_dim3A_872 = vector.broadcast %jit3A_871 : f32 to vector<16xf32>
      %select_n3A_873 = arith.select %gt3A_870, %get3A_867, %broadcast_in_dim3A_872 : vector<16xi1>, vector<16xf32>
      %swap3A_874 = arith.constant 2 : i32
      %swap3A_875 = arith.index_cast %swap3A_874 : i32 to index
      %swap3A_876 = arith.index_cast %mul3A_834 : i32 to index
      %swap3A_877 = tpu.vector_load %arg8[%swap3A_875, %swap3A_876] {strides = array<i32>} : memref<4x4096xf32, #tpu.memory_space<vmem>>, vector<1x16xf32>,
      %swap3A_878 = vector.shape_cast %swap3A_877 : vector<1x16xf32> to vector<16xf32>
      %swap3A_879 = vector.shape_cast %select_n3A_873 : vector<16xf32> to vector<1x16xf32>
      tpu.vector_store %arg8[%swap3A_875, %swap3A_876], %swap3A_879 {strides = array<i32>} : memref<4x4096xf32, #tpu.memory_space<vmem>>, vector<1x16xf32>,
      %get3A_880 = arith.constant 3 : i32
      %get3A_881 = arith.index_cast %get3A_880 : i32 to index
      %get3A_882 = arith.index_cast %mul3A_834 : i32 to index
      %get3A_883 = tpu.vector_load %arg5[%get3A_881, %get3A_882] {strides = array<i32>} : memref<4x4096xf32, #tpu.memory_space<vmem>>, vector<1x16xf32>,
      %get3A_884 = vector.shape_cast %get3A_883 : vector<1x16xf32> to vector<16xf32>
      %gt3A_885 = arith.constant 5.000000e-01 : f32
      %gt3A_886 = vector.broadcast %gt3A_885 : f32 to vector<16xf32>
      %gt3A_887 = arith.cmpf ogt, %get3A_884, %gt3A_886 : vector<16xf32>
      %jit3A_888 = arith.constant 0.000000e+00 : f32
      %broadcast_in_dim3A_889 = vector.broadcast %jit3A_888 : f32 to vector<16xf32>
      %select_n3A_890 = arith.select %gt3A_887, %get3A_884, %broadcast_in_dim3A_889 : vector<16xi1>, vector<16xf32>
      %swap3A_891 = arith.constant 3 : i32
      %swap3A_892 = arith.index_cast %swap3A_891 : i32 to index
      %swap3A_893 = arith.index_cast %mul3A_834 : i32 to index
      %swap3A_894 = tpu.vector_load %arg8[%swap3A_892, %swap3A_893] {strides = array<i32>} : memref<4x4096xf32, #tpu.memory_space<vmem>>, vector<1x16xf32>,
      %swap3A_895 = vector.shape_cast %swap3A_894 : vector<1x16xf32> to vector<16xf32>
      %swap3A_896 = vector.shape_cast %select_n3A_890 : vector<16xf32> to vector<1x16xf32>
      tpu.vector_store %arg8[%swap3A_892, %swap3A_893], %swap3A_896 {strides = array<i32>} : memref<4x4096xf32, #tpu.memory_space<vmem>>, vector<1x16xf32>,
    }
    %scan3A_201 = arith.constant 256 : i32
    %add3A_202 = arith.constant 28 : i32
    %add3A_203 = arith.addi %mul3A_2, %add3A_202 : i32
    %dma_start3A_204 = arith.constant 0 : i32
    %dma_start3A_205 = tpu.memref_slice %arg3[%add3A_203, %dma_start3A_204] : memref<4096x4096xf32, #tpu.memory_space<hbm>> -> memref<4x4096xf32, #tpu.memory_space<hbm>>
    %dma_start3A_206 = arith.constant 0 : i32
    %dma_start3A_207 = tpu.memref_slice %arg3[%add3A_203, %dma_start3A_206] : memref<4096x4096xf32, #tpu.memory_space<hbm>> -> memref<4x4096xf32, #tpu.memory_space<hbm>>
    tpu.enqueue_dma source(%arg8 : memref<4x4096xf32, #tpu.memory_space<vmem>>) target(%dma_start3A_207 : memref<4x4096xf32, #tpu.memory_space<hbm>>) target_semaphore(%arg14 : memref<!tpu.dma_semaphore, #tpu.memory_space<semaphore_mem>>)
    %add3A_208 = arith.constant 40 : i32
    %add3A_209 = arith.addi %mul3A_2, %add3A_208 : i32
    %dma_start3A_210 = arith.constant 0 : i32
    %dma_start3A_211 = tpu.memref_slice %arg2[%add3A_209, %dma_start3A_210] : memref<4096x4096xf32, #tpu.memory_space<hbm>> -> memref<4x4096xf32, #tpu.memory_space<hbm>>
    %dma_start3A_212 = arith.constant 0 : i32
    %dma_start3A_213 = tpu.memref_slice %arg2[%add3A_209, %dma_start3A_212] : memref<4096x4096xf32, #tpu.memory_space<hbm>> -> memref<4x4096xf32, #tpu.memory_space<hbm>>
    tpu.enqueue_dma source(%dma_start3A_213 : memref<4x4096xf32, #tpu.memory_space<hbm>>) target(%arg5 : memref<4x4096xf32, #tpu.memory_space<vmem>>) target_semaphore(%arg11 : memref<!tpu.dma_semaphore, #tpu.memory_space<semaphore_mem>>)
    %dma_wait3A_214 = arith.constant 0 : i32
    %dma_wait3A_215 = tpu.memref_slice %arg2[%add3A_157, %dma_wait3A_214] : memref<4096x4096xf32, #tpu.memory_space<hbm>> -> memref<4x4096xf32, #tpu.memory_space<hbm>>
    %dma_wait3A_216 = arith.constant 0 : i32
    %dma_wait3A_217 = tpu.memref_slice %arg2[%add3A_157, %dma_wait3A_216] : memref<4096x4096xf32, #tpu.memory_space<hbm>> -> memref<4x4096xf32, #tpu.memory_space<hbm>>
    tpu.wait_dma2 semaphore(%arg12 : memref<!tpu.dma_semaphore, #tpu.memory_space<semaphore_mem>>) src(%dma_wait3A_217 : memref<4x4096xf32, #tpu.memory_space<hbm>>) dst(%arg6 : memref<4x4096xf32, #tpu.memory_space<vmem>>)
    %dma_wait3A_218 = arith.constant 0 : i32
    %dma_wait3A_219 = tpu.memref_slice %arg3[%add3A_151, %dma_wait3A_218] : memref<4096x4096xf32, #tpu.memory_space<hbm>> -> memref<4x4096xf32, #tpu.memory_space<hbm>>
    %dma_wait3A_220 = arith.constant 0 : i32
    %dma_wait3A_221 = tpu.memref_slice %arg3[%add3A_151, %dma_wait3A_220] : memref<4096x4096xf32, #tpu.memory_space<hbm>> -> memref<4x4096xf32, #tpu.memory_space<hbm>>
    tpu.wait_dma2 semaphore(%arg15 : memref<!tpu.dma_semaphore, #tpu.memory_space<semaphore_mem>>) src(%arg9 : memref<4x4096xf32, #tpu.memory_space<vmem>>) dst(%dma_wait3A_221 : memref<4x4096xf32, #tpu.memory_space<hbm>>)
    %scan3A_222 = arith.constant 0 : i32
    %scan3A_223 = arith.constant 0 : i32
    %scan3A_224 = arith.constant 256 : i32
    %scan3A_225 = arith.addi %scan3A_223, %scan3A_224 : i32
    %scan3A_226 = arith.constant 1 : i32
    scf.for %scan3A_832 = %scan3A_223 to %scan3A_225 step %scan3A_226  : i32 {
      %mul3A_833 = arith.constant 16 : i32
      %mul3A_834 = arith.muli %scan3A_832, %mul3A_833 : i32
      %get3A = arith.constant 0 : i32
      %get3A_835 = arith.index_cast %get3A : i32 to index
      %get3A_836 = arith.index_cast %mul3A_834 : i32 to index
      %get3A_837 = tpu.vector_load %arg6[%get3A_835, %get3A_836] {strides = array<i32>} : memref<4x4096xf32, #tpu.memory_space<vmem>>, vector<1x16xf32>,
      %get3A_838 = vector.shape_cast %get3A_837 : vector<1x16xf32> to vector<16xf32>
      %gt3A = arith.constant 5.000000e-01 : f32
      %gt3A_839 = vector.broadcast %gt3A : f32 to vector<16xf32>
      %gt3A_840 = arith.cmpf ogt, %get3A_838, %gt3A_839 : vector<16xf32>
      %jit3A = arith.constant 0.000000e+00 : f32
      %broadcast_in_dim3A = vector.broadcast %jit3A : f32 to vector<16xf32>
      %select_n3A = arith.select %gt3A_840, %get3A_838, %broadcast_in_dim3A : vector<16xi1>, vector<16xf32>
      %swap3A = arith.constant 0 : i32
      %swap3A_841 = arith.index_cast %swap3A : i32 to index
      %swap3A_842 = arith.index_cast %mul3A_834 : i32 to index
      %swap3A_843 = tpu.vector_load %arg9[%swap3A_841, %swap3A_842] {strides = array<i32>} : memref<4x4096xf32, #tpu.memory_space<vmem>>, vector<1x16xf32>,
      %swap3A_844 = vector.shape_cast %swap3A_843 : vector<1x16xf32> to vector<16xf32>
      %swap3A_845 = vector.shape_cast %select_n3A : vector<16xf32> to vector<1x16xf32>
      tpu.vector_store %arg9[%swap3A_841, %swap3A_842], %swap3A_845 {strides = array<i32>} : memref<4x4096xf32, #tpu.memory_space<vmem>>, vector<1x16xf32>,
      %get3A_846 = arith.constant 1 : i32
      %get3A_847 = arith.index_cast %get3A_846 : i32 to index
      %get3A_848 = arith.index_cast %mul3A_834 : i32 to index
      %get3A_849 = tpu.vector_load %arg6[%get3A_847, %get3A_848] {strides = array<i32>} : memref<4x4096xf32, #tpu.memory_space<vmem>>, vector<1x16xf32>,
      %get3A_850 = vector.shape_cast %get3A_849 : vector<1x16xf32> to vector<16xf32>
      %gt3A_851 = arith.constant 5.000000e-01 : f32
      %gt3A_852 = vector.broadcast %gt3A_851 : f32 to vector<16xf32>
      %gt3A_853 = arith.cmpf ogt, %get3A_850, %gt3A_852 : vector<16xf32>
      %jit3A_854 = arith.constant 0.000000e+00 : f32
      %broadcast_in_dim3A_855 = vector.broadcast %jit3A_854 : f32 to vector<16xf32>
      %select_n3A_856 = arith.select %gt3A_853, %get3A_850, %broadcast_in_dim3A_855 : vector<16xi1>, vector<16xf32>
      %swap3A_857 = arith.constant 1 : i32
      %swap3A_858 = arith.index_cast %swap3A_857 : i32 to index
      %swap3A_859 = arith.index_cast %mul3A_834 : i32 to index
      %swap3A_860 = tpu.vector_load %arg9[%swap3A_858, %swap3A_859] {strides = array<i32>} : memref<4x4096xf32, #tpu.memory_space<vmem>>, vector<1x16xf32>,
      %swap3A_861 = vector.shape_cast %swap3A_860 : vector<1x16xf32> to vector<16xf32>
      %swap3A_862 = vector.shape_cast %select_n3A_856 : vector<16xf32> to vector<1x16xf32>
      tpu.vector_store %arg9[%swap3A_858, %swap3A_859], %swap3A_862 {strides = array<i32>} : memref<4x4096xf32, #tpu.memory_space<vmem>>, vector<1x16xf32>,
      %get3A_863 = arith.constant 2 : i32
      %get3A_864 = arith.index_cast %get3A_863 : i32 to index
      %get3A_865 = arith.index_cast %mul3A_834 : i32 to index
      %get3A_866 = tpu.vector_load %arg6[%get3A_864, %get3A_865] {strides = array<i32>} : memref<4x4096xf32, #tpu.memory_space<vmem>>, vector<1x16xf32>,
      %get3A_867 = vector.shape_cast %get3A_866 : vector<1x16xf32> to vector<16xf32>
      %gt3A_868 = arith.constant 5.000000e-01 : f32
      %gt3A_869 = vector.broadcast %gt3A_868 : f32 to vector<16xf32>
      %gt3A_870 = arith.cmpf ogt, %get3A_867, %gt3A_869 : vector<16xf32>
      %jit3A_871 = arith.constant 0.000000e+00 : f32
      %broadcast_in_dim3A_872 = vector.broadcast %jit3A_871 : f32 to vector<16xf32>
      %select_n3A_873 = arith.select %gt3A_870, %get3A_867, %broadcast_in_dim3A_872 : vector<16xi1>, vector<16xf32>
      %swap3A_874 = arith.constant 2 : i32
      %swap3A_875 = arith.index_cast %swap3A_874 : i32 to index
      %swap3A_876 = arith.index_cast %mul3A_834 : i32 to index
      %swap3A_877 = tpu.vector_load %arg9[%swap3A_875, %swap3A_876] {strides = array<i32>} : memref<4x4096xf32, #tpu.memory_space<vmem>>, vector<1x16xf32>,
      %swap3A_878 = vector.shape_cast %swap3A_877 : vector<1x16xf32> to vector<16xf32>
      %swap3A_879 = vector.shape_cast %select_n3A_873 : vector<16xf32> to vector<1x16xf32>
      tpu.vector_store %arg9[%swap3A_875, %swap3A_876], %swap3A_879 {strides = array<i32>} : memref<4x4096xf32, #tpu.memory_space<vmem>>, vector<1x16xf32>,
      %get3A_880 = arith.constant 3 : i32
      %get3A_881 = arith.index_cast %get3A_880 : i32 to index
      %get3A_882 = arith.index_cast %mul3A_834 : i32 to index
      %get3A_883 = tpu.vector_load %arg6[%get3A_881, %get3A_882] {strides = array<i32>} : memref<4x4096xf32, #tpu.memory_space<vmem>>, vector<1x16xf32>,
      %get3A_884 = vector.shape_cast %get3A_883 : vector<1x16xf32> to vector<16xf32>
      %gt3A_885 = arith.constant 5.000000e-01 : f32
      %gt3A_886 = vector.broadcast %gt3A_885 : f32 to vector<16xf32>
      %gt3A_887 = arith.cmpf ogt, %get3A_884, %gt3A_886 : vector<16xf32>
      %jit3A_888 = arith.constant 0.000000e+00 : f32
      %broadcast_in_dim3A_889 = vector.broadcast %jit3A_888 : f32 to vector<16xf32>
      %select_n3A_890 = arith.select %gt3A_887, %get3A_884, %broadcast_in_dim3A_889 : vector<16xi1>, vector<16xf32>
      %swap3A_891 = arith.constant 3 : i32
      %swap3A_892 = arith.index_cast %swap3A_891 : i32 to index
      %swap3A_893 = arith.index_cast %mul3A_834 : i32 to index
      %swap3A_894 = tpu.vector_load %arg9[%swap3A_892, %swap3A_893] {strides = array<i32>} : memref<4x4096xf32, #tpu.memory_space<vmem>>, vector<1x16xf32>,
      %swap3A_895 = vector.shape_cast %swap3A_894 : vector<1x16xf32> to vector<16xf32>
      %swap3A_896 = vector.shape_cast %select_n3A_890 : vector<16xf32> to vector<1x16xf32>
      tpu.vector_store %arg9[%swap3A_892, %swap3A_893], %swap3A_896 {strides = array<i32>} : memref<4x4096xf32, #tpu.memory_space<vmem>>, vector<1x16xf32>,
    }
    %scan3A_227 = arith.constant 256 : i32
    %add3A_228 = arith.constant 32 : i32
    %add3A_229 = arith.addi %mul3A_2, %add3A_228 : i32
    %dma_start3A_230 = arith.constant 0 : i32
    %dma_start3A_231 = tpu.memref_slice %arg3[%add3A_229, %dma_start3A_230] : memref<4096x4096xf32, #tpu.memory_space<hbm>> -> memref<4x4096xf32, #tpu.memory_space<hbm>>
    %dma_start3A_232 = arith.constant 0 : i32
    %dma_start3A_233 = tpu.memref_slice %arg3[%add3A_229, %dma_start3A_232] : memref<4096x4096xf32, #tpu.memory_space<hbm>> -> memref<4x4096xf32, #tpu.memory_space<hbm>>
    tpu.enqueue_dma source(%arg9 : memref<4x4096xf32, #tpu.memory_space<vmem>>) target(%dma_start3A_233 : memref<4x4096xf32, #tpu.memory_space<hbm>>) target_semaphore(%arg15 : memref<!tpu.dma_semaphore, #tpu.memory_space<semaphore_mem>>)
    %add3A_234 = arith.constant 44 : i32
    %add3A_235 = arith.addi %mul3A_2, %add3A_234 : i32
    %dma_start3A_236 = arith.constant 0 : i32
    %dma_start3A_237 = tpu.memref_slice %arg2[%add3A_235, %dma_start3A_236] : memref<4096x4096xf32, #tpu.memory_space<hbm>> -> memref<4x4096xf32, #tpu.memory_space<hbm>>
    %dma_start3A_238 = arith.constant 0 : i32
    %dma_start3A_239 = tpu.memref_slice %arg2[%add3A_235, %dma_start3A_238] : memref<4096x4096xf32, #tpu.memory_space<hbm>> -> memref<4x4096xf32, #tpu.memory_space<hbm>>
    tpu.enqueue_dma source(%dma_start3A_239 : memref<4x4096xf32, #tpu.memory_space<hbm>>) target(%arg6 : memref<4x4096xf32, #tpu.memory_space<vmem>>) target_semaphore(%arg12 : memref<!tpu.dma_semaphore, #tpu.memory_space<semaphore_mem>>)
    %dma_wait3A_240 = arith.constant 0 : i32
    %dma_wait3A_241 = tpu.memref_slice %arg2[%add3A_183, %dma_wait3A_240] : memref<4096x4096xf32, #tpu.memory_space<hbm>> -> memref<4x4096xf32, #tpu.memory_space<hbm>>
    %dma_wait3A_242 = arith.constant 0 : i32
    %dma_wait3A_243 = tpu.memref_slice %arg2[%add3A_183, %dma_wait3A_242] : memref<4096x4096xf32, #tpu.memory_space<hbm>> -> memref<4x4096xf32, #tpu.memory_space<hbm>>
    tpu.wait_dma2 semaphore(%arg10 : memref<!tpu.dma_semaphore, #tpu.memory_space<semaphore_mem>>) src(%dma_wait3A_243 : memref<4x4096xf32, #tpu.memory_space<hbm>>) dst(%arg4 : memref<4x4096xf32, #tpu.memory_space<vmem>>)
    %dma_wait3A_244 = arith.constant 0 : i32
    %dma_wait3A_245 = tpu.memref_slice %arg3[%add3A_177, %dma_wait3A_244] : memref<4096x4096xf32, #tpu.memory_space<hbm>> -> memref<4x4096xf32, #tpu.memory_space<hbm>>
    %dma_wait3A_246 = arith.constant 0 : i32
    %dma_wait3A_247 = tpu.memref_slice %arg3[%add3A_177, %dma_wait3A_246] : memref<4096x4096xf32, #tpu.memory_space<hbm>> -> memref<4x4096xf32, #tpu.memory_space<hbm>>
    tpu.wait_dma2 semaphore(%arg13 : memref<!tpu.dma_semaphore, #tpu.memory_space<semaphore_mem>>) src(%arg7 : memref<4x4096xf32, #tpu.memory_space<vmem>>) dst(%dma_wait3A_247 : memref<4x4096xf32, #tpu.memory_space<hbm>>)
    %scan3A_248 = arith.constant 0 : i32
    %scan3A_249 = arith.constant 0 : i32
    %scan3A_250 = arith.constant 256 : i32
    %scan3A_251 = arith.addi %scan3A_249, %scan3A_250 : i32
    %scan3A_252 = arith.constant 1 : i32
    scf.for %scan3A_832 = %scan3A_249 to %scan3A_251 step %scan3A_252  : i32 {
      %mul3A_833 = arith.constant 16 : i32
      %mul3A_834 = arith.muli %scan3A_832, %mul3A_833 : i32
      %get3A = arith.constant 0 : i32
      %get3A_835 = arith.index_cast %get3A : i32 to index
      %get3A_836 = arith.index_cast %mul3A_834 : i32 to index
      %get3A_837 = tpu.vector_load %arg4[%get3A_835, %get3A_836] {strides = array<i32>} : memref<4x4096xf32, #tpu.memory_space<vmem>>, vector<1x16xf32>,
      %get3A_838 = vector.shape_cast %get3A_837 : vector<1x16xf32> to vector<16xf32>
      %gt3A = arith.constant 5.000000e-01 : f32
      %gt3A_839 = vector.broadcast %gt3A : f32 to vector<16xf32>
      %gt3A_840 = arith.cmpf ogt, %get3A_838, %gt3A_839 : vector<16xf32>
      %jit3A = arith.constant 0.000000e+00 : f32
      %broadcast_in_dim3A = vector.broadcast %jit3A : f32 to vector<16xf32>
      %select_n3A = arith.select %gt3A_840, %get3A_838, %broadcast_in_dim3A : vector<16xi1>, vector<16xf32>
      %swap3A = arith.constant 0 : i32
      %swap3A_841 = arith.index_cast %swap3A : i32 to index
      %swap3A_842 = arith.index_cast %mul3A_834 : i32 to index
      %swap3A_843 = tpu.vector_load %arg7[%swap3A_841, %swap3A_842] {strides = array<i32>} : memref<4x4096xf32, #tpu.memory_space<vmem>>, vector<1x16xf32>,
      %swap3A_844 = vector.shape_cast %swap3A_843 : vector<1x16xf32> to vector<16xf32>
      %swap3A_845 = vector.shape_cast %select_n3A : vector<16xf32> to vector<1x16xf32>
      tpu.vector_store %arg7[%swap3A_841, %swap3A_842], %swap3A_845 {strides = array<i32>} : memref<4x4096xf32, #tpu.memory_space<vmem>>, vector<1x16xf32>,
      %get3A_846 = arith.constant 1 : i32
      %get3A_847 = arith.index_cast %get3A_846 : i32 to index
      %get3A_848 = arith.index_cast %mul3A_834 : i32 to index
      %get3A_849 = tpu.vector_load %arg4[%get3A_847, %get3A_848] {strides = array<i32>} : memref<4x4096xf32, #tpu.memory_space<vmem>>, vector<1x16xf32>,
      %get3A_850 = vector.shape_cast %get3A_849 : vector<1x16xf32> to vector<16xf32>
      %gt3A_851 = arith.constant 5.000000e-01 : f32
      %gt3A_852 = vector.broadcast %gt3A_851 : f32 to vector<16xf32>
      %gt3A_853 = arith.cmpf ogt, %get3A_850, %gt3A_852 : vector<16xf32>
      %jit3A_854 = arith.constant 0.000000e+00 : f32
      %broadcast_in_dim3A_855 = vector.broadcast %jit3A_854 : f32 to vector<16xf32>
      %select_n3A_856 = arith.select %gt3A_853, %get3A_850, %broadcast_in_dim3A_855 : vector<16xi1>, vector<16xf32>
      %swap3A_857 = arith.constant 1 : i32
      %swap3A_858 = arith.index_cast %swap3A_857 : i32 to index
      %swap3A_859 = arith.index_cast %mul3A_834 : i32 to index
      %swap3A_860 = tpu.vector_load %arg7[%swap3A_858, %swap3A_859] {strides = array<i32>} : memref<4x4096xf32, #tpu.memory_space<vmem>>, vector<1x16xf32>,
      %swap3A_861 = vector.shape_cast %swap3A_860 : vector<1x16xf32> to vector<16xf32>
      %swap3A_862 = vector.shape_cast %select_n3A_856 : vector<16xf32> to vector<1x16xf32>
      tpu.vector_store %arg7[%swap3A_858, %swap3A_859], %swap3A_862 {strides = array<i32>} : memref<4x4096xf32, #tpu.memory_space<vmem>>, vector<1x16xf32>,
      %get3A_863 = arith.constant 2 : i32
      %get3A_864 = arith.index_cast %get3A_863 : i32 to index
      %get3A_865 = arith.index_cast %mul3A_834 : i32 to index
      %get3A_866 = tpu.vector_load %arg4[%get3A_864, %get3A_865] {strides = array<i32>} : memref<4x4096xf32, #tpu.memory_space<vmem>>, vector<1x16xf32>,
      %get3A_867 = vector.shape_cast %get3A_866 : vector<1x16xf32> to vector<16xf32>
      %gt3A_868 = arith.constant 5.000000e-01 : f32
      %gt3A_869 = vector.broadcast %gt3A_868 : f32 to vector<16xf32>
      %gt3A_870 = arith.cmpf ogt, %get3A_867, %gt3A_869 : vector<16xf32>
      %jit3A_871 = arith.constant 0.000000e+00 : f32
      %broadcast_in_dim3A_872 = vector.broadcast %jit3A_871 : f32 to vector<16xf32>
      %select_n3A_873 = arith.select %gt3A_870, %get3A_867, %broadcast_in_dim3A_872 : vector<16xi1>, vector<16xf32>
      %swap3A_874 = arith.constant 2 : i32
      %swap3A_875 = arith.index_cast %swap3A_874 : i32 to index
      %swap3A_876 = arith.index_cast %mul3A_834 : i32 to index
      %swap3A_877 = tpu.vector_load %arg7[%swap3A_875, %swap3A_876] {strides = array<i32>} : memref<4x4096xf32, #tpu.memory_space<vmem>>, vector<1x16xf32>,
      %swap3A_878 = vector.shape_cast %swap3A_877 : vector<1x16xf32> to vector<16xf32>
      %swap3A_879 = vector.shape_cast %select_n3A_873 : vector<16xf32> to vector<1x16xf32>
      tpu.vector_store %arg7[%swap3A_875, %swap3A_876], %swap3A_879 {strides = array<i32>} : memref<4x4096xf32, #tpu.memory_space<vmem>>, vector<1x16xf32>,
      %get3A_880 = arith.constant 3 : i32
      %get3A_881 = arith.index_cast %get3A_880 : i32 to index
      %get3A_882 = arith.index_cast %mul3A_834 : i32 to index
      %get3A_883 = tpu.vector_load %arg4[%get3A_881, %get3A_882] {strides = array<i32>} : memref<4x4096xf32, #tpu.memory_space<vmem>>, vector<1x16xf32>,
      %get3A_884 = vector.shape_cast %get3A_883 : vector<1x16xf32> to vector<16xf32>
      %gt3A_885 = arith.constant 5.000000e-01 : f32
      %gt3A_886 = vector.broadcast %gt3A_885 : f32 to vector<16xf32>
      %gt3A_887 = arith.cmpf ogt, %get3A_884, %gt3A_886 : vector<16xf32>
      %jit3A_888 = arith.constant 0.000000e+00 : f32
      %broadcast_in_dim3A_889 = vector.broadcast %jit3A_888 : f32 to vector<16xf32>
      %select_n3A_890 = arith.select %gt3A_887, %get3A_884, %broadcast_in_dim3A_889 : vector<16xi1>, vector<16xf32>
      %swap3A_891 = arith.constant 3 : i32
      %swap3A_892 = arith.index_cast %swap3A_891 : i32 to index
      %swap3A_893 = arith.index_cast %mul3A_834 : i32 to index
      %swap3A_894 = tpu.vector_load %arg7[%swap3A_892, %swap3A_893] {strides = array<i32>} : memref<4x4096xf32, #tpu.memory_space<vmem>>, vector<1x16xf32>,
      %swap3A_895 = vector.shape_cast %swap3A_894 : vector<1x16xf32> to vector<16xf32>
      %swap3A_896 = vector.shape_cast %select_n3A_890 : vector<16xf32> to vector<1x16xf32>
      tpu.vector_store %arg7[%swap3A_892, %swap3A_893], %swap3A_896 {strides = array<i32>} : memref<4x4096xf32, #tpu.memory_space<vmem>>, vector<1x16xf32>,
    }
    %scan3A_253 = arith.constant 256 : i32
    %add3A_254 = arith.constant 36 : i32
    %add3A_255 = arith.addi %mul3A_2, %add3A_254 : i32
    %dma_start3A_256 = arith.constant 0 : i32
    %dma_start3A_257 = tpu.memref_slice %arg3[%add3A_255, %dma_start3A_256] : memref<4096x4096xf32, #tpu.memory_space<hbm>> -> memref<4x4096xf32, #tpu.memory_space<hbm>>
    %dma_start3A_258 = arith.constant 0 : i32
    %dma_start3A_259 = tpu.memref_slice %arg3[%add3A_255, %dma_start3A_258] : memref<4096x4096xf32, #tpu.memory_space<hbm>> -> memref<4x4096xf32, #tpu.memory_space<hbm>>
    tpu.enqueue_dma source(%arg7 : memref<4x4096xf32, #tpu.memory_space<vmem>>) target(%dma_start3A_259 : memref<4x4096xf32, #tpu.memory_space<hbm>>) target_semaphore(%arg13 : memref<!tpu.dma_semaphore, #tpu.memory_space<semaphore_mem>>)
    %add3A_260 = arith.constant 48 : i32
    %add3A_261 = arith.addi %mul3A_2, %add3A_260 : i32
    %dma_start3A_262 = arith.constant 0 : i32
    %dma_start3A_263 = tpu.memref_slice %arg2[%add3A_261, %dma_start3A_262] : memref<4096x4096xf32, #tpu.memory_space<hbm>> -> memref<4x4096xf32, #tpu.memory_space<hbm>>
    %dma_start3A_264 = arith.constant 0 : i32
    %dma_start3A_265 = tpu.memref_slice %arg2[%add3A_261, %dma_start3A_264] : memref<4096x4096xf32, #tpu.memory_space<hbm>> -> memref<4x4096xf32, #tpu.memory_space<hbm>>
    tpu.enqueue_dma source(%dma_start3A_265 : memref<4x4096xf32, #tpu.memory_space<hbm>>) target(%arg4 : memref<4x4096xf32, #tpu.memory_space<vmem>>) target_semaphore(%arg10 : memref<!tpu.dma_semaphore, #tpu.memory_space<semaphore_mem>>)
    %dma_wait3A_266 = arith.constant 0 : i32
    %dma_wait3A_267 = tpu.memref_slice %arg2[%add3A_209, %dma_wait3A_266] : memref<4096x4096xf32, #tpu.memory_space<hbm>> -> memref<4x4096xf32, #tpu.memory_space<hbm>>
    %dma_wait3A_268 = arith.constant 0 : i32
    %dma_wait3A_269 = tpu.memref_slice %arg2[%add3A_209, %dma_wait3A_268] : memref<4096x4096xf32, #tpu.memory_space<hbm>> -> memref<4x4096xf32, #tpu.memory_space<hbm>>
    tpu.wait_dma2 semaphore(%arg11 : memref<!tpu.dma_semaphore, #tpu.memory_space<semaphore_mem>>) src(%dma_wait3A_269 : memref<4x4096xf32, #tpu.memory_space<hbm>>) dst(%arg5 : memref<4x4096xf32, #tpu.memory_space<vmem>>)
    %dma_wait3A_270 = arith.constant 0 : i32
    %dma_wait3A_271 = tpu.memref_slice %arg3[%add3A_203, %dma_wait3A_270] : memref<4096x4096xf32, #tpu.memory_space<hbm>> -> memref<4x4096xf32, #tpu.memory_space<hbm>>
    %dma_wait3A_272 = arith.constant 0 : i32
    %dma_wait3A_273 = tpu.memref_slice %arg3[%add3A_203, %dma_wait3A_272] : memref<4096x4096xf32, #tpu.memory_space<hbm>> -> memref<4x4096xf32, #tpu.memory_space<hbm>>
    tpu.wait_dma2 semaphore(%arg14 : memref<!tpu.dma_semaphore, #tpu.memory_space<semaphore_mem>>) src(%arg8 : memref<4x4096xf32, #tpu.memory_space<vmem>>) dst(%dma_wait3A_273 : memref<4x4096xf32, #tpu.memory_space<hbm>>)
    %scan3A_274 = arith.constant 0 : i32
    %scan3A_275 = arith.constant 0 : i32
    %scan3A_276 = arith.constant 256 : i32
    %scan3A_277 = arith.addi %scan3A_275, %scan3A_276 : i32
    %scan3A_278 = arith.constant 1 : i32
    scf.for %scan3A_832 = %scan3A_275 to %scan3A_277 step %scan3A_278  : i32 {
      %mul3A_833 = arith.constant 16 : i32
      %mul3A_834 = arith.muli %scan3A_832, %mul3A_833 : i32
      %get3A = arith.constant 0 : i32
      %get3A_835 = arith.index_cast %get3A : i32 to index
      %get3A_836 = arith.index_cast %mul3A_834 : i32 to index
      %get3A_837 = tpu.vector_load %arg5[%get3A_835, %get3A_836] {strides = array<i32>} : memref<4x4096xf32, #tpu.memory_space<vmem>>, vector<1x16xf32>,
      %get3A_838 = vector.shape_cast %get3A_837 : vector<1x16xf32> to vector<16xf32>
      %gt3A = arith.constant 5.000000e-01 : f32
      %gt3A_839 = vector.broadcast %gt3A : f32 to vector<16xf32>
      %gt3A_840 = arith.cmpf ogt, %get3A_838, %gt3A_839 : vector<16xf32>
      %jit3A = arith.constant 0.000000e+00 : f32
      %broadcast_in_dim3A = vector.broadcast %jit3A : f32 to vector<16xf32>
      %select_n3A = arith.select %gt3A_840, %get3A_838, %broadcast_in_dim3A : vector<16xi1>, vector<16xf32>
      %swap3A = arith.constant 0 : i32
      %swap3A_841 = arith.index_cast %swap3A : i32 to index
      %swap3A_842 = arith.index_cast %mul3A_834 : i32 to index
      %swap3A_843 = tpu.vector_load %arg8[%swap3A_841, %swap3A_842] {strides = array<i32>} : memref<4x4096xf32, #tpu.memory_space<vmem>>, vector<1x16xf32>,
      %swap3A_844 = vector.shape_cast %swap3A_843 : vector<1x16xf32> to vector<16xf32>
      %swap3A_845 = vector.shape_cast %select_n3A : vector<16xf32> to vector<1x16xf32>
      tpu.vector_store %arg8[%swap3A_841, %swap3A_842], %swap3A_845 {strides = array<i32>} : memref<4x4096xf32, #tpu.memory_space<vmem>>, vector<1x16xf32>,
      %get3A_846 = arith.constant 1 : i32
      %get3A_847 = arith.index_cast %get3A_846 : i32 to index
      %get3A_848 = arith.index_cast %mul3A_834 : i32 to index
      %get3A_849 = tpu.vector_load %arg5[%get3A_847, %get3A_848] {strides = array<i32>} : memref<4x4096xf32, #tpu.memory_space<vmem>>, vector<1x16xf32>,
      %get3A_850 = vector.shape_cast %get3A_849 : vector<1x16xf32> to vector<16xf32>
      %gt3A_851 = arith.constant 5.000000e-01 : f32
      %gt3A_852 = vector.broadcast %gt3A_851 : f32 to vector<16xf32>
      %gt3A_853 = arith.cmpf ogt, %get3A_850, %gt3A_852 : vector<16xf32>
      %jit3A_854 = arith.constant 0.000000e+00 : f32
      %broadcast_in_dim3A_855 = vector.broadcast %jit3A_854 : f32 to vector<16xf32>
      %select_n3A_856 = arith.select %gt3A_853, %get3A_850, %broadcast_in_dim3A_855 : vector<16xi1>, vector<16xf32>
      %swap3A_857 = arith.constant 1 : i32
      %swap3A_858 = arith.index_cast %swap3A_857 : i32 to index
      %swap3A_859 = arith.index_cast %mul3A_834 : i32 to index
      %swap3A_860 = tpu.vector_load %arg8[%swap3A_858, %swap3A_859] {strides = array<i32>} : memref<4x4096xf32, #tpu.memory_space<vmem>>, vector<1x16xf32>,
      %swap3A_861 = vector.shape_cast %swap3A_860 : vector<1x16xf32> to vector<16xf32>
      %swap3A_862 = vector.shape_cast %select_n3A_856 : vector<16xf32> to vector<1x16xf32>
      tpu.vector_store %arg8[%swap3A_858, %swap3A_859], %swap3A_862 {strides = array<i32>} : memref<4x4096xf32, #tpu.memory_space<vmem>>, vector<1x16xf32>,
      %get3A_863 = arith.constant 2 : i32
      %get3A_864 = arith.index_cast %get3A_863 : i32 to index
      %get3A_865 = arith.index_cast %mul3A_834 : i32 to index
      %get3A_866 = tpu.vector_load %arg5[%get3A_864, %get3A_865] {strides = array<i32>} : memref<4x4096xf32, #tpu.memory_space<vmem>>, vector<1x16xf32>,
      %get3A_867 = vector.shape_cast %get3A_866 : vector<1x16xf32> to vector<16xf32>
      %gt3A_868 = arith.constant 5.000000e-01 : f32
      %gt3A_869 = vector.broadcast %gt3A_868 : f32 to vector<16xf32>
      %gt3A_870 = arith.cmpf ogt, %get3A_867, %gt3A_869 : vector<16xf32>
      %jit3A_871 = arith.constant 0.000000e+00 : f32
      %broadcast_in_dim3A_872 = vector.broadcast %jit3A_871 : f32 to vector<16xf32>
      %select_n3A_873 = arith.select %gt3A_870, %get3A_867, %broadcast_in_dim3A_872 : vector<16xi1>, vector<16xf32>
      %swap3A_874 = arith.constant 2 : i32
      %swap3A_875 = arith.index_cast %swap3A_874 : i32 to index
      %swap3A_876 = arith.index_cast %mul3A_834 : i32 to index
      %swap3A_877 = tpu.vector_load %arg8[%swap3A_875, %swap3A_876] {strides = array<i32>} : memref<4x4096xf32, #tpu.memory_space<vmem>>, vector<1x16xf32>,
      %swap3A_878 = vector.shape_cast %swap3A_877 : vector<1x16xf32> to vector<16xf32>
      %swap3A_879 = vector.shape_cast %select_n3A_873 : vector<16xf32> to vector<1x16xf32>
      tpu.vector_store %arg8[%swap3A_875, %swap3A_876], %swap3A_879 {strides = array<i32>} : memref<4x4096xf32, #tpu.memory_space<vmem>>, vector<1x16xf32>,
      %get3A_880 = arith.constant 3 : i32
      %get3A_881 = arith.index_cast %get3A_880 : i32 to index
      %get3A_882 = arith.index_cast %mul3A_834 : i32 to index
      %get3A_883 = tpu.vector_load %arg5[%get3A_881, %get3A_882] {strides = array<i32>} : memref<4x4096xf32, #tpu.memory_space<vmem>>, vector<1x16xf32>,
      %get3A_884 = vector.shape_cast %get3A_883 : vector<1x16xf32> to vector<16xf32>
      %gt3A_885 = arith.constant 5.000000e-01 : f32
      %gt3A_886 = vector.broadcast %gt3A_885 : f32 to vector<16xf32>
      %gt3A_887 = arith.cmpf ogt, %get3A_884, %gt3A_886 : vector<16xf32>
      %jit3A_888 = arith.constant 0.000000e+00 : f32
      %broadcast_in_dim3A_889 = vector.broadcast %jit3A_888 : f32 to vector<16xf32>
      %select_n3A_890 = arith.select %gt3A_887, %get3A_884, %broadcast_in_dim3A_889 : vector<16xi1>, vector<16xf32>
      %swap3A_891 = arith.constant 3 : i32
      %swap3A_892 = arith.index_cast %swap3A_891 : i32 to index
      %swap3A_893 = arith.index_cast %mul3A_834 : i32 to index
      %swap3A_894 = tpu.vector_load %arg8[%swap3A_892, %swap3A_893] {strides = array<i32>} : memref<4x4096xf32, #tpu.memory_space<vmem>>, vector<1x16xf32>,
      %swap3A_895 = vector.shape_cast %swap3A_894 : vector<1x16xf32> to vector<16xf32>
      %swap3A_896 = vector.shape_cast %select_n3A_890 : vector<16xf32> to vector<1x16xf32>
      tpu.vector_store %arg8[%swap3A_892, %swap3A_893], %swap3A_896 {strides = array<i32>} : memref<4x4096xf32, #tpu.memory_space<vmem>>, vector<1x16xf32>,
    }
    %scan3A_279 = arith.constant 256 : i32
    %add3A_280 = arith.constant 40 : i32
    %add3A_281 = arith.addi %mul3A_2, %add3A_280 : i32
    %dma_start3A_282 = arith.constant 0 : i32
    %dma_start3A_283 = tpu.memref_slice %arg3[%add3A_281, %dma_start3A_282] : memref<4096x4096xf32, #tpu.memory_space<hbm>> -> memref<4x4096xf32, #tpu.memory_space<hbm>>
    %dma_start3A_284 = arith.constant 0 : i32
    %dma_start3A_285 = tpu.memref_slice %arg3[%add3A_281, %dma_start3A_284] : memref<4096x4096xf32, #tpu.memory_space<hbm>> -> memref<4x4096xf32, #tpu.memory_space<hbm>>
    tpu.enqueue_dma source(%arg8 : memref<4x4096xf32, #tpu.memory_space<vmem>>) target(%dma_start3A_285 : memref<4x4096xf32, #tpu.memory_space<hbm>>) target_semaphore(%arg14 : memref<!tpu.dma_semaphore, #tpu.memory_space<semaphore_mem>>)
    %add3A_286 = arith.constant 52 : i32
    %add3A_287 = arith.addi %mul3A_2, %add3A_286 : i32
    %dma_start3A_288 = arith.constant 0 : i32
    %dma_start3A_289 = tpu.memref_slice %arg2[%add3A_287, %dma_start3A_288] : memref<4096x4096xf32, #tpu.memory_space<hbm>> -> memref<4x4096xf32, #tpu.memory_space<hbm>>
    %dma_start3A_290 = arith.constant 0 : i32
    %dma_start3A_291 = tpu.memref_slice %arg2[%add3A_287, %dma_start3A_290] : memref<4096x4096xf32, #tpu.memory_space<hbm>> -> memref<4x4096xf32, #tpu.memory_space<hbm>>
    tpu.enqueue_dma source(%dma_start3A_291 : memref<4x4096xf32, #tpu.memory_space<hbm>>) target(%arg5 : memref<4x4096xf32, #tpu.memory_space<vmem>>) target_semaphore(%arg11 : memref<!tpu.dma_semaphore, #tpu.memory_space<semaphore_mem>>)
    %dma_wait3A_292 = arith.constant 0 : i32
    %dma_wait3A_293 = tpu.memref_slice %arg2[%add3A_235, %dma_wait3A_292] : memref<4096x4096xf32, #tpu.memory_space<hbm>> -> memref<4x4096xf32, #tpu.memory_space<hbm>>
    %dma_wait3A_294 = arith.constant 0 : i32
    %dma_wait3A_295 = tpu.memref_slice %arg2[%add3A_235, %dma_wait3A_294] : memref<4096x4096xf32, #tpu.memory_space<hbm>> -> memref<4x4096xf32, #tpu.memory_space<hbm>>
    tpu.wait_dma2 semaphore(%arg12 : memref<!tpu.dma_semaphore, #tpu.memory_space<semaphore_mem>>) src(%dma_wait3A_295 : memref<4x4096xf32, #tpu.memory_space<hbm>>) dst(%arg6 : memref<4x4096xf32, #tpu.memory_space<vmem>>)
    %dma_wait3A_296 = arith.constant 0 : i32
    %dma_wait3A_297 = tpu.memref_slice %arg3[%add3A_229, %dma_wait3A_296] : memref<4096x4096xf32, #tpu.memory_space<hbm>> -> memref<4x4096xf32, #tpu.memory_space<hbm>>
    %dma_wait3A_298 = arith.constant 0 : i32
    %dma_wait3A_299 = tpu.memref_slice %arg3[%add3A_229, %dma_wait3A_298] : memref<4096x4096xf32, #tpu.memory_space<hbm>> -> memref<4x4096xf32, #tpu.memory_space<hbm>>
    tpu.wait_dma2 semaphore(%arg15 : memref<!tpu.dma_semaphore, #tpu.memory_space<semaphore_mem>>) src(%arg9 : memref<4x4096xf32, #tpu.memory_space<vmem>>) dst(%dma_wait3A_299 : memref<4x4096xf32, #tpu.memory_space<hbm>>)
    %scan3A_300 = arith.constant 0 : i32
    %scan3A_301 = arith.constant 0 : i32
    %scan3A_302 = arith.constant 256 : i32
    %scan3A_303 = arith.addi %scan3A_301, %scan3A_302 : i32
    %scan3A_304 = arith.constant 1 : i32
    scf.for %scan3A_832 = %scan3A_301 to %scan3A_303 step %scan3A_304  : i32 {
      %mul3A_833 = arith.constant 16 : i32
      %mul3A_834 = arith.muli %scan3A_832, %mul3A_833 : i32
      %get3A = arith.constant 0 : i32
      %get3A_835 = arith.index_cast %get3A : i32 to index
      %get3A_836 = arith.index_cast %mul3A_834 : i32 to index
      %get3A_837 = tpu.vector_load %arg6[%get3A_835, %get3A_836] {strides = array<i32>} : memref<4x4096xf32, #tpu.memory_space<vmem>>, vector<1x16xf32>,
      %get3A_838 = vector.shape_cast %get3A_837 : vector<1x16xf32> to vector<16xf32>
      %gt3A = arith.constant 5.000000e-01 : f32
      %gt3A_839 = vector.broadcast %gt3A : f32 to vector<16xf32>
      %gt3A_840 = arith.cmpf ogt, %get3A_838, %gt3A_839 : vector<16xf32>
      %jit3A = arith.constant 0.000000e+00 : f32
      %broadcast_in_dim3A = vector.broadcast %jit3A : f32 to vector<16xf32>
      %select_n3A = arith.select %gt3A_840, %get3A_838, %broadcast_in_dim3A : vector<16xi1>, vector<16xf32>
      %swap3A = arith.constant 0 : i32
      %swap3A_841 = arith.index_cast %swap3A : i32 to index
      %swap3A_842 = arith.index_cast %mul3A_834 : i32 to index
      %swap3A_843 = tpu.vector_load %arg9[%swap3A_841, %swap3A_842] {strides = array<i32>} : memref<4x4096xf32, #tpu.memory_space<vmem>>, vector<1x16xf32>,
      %swap3A_844 = vector.shape_cast %swap3A_843 : vector<1x16xf32> to vector<16xf32>
      %swap3A_845 = vector.shape_cast %select_n3A : vector<16xf32> to vector<1x16xf32>
      tpu.vector_store %arg9[%swap3A_841, %swap3A_842], %swap3A_845 {strides = array<i32>} : memref<4x4096xf32, #tpu.memory_space<vmem>>, vector<1x16xf32>,
      %get3A_846 = arith.constant 1 : i32
      %get3A_847 = arith.index_cast %get3A_846 : i32 to index
      %get3A_848 = arith.index_cast %mul3A_834 : i32 to index
      %get3A_849 = tpu.vector_load %arg6[%get3A_847, %get3A_848] {strides = array<i32>} : memref<4x4096xf32, #tpu.memory_space<vmem>>, vector<1x16xf32>,
      %get3A_850 = vector.shape_cast %get3A_849 : vector<1x16xf32> to vector<16xf32>
      %gt3A_851 = arith.constant 5.000000e-01 : f32
      %gt3A_852 = vector.broadcast %gt3A_851 : f32 to vector<16xf32>
      %gt3A_853 = arith.cmpf ogt, %get3A_850, %gt3A_852 : vector<16xf32>
      %jit3A_854 = arith.constant 0.000000e+00 : f32
      %broadcast_in_dim3A_855 = vector.broadcast %jit3A_854 : f32 to vector<16xf32>
      %select_n3A_856 = arith.select %gt3A_853, %get3A_850, %broadcast_in_dim3A_855 : vector<16xi1>, vector<16xf32>
      %swap3A_857 = arith.constant 1 : i32
      %swap3A_858 = arith.index_cast %swap3A_857 : i32 to index
      %swap3A_859 = arith.index_cast %mul3A_834 : i32 to index
      %swap3A_860 = tpu.vector_load %arg9[%swap3A_858, %swap3A_859] {strides = array<i32>} : memref<4x4096xf32, #tpu.memory_space<vmem>>, vector<1x16xf32>,
      %swap3A_861 = vector.shape_cast %swap3A_860 : vector<1x16xf32> to vector<16xf32>
      %swap3A_862 = vector.shape_cast %select_n3A_856 : vector<16xf32> to vector<1x16xf32>
      tpu.vector_store %arg9[%swap3A_858, %swap3A_859], %swap3A_862 {strides = array<i32>} : memref<4x4096xf32, #tpu.memory_space<vmem>>, vector<1x16xf32>,
      %get3A_863 = arith.constant 2 : i32
      %get3A_864 = arith.index_cast %get3A_863 : i32 to index
      %get3A_865 = arith.index_cast %mul3A_834 : i32 to index
      %get3A_866 = tpu.vector_load %arg6[%get3A_864, %get3A_865] {strides = array<i32>} : memref<4x4096xf32, #tpu.memory_space<vmem>>, vector<1x16xf32>,
      %get3A_867 = vector.shape_cast %get3A_866 : vector<1x16xf32> to vector<16xf32>
      %gt3A_868 = arith.constant 5.000000e-01 : f32
      %gt3A_869 = vector.broadcast %gt3A_868 : f32 to vector<16xf32>
      %gt3A_870 = arith.cmpf ogt, %get3A_867, %gt3A_869 : vector<16xf32>
      %jit3A_871 = arith.constant 0.000000e+00 : f32
      %broadcast_in_dim3A_872 = vector.broadcast %jit3A_871 : f32 to vector<16xf32>
      %select_n3A_873 = arith.select %gt3A_870, %get3A_867, %broadcast_in_dim3A_872 : vector<16xi1>, vector<16xf32>
      %swap3A_874 = arith.constant 2 : i32
      %swap3A_875 = arith.index_cast %swap3A_874 : i32 to index
      %swap3A_876 = arith.index_cast %mul3A_834 : i32 to index
      %swap3A_877 = tpu.vector_load %arg9[%swap3A_875, %swap3A_876] {strides = array<i32>} : memref<4x4096xf32, #tpu.memory_space<vmem>>, vector<1x16xf32>,
      %swap3A_878 = vector.shape_cast %swap3A_877 : vector<1x16xf32> to vector<16xf32>
      %swap3A_879 = vector.shape_cast %select_n3A_873 : vector<16xf32> to vector<1x16xf32>
      tpu.vector_store %arg9[%swap3A_875, %swap3A_876], %swap3A_879 {strides = array<i32>} : memref<4x4096xf32, #tpu.memory_space<vmem>>, vector<1x16xf32>,
      %get3A_880 = arith.constant 3 : i32
      %get3A_881 = arith.index_cast %get3A_880 : i32 to index
      %get3A_882 = arith.index_cast %mul3A_834 : i32 to index
      %get3A_883 = tpu.vector_load %arg6[%get3A_881, %get3A_882] {strides = array<i32>} : memref<4x4096xf32, #tpu.memory_space<vmem>>, vector<1x16xf32>,
      %get3A_884 = vector.shape_cast %get3A_883 : vector<1x16xf32> to vector<16xf32>
      %gt3A_885 = arith.constant 5.000000e-01 : f32
      %gt3A_886 = vector.broadcast %gt3A_885 : f32 to vector<16xf32>
      %gt3A_887 = arith.cmpf ogt, %get3A_884, %gt3A_886 : vector<16xf32>
      %jit3A_888 = arith.constant 0.000000e+00 : f32
      %broadcast_in_dim3A_889 = vector.broadcast %jit3A_888 : f32 to vector<16xf32>
      %select_n3A_890 = arith.select %gt3A_887, %get3A_884, %broadcast_in_dim3A_889 : vector<16xi1>, vector<16xf32>
      %swap3A_891 = arith.constant 3 : i32
      %swap3A_892 = arith.index_cast %swap3A_891 : i32 to index
      %swap3A_893 = arith.index_cast %mul3A_834 : i32 to index
      %swap3A_894 = tpu.vector_load %arg9[%swap3A_892, %swap3A_893] {strides = array<i32>} : memref<4x4096xf32, #tpu.memory_space<vmem>>, vector<1x16xf32>,
      %swap3A_895 = vector.shape_cast %swap3A_894 : vector<1x16xf32> to vector<16xf32>
      %swap3A_896 = vector.shape_cast %select_n3A_890 : vector<16xf32> to vector<1x16xf32>
      tpu.vector_store %arg9[%swap3A_892, %swap3A_893], %swap3A_896 {strides = array<i32>} : memref<4x4096xf32, #tpu.memory_space<vmem>>, vector<1x16xf32>,
    }
    %scan3A_305 = arith.constant 256 : i32
    %add3A_306 = arith.constant 44 : i32
    %add3A_307 = arith.addi %mul3A_2, %add3A_306 : i32
    %dma_start3A_308 = arith.constant 0 : i32
    %dma_start3A_309 = tpu.memref_slice %arg3[%add3A_307, %dma_start3A_308] : memref<4096x4096xf32, #tpu.memory_space<hbm>> -> memref<4x4096xf32, #tpu.memory_space<hbm>>
    %dma_start3A_310 = arith.constant 0 : i32
    %dma_start3A_311 = tpu.memref_slice %arg3[%add3A_307, %dma_start3A_310] : memref<4096x4096xf32, #tpu.memory_space<hbm>> -> memref<4x4096xf32, #tpu.memory_space<hbm>>
    tpu.enqueue_dma source(%arg9 : memref<4x4096xf32, #tpu.memory_space<vmem>>) target(%dma_start3A_311 : memref<4x4096xf32, #tpu.memory_space<hbm>>) target_semaphore(%arg15 : memref<!tpu.dma_semaphore, #tpu.memory_space<semaphore_mem>>)
    %add3A_312 = arith.constant 56 : i32
    %add3A_313 = arith.addi %mul3A_2, %add3A_312 : i32
    %dma_start3A_314 = arith.constant 0 : i32
    %dma_start3A_315 = tpu.memref_slice %arg2[%add3A_313, %dma_start3A_314] : memref<4096x4096xf32, #tpu.memory_space<hbm>> -> memref<4x4096xf32, #tpu.memory_space<hbm>>
    %dma_start3A_316 = arith.constant 0 : i32
    %dma_start3A_317 = tpu.memref_slice %arg2[%add3A_313, %dma_start3A_316] : memref<4096x4096xf32, #tpu.memory_space<hbm>> -> memref<4x4096xf32, #tpu.memory_space<hbm>>
    tpu.enqueue_dma source(%dma_start3A_317 : memref<4x4096xf32, #tpu.memory_space<hbm>>) target(%arg6 : memref<4x4096xf32, #tpu.memory_space<vmem>>) target_semaphore(%arg12 : memref<!tpu.dma_semaphore, #tpu.memory_space<semaphore_mem>>)
    %dma_wait3A_318 = arith.constant 0 : i32
    %dma_wait3A_319 = tpu.memref_slice %arg2[%add3A_261, %dma_wait3A_318] : memref<4096x4096xf32, #tpu.memory_space<hbm>> -> memref<4x4096xf32, #tpu.memory_space<hbm>>
    %dma_wait3A_320 = arith.constant 0 : i32
    %dma_wait3A_321 = tpu.memref_slice %arg2[%add3A_261, %dma_wait3A_320] : memref<4096x4096xf32, #tpu.memory_space<hbm>> -> memref<4x4096xf32, #tpu.memory_space<hbm>>
    tpu.wait_dma2 semaphore(%arg10 : memref<!tpu.dma_semaphore, #tpu.memory_space<semaphore_mem>>) src(%dma_wait3A_321 : memref<4x4096xf32, #tpu.memory_space<hbm>>) dst(%arg4 : memref<4x4096xf32, #tpu.memory_space<vmem>>)
    %dma_wait3A_322 = arith.constant 0 : i32
    %dma_wait3A_323 = tpu.memref_slice %arg3[%add3A_255, %dma_wait3A_322] : memref<4096x4096xf32, #tpu.memory_space<hbm>> -> memref<4x4096xf32, #tpu.memory_space<hbm>>
    %dma_wait3A_324 = arith.constant 0 : i32
    %dma_wait3A_325 = tpu.memref_slice %arg3[%add3A_255, %dma_wait3A_324] : memref<4096x4096xf32, #tpu.memory_space<hbm>> -> memref<4x4096xf32, #tpu.memory_space<hbm>>
    tpu.wait_dma2 semaphore(%arg13 : memref<!tpu.dma_semaphore, #tpu.memory_space<semaphore_mem>>) src(%arg7 : memref<4x4096xf32, #tpu.memory_space<vmem>>) dst(%dma_wait3A_325 : memref<4x4096xf32, #tpu.memory_space<hbm>>)
    %scan3A_326 = arith.constant 0 : i32
    %scan3A_327 = arith.constant 0 : i32
    %scan3A_328 = arith.constant 256 : i32
    %scan3A_329 = arith.addi %scan3A_327, %scan3A_328 : i32
    %scan3A_330 = arith.constant 1 : i32
    scf.for %scan3A_832 = %scan3A_327 to %scan3A_329 step %scan3A_330  : i32 {
      %mul3A_833 = arith.constant 16 : i32
      %mul3A_834 = arith.muli %scan3A_832, %mul3A_833 : i32
      %get3A = arith.constant 0 : i32
      %get3A_835 = arith.index_cast %get3A : i32 to index
      %get3A_836 = arith.index_cast %mul3A_834 : i32 to index
      %get3A_837 = tpu.vector_load %arg4[%get3A_835, %get3A_836] {strides = array<i32>} : memref<4x4096xf32, #tpu.memory_space<vmem>>, vector<1x16xf32>,
      %get3A_838 = vector.shape_cast %get3A_837 : vector<1x16xf32> to vector<16xf32>
      %gt3A = arith.constant 5.000000e-01 : f32
      %gt3A_839 = vector.broadcast %gt3A : f32 to vector<16xf32>
      %gt3A_840 = arith.cmpf ogt, %get3A_838, %gt3A_839 : vector<16xf32>
      %jit3A = arith.constant 0.000000e+00 : f32
      %broadcast_in_dim3A = vector.broadcast %jit3A : f32 to vector<16xf32>
      %select_n3A = arith.select %gt3A_840, %get3A_838, %broadcast_in_dim3A : vector<16xi1>, vector<16xf32>
      %swap3A = arith.constant 0 : i32
      %swap3A_841 = arith.index_cast %swap3A : i32 to index
      %swap3A_842 = arith.index_cast %mul3A_834 : i32 to index
      %swap3A_843 = tpu.vector_load %arg7[%swap3A_841, %swap3A_842] {strides = array<i32>} : memref<4x4096xf32, #tpu.memory_space<vmem>>, vector<1x16xf32>,
      %swap3A_844 = vector.shape_cast %swap3A_843 : vector<1x16xf32> to vector<16xf32>
      %swap3A_845 = vector.shape_cast %select_n3A : vector<16xf32> to vector<1x16xf32>
      tpu.vector_store %arg7[%swap3A_841, %swap3A_842], %swap3A_845 {strides = array<i32>} : memref<4x4096xf32, #tpu.memory_space<vmem>>, vector<1x16xf32>,
      %get3A_846 = arith.constant 1 : i32
      %get3A_847 = arith.index_cast %get3A_846 : i32 to index
      %get3A_848 = arith.index_cast %mul3A_834 : i32 to index
      %get3A_849 = tpu.vector_load %arg4[%get3A_847, %get3A_848] {strides = array<i32>} : memref<4x4096xf32, #tpu.memory_space<vmem>>, vector<1x16xf32>,
      %get3A_850 = vector.shape_cast %get3A_849 : vector<1x16xf32> to vector<16xf32>
      %gt3A_851 = arith.constant 5.000000e-01 : f32
      %gt3A_852 = vector.broadcast %gt3A_851 : f32 to vector<16xf32>
      %gt3A_853 = arith.cmpf ogt, %get3A_850, %gt3A_852 : vector<16xf32>
      %jit3A_854 = arith.constant 0.000000e+00 : f32
      %broadcast_in_dim3A_855 = vector.broadcast %jit3A_854 : f32 to vector<16xf32>
      %select_n3A_856 = arith.select %gt3A_853, %get3A_850, %broadcast_in_dim3A_855 : vector<16xi1>, vector<16xf32>
      %swap3A_857 = arith.constant 1 : i32
      %swap3A_858 = arith.index_cast %swap3A_857 : i32 to index
      %swap3A_859 = arith.index_cast %mul3A_834 : i32 to index
      %swap3A_860 = tpu.vector_load %arg7[%swap3A_858, %swap3A_859] {strides = array<i32>} : memref<4x4096xf32, #tpu.memory_space<vmem>>, vector<1x16xf32>,
      %swap3A_861 = vector.shape_cast %swap3A_860 : vector<1x16xf32> to vector<16xf32>
      %swap3A_862 = vector.shape_cast %select_n3A_856 : vector<16xf32> to vector<1x16xf32>
      tpu.vector_store %arg7[%swap3A_858, %swap3A_859], %swap3A_862 {strides = array<i32>} : memref<4x4096xf32, #tpu.memory_space<vmem>>, vector<1x16xf32>,
      %get3A_863 = arith.constant 2 : i32
      %get3A_864 = arith.index_cast %get3A_863 : i32 to index
      %get3A_865 = arith.index_cast %mul3A_834 : i32 to index
      %get3A_866 = tpu.vector_load %arg4[%get3A_864, %get3A_865] {strides = array<i32>} : memref<4x4096xf32, #tpu.memory_space<vmem>>, vector<1x16xf32>,
      %get3A_867 = vector.shape_cast %get3A_866 : vector<1x16xf32> to vector<16xf32>
      %gt3A_868 = arith.constant 5.000000e-01 : f32
      %gt3A_869 = vector.broadcast %gt3A_868 : f32 to vector<16xf32>
      %gt3A_870 = arith.cmpf ogt, %get3A_867, %gt3A_869 : vector<16xf32>
      %jit3A_871 = arith.constant 0.000000e+00 : f32
      %broadcast_in_dim3A_872 = vector.broadcast %jit3A_871 : f32 to vector<16xf32>
      %select_n3A_873 = arith.select %gt3A_870, %get3A_867, %broadcast_in_dim3A_872 : vector<16xi1>, vector<16xf32>
      %swap3A_874 = arith.constant 2 : i32
      %swap3A_875 = arith.index_cast %swap3A_874 : i32 to index
      %swap3A_876 = arith.index_cast %mul3A_834 : i32 to index
      %swap3A_877 = tpu.vector_load %arg7[%swap3A_875, %swap3A_876] {strides = array<i32>} : memref<4x4096xf32, #tpu.memory_space<vmem>>, vector<1x16xf32>,
      %swap3A_878 = vector.shape_cast %swap3A_877 : vector<1x16xf32> to vector<16xf32>
      %swap3A_879 = vector.shape_cast %select_n3A_873 : vector<16xf32> to vector<1x16xf32>
      tpu.vector_store %arg7[%swap3A_875, %swap3A_876], %swap3A_879 {strides = array<i32>} : memref<4x4096xf32, #tpu.memory_space<vmem>>, vector<1x16xf32>,
      %get3A_880 = arith.constant 3 : i32
      %get3A_881 = arith.index_cast %get3A_880 : i32 to index
      %get3A_882 = arith.index_cast %mul3A_834 : i32 to index
      %get3A_883 = tpu.vector_load %arg4[%get3A_881, %get3A_882] {strides = array<i32>} : memref<4x4096xf32, #tpu.memory_space<vmem>>, vector<1x16xf32>,
      %get3A_884 = vector.shape_cast %get3A_883 : vector<1x16xf32> to vector<16xf32>
      %gt3A_885 = arith.constant 5.000000e-01 : f32
      %gt3A_886 = vector.broadcast %gt3A_885 : f32 to vector<16xf32>
      %gt3A_887 = arith.cmpf ogt, %get3A_884, %gt3A_886 : vector<16xf32>
      %jit3A_888 = arith.constant 0.000000e+00 : f32
      %broadcast_in_dim3A_889 = vector.broadcast %jit3A_888 : f32 to vector<16xf32>
      %select_n3A_890 = arith.select %gt3A_887, %get3A_884, %broadcast_in_dim3A_889 : vector<16xi1>, vector<16xf32>
      %swap3A_891 = arith.constant 3 : i32
      %swap3A_892 = arith.index_cast %swap3A_891 : i32 to index
      %swap3A_893 = arith.index_cast %mul3A_834 : i32 to index
      %swap3A_894 = tpu.vector_load %arg7[%swap3A_892, %swap3A_893] {strides = array<i32>} : memref<4x4096xf32, #tpu.memory_space<vmem>>, vector<1x16xf32>,
      %swap3A_895 = vector.shape_cast %swap3A_894 : vector<1x16xf32> to vector<16xf32>
      %swap3A_896 = vector.shape_cast %select_n3A_890 : vector<16xf32> to vector<1x16xf32>
      tpu.vector_store %arg7[%swap3A_892, %swap3A_893], %swap3A_896 {strides = array<i32>} : memref<4x4096xf32, #tpu.memory_space<vmem>>, vector<1x16xf32>,
    }
    %scan3A_331 = arith.constant 256 : i32
    %add3A_332 = arith.constant 48 : i32
    %add3A_333 = arith.addi %mul3A_2, %add3A_332 : i32
    %dma_start3A_334 = arith.constant 0 : i32
    %dma_start3A_335 = tpu.memref_slice %arg3[%add3A_333, %dma_start3A_334] : memref<4096x4096xf32, #tpu.memory_space<hbm>> -> memref<4x4096xf32, #tpu.memory_space<hbm>>
    %dma_start3A_336 = arith.constant 0 : i32
    %dma_start3A_337 = tpu.memref_slice %arg3[%add3A_333, %dma_start3A_336] : memref<4096x4096xf32, #tpu.memory_space<hbm>> -> memref<4x4096xf32, #tpu.memory_space<hbm>>
    tpu.enqueue_dma source(%arg7 : memref<4x4096xf32, #tpu.memory_space<vmem>>) target(%dma_start3A_337 : memref<4x4096xf32, #tpu.memory_space<hbm>>) target_semaphore(%arg13 : memref<!tpu.dma_semaphore, #tpu.memory_space<semaphore_mem>>)
    %add3A_338 = arith.constant 60 : i32
    %add3A_339 = arith.addi %mul3A_2, %add3A_338 : i32
    %dma_start3A_340 = arith.constant 0 : i32
    %dma_start3A_341 = tpu.memref_slice %arg2[%add3A_339, %dma_start3A_340] : memref<4096x4096xf32, #tpu.memory_space<hbm>> -> memref<4x4096xf32, #tpu.memory_space<hbm>>
    %dma_start3A_342 = arith.constant 0 : i32
    %dma_start3A_343 = tpu.memref_slice %arg2[%add3A_339, %dma_start3A_342] : memref<4096x4096xf32, #tpu.memory_space<hbm>> -> memref<4x4096xf32, #tpu.memory_space<hbm>>
    tpu.enqueue_dma source(%dma_start3A_343 : memref<4x4096xf32, #tpu.memory_space<hbm>>) target(%arg4 : memref<4x4096xf32, #tpu.memory_space<vmem>>) target_semaphore(%arg10 : memref<!tpu.dma_semaphore, #tpu.memory_space<semaphore_mem>>)
    %dma_wait3A_344 = arith.constant 0 : i32
    %dma_wait3A_345 = tpu.memref_slice %arg2[%add3A_287, %dma_wait3A_344] : memref<4096x4096xf32, #tpu.memory_space<hbm>> -> memref<4x4096xf32, #tpu.memory_space<hbm>>
    %dma_wait3A_346 = arith.constant 0 : i32
    %dma_wait3A_347 = tpu.memref_slice %arg2[%add3A_287, %dma_wait3A_346] : memref<4096x4096xf32, #tpu.memory_space<hbm>> -> memref<4x4096xf32, #tpu.memory_space<hbm>>
    tpu.wait_dma2 semaphore(%arg11 : memref<!tpu.dma_semaphore, #tpu.memory_space<semaphore_mem>>) src(%dma_wait3A_347 : memref<4x4096xf32, #tpu.memory_space<hbm>>) dst(%arg5 : memref<4x4096xf32, #tpu.memory_space<vmem>>)
    %dma_wait3A_348 = arith.constant 0 : i32
    %dma_wait3A_349 = tpu.memref_slice %arg3[%add3A_281, %dma_wait3A_348] : memref<4096x4096xf32, #tpu.memory_space<hbm>> -> memref<4x4096xf32, #tpu.memory_space<hbm>>
    %dma_wait3A_350 = arith.constant 0 : i32
    %dma_wait3A_351 = tpu.memref_slice %arg3[%add3A_281, %dma_wait3A_350] : memref<4096x4096xf32, #tpu.memory_space<hbm>> -> memref<4x4096xf32, #tpu.memory_space<hbm>>
    tpu.wait_dma2 semaphore(%arg14 : memref<!tpu.dma_semaphore, #tpu.memory_space<semaphore_mem>>) src(%arg8 : memref<4x4096xf32, #tpu.memory_space<vmem>>) dst(%dma_wait3A_351 : memref<4x4096xf32, #tpu.memory_space<hbm>>)
    %scan3A_352 = arith.constant 0 : i32
    %scan3A_353 = arith.constant 0 : i32
    %scan3A_354 = arith.constant 256 : i32
    %scan3A_355 = arith.addi %scan3A_353, %scan3A_354 : i32
    %scan3A_356 = arith.constant 1 : i32
    scf.for %scan3A_832 = %scan3A_353 to %scan3A_355 step %scan3A_356  : i32 {
      %mul3A_833 = arith.constant 16 : i32
      %mul3A_834 = arith.muli %scan3A_832, %mul3A_833 : i32
      %get3A = arith.constant 0 : i32
      %get3A_835 = arith.index_cast %get3A : i32 to index
      %get3A_836 = arith.index_cast %mul3A_834 : i32 to index
      %get3A_837 = tpu.vector_load %arg5[%get3A_835, %get3A_836] {strides = array<i32>} : memref<4x4096xf32, #tpu.memory_space<vmem>>, vector<1x16xf32>,
      %get3A_838 = vector.shape_cast %get3A_837 : vector<1x16xf32> to vector<16xf32>
      %gt3A = arith.constant 5.000000e-01 : f32
      %gt3A_839 = vector.broadcast %gt3A : f32 to vector<16xf32>
      %gt3A_840 = arith.cmpf ogt, %get3A_838, %gt3A_839 : vector<16xf32>
      %jit3A = arith.constant 0.000000e+00 : f32
      %broadcast_in_dim3A = vector.broadcast %jit3A : f32 to vector<16xf32>
      %select_n3A = arith.select %gt3A_840, %get3A_838, %broadcast_in_dim3A : vector<16xi1>, vector<16xf32>
      %swap3A = arith.constant 0 : i32
      %swap3A_841 = arith.index_cast %swap3A : i32 to index
      %swap3A_842 = arith.index_cast %mul3A_834 : i32 to index
      %swap3A_843 = tpu.vector_load %arg8[%swap3A_841, %swap3A_842] {strides = array<i32>} : memref<4x4096xf32, #tpu.memory_space<vmem>>, vector<1x16xf32>,
      %swap3A_844 = vector.shape_cast %swap3A_843 : vector<1x16xf32> to vector<16xf32>
      %swap3A_845 = vector.shape_cast %select_n3A : vector<16xf32> to vector<1x16xf32>
      tpu.vector_store %arg8[%swap3A_841, %swap3A_842], %swap3A_845 {strides = array<i32>} : memref<4x4096xf32, #tpu.memory_space<vmem>>, vector<1x16xf32>,
      %get3A_846 = arith.constant 1 : i32
      %get3A_847 = arith.index_cast %get3A_846 : i32 to index
      %get3A_848 = arith.index_cast %mul3A_834 : i32 to index
      %get3A_849 = tpu.vector_load %arg5[%get3A_847, %get3A_848] {strides = array<i32>} : memref<4x4096xf32, #tpu.memory_space<vmem>>, vector<1x16xf32>,
      %get3A_850 = vector.shape_cast %get3A_849 : vector<1x16xf32> to vector<16xf32>
      %gt3A_851 = arith.constant 5.000000e-01 : f32
      %gt3A_852 = vector.broadcast %gt3A_851 : f32 to vector<16xf32>
      %gt3A_853 = arith.cmpf ogt, %get3A_850, %gt3A_852 : vector<16xf32>
      %jit3A_854 = arith.constant 0.000000e+00 : f32
      %broadcast_in_dim3A_855 = vector.broadcast %jit3A_854 : f32 to vector<16xf32>
      %select_n3A_856 = arith.select %gt3A_853, %get3A_850, %broadcast_in_dim3A_855 : vector<16xi1>, vector<16xf32>
      %swap3A_857 = arith.constant 1 : i32
      %swap3A_858 = arith.index_cast %swap3A_857 : i32 to index
      %swap3A_859 = arith.index_cast %mul3A_834 : i32 to index
      %swap3A_860 = tpu.vector_load %arg8[%swap3A_858, %swap3A_859] {strides = array<i32>} : memref<4x4096xf32, #tpu.memory_space<vmem>>, vector<1x16xf32>,
      %swap3A_861 = vector.shape_cast %swap3A_860 : vector<1x16xf32> to vector<16xf32>
      %swap3A_862 = vector.shape_cast %select_n3A_856 : vector<16xf32> to vector<1x16xf32>
      tpu.vector_store %arg8[%swap3A_858, %swap3A_859], %swap3A_862 {strides = array<i32>} : memref<4x4096xf32, #tpu.memory_space<vmem>>, vector<1x16xf32>,
      %get3A_863 = arith.constant 2 : i32
      %get3A_864 = arith.index_cast %get3A_863 : i32 to index
      %get3A_865 = arith.index_cast %mul3A_834 : i32 to index
      %get3A_866 = tpu.vector_load %arg5[%get3A_864, %get3A_865] {strides = array<i32>} : memref<4x4096xf32, #tpu.memory_space<vmem>>, vector<1x16xf32>,
      %get3A_867 = vector.shape_cast %get3A_866 : vector<1x16xf32> to vector<16xf32>
      %gt3A_868 = arith.constant 5.000000e-01 : f32
      %gt3A_869 = vector.broadcast %gt3A_868 : f32 to vector<16xf32>
      %gt3A_870 = arith.cmpf ogt, %get3A_867, %gt3A_869 : vector<16xf32>
      %jit3A_871 = arith.constant 0.000000e+00 : f32
      %broadcast_in_dim3A_872 = vector.broadcast %jit3A_871 : f32 to vector<16xf32>
      %select_n3A_873 = arith.select %gt3A_870, %get3A_867, %broadcast_in_dim3A_872 : vector<16xi1>, vector<16xf32>
      %swap3A_874 = arith.constant 2 : i32
      %swap3A_875 = arith.index_cast %swap3A_874 : i32 to index
      %swap3A_876 = arith.index_cast %mul3A_834 : i32 to index
      %swap3A_877 = tpu.vector_load %arg8[%swap3A_875, %swap3A_876] {strides = array<i32>} : memref<4x4096xf32, #tpu.memory_space<vmem>>, vector<1x16xf32>,
      %swap3A_878 = vector.shape_cast %swap3A_877 : vector<1x16xf32> to vector<16xf32>
      %swap3A_879 = vector.shape_cast %select_n3A_873 : vector<16xf32> to vector<1x16xf32>
      tpu.vector_store %arg8[%swap3A_875, %swap3A_876], %swap3A_879 {strides = array<i32>} : memref<4x4096xf32, #tpu.memory_space<vmem>>, vector<1x16xf32>,
      %get3A_880 = arith.constant 3 : i32
      %get3A_881 = arith.index_cast %get3A_880 : i32 to index
      %get3A_882 = arith.index_cast %mul3A_834 : i32 to index
      %get3A_883 = tpu.vector_load %arg5[%get3A_881, %get3A_882] {strides = array<i32>} : memref<4x4096xf32, #tpu.memory_space<vmem>>, vector<1x16xf32>,
      %get3A_884 = vector.shape_cast %get3A_883 : vector<1x16xf32> to vector<16xf32>
      %gt3A_885 = arith.constant 5.000000e-01 : f32
      %gt3A_886 = vector.broadcast %gt3A_885 : f32 to vector<16xf32>
      %gt3A_887 = arith.cmpf ogt, %get3A_884, %gt3A_886 : vector<16xf32>
      %jit3A_888 = arith.constant 0.000000e+00 : f32
      %broadcast_in_dim3A_889 = vector.broadcast %jit3A_888 : f32 to vector<16xf32>
      %select_n3A_890 = arith.select %gt3A_887, %get3A_884, %broadcast_in_dim3A_889 : vector<16xi1>, vector<16xf32>
      %swap3A_891 = arith.constant 3 : i32
      %swap3A_892 = arith.index_cast %swap3A_891 : i32 to index
      %swap3A_893 = arith.index_cast %mul3A_834 : i32 to index
      %swap3A_894 = tpu.vector_load %arg8[%swap3A_892, %swap3A_893] {strides = array<i32>} : memref<4x4096xf32, #tpu.memory_space<vmem>>, vector<1x16xf32>,
      %swap3A_895 = vector.shape_cast %swap3A_894 : vector<1x16xf32> to vector<16xf32>
      %swap3A_896 = vector.shape_cast %select_n3A_890 : vector<16xf32> to vector<1x16xf32>
      tpu.vector_store %arg8[%swap3A_892, %swap3A_893], %swap3A_896 {strides = array<i32>} : memref<4x4096xf32, #tpu.memory_space<vmem>>, vector<1x16xf32>,
    }
    %scan3A_357 = arith.constant 256 : i32
    %add3A_358 = arith.constant 52 : i32
    %add3A_359 = arith.addi %mul3A_2, %add3A_358 : i32
    %dma_start3A_360 = arith.constant 0 : i32
    %dma_start3A_361 = tpu.memref_slice %arg3[%add3A_359, %dma_start3A_360] : memref<4096x4096xf32, #tpu.memory_space<hbm>> -> memref<4x4096xf32, #tpu.memory_space<hbm>>
    %dma_start3A_362 = arith.constant 0 : i32
    %dma_start3A_363 = tpu.memref_slice %arg3[%add3A_359, %dma_start3A_362] : memref<4096x4096xf32, #tpu.memory_space<hbm>> -> memref<4x4096xf32, #tpu.memory_space<hbm>>
    tpu.enqueue_dma source(%arg8 : memref<4x4096xf32, #tpu.memory_space<vmem>>) target(%dma_start3A_363 : memref<4x4096xf32, #tpu.memory_space<hbm>>) target_semaphore(%arg14 : memref<!tpu.dma_semaphore, #tpu.memory_space<semaphore_mem>>)
    %add3A_364 = arith.constant 64 : i32
    %add3A_365 = arith.addi %mul3A_2, %add3A_364 : i32
    %dma_start3A_366 = arith.constant 0 : i32
    %dma_start3A_367 = tpu.memref_slice %arg2[%add3A_365, %dma_start3A_366] : memref<4096x4096xf32, #tpu.memory_space<hbm>> -> memref<4x4096xf32, #tpu.memory_space<hbm>>
    %dma_start3A_368 = arith.constant 0 : i32
    %dma_start3A_369 = tpu.memref_slice %arg2[%add3A_365, %dma_start3A_368] : memref<4096x4096xf32, #tpu.memory_space<hbm>> -> memref<4x4096xf32, #tpu.memory_space<hbm>>
    tpu.enqueue_dma source(%dma_start3A_369 : memref<4x4096xf32, #tpu.memory_space<hbm>>) target(%arg5 : memref<4x4096xf32, #tpu.memory_space<vmem>>) target_semaphore(%arg11 : memref<!tpu.dma_semaphore, #tpu.memory_space<semaphore_mem>>)
    %dma_wait3A_370 = arith.constant 0 : i32
    %dma_wait3A_371 = tpu.memref_slice %arg2[%add3A_313, %dma_wait3A_370] : memref<4096x4096xf32, #tpu.memory_space<hbm>> -> memref<4x4096xf32, #tpu.memory_space<hbm>>
    %dma_wait3A_372 = arith.constant 0 : i32
    %dma_wait3A_373 = tpu.memref_slice %arg2[%add3A_313, %dma_wait3A_372] : memref<4096x4096xf32, #tpu.memory_space<hbm>> -> memref<4x4096xf32, #tpu.memory_space<hbm>>
    tpu.wait_dma2 semaphore(%arg12 : memref<!tpu.dma_semaphore, #tpu.memory_space<semaphore_mem>>) src(%dma_wait3A_373 : memref<4x4096xf32, #tpu.memory_space<hbm>>) dst(%arg6 : memref<4x4096xf32, #tpu.memory_space<vmem>>)
    %dma_wait3A_374 = arith.constant 0 : i32
    %dma_wait3A_375 = tpu.memref_slice %arg3[%add3A_307, %dma_wait3A_374] : memref<4096x4096xf32, #tpu.memory_space<hbm>> -> memref<4x4096xf32, #tpu.memory_space<hbm>>
    %dma_wait3A_376 = arith.constant 0 : i32
    %dma_wait3A_377 = tpu.memref_slice %arg3[%add3A_307, %dma_wait3A_376] : memref<4096x4096xf32, #tpu.memory_space<hbm>> -> memref<4x4096xf32, #tpu.memory_space<hbm>>
    tpu.wait_dma2 semaphore(%arg15 : memref<!tpu.dma_semaphore, #tpu.memory_space<semaphore_mem>>) src(%arg9 : memref<4x4096xf32, #tpu.memory_space<vmem>>) dst(%dma_wait3A_377 : memref<4x4096xf32, #tpu.memory_space<hbm>>)
    %scan3A_378 = arith.constant 0 : i32
    %scan3A_379 = arith.constant 0 : i32
    %scan3A_380 = arith.constant 256 : i32
    %scan3A_381 = arith.addi %scan3A_379, %scan3A_380 : i32
    %scan3A_382 = arith.constant 1 : i32
    scf.for %scan3A_832 = %scan3A_379 to %scan3A_381 step %scan3A_382  : i32 {
      %mul3A_833 = arith.constant 16 : i32
      %mul3A_834 = arith.muli %scan3A_832, %mul3A_833 : i32
      %get3A = arith.constant 0 : i32
      %get3A_835 = arith.index_cast %get3A : i32 to index
      %get3A_836 = arith.index_cast %mul3A_834 : i32 to index
      %get3A_837 = tpu.vector_load %arg6[%get3A_835, %get3A_836] {strides = array<i32>} : memref<4x4096xf32, #tpu.memory_space<vmem>>, vector<1x16xf32>,
      %get3A_838 = vector.shape_cast %get3A_837 : vector<1x16xf32> to vector<16xf32>
      %gt3A = arith.constant 5.000000e-01 : f32
      %gt3A_839 = vector.broadcast %gt3A : f32 to vector<16xf32>
      %gt3A_840 = arith.cmpf ogt, %get3A_838, %gt3A_839 : vector<16xf32>
      %jit3A = arith.constant 0.000000e+00 : f32
      %broadcast_in_dim3A = vector.broadcast %jit3A : f32 to vector<16xf32>
      %select_n3A = arith.select %gt3A_840, %get3A_838, %broadcast_in_dim3A : vector<16xi1>, vector<16xf32>
      %swap3A = arith.constant 0 : i32
      %swap3A_841 = arith.index_cast %swap3A : i32 to index
      %swap3A_842 = arith.index_cast %mul3A_834 : i32 to index
      %swap3A_843 = tpu.vector_load %arg9[%swap3A_841, %swap3A_842] {strides = array<i32>} : memref<4x4096xf32, #tpu.memory_space<vmem>>, vector<1x16xf32>,
      %swap3A_844 = vector.shape_cast %swap3A_843 : vector<1x16xf32> to vector<16xf32>
      %swap3A_845 = vector.shape_cast %select_n3A : vector<16xf32> to vector<1x16xf32>
      tpu.vector_store %arg9[%swap3A_841, %swap3A_842], %swap3A_845 {strides = array<i32>} : memref<4x4096xf32, #tpu.memory_space<vmem>>, vector<1x16xf32>,
      %get3A_846 = arith.constant 1 : i32
      %get3A_847 = arith.index_cast %get3A_846 : i32 to index
      %get3A_848 = arith.index_cast %mul3A_834 : i32 to index
      %get3A_849 = tpu.vector_load %arg6[%get3A_847, %get3A_848] {strides = array<i32>} : memref<4x4096xf32, #tpu.memory_space<vmem>>, vector<1x16xf32>,
      %get3A_850 = vector.shape_cast %get3A_849 : vector<1x16xf32> to vector<16xf32>
      %gt3A_851 = arith.constant 5.000000e-01 : f32
      %gt3A_852 = vector.broadcast %gt3A_851 : f32 to vector<16xf32>
      %gt3A_853 = arith.cmpf ogt, %get3A_850, %gt3A_852 : vector<16xf32>
      %jit3A_854 = arith.constant 0.000000e+00 : f32
      %broadcast_in_dim3A_855 = vector.broadcast %jit3A_854 : f32 to vector<16xf32>
      %select_n3A_856 = arith.select %gt3A_853, %get3A_850, %broadcast_in_dim3A_855 : vector<16xi1>, vector<16xf32>
      %swap3A_857 = arith.constant 1 : i32
      %swap3A_858 = arith.index_cast %swap3A_857 : i32 to index
      %swap3A_859 = arith.index_cast %mul3A_834 : i32 to index
      %swap3A_860 = tpu.vector_load %arg9[%swap3A_858, %swap3A_859] {strides = array<i32>} : memref<4x4096xf32, #tpu.memory_space<vmem>>, vector<1x16xf32>,
      %swap3A_861 = vector.shape_cast %swap3A_860 : vector<1x16xf32> to vector<16xf32>
      %swap3A_862 = vector.shape_cast %select_n3A_856 : vector<16xf32> to vector<1x16xf32>
      tpu.vector_store %arg9[%swap3A_858, %swap3A_859], %swap3A_862 {strides = array<i32>} : memref<4x4096xf32, #tpu.memory_space<vmem>>, vector<1x16xf32>,
      %get3A_863 = arith.constant 2 : i32
      %get3A_864 = arith.index_cast %get3A_863 : i32 to index
      %get3A_865 = arith.index_cast %mul3A_834 : i32 to index
      %get3A_866 = tpu.vector_load %arg6[%get3A_864, %get3A_865] {strides = array<i32>} : memref<4x4096xf32, #tpu.memory_space<vmem>>, vector<1x16xf32>,
      %get3A_867 = vector.shape_cast %get3A_866 : vector<1x16xf32> to vector<16xf32>
      %gt3A_868 = arith.constant 5.000000e-01 : f32
      %gt3A_869 = vector.broadcast %gt3A_868 : f32 to vector<16xf32>
      %gt3A_870 = arith.cmpf ogt, %get3A_867, %gt3A_869 : vector<16xf32>
      %jit3A_871 = arith.constant 0.000000e+00 : f32
      %broadcast_in_dim3A_872 = vector.broadcast %jit3A_871 : f32 to vector<16xf32>
      %select_n3A_873 = arith.select %gt3A_870, %get3A_867, %broadcast_in_dim3A_872 : vector<16xi1>, vector<16xf32>
      %swap3A_874 = arith.constant 2 : i32
      %swap3A_875 = arith.index_cast %swap3A_874 : i32 to index
      %swap3A_876 = arith.index_cast %mul3A_834 : i32 to index
      %swap3A_877 = tpu.vector_load %arg9[%swap3A_875, %swap3A_876] {strides = array<i32>} : memref<4x4096xf32, #tpu.memory_space<vmem>>, vector<1x16xf32>,
      %swap3A_878 = vector.shape_cast %swap3A_877 : vector<1x16xf32> to vector<16xf32>
      %swap3A_879 = vector.shape_cast %select_n3A_873 : vector<16xf32> to vector<1x16xf32>
      tpu.vector_store %arg9[%swap3A_875, %swap3A_876], %swap3A_879 {strides = array<i32>} : memref<4x4096xf32, #tpu.memory_space<vmem>>, vector<1x16xf32>,
      %get3A_880 = arith.constant 3 : i32
      %get3A_881 = arith.index_cast %get3A_880 : i32 to index
      %get3A_882 = arith.index_cast %mul3A_834 : i32 to index
      %get3A_883 = tpu.vector_load %arg6[%get3A_881, %get3A_882] {strides = array<i32>} : memref<4x4096xf32, #tpu.memory_space<vmem>>, vector<1x16xf32>,
      %get3A_884 = vector.shape_cast %get3A_883 : vector<1x16xf32> to vector<16xf32>
      %gt3A_885 = arith.constant 5.000000e-01 : f32
      %gt3A_886 = vector.broadcast %gt3A_885 : f32 to vector<16xf32>
      %gt3A_887 = arith.cmpf ogt, %get3A_884, %gt3A_886 : vector<16xf32>
      %jit3A_888 = arith.constant 0.000000e+00 : f32
      %broadcast_in_dim3A_889 = vector.broadcast %jit3A_888 : f32 to vector<16xf32>
      %select_n3A_890 = arith.select %gt3A_887, %get3A_884, %broadcast_in_dim3A_889 : vector<16xi1>, vector<16xf32>
      %swap3A_891 = arith.constant 3 : i32
      %swap3A_892 = arith.index_cast %swap3A_891 : i32 to index
      %swap3A_893 = arith.index_cast %mul3A_834 : i32 to index
      %swap3A_894 = tpu.vector_load %arg9[%swap3A_892, %swap3A_893] {strides = array<i32>} : memref<4x4096xf32, #tpu.memory_space<vmem>>, vector<1x16xf32>,
      %swap3A_895 = vector.shape_cast %swap3A_894 : vector<1x16xf32> to vector<16xf32>
      %swap3A_896 = vector.shape_cast %select_n3A_890 : vector<16xf32> to vector<1x16xf32>
      tpu.vector_store %arg9[%swap3A_892, %swap3A_893], %swap3A_896 {strides = array<i32>} : memref<4x4096xf32, #tpu.memory_space<vmem>>, vector<1x16xf32>,
    }
    %scan3A_383 = arith.constant 256 : i32
    %add3A_384 = arith.constant 56 : i32
    %add3A_385 = arith.addi %mul3A_2, %add3A_384 : i32
    %dma_start3A_386 = arith.constant 0 : i32
    %dma_start3A_387 = tpu.memref_slice %arg3[%add3A_385, %dma_start3A_386] : memref<4096x4096xf32, #tpu.memory_space<hbm>> -> memref<4x4096xf32, #tpu.memory_space<hbm>>
    %dma_start3A_388 = arith.constant 0 : i32
    %dma_start3A_389 = tpu.memref_slice %arg3[%add3A_385, %dma_start3A_388] : memref<4096x4096xf32, #tpu.memory_space<hbm>> -> memref<4x4096xf32, #tpu.memory_space<hbm>>
    tpu.enqueue_dma source(%arg9 : memref<4x4096xf32, #tpu.memory_space<vmem>>) target(%dma_start3A_389 : memref<4x4096xf32, #tpu.memory_space<hbm>>) target_semaphore(%arg15 : memref<!tpu.dma_semaphore, #tpu.memory_space<semaphore_mem>>)
    %add3A_390 = arith.constant 68 : i32
    %add3A_391 = arith.addi %mul3A_2, %add3A_390 : i32
    %dma_start3A_392 = arith.constant 0 : i32
    %dma_start3A_393 = tpu.memref_slice %arg2[%add3A_391, %dma_start3A_392] : memref<4096x4096xf32, #tpu.memory_space<hbm>> -> memref<4x4096xf32, #tpu.memory_space<hbm>>
    %dma_start3A_394 = arith.constant 0 : i32
    %dma_start3A_395 = tpu.memref_slice %arg2[%add3A_391, %dma_start3A_394] : memref<4096x4096xf32, #tpu.memory_space<hbm>> -> memref<4x4096xf32, #tpu.memory_space<hbm>>
    tpu.enqueue_dma source(%dma_start3A_395 : memref<4x4096xf32, #tpu.memory_space<hbm>>) target(%arg6 : memref<4x4096xf32, #tpu.memory_space<vmem>>) target_semaphore(%arg12 : memref<!tpu.dma_semaphore, #tpu.memory_space<semaphore_mem>>)
    %dma_wait3A_396 = arith.constant 0 : i32
    %dma_wait3A_397 = tpu.memref_slice %arg2[%add3A_339, %dma_wait3A_396] : memref<4096x4096xf32, #tpu.memory_space<hbm>> -> memref<4x4096xf32, #tpu.memory_space<hbm>>
    %dma_wait3A_398 = arith.constant 0 : i32
    %dma_wait3A_399 = tpu.memref_slice %arg2[%add3A_339, %dma_wait3A_398] : memref<4096x4096xf32, #tpu.memory_space<hbm>> -> memref<4x4096xf32, #tpu.memory_space<hbm>>
    tpu.wait_dma2 semaphore(%arg10 : memref<!tpu.dma_semaphore, #tpu.memory_space<semaphore_mem>>) src(%dma_wait3A_399 : memref<4x4096xf32, #tpu.memory_space<hbm>>) dst(%arg4 : memref<4x4096xf32, #tpu.memory_space<vmem>>)
    %dma_wait3A_400 = arith.constant 0 : i32
    %dma_wait3A_401 = tpu.memref_slice %arg3[%add3A_333, %dma_wait3A_400] : memref<4096x4096xf32, #tpu.memory_space<hbm>> -> memref<4x4096xf32, #tpu.memory_space<hbm>>
    %dma_wait3A_402 = arith.constant 0 : i32
    %dma_wait3A_403 = tpu.memref_slice %arg3[%add3A_333, %dma_wait3A_402] : memref<4096x4096xf32, #tpu.memory_space<hbm>> -> memref<4x4096xf32, #tpu.memory_space<hbm>>
    tpu.wait_dma2 semaphore(%arg13 : memref<!tpu.dma_semaphore, #tpu.memory_space<semaphore_mem>>) src(%arg7 : memref<4x4096xf32, #tpu.memory_space<vmem>>) dst(%dma_wait3A_403 : memref<4x4096xf32, #tpu.memory_space<hbm>>)
    %scan3A_404 = arith.constant 0 : i32
    %scan3A_405 = arith.constant 0 : i32
    %scan3A_406 = arith.constant 256 : i32
    %scan3A_407 = arith.addi %scan3A_405, %scan3A_406 : i32
    %scan3A_408 = arith.constant 1 : i32
    scf.for %scan3A_832 = %scan3A_405 to %scan3A_407 step %scan3A_408  : i32 {
      %mul3A_833 = arith.constant 16 : i32
      %mul3A_834 = arith.muli %scan3A_832, %mul3A_833 : i32
      %get3A = arith.constant 0 : i32
      %get3A_835 = arith.index_cast %get3A : i32 to index
      %get3A_836 = arith.index_cast %mul3A_834 : i32 to index
      %get3A_837 = tpu.vector_load %arg4[%get3A_835, %get3A_836] {strides = array<i32>} : memref<4x4096xf32, #tpu.memory_space<vmem>>, vector<1x16xf32>,
      %get3A_838 = vector.shape_cast %get3A_837 : vector<1x16xf32> to vector<16xf32>
      %gt3A = arith.constant 5.000000e-01 : f32
      %gt3A_839 = vector.broadcast %gt3A : f32 to vector<16xf32>
      %gt3A_840 = arith.cmpf ogt, %get3A_838, %gt3A_839 : vector<16xf32>
      %jit3A = arith.constant 0.000000e+00 : f32
      %broadcast_in_dim3A = vector.broadcast %jit3A : f32 to vector<16xf32>
      %select_n3A = arith.select %gt3A_840, %get3A_838, %broadcast_in_dim3A : vector<16xi1>, vector<16xf32>
      %swap3A = arith.constant 0 : i32
      %swap3A_841 = arith.index_cast %swap3A : i32 to index
      %swap3A_842 = arith.index_cast %mul3A_834 : i32 to index
      %swap3A_843 = tpu.vector_load %arg7[%swap3A_841, %swap3A_842] {strides = array<i32>} : memref<4x4096xf32, #tpu.memory_space<vmem>>, vector<1x16xf32>,
      %swap3A_844 = vector.shape_cast %swap3A_843 : vector<1x16xf32> to vector<16xf32>
      %swap3A_845 = vector.shape_cast %select_n3A : vector<16xf32> to vector<1x16xf32>
      tpu.vector_store %arg7[%swap3A_841, %swap3A_842], %swap3A_845 {strides = array<i32>} : memref<4x4096xf32, #tpu.memory_space<vmem>>, vector<1x16xf32>,
      %get3A_846 = arith.constant 1 : i32
      %get3A_847 = arith.index_cast %get3A_846 : i32 to index
      %get3A_848 = arith.index_cast %mul3A_834 : i32 to index
      %get3A_849 = tpu.vector_load %arg4[%get3A_847, %get3A_848] {strides = array<i32>} : memref<4x4096xf32, #tpu.memory_space<vmem>>, vector<1x16xf32>,
      %get3A_850 = vector.shape_cast %get3A_849 : vector<1x16xf32> to vector<16xf32>
      %gt3A_851 = arith.constant 5.000000e-01 : f32
      %gt3A_852 = vector.broadcast %gt3A_851 : f32 to vector<16xf32>
      %gt3A_853 = arith.cmpf ogt, %get3A_850, %gt3A_852 : vector<16xf32>
      %jit3A_854 = arith.constant 0.000000e+00 : f32
      %broadcast_in_dim3A_855 = vector.broadcast %jit3A_854 : f32 to vector<16xf32>
      %select_n3A_856 = arith.select %gt3A_853, %get3A_850, %broadcast_in_dim3A_855 : vector<16xi1>, vector<16xf32>
      %swap3A_857 = arith.constant 1 : i32
      %swap3A_858 = arith.index_cast %swap3A_857 : i32 to index
      %swap3A_859 = arith.index_cast %mul3A_834 : i32 to index
      %swap3A_860 = tpu.vector_load %arg7[%swap3A_858, %swap3A_859] {strides = array<i32>} : memref<4x4096xf32, #tpu.memory_space<vmem>>, vector<1x16xf32>,
      %swap3A_861 = vector.shape_cast %swap3A_860 : vector<1x16xf32> to vector<16xf32>
      %swap3A_862 = vector.shape_cast %select_n3A_856 : vector<16xf32> to vector<1x16xf32>
      tpu.vector_store %arg7[%swap3A_858, %swap3A_859], %swap3A_862 {strides = array<i32>} : memref<4x4096xf32, #tpu.memory_space<vmem>>, vector<1x16xf32>,
      %get3A_863 = arith.constant 2 : i32
      %get3A_864 = arith.index_cast %get3A_863 : i32 to index
      %get3A_865 = arith.index_cast %mul3A_834 : i32 to index
      %get3A_866 = tpu.vector_load %arg4[%get3A_864, %get3A_865] {strides = array<i32>} : memref<4x4096xf32, #tpu.memory_space<vmem>>, vector<1x16xf32>,
      %get3A_867 = vector.shape_cast %get3A_866 : vector<1x16xf32> to vector<16xf32>
      %gt3A_868 = arith.constant 5.000000e-01 : f32
      %gt3A_869 = vector.broadcast %gt3A_868 : f32 to vector<16xf32>
      %gt3A_870 = arith.cmpf ogt, %get3A_867, %gt3A_869 : vector<16xf32>
      %jit3A_871 = arith.constant 0.000000e+00 : f32
      %broadcast_in_dim3A_872 = vector.broadcast %jit3A_871 : f32 to vector<16xf32>
      %select_n3A_873 = arith.select %gt3A_870, %get3A_867, %broadcast_in_dim3A_872 : vector<16xi1>, vector<16xf32>
      %swap3A_874 = arith.constant 2 : i32
      %swap3A_875 = arith.index_cast %swap3A_874 : i32 to index
      %swap3A_876 = arith.index_cast %mul3A_834 : i32 to index
      %swap3A_877 = tpu.vector_load %arg7[%swap3A_875, %swap3A_876] {strides = array<i32>} : memref<4x4096xf32, #tpu.memory_space<vmem>>, vector<1x16xf32>,
      %swap3A_878 = vector.shape_cast %swap3A_877 : vector<1x16xf32> to vector<16xf32>
      %swap3A_879 = vector.shape_cast %select_n3A_873 : vector<16xf32> to vector<1x16xf32>
      tpu.vector_store %arg7[%swap3A_875, %swap3A_876], %swap3A_879 {strides = array<i32>} : memref<4x4096xf32, #tpu.memory_space<vmem>>, vector<1x16xf32>,
      %get3A_880 = arith.constant 3 : i32
      %get3A_881 = arith.index_cast %get3A_880 : i32 to index
      %get3A_882 = arith.index_cast %mul3A_834 : i32 to index
      %get3A_883 = tpu.vector_load %arg4[%get3A_881, %get3A_882] {strides = array<i32>} : memref<4x4096xf32, #tpu.memory_space<vmem>>, vector<1x16xf32>,
      %get3A_884 = vector.shape_cast %get3A_883 : vector<1x16xf32> to vector<16xf32>
      %gt3A_885 = arith.constant 5.000000e-01 : f32
      %gt3A_886 = vector.broadcast %gt3A_885 : f32 to vector<16xf32>
      %gt3A_887 = arith.cmpf ogt, %get3A_884, %gt3A_886 : vector<16xf32>
      %jit3A_888 = arith.constant 0.000000e+00 : f32
      %broadcast_in_dim3A_889 = vector.broadcast %jit3A_888 : f32 to vector<16xf32>
      %select_n3A_890 = arith.select %gt3A_887, %get3A_884, %broadcast_in_dim3A_889 : vector<16xi1>, vector<16xf32>
      %swap3A_891 = arith.constant 3 : i32
      %swap3A_892 = arith.index_cast %swap3A_891 : i32 to index
      %swap3A_893 = arith.index_cast %mul3A_834 : i32 to index
      %swap3A_894 = tpu.vector_load %arg7[%swap3A_892, %swap3A_893] {strides = array<i32>} : memref<4x4096xf32, #tpu.memory_space<vmem>>, vector<1x16xf32>,
      %swap3A_895 = vector.shape_cast %swap3A_894 : vector<1x16xf32> to vector<16xf32>
      %swap3A_896 = vector.shape_cast %select_n3A_890 : vector<16xf32> to vector<1x16xf32>
      tpu.vector_store %arg7[%swap3A_892, %swap3A_893], %swap3A_896 {strides = array<i32>} : memref<4x4096xf32, #tpu.memory_space<vmem>>, vector<1x16xf32>,
    }
    %scan3A_409 = arith.constant 256 : i32
    %add3A_410 = arith.constant 60 : i32
    %add3A_411 = arith.addi %mul3A_2, %add3A_410 : i32
    %dma_start3A_412 = arith.constant 0 : i32
    %dma_start3A_413 = tpu.memref_slice %arg3[%add3A_411, %dma_start3A_412] : memref<4096x4096xf32, #tpu.memory_space<hbm>> -> memref<4x4096xf32, #tpu.memory_space<hbm>>
    %dma_start3A_414 = arith.constant 0 : i32
    %dma_start3A_415 = tpu.memref_slice %arg3[%add3A_411, %dma_start3A_414] : memref<4096x4096xf32, #tpu.memory_space<hbm>> -> memref<4x4096xf32, #tpu.memory_space<hbm>>
    tpu.enqueue_dma source(%arg7 : memref<4x4096xf32, #tpu.memory_space<vmem>>) target(%dma_start3A_415 : memref<4x4096xf32, #tpu.memory_space<hbm>>) target_semaphore(%arg13 : memref<!tpu.dma_semaphore, #tpu.memory_space<semaphore_mem>>)
    %add3A_416 = arith.constant 72 : i32
    %add3A_417 = arith.addi %mul3A_2, %add3A_416 : i32
    %dma_start3A_418 = arith.constant 0 : i32
    %dma_start3A_419 = tpu.memref_slice %arg2[%add3A_417, %dma_start3A_418] : memref<4096x4096xf32, #tpu.memory_space<hbm>> -> memref<4x4096xf32, #tpu.memory_space<hbm>>
    %dma_start3A_420 = arith.constant 0 : i32
    %dma_start3A_421 = tpu.memref_slice %arg2[%add3A_417, %dma_start3A_420] : memref<4096x4096xf32, #tpu.memory_space<hbm>> -> memref<4x4096xf32, #tpu.memory_space<hbm>>
    tpu.enqueue_dma source(%dma_start3A_421 : memref<4x4096xf32, #tpu.memory_space<hbm>>) target(%arg4 : memref<4x4096xf32, #tpu.memory_space<vmem>>) target_semaphore(%arg10 : memref<!tpu.dma_semaphore, #tpu.memory_space<semaphore_mem>>)
    %dma_wait3A_422 = arith.constant 0 : i32
    %dma_wait3A_423 = tpu.memref_slice %arg2[%add3A_365, %dma_wait3A_422] : memref<4096x4096xf32, #tpu.memory_space<hbm>> -> memref<4x4096xf32, #tpu.memory_space<hbm>>
    %dma_wait3A_424 = arith.constant 0 : i32
    %dma_wait3A_425 = tpu.memref_slice %arg2[%add3A_365, %dma_wait3A_424] : memref<4096x4096xf32, #tpu.memory_space<hbm>> -> memref<4x4096xf32, #tpu.memory_space<hbm>>
    tpu.wait_dma2 semaphore(%arg11 : memref<!tpu.dma_semaphore, #tpu.memory_space<semaphore_mem>>) src(%dma_wait3A_425 : memref<4x4096xf32, #tpu.memory_space<hbm>>) dst(%arg5 : memref<4x4096xf32, #tpu.memory_space<vmem>>)
    %dma_wait3A_426 = arith.constant 0 : i32
    %dma_wait3A_427 = tpu.memref_slice %arg3[%add3A_359, %dma_wait3A_426] : memref<4096x4096xf32, #tpu.memory_space<hbm>> -> memref<4x4096xf32, #tpu.memory_space<hbm>>
    %dma_wait3A_428 = arith.constant 0 : i32
    %dma_wait3A_429 = tpu.memref_slice %arg3[%add3A_359, %dma_wait3A_428] : memref<4096x4096xf32, #tpu.memory_space<hbm>> -> memref<4x4096xf32, #tpu.memory_space<hbm>>
    tpu.wait_dma2 semaphore(%arg14 : memref<!tpu.dma_semaphore, #tpu.memory_space<semaphore_mem>>) src(%arg8 : memref<4x4096xf32, #tpu.memory_space<vmem>>) dst(%dma_wait3A_429 : memref<4x4096xf32, #tpu.memory_space<hbm>>)
    %scan3A_430 = arith.constant 0 : i32
    %scan3A_431 = arith.constant 0 : i32
    %scan3A_432 = arith.constant 256 : i32
    %scan3A_433 = arith.addi %scan3A_431, %scan3A_432 : i32
    %scan3A_434 = arith.constant 1 : i32
    scf.for %scan3A_832 = %scan3A_431 to %scan3A_433 step %scan3A_434  : i32 {
      %mul3A_833 = arith.constant 16 : i32
      %mul3A_834 = arith.muli %scan3A_832, %mul3A_833 : i32
      %get3A = arith.constant 0 : i32
      %get3A_835 = arith.index_cast %get3A : i32 to index
      %get3A_836 = arith.index_cast %mul3A_834 : i32 to index
      %get3A_837 = tpu.vector_load %arg5[%get3A_835, %get3A_836] {strides = array<i32>} : memref<4x4096xf32, #tpu.memory_space<vmem>>, vector<1x16xf32>,
      %get3A_838 = vector.shape_cast %get3A_837 : vector<1x16xf32> to vector<16xf32>
      %gt3A = arith.constant 5.000000e-01 : f32
      %gt3A_839 = vector.broadcast %gt3A : f32 to vector<16xf32>
      %gt3A_840 = arith.cmpf ogt, %get3A_838, %gt3A_839 : vector<16xf32>
      %jit3A = arith.constant 0.000000e+00 : f32
      %broadcast_in_dim3A = vector.broadcast %jit3A : f32 to vector<16xf32>
      %select_n3A = arith.select %gt3A_840, %get3A_838, %broadcast_in_dim3A : vector<16xi1>, vector<16xf32>
      %swap3A = arith.constant 0 : i32
      %swap3A_841 = arith.index_cast %swap3A : i32 to index
      %swap3A_842 = arith.index_cast %mul3A_834 : i32 to index
      %swap3A_843 = tpu.vector_load %arg8[%swap3A_841, %swap3A_842] {strides = array<i32>} : memref<4x4096xf32, #tpu.memory_space<vmem>>, vector<1x16xf32>,
      %swap3A_844 = vector.shape_cast %swap3A_843 : vector<1x16xf32> to vector<16xf32>
      %swap3A_845 = vector.shape_cast %select_n3A : vector<16xf32> to vector<1x16xf32>
      tpu.vector_store %arg8[%swap3A_841, %swap3A_842], %swap3A_845 {strides = array<i32>} : memref<4x4096xf32, #tpu.memory_space<vmem>>, vector<1x16xf32>,
      %get3A_846 = arith.constant 1 : i32
      %get3A_847 = arith.index_cast %get3A_846 : i32 to index
      %get3A_848 = arith.index_cast %mul3A_834 : i32 to index
      %get3A_849 = tpu.vector_load %arg5[%get3A_847, %get3A_848] {strides = array<i32>} : memref<4x4096xf32, #tpu.memory_space<vmem>>, vector<1x16xf32>,
      %get3A_850 = vector.shape_cast %get3A_849 : vector<1x16xf32> to vector<16xf32>
      %gt3A_851 = arith.constant 5.000000e-01 : f32
      %gt3A_852 = vector.broadcast %gt3A_851 : f32 to vector<16xf32>
      %gt3A_853 = arith.cmpf ogt, %get3A_850, %gt3A_852 : vector<16xf32>
      %jit3A_854 = arith.constant 0.000000e+00 : f32
      %broadcast_in_dim3A_855 = vector.broadcast %jit3A_854 : f32 to vector<16xf32>
      %select_n3A_856 = arith.select %gt3A_853, %get3A_850, %broadcast_in_dim3A_855 : vector<16xi1>, vector<16xf32>
      %swap3A_857 = arith.constant 1 : i32
      %swap3A_858 = arith.index_cast %swap3A_857 : i32 to index
      %swap3A_859 = arith.index_cast %mul3A_834 : i32 to index
      %swap3A_860 = tpu.vector_load %arg8[%swap3A_858, %swap3A_859] {strides = array<i32>} : memref<4x4096xf32, #tpu.memory_space<vmem>>, vector<1x16xf32>,
      %swap3A_861 = vector.shape_cast %swap3A_860 : vector<1x16xf32> to vector<16xf32>
      %swap3A_862 = vector.shape_cast %select_n3A_856 : vector<16xf32> to vector<1x16xf32>
      tpu.vector_store %arg8[%swap3A_858, %swap3A_859], %swap3A_862 {strides = array<i32>} : memref<4x4096xf32, #tpu.memory_space<vmem>>, vector<1x16xf32>,
      %get3A_863 = arith.constant 2 : i32
      %get3A_864 = arith.index_cast %get3A_863 : i32 to index
      %get3A_865 = arith.index_cast %mul3A_834 : i32 to index
      %get3A_866 = tpu.vector_load %arg5[%get3A_864, %get3A_865] {strides = array<i32>} : memref<4x4096xf32, #tpu.memory_space<vmem>>, vector<1x16xf32>,
      %get3A_867 = vector.shape_cast %get3A_866 : vector<1x16xf32> to vector<16xf32>
      %gt3A_868 = arith.constant 5.000000e-01 : f32
      %gt3A_869 = vector.broadcast %gt3A_868 : f32 to vector<16xf32>
      %gt3A_870 = arith.cmpf ogt, %get3A_867, %gt3A_869 : vector<16xf32>
      %jit3A_871 = arith.constant 0.000000e+00 : f32
      %broadcast_in_dim3A_872 = vector.broadcast %jit3A_871 : f32 to vector<16xf32>
      %select_n3A_873 = arith.select %gt3A_870, %get3A_867, %broadcast_in_dim3A_872 : vector<16xi1>, vector<16xf32>
      %swap3A_874 = arith.constant 2 : i32
      %swap3A_875 = arith.index_cast %swap3A_874 : i32 to index
      %swap3A_876 = arith.index_cast %mul3A_834 : i32 to index
      %swap3A_877 = tpu.vector_load %arg8[%swap3A_875, %swap3A_876] {strides = array<i32>} : memref<4x4096xf32, #tpu.memory_space<vmem>>, vector<1x16xf32>,
      %swap3A_878 = vector.shape_cast %swap3A_877 : vector<1x16xf32> to vector<16xf32>
      %swap3A_879 = vector.shape_cast %select_n3A_873 : vector<16xf32> to vector<1x16xf32>
      tpu.vector_store %arg8[%swap3A_875, %swap3A_876], %swap3A_879 {strides = array<i32>} : memref<4x4096xf32, #tpu.memory_space<vmem>>, vector<1x16xf32>,
      %get3A_880 = arith.constant 3 : i32
      %get3A_881 = arith.index_cast %get3A_880 : i32 to index
      %get3A_882 = arith.index_cast %mul3A_834 : i32 to index
      %get3A_883 = tpu.vector_load %arg5[%get3A_881, %get3A_882] {strides = array<i32>} : memref<4x4096xf32, #tpu.memory_space<vmem>>, vector<1x16xf32>,
      %get3A_884 = vector.shape_cast %get3A_883 : vector<1x16xf32> to vector<16xf32>
      %gt3A_885 = arith.constant 5.000000e-01 : f32
      %gt3A_886 = vector.broadcast %gt3A_885 : f32 to vector<16xf32>
      %gt3A_887 = arith.cmpf ogt, %get3A_884, %gt3A_886 : vector<16xf32>
      %jit3A_888 = arith.constant 0.000000e+00 : f32
      %broadcast_in_dim3A_889 = vector.broadcast %jit3A_888 : f32 to vector<16xf32>
      %select_n3A_890 = arith.select %gt3A_887, %get3A_884, %broadcast_in_dim3A_889 : vector<16xi1>, vector<16xf32>
      %swap3A_891 = arith.constant 3 : i32
      %swap3A_892 = arith.index_cast %swap3A_891 : i32 to index
      %swap3A_893 = arith.index_cast %mul3A_834 : i32 to index
      %swap3A_894 = tpu.vector_load %arg8[%swap3A_892, %swap3A_893] {strides = array<i32>} : memref<4x4096xf32, #tpu.memory_space<vmem>>, vector<1x16xf32>,
      %swap3A_895 = vector.shape_cast %swap3A_894 : vector<1x16xf32> to vector<16xf32>
      %swap3A_896 = vector.shape_cast %select_n3A_890 : vector<16xf32> to vector<1x16xf32>
      tpu.vector_store %arg8[%swap3A_892, %swap3A_893], %swap3A_896 {strides = array<i32>} : memref<4x4096xf32, #tpu.memory_space<vmem>>, vector<1x16xf32>,
    }
    %scan3A_435 = arith.constant 256 : i32
    %add3A_436 = arith.constant 64 : i32
    %add3A_437 = arith.addi %mul3A_2, %add3A_436 : i32
    %dma_start3A_438 = arith.constant 0 : i32
    %dma_start3A_439 = tpu.memref_slice %arg3[%add3A_437, %dma_start3A_438] : memref<4096x4096xf32, #tpu.memory_space<hbm>> -> memref<4x4096xf32, #tpu.memory_space<hbm>>
    %dma_start3A_440 = arith.constant 0 : i32
    %dma_start3A_441 = tpu.memref_slice %arg3[%add3A_437, %dma_start3A_440] : memref<4096x4096xf32, #tpu.memory_space<hbm>> -> memref<4x4096xf32, #tpu.memory_space<hbm>>
    tpu.enqueue_dma source(%arg8 : memref<4x4096xf32, #tpu.memory_space<vmem>>) target(%dma_start3A_441 : memref<4x4096xf32, #tpu.memory_space<hbm>>) target_semaphore(%arg14 : memref<!tpu.dma_semaphore, #tpu.memory_space<semaphore_mem>>)
    %add3A_442 = arith.constant 76 : i32
    %add3A_443 = arith.addi %mul3A_2, %add3A_442 : i32
    %dma_start3A_444 = arith.constant 0 : i32
    %dma_start3A_445 = tpu.memref_slice %arg2[%add3A_443, %dma_start3A_444] : memref<4096x4096xf32, #tpu.memory_space<hbm>> -> memref<4x4096xf32, #tpu.memory_space<hbm>>
    %dma_start3A_446 = arith.constant 0 : i32
    %dma_start3A_447 = tpu.memref_slice %arg2[%add3A_443, %dma_start3A_446] : memref<4096x4096xf32, #tpu.memory_space<hbm>> -> memref<4x4096xf32, #tpu.memory_space<hbm>>
    tpu.enqueue_dma source(%dma_start3A_447 : memref<4x4096xf32, #tpu.memory_space<hbm>>) target(%arg5 : memref<4x4096xf32, #tpu.memory_space<vmem>>) target_semaphore(%arg11 : memref<!tpu.dma_semaphore, #tpu.memory_space<semaphore_mem>>)
    %dma_wait3A_448 = arith.constant 0 : i32
    %dma_wait3A_449 = tpu.memref_slice %arg2[%add3A_391, %dma_wait3A_448] : memref<4096x4096xf32, #tpu.memory_space<hbm>> -> memref<4x4096xf32, #tpu.memory_space<hbm>>
    %dma_wait3A_450 = arith.constant 0 : i32
    %dma_wait3A_451 = tpu.memref_slice %arg2[%add3A_391, %dma_wait3A_450] : memref<4096x4096xf32, #tpu.memory_space<hbm>> -> memref<4x4096xf32, #tpu.memory_space<hbm>>
    tpu.wait_dma2 semaphore(%arg12 : memref<!tpu.dma_semaphore, #tpu.memory_space<semaphore_mem>>) src(%dma_wait3A_451 : memref<4x4096xf32, #tpu.memory_space<hbm>>) dst(%arg6 : memref<4x4096xf32, #tpu.memory_space<vmem>>)
    %dma_wait3A_452 = arith.constant 0 : i32
    %dma_wait3A_453 = tpu.memref_slice %arg3[%add3A_385, %dma_wait3A_452] : memref<4096x4096xf32, #tpu.memory_space<hbm>> -> memref<4x4096xf32, #tpu.memory_space<hbm>>
    %dma_wait3A_454 = arith.constant 0 : i32
    %dma_wait3A_455 = tpu.memref_slice %arg3[%add3A_385, %dma_wait3A_454] : memref<4096x4096xf32, #tpu.memory_space<hbm>> -> memref<4x4096xf32, #tpu.memory_space<hbm>>
    tpu.wait_dma2 semaphore(%arg15 : memref<!tpu.dma_semaphore, #tpu.memory_space<semaphore_mem>>) src(%arg9 : memref<4x4096xf32, #tpu.memory_space<vmem>>) dst(%dma_wait3A_455 : memref<4x4096xf32, #tpu.memory_space<hbm>>)
    %scan3A_456 = arith.constant 0 : i32
    %scan3A_457 = arith.constant 0 : i32
    %scan3A_458 = arith.constant 256 : i32
    %scan3A_459 = arith.addi %scan3A_457, %scan3A_458 : i32
    %scan3A_460 = arith.constant 1 : i32
    scf.for %scan3A_832 = %scan3A_457 to %scan3A_459 step %scan3A_460  : i32 {
      %mul3A_833 = arith.constant 16 : i32
      %mul3A_834 = arith.muli %scan3A_832, %mul3A_833 : i32
      %get3A = arith.constant 0 : i32
      %get3A_835 = arith.index_cast %get3A : i32 to index
      %get3A_836 = arith.index_cast %mul3A_834 : i32 to index
      %get3A_837 = tpu.vector_load %arg6[%get3A_835, %get3A_836] {strides = array<i32>} : memref<4x4096xf32, #tpu.memory_space<vmem>>, vector<1x16xf32>,
      %get3A_838 = vector.shape_cast %get3A_837 : vector<1x16xf32> to vector<16xf32>
      %gt3A = arith.constant 5.000000e-01 : f32
      %gt3A_839 = vector.broadcast %gt3A : f32 to vector<16xf32>
      %gt3A_840 = arith.cmpf ogt, %get3A_838, %gt3A_839 : vector<16xf32>
      %jit3A = arith.constant 0.000000e+00 : f32
      %broadcast_in_dim3A = vector.broadcast %jit3A : f32 to vector<16xf32>
      %select_n3A = arith.select %gt3A_840, %get3A_838, %broadcast_in_dim3A : vector<16xi1>, vector<16xf32>
      %swap3A = arith.constant 0 : i32
      %swap3A_841 = arith.index_cast %swap3A : i32 to index
      %swap3A_842 = arith.index_cast %mul3A_834 : i32 to index
      %swap3A_843 = tpu.vector_load %arg9[%swap3A_841, %swap3A_842] {strides = array<i32>} : memref<4x4096xf32, #tpu.memory_space<vmem>>, vector<1x16xf32>,
      %swap3A_844 = vector.shape_cast %swap3A_843 : vector<1x16xf32> to vector<16xf32>
      %swap3A_845 = vector.shape_cast %select_n3A : vector<16xf32> to vector<1x16xf32>
      tpu.vector_store %arg9[%swap3A_841, %swap3A_842], %swap3A_845 {strides = array<i32>} : memref<4x4096xf32, #tpu.memory_space<vmem>>, vector<1x16xf32>,
      %get3A_846 = arith.constant 1 : i32
      %get3A_847 = arith.index_cast %get3A_846 : i32 to index
      %get3A_848 = arith.index_cast %mul3A_834 : i32 to index
      %get3A_849 = tpu.vector_load %arg6[%get3A_847, %get3A_848] {strides = array<i32>} : memref<4x4096xf32, #tpu.memory_space<vmem>>, vector<1x16xf32>,
      %get3A_850 = vector.shape_cast %get3A_849 : vector<1x16xf32> to vector<16xf32>
      %gt3A_851 = arith.constant 5.000000e-01 : f32
      %gt3A_852 = vector.broadcast %gt3A_851 : f32 to vector<16xf32>
      %gt3A_853 = arith.cmpf ogt, %get3A_850, %gt3A_852 : vector<16xf32>
      %jit3A_854 = arith.constant 0.000000e+00 : f32
      %broadcast_in_dim3A_855 = vector.broadcast %jit3A_854 : f32 to vector<16xf32>
      %select_n3A_856 = arith.select %gt3A_853, %get3A_850, %broadcast_in_dim3A_855 : vector<16xi1>, vector<16xf32>
      %swap3A_857 = arith.constant 1 : i32
      %swap3A_858 = arith.index_cast %swap3A_857 : i32 to index
      %swap3A_859 = arith.index_cast %mul3A_834 : i32 to index
      %swap3A_860 = tpu.vector_load %arg9[%swap3A_858, %swap3A_859] {strides = array<i32>} : memref<4x4096xf32, #tpu.memory_space<vmem>>, vector<1x16xf32>,
      %swap3A_861 = vector.shape_cast %swap3A_860 : vector<1x16xf32> to vector<16xf32>
      %swap3A_862 = vector.shape_cast %select_n3A_856 : vector<16xf32> to vector<1x16xf32>
      tpu.vector_store %arg9[%swap3A_858, %swap3A_859], %swap3A_862 {strides = array<i32>} : memref<4x4096xf32, #tpu.memory_space<vmem>>, vector<1x16xf32>,
      %get3A_863 = arith.constant 2 : i32
      %get3A_864 = arith.index_cast %get3A_863 : i32 to index
      %get3A_865 = arith.index_cast %mul3A_834 : i32 to index
      %get3A_866 = tpu.vector_load %arg6[%get3A_864, %get3A_865] {strides = array<i32>} : memref<4x4096xf32, #tpu.memory_space<vmem>>, vector<1x16xf32>,
      %get3A_867 = vector.shape_cast %get3A_866 : vector<1x16xf32> to vector<16xf32>
      %gt3A_868 = arith.constant 5.000000e-01 : f32
      %gt3A_869 = vector.broadcast %gt3A_868 : f32 to vector<16xf32>
      %gt3A_870 = arith.cmpf ogt, %get3A_867, %gt3A_869 : vector<16xf32>
      %jit3A_871 = arith.constant 0.000000e+00 : f32
      %broadcast_in_dim3A_872 = vector.broadcast %jit3A_871 : f32 to vector<16xf32>
      %select_n3A_873 = arith.select %gt3A_870, %get3A_867, %broadcast_in_dim3A_872 : vector<16xi1>, vector<16xf32>
      %swap3A_874 = arith.constant 2 : i32
      %swap3A_875 = arith.index_cast %swap3A_874 : i32 to index
      %swap3A_876 = arith.index_cast %mul3A_834 : i32 to index
      %swap3A_877 = tpu.vector_load %arg9[%swap3A_875, %swap3A_876] {strides = array<i32>} : memref<4x4096xf32, #tpu.memory_space<vmem>>, vector<1x16xf32>,
      %swap3A_878 = vector.shape_cast %swap3A_877 : vector<1x16xf32> to vector<16xf32>
      %swap3A_879 = vector.shape_cast %select_n3A_873 : vector<16xf32> to vector<1x16xf32>
      tpu.vector_store %arg9[%swap3A_875, %swap3A_876], %swap3A_879 {strides = array<i32>} : memref<4x4096xf32, #tpu.memory_space<vmem>>, vector<1x16xf32>,
      %get3A_880 = arith.constant 3 : i32
      %get3A_881 = arith.index_cast %get3A_880 : i32 to index
      %get3A_882 = arith.index_cast %mul3A_834 : i32 to index
      %get3A_883 = tpu.vector_load %arg6[%get3A_881, %get3A_882] {strides = array<i32>} : memref<4x4096xf32, #tpu.memory_space<vmem>>, vector<1x16xf32>,
      %get3A_884 = vector.shape_cast %get3A_883 : vector<1x16xf32> to vector<16xf32>
      %gt3A_885 = arith.constant 5.000000e-01 : f32
      %gt3A_886 = vector.broadcast %gt3A_885 : f32 to vector<16xf32>
      %gt3A_887 = arith.cmpf ogt, %get3A_884, %gt3A_886 : vector<16xf32>
      %jit3A_888 = arith.constant 0.000000e+00 : f32
      %broadcast_in_dim3A_889 = vector.broadcast %jit3A_888 : f32 to vector<16xf32>
      %select_n3A_890 = arith.select %gt3A_887, %get3A_884, %broadcast_in_dim3A_889 : vector<16xi1>, vector<16xf32>
      %swap3A_891 = arith.constant 3 : i32
      %swap3A_892 = arith.index_cast %swap3A_891 : i32 to index
      %swap3A_893 = arith.index_cast %mul3A_834 : i32 to index
      %swap3A_894 = tpu.vector_load %arg9[%swap3A_892, %swap3A_893] {strides = array<i32>} : memref<4x4096xf32, #tpu.memory_space<vmem>>, vector<1x16xf32>,
      %swap3A_895 = vector.shape_cast %swap3A_894 : vector<1x16xf32> to vector<16xf32>
      %swap3A_896 = vector.shape_cast %select_n3A_890 : vector<16xf32> to vector<1x16xf32>
      tpu.vector_store %arg9[%swap3A_892, %swap3A_893], %swap3A_896 {strides = array<i32>} : memref<4x4096xf32, #tpu.memory_space<vmem>>, vector<1x16xf32>,
    }
    %scan3A_461 = arith.constant 256 : i32
    %add3A_462 = arith.constant 68 : i32
    %add3A_463 = arith.addi %mul3A_2, %add3A_462 : i32
    %dma_start3A_464 = arith.constant 0 : i32
    %dma_start3A_465 = tpu.memref_slice %arg3[%add3A_463, %dma_start3A_464] : memref<4096x4096xf32, #tpu.memory_space<hbm>> -> memref<4x4096xf32, #tpu.memory_space<hbm>>
    %dma_start3A_466 = arith.constant 0 : i32
    %dma_start3A_467 = tpu.memref_slice %arg3[%add3A_463, %dma_start3A_466] : memref<4096x4096xf32, #tpu.memory_space<hbm>> -> memref<4x4096xf32, #tpu.memory_space<hbm>>
    tpu.enqueue_dma source(%arg9 : memref<4x4096xf32, #tpu.memory_space<vmem>>) target(%dma_start3A_467 : memref<4x4096xf32, #tpu.memory_space<hbm>>) target_semaphore(%arg15 : memref<!tpu.dma_semaphore, #tpu.memory_space<semaphore_mem>>)
    %add3A_468 = arith.constant 80 : i32
    %add3A_469 = arith.addi %mul3A_2, %add3A_468 : i32
    %dma_start3A_470 = arith.constant 0 : i32
    %dma_start3A_471 = tpu.memref_slice %arg2[%add3A_469, %dma_start3A_470] : memref<4096x4096xf32, #tpu.memory_space<hbm>> -> memref<4x4096xf32, #tpu.memory_space<hbm>>
    %dma_start3A_472 = arith.constant 0 : i32
    %dma_start3A_473 = tpu.memref_slice %arg2[%add3A_469, %dma_start3A_472] : memref<4096x4096xf32, #tpu.memory_space<hbm>> -> memref<4x4096xf32, #tpu.memory_space<hbm>>
    tpu.enqueue_dma source(%dma_start3A_473 : memref<4x4096xf32, #tpu.memory_space<hbm>>) target(%arg6 : memref<4x4096xf32, #tpu.memory_space<vmem>>) target_semaphore(%arg12 : memref<!tpu.dma_semaphore, #tpu.memory_space<semaphore_mem>>)
    %dma_wait3A_474 = arith.constant 0 : i32
    %dma_wait3A_475 = tpu.memref_slice %arg2[%add3A_417, %dma_wait3A_474] : memref<4096x4096xf32, #tpu.memory_space<hbm>> -> memref<4x4096xf32, #tpu.memory_space<hbm>>
    %dma_wait3A_476 = arith.constant 0 : i32
    %dma_wait3A_477 = tpu.memref_slice %arg2[%add3A_417, %dma_wait3A_476] : memref<4096x4096xf32, #tpu.memory_space<hbm>> -> memref<4x4096xf32, #tpu.memory_space<hbm>>
    tpu.wait_dma2 semaphore(%arg10 : memref<!tpu.dma_semaphore, #tpu.memory_space<semaphore_mem>>) src(%dma_wait3A_477 : memref<4x4096xf32, #tpu.memory_space<hbm>>) dst(%arg4 : memref<4x4096xf32, #tpu.memory_space<vmem>>)
    %dma_wait3A_478 = arith.constant 0 : i32
    %dma_wait3A_479 = tpu.memref_slice %arg3[%add3A_411, %dma_wait3A_478] : memref<4096x4096xf32, #tpu.memory_space<hbm>> -> memref<4x4096xf32, #tpu.memory_space<hbm>>
    %dma_wait3A_480 = arith.constant 0 : i32
    %dma_wait3A_481 = tpu.memref_slice %arg3[%add3A_411, %dma_wait3A_480] : memref<4096x4096xf32, #tpu.memory_space<hbm>> -> memref<4x4096xf32, #tpu.memory_space<hbm>>
    tpu.wait_dma2 semaphore(%arg13 : memref<!tpu.dma_semaphore, #tpu.memory_space<semaphore_mem>>) src(%arg7 : memref<4x4096xf32, #tpu.memory_space<vmem>>) dst(%dma_wait3A_481 : memref<4x4096xf32, #tpu.memory_space<hbm>>)
    %scan3A_482 = arith.constant 0 : i32
    %scan3A_483 = arith.constant 0 : i32
    %scan3A_484 = arith.constant 256 : i32
    %scan3A_485 = arith.addi %scan3A_483, %scan3A_484 : i32
    %scan3A_486 = arith.constant 1 : i32
    scf.for %scan3A_832 = %scan3A_483 to %scan3A_485 step %scan3A_486  : i32 {
      %mul3A_833 = arith.constant 16 : i32
      %mul3A_834 = arith.muli %scan3A_832, %mul3A_833 : i32
      %get3A = arith.constant 0 : i32
      %get3A_835 = arith.index_cast %get3A : i32 to index
      %get3A_836 = arith.index_cast %mul3A_834 : i32 to index
      %get3A_837 = tpu.vector_load %arg4[%get3A_835, %get3A_836] {strides = array<i32>} : memref<4x4096xf32, #tpu.memory_space<vmem>>, vector<1x16xf32>,
      %get3A_838 = vector.shape_cast %get3A_837 : vector<1x16xf32> to vector<16xf32>
      %gt3A = arith.constant 5.000000e-01 : f32
      %gt3A_839 = vector.broadcast %gt3A : f32 to vector<16xf32>
      %gt3A_840 = arith.cmpf ogt, %get3A_838, %gt3A_839 : vector<16xf32>
      %jit3A = arith.constant 0.000000e+00 : f32
      %broadcast_in_dim3A = vector.broadcast %jit3A : f32 to vector<16xf32>
      %select_n3A = arith.select %gt3A_840, %get3A_838, %broadcast_in_dim3A : vector<16xi1>, vector<16xf32>
      %swap3A = arith.constant 0 : i32
      %swap3A_841 = arith.index_cast %swap3A : i32 to index
      %swap3A_842 = arith.index_cast %mul3A_834 : i32 to index
      %swap3A_843 = tpu.vector_load %arg7[%swap3A_841, %swap3A_842] {strides = array<i32>} : memref<4x4096xf32, #tpu.memory_space<vmem>>, vector<1x16xf32>,
      %swap3A_844 = vector.shape_cast %swap3A_843 : vector<1x16xf32> to vector<16xf32>
      %swap3A_845 = vector.shape_cast %select_n3A : vector<16xf32> to vector<1x16xf32>
      tpu.vector_store %arg7[%swap3A_841, %swap3A_842], %swap3A_845 {strides = array<i32>} : memref<4x4096xf32, #tpu.memory_space<vmem>>, vector<1x16xf32>,
      %get3A_846 = arith.constant 1 : i32
      %get3A_847 = arith.index_cast %get3A_846 : i32 to index
      %get3A_848 = arith.index_cast %mul3A_834 : i32 to index
      %get3A_849 = tpu.vector_load %arg4[%get3A_847, %get3A_848] {strides = array<i32>} : memref<4x4096xf32, #tpu.memory_space<vmem>>, vector<1x16xf32>,
      %get3A_850 = vector.shape_cast %get3A_849 : vector<1x16xf32> to vector<16xf32>
      %gt3A_851 = arith.constant 5.000000e-01 : f32
      %gt3A_852 = vector.broadcast %gt3A_851 : f32 to vector<16xf32>
      %gt3A_853 = arith.cmpf ogt, %get3A_850, %gt3A_852 : vector<16xf32>
      %jit3A_854 = arith.constant 0.000000e+00 : f32
      %broadcast_in_dim3A_855 = vector.broadcast %jit3A_854 : f32 to vector<16xf32>
      %select_n3A_856 = arith.select %gt3A_853, %get3A_850, %broadcast_in_dim3A_855 : vector<16xi1>, vector<16xf32>
      %swap3A_857 = arith.constant 1 : i32
      %swap3A_858 = arith.index_cast %swap3A_857 : i32 to index
      %swap3A_859 = arith.index_cast %mul3A_834 : i32 to index
      %swap3A_860 = tpu.vector_load %arg7[%swap3A_858, %swap3A_859] {strides = array<i32>} : memref<4x4096xf32, #tpu.memory_space<vmem>>, vector<1x16xf32>,
      %swap3A_861 = vector.shape_cast %swap3A_860 : vector<1x16xf32> to vector<16xf32>
      %swap3A_862 = vector.shape_cast %select_n3A_856 : vector<16xf32> to vector<1x16xf32>
      tpu.vector_store %arg7[%swap3A_858, %swap3A_859], %swap3A_862 {strides = array<i32>} : memref<4x4096xf32, #tpu.memory_space<vmem>>, vector<1x16xf32>,
      %get3A_863 = arith.constant 2 : i32
      %get3A_864 = arith.index_cast %get3A_863 : i32 to index
      %get3A_865 = arith.index_cast %mul3A_834 : i32 to index
      %get3A_866 = tpu.vector_load %arg4[%get3A_864, %get3A_865] {strides = array<i32>} : memref<4x4096xf32, #tpu.memory_space<vmem>>, vector<1x16xf32>,
      %get3A_867 = vector.shape_cast %get3A_866 : vector<1x16xf32> to vector<16xf32>
      %gt3A_868 = arith.constant 5.000000e-01 : f32
      %gt3A_869 = vector.broadcast %gt3A_868 : f32 to vector<16xf32>
      %gt3A_870 = arith.cmpf ogt, %get3A_867, %gt3A_869 : vector<16xf32>
      %jit3A_871 = arith.constant 0.000000e+00 : f32
      %broadcast_in_dim3A_872 = vector.broadcast %jit3A_871 : f32 to vector<16xf32>
      %select_n3A_873 = arith.select %gt3A_870, %get3A_867, %broadcast_in_dim3A_872 : vector<16xi1>, vector<16xf32>
      %swap3A_874 = arith.constant 2 : i32
      %swap3A_875 = arith.index_cast %swap3A_874 : i32 to index
      %swap3A_876 = arith.index_cast %mul3A_834 : i32 to index
      %swap3A_877 = tpu.vector_load %arg7[%swap3A_875, %swap3A_876] {strides = array<i32>} : memref<4x4096xf32, #tpu.memory_space<vmem>>, vector<1x16xf32>,
      %swap3A_878 = vector.shape_cast %swap3A_877 : vector<1x16xf32> to vector<16xf32>
      %swap3A_879 = vector.shape_cast %select_n3A_873 : vector<16xf32> to vector<1x16xf32>
      tpu.vector_store %arg7[%swap3A_875, %swap3A_876], %swap3A_879 {strides = array<i32>} : memref<4x4096xf32, #tpu.memory_space<vmem>>, vector<1x16xf32>,
      %get3A_880 = arith.constant 3 : i32
      %get3A_881 = arith.index_cast %get3A_880 : i32 to index
      %get3A_882 = arith.index_cast %mul3A_834 : i32 to index
      %get3A_883 = tpu.vector_load %arg4[%get3A_881, %get3A_882] {strides = array<i32>} : memref<4x4096xf32, #tpu.memory_space<vmem>>, vector<1x16xf32>,
      %get3A_884 = vector.shape_cast %get3A_883 : vector<1x16xf32> to vector<16xf32>
      %gt3A_885 = arith.constant 5.000000e-01 : f32
      %gt3A_886 = vector.broadcast %gt3A_885 : f32 to vector<16xf32>
      %gt3A_887 = arith.cmpf ogt, %get3A_884, %gt3A_886 : vector<16xf32>
      %jit3A_888 = arith.constant 0.000000e+00 : f32
      %broadcast_in_dim3A_889 = vector.broadcast %jit3A_888 : f32 to vector<16xf32>
      %select_n3A_890 = arith.select %gt3A_887, %get3A_884, %broadcast_in_dim3A_889 : vector<16xi1>, vector<16xf32>
      %swap3A_891 = arith.constant 3 : i32
      %swap3A_892 = arith.index_cast %swap3A_891 : i32 to index
      %swap3A_893 = arith.index_cast %mul3A_834 : i32 to index
      %swap3A_894 = tpu.vector_load %arg7[%swap3A_892, %swap3A_893] {strides = array<i32>} : memref<4x4096xf32, #tpu.memory_space<vmem>>, vector<1x16xf32>,
      %swap3A_895 = vector.shape_cast %swap3A_894 : vector<1x16xf32> to vector<16xf32>
      %swap3A_896 = vector.shape_cast %select_n3A_890 : vector<16xf32> to vector<1x16xf32>
      tpu.vector_store %arg7[%swap3A_892, %swap3A_893], %swap3A_896 {strides = array<i32>} : memref<4x4096xf32, #tpu.memory_space<vmem>>, vector<1x16xf32>,
    }
    %scan3A_487 = arith.constant 256 : i32
    %add3A_488 = arith.constant 72 : i32
    %add3A_489 = arith.addi %mul3A_2, %add3A_488 : i32
    %dma_start3A_490 = arith.constant 0 : i32
    %dma_start3A_491 = tpu.memref_slice %arg3[%add3A_489, %dma_start3A_490] : memref<4096x4096xf32, #tpu.memory_space<hbm>> -> memref<4x4096xf32, #tpu.memory_space<hbm>>
    %dma_start3A_492 = arith.constant 0 : i32
    %dma_start3A_493 = tpu.memref_slice %arg3[%add3A_489, %dma_start3A_492] : memref<4096x4096xf32, #tpu.memory_space<hbm>> -> memref<4x4096xf32, #tpu.memory_space<hbm>>
    tpu.enqueue_dma source(%arg7 : memref<4x4096xf32, #tpu.memory_space<vmem>>) target(%dma_start3A_493 : memref<4x4096xf32, #tpu.memory_space<hbm>>) target_semaphore(%arg13 : memref<!tpu.dma_semaphore, #tpu.memory_space<semaphore_mem>>)
    %add3A_494 = arith.constant 84 : i32
    %add3A_495 = arith.addi %mul3A_2, %add3A_494 : i32
    %dma_start3A_496 = arith.constant 0 : i32
    %dma_start3A_497 = tpu.memref_slice %arg2[%add3A_495, %dma_start3A_496] : memref<4096x4096xf32, #tpu.memory_space<hbm>> -> memref<4x4096xf32, #tpu.memory_space<hbm>>
    %dma_start3A_498 = arith.constant 0 : i32
    %dma_start3A_499 = tpu.memref_slice %arg2[%add3A_495, %dma_start3A_498] : memref<4096x4096xf32, #tpu.memory_space<hbm>> -> memref<4x4096xf32, #tpu.memory_space<hbm>>
    tpu.enqueue_dma source(%dma_start3A_499 : memref<4x4096xf32, #tpu.memory_space<hbm>>) target(%arg4 : memref<4x4096xf32, #tpu.memory_space<vmem>>) target_semaphore(%arg10 : memref<!tpu.dma_semaphore, #tpu.memory_space<semaphore_mem>>)
    %dma_wait3A_500 = arith.constant 0 : i32
    %dma_wait3A_501 = tpu.memref_slice %arg2[%add3A_443, %dma_wait3A_500] : memref<4096x4096xf32, #tpu.memory_space<hbm>> -> memref<4x4096xf32, #tpu.memory_space<hbm>>
    %dma_wait3A_502 = arith.constant 0 : i32
    %dma_wait3A_503 = tpu.memref_slice %arg2[%add3A_443, %dma_wait3A_502] : memref<4096x4096xf32, #tpu.memory_space<hbm>> -> memref<4x4096xf32, #tpu.memory_space<hbm>>
    tpu.wait_dma2 semaphore(%arg11 : memref<!tpu.dma_semaphore, #tpu.memory_space<semaphore_mem>>) src(%dma_wait3A_503 : memref<4x4096xf32, #tpu.memory_space<hbm>>) dst(%arg5 : memref<4x4096xf32, #tpu.memory_space<vmem>>)
    %dma_wait3A_504 = arith.constant 0 : i32
    %dma_wait3A_505 = tpu.memref_slice %arg3[%add3A_437, %dma_wait3A_504] : memref<4096x4096xf32, #tpu.memory_space<hbm>> -> memref<4x4096xf32, #tpu.memory_space<hbm>>
    %dma_wait3A_506 = arith.constant 0 : i32
    %dma_wait3A_507 = tpu.memref_slice %arg3[%add3A_437, %dma_wait3A_506] : memref<4096x4096xf32, #tpu.memory_space<hbm>> -> memref<4x4096xf32, #tpu.memory_space<hbm>>
    tpu.wait_dma2 semaphore(%arg14 : memref<!tpu.dma_semaphore, #tpu.memory_space<semaphore_mem>>) src(%arg8 : memref<4x4096xf32, #tpu.memory_space<vmem>>) dst(%dma_wait3A_507 : memref<4x4096xf32, #tpu.memory_space<hbm>>)
    %scan3A_508 = arith.constant 0 : i32
    %scan3A_509 = arith.constant 0 : i32
    %scan3A_510 = arith.constant 256 : i32
    %scan3A_511 = arith.addi %scan3A_509, %scan3A_510 : i32
    %scan3A_512 = arith.constant 1 : i32
    scf.for %scan3A_832 = %scan3A_509 to %scan3A_511 step %scan3A_512  : i32 {
      %mul3A_833 = arith.constant 16 : i32
      %mul3A_834 = arith.muli %scan3A_832, %mul3A_833 : i32
      %get3A = arith.constant 0 : i32
      %get3A_835 = arith.index_cast %get3A : i32 to index
      %get3A_836 = arith.index_cast %mul3A_834 : i32 to index
      %get3A_837 = tpu.vector_load %arg5[%get3A_835, %get3A_836] {strides = array<i32>} : memref<4x4096xf32, #tpu.memory_space<vmem>>, vector<1x16xf32>,
      %get3A_838 = vector.shape_cast %get3A_837 : vector<1x16xf32> to vector<16xf32>
      %gt3A = arith.constant 5.000000e-01 : f32
      %gt3A_839 = vector.broadcast %gt3A : f32 to vector<16xf32>
      %gt3A_840 = arith.cmpf ogt, %get3A_838, %gt3A_839 : vector<16xf32>
      %jit3A = arith.constant 0.000000e+00 : f32
      %broadcast_in_dim3A = vector.broadcast %jit3A : f32 to vector<16xf32>
      %select_n3A = arith.select %gt3A_840, %get3A_838, %broadcast_in_dim3A : vector<16xi1>, vector<16xf32>
      %swap3A = arith.constant 0 : i32
      %swap3A_841 = arith.index_cast %swap3A : i32 to index
      %swap3A_842 = arith.index_cast %mul3A_834 : i32 to index
      %swap3A_843 = tpu.vector_load %arg8[%swap3A_841, %swap3A_842] {strides = array<i32>} : memref<4x4096xf32, #tpu.memory_space<vmem>>, vector<1x16xf32>,
      %swap3A_844 = vector.shape_cast %swap3A_843 : vector<1x16xf32> to vector<16xf32>
      %swap3A_845 = vector.shape_cast %select_n3A : vector<16xf32> to vector<1x16xf32>
      tpu.vector_store %arg8[%swap3A_841, %swap3A_842], %swap3A_845 {strides = array<i32>} : memref<4x4096xf32, #tpu.memory_space<vmem>>, vector<1x16xf32>,
      %get3A_846 = arith.constant 1 : i32
      %get3A_847 = arith.index_cast %get3A_846 : i32 to index
      %get3A_848 = arith.index_cast %mul3A_834 : i32 to index
      %get3A_849 = tpu.vector_load %arg5[%get3A_847, %get3A_848] {strides = array<i32>} : memref<4x4096xf32, #tpu.memory_space<vmem>>, vector<1x16xf32>,
      %get3A_850 = vector.shape_cast %get3A_849 : vector<1x16xf32> to vector<16xf32>
      %gt3A_851 = arith.constant 5.000000e-01 : f32
      %gt3A_852 = vector.broadcast %gt3A_851 : f32 to vector<16xf32>
      %gt3A_853 = arith.cmpf ogt, %get3A_850, %gt3A_852 : vector<16xf32>
      %jit3A_854 = arith.constant 0.000000e+00 : f32
      %broadcast_in_dim3A_855 = vector.broadcast %jit3A_854 : f32 to vector<16xf32>
      %select_n3A_856 = arith.select %gt3A_853, %get3A_850, %broadcast_in_dim3A_855 : vector<16xi1>, vector<16xf32>
      %swap3A_857 = arith.constant 1 : i32
      %swap3A_858 = arith.index_cast %swap3A_857 : i32 to index
      %swap3A_859 = arith.index_cast %mul3A_834 : i32 to index
      %swap3A_860 = tpu.vector_load %arg8[%swap3A_858, %swap3A_859] {strides = array<i32>} : memref<4x4096xf32, #tpu.memory_space<vmem>>, vector<1x16xf32>,
      %swap3A_861 = vector.shape_cast %swap3A_860 : vector<1x16xf32> to vector<16xf32>
      %swap3A_862 = vector.shape_cast %select_n3A_856 : vector<16xf32> to vector<1x16xf32>
      tpu.vector_store %arg8[%swap3A_858, %swap3A_859], %swap3A_862 {strides = array<i32>} : memref<4x4096xf32, #tpu.memory_space<vmem>>, vector<1x16xf32>,
      %get3A_863 = arith.constant 2 : i32
      %get3A_864 = arith.index_cast %get3A_863 : i32 to index
      %get3A_865 = arith.index_cast %mul3A_834 : i32 to index
      %get3A_866 = tpu.vector_load %arg5[%get3A_864, %get3A_865] {strides = array<i32>} : memref<4x4096xf32, #tpu.memory_space<vmem>>, vector<1x16xf32>,
      %get3A_867 = vector.shape_cast %get3A_866 : vector<1x16xf32> to vector<16xf32>
      %gt3A_868 = arith.constant 5.000000e-01 : f32
      %gt3A_869 = vector.broadcast %gt3A_868 : f32 to vector<16xf32>
      %gt3A_870 = arith.cmpf ogt, %get3A_867, %gt3A_869 : vector<16xf32>
      %jit3A_871 = arith.constant 0.000000e+00 : f32
      %broadcast_in_dim3A_872 = vector.broadcast %jit3A_871 : f32 to vector<16xf32>
      %select_n3A_873 = arith.select %gt3A_870, %get3A_867, %broadcast_in_dim3A_872 : vector<16xi1>, vector<16xf32>
      %swap3A_874 = arith.constant 2 : i32
      %swap3A_875 = arith.index_cast %swap3A_874 : i32 to index
      %swap3A_876 = arith.index_cast %mul3A_834 : i32 to index
      %swap3A_877 = tpu.vector_load %arg8[%swap3A_875, %swap3A_876] {strides = array<i32>} : memref<4x4096xf32, #tpu.memory_space<vmem>>, vector<1x16xf32>,
      %swap3A_878 = vector.shape_cast %swap3A_877 : vector<1x16xf32> to vector<16xf32>
      %swap3A_879 = vector.shape_cast %select_n3A_873 : vector<16xf32> to vector<1x16xf32>
      tpu.vector_store %arg8[%swap3A_875, %swap3A_876], %swap3A_879 {strides = array<i32>} : memref<4x4096xf32, #tpu.memory_space<vmem>>, vector<1x16xf32>,
      %get3A_880 = arith.constant 3 : i32
      %get3A_881 = arith.index_cast %get3A_880 : i32 to index
      %get3A_882 = arith.index_cast %mul3A_834 : i32 to index
      %get3A_883 = tpu.vector_load %arg5[%get3A_881, %get3A_882] {strides = array<i32>} : memref<4x4096xf32, #tpu.memory_space<vmem>>, vector<1x16xf32>,
      %get3A_884 = vector.shape_cast %get3A_883 : vector<1x16xf32> to vector<16xf32>
      %gt3A_885 = arith.constant 5.000000e-01 : f32
      %gt3A_886 = vector.broadcast %gt3A_885 : f32 to vector<16xf32>
      %gt3A_887 = arith.cmpf ogt, %get3A_884, %gt3A_886 : vector<16xf32>
      %jit3A_888 = arith.constant 0.000000e+00 : f32
      %broadcast_in_dim3A_889 = vector.broadcast %jit3A_888 : f32 to vector<16xf32>
      %select_n3A_890 = arith.select %gt3A_887, %get3A_884, %broadcast_in_dim3A_889 : vector<16xi1>, vector<16xf32>
      %swap3A_891 = arith.constant 3 : i32
      %swap3A_892 = arith.index_cast %swap3A_891 : i32 to index
      %swap3A_893 = arith.index_cast %mul3A_834 : i32 to index
      %swap3A_894 = tpu.vector_load %arg8[%swap3A_892, %swap3A_893] {strides = array<i32>} : memref<4x4096xf32, #tpu.memory_space<vmem>>, vector<1x16xf32>,
      %swap3A_895 = vector.shape_cast %swap3A_894 : vector<1x16xf32> to vector<16xf32>
      %swap3A_896 = vector.shape_cast %select_n3A_890 : vector<16xf32> to vector<1x16xf32>
      tpu.vector_store %arg8[%swap3A_892, %swap3A_893], %swap3A_896 {strides = array<i32>} : memref<4x4096xf32, #tpu.memory_space<vmem>>, vector<1x16xf32>,
    }
    %scan3A_513 = arith.constant 256 : i32
    %add3A_514 = arith.constant 76 : i32
    %add3A_515 = arith.addi %mul3A_2, %add3A_514 : i32
    %dma_start3A_516 = arith.constant 0 : i32
    %dma_start3A_517 = tpu.memref_slice %arg3[%add3A_515, %dma_start3A_516] : memref<4096x4096xf32, #tpu.memory_space<hbm>> -> memref<4x4096xf32, #tpu.memory_space<hbm>>
    %dma_start3A_518 = arith.constant 0 : i32
    %dma_start3A_519 = tpu.memref_slice %arg3[%add3A_515, %dma_start3A_518] : memref<4096x4096xf32, #tpu.memory_space<hbm>> -> memref<4x4096xf32, #tpu.memory_space<hbm>>
    tpu.enqueue_dma source(%arg8 : memref<4x4096xf32, #tpu.memory_space<vmem>>) target(%dma_start3A_519 : memref<4x4096xf32, #tpu.memory_space<hbm>>) target_semaphore(%arg14 : memref<!tpu.dma_semaphore, #tpu.memory_space<semaphore_mem>>)
    %add3A_520 = arith.constant 88 : i32
    %add3A_521 = arith.addi %mul3A_2, %add3A_520 : i32
    %dma_start3A_522 = arith.constant 0 : i32
    %dma_start3A_523 = tpu.memref_slice %arg2[%add3A_521, %dma_start3A_522] : memref<4096x4096xf32, #tpu.memory_space<hbm>> -> memref<4x4096xf32, #tpu.memory_space<hbm>>
    %dma_start3A_524 = arith.constant 0 : i32
    %dma_start3A_525 = tpu.memref_slice %arg2[%add3A_521, %dma_start3A_524] : memref<4096x4096xf32, #tpu.memory_space<hbm>> -> memref<4x4096xf32, #tpu.memory_space<hbm>>
    tpu.enqueue_dma source(%dma_start3A_525 : memref<4x4096xf32, #tpu.memory_space<hbm>>) target(%arg5 : memref<4x4096xf32, #tpu.memory_space<vmem>>) target_semaphore(%arg11 : memref<!tpu.dma_semaphore, #tpu.memory_space<semaphore_mem>>)
    %dma_wait3A_526 = arith.constant 0 : i32
    %dma_wait3A_527 = tpu.memref_slice %arg2[%add3A_469, %dma_wait3A_526] : memref<4096x4096xf32, #tpu.memory_space<hbm>> -> memref<4x4096xf32, #tpu.memory_space<hbm>>
    %dma_wait3A_528 = arith.constant 0 : i32
    %dma_wait3A_529 = tpu.memref_slice %arg2[%add3A_469, %dma_wait3A_528] : memref<4096x4096xf32, #tpu.memory_space<hbm>> -> memref<4x4096xf32, #tpu.memory_space<hbm>>
    tpu.wait_dma2 semaphore(%arg12 : memref<!tpu.dma_semaphore, #tpu.memory_space<semaphore_mem>>) src(%dma_wait3A_529 : memref<4x4096xf32, #tpu.memory_space<hbm>>) dst(%arg6 : memref<4x4096xf32, #tpu.memory_space<vmem>>)
    %dma_wait3A_530 = arith.constant 0 : i32
    %dma_wait3A_531 = tpu.memref_slice %arg3[%add3A_463, %dma_wait3A_530] : memref<4096x4096xf32, #tpu.memory_space<hbm>> -> memref<4x4096xf32, #tpu.memory_space<hbm>>
    %dma_wait3A_532 = arith.constant 0 : i32
    %dma_wait3A_533 = tpu.memref_slice %arg3[%add3A_463, %dma_wait3A_532] : memref<4096x4096xf32, #tpu.memory_space<hbm>> -> memref<4x4096xf32, #tpu.memory_space<hbm>>
    tpu.wait_dma2 semaphore(%arg15 : memref<!tpu.dma_semaphore, #tpu.memory_space<semaphore_mem>>) src(%arg9 : memref<4x4096xf32, #tpu.memory_space<vmem>>) dst(%dma_wait3A_533 : memref<4x4096xf32, #tpu.memory_space<hbm>>)
    %scan3A_534 = arith.constant 0 : i32
    %scan3A_535 = arith.constant 0 : i32
    %scan3A_536 = arith.constant 256 : i32
    %scan3A_537 = arith.addi %scan3A_535, %scan3A_536 : i32
    %scan3A_538 = arith.constant 1 : i32
    scf.for %scan3A_832 = %scan3A_535 to %scan3A_537 step %scan3A_538  : i32 {
      %mul3A_833 = arith.constant 16 : i32
      %mul3A_834 = arith.muli %scan3A_832, %mul3A_833 : i32
      %get3A = arith.constant 0 : i32
      %get3A_835 = arith.index_cast %get3A : i32 to index
      %get3A_836 = arith.index_cast %mul3A_834 : i32 to index
      %get3A_837 = tpu.vector_load %arg6[%get3A_835, %get3A_836] {strides = array<i32>} : memref<4x4096xf32, #tpu.memory_space<vmem>>, vector<1x16xf32>,
      %get3A_838 = vector.shape_cast %get3A_837 : vector<1x16xf32> to vector<16xf32>
      %gt3A = arith.constant 5.000000e-01 : f32
      %gt3A_839 = vector.broadcast %gt3A : f32 to vector<16xf32>
      %gt3A_840 = arith.cmpf ogt, %get3A_838, %gt3A_839 : vector<16xf32>
      %jit3A = arith.constant 0.000000e+00 : f32
      %broadcast_in_dim3A = vector.broadcast %jit3A : f32 to vector<16xf32>
      %select_n3A = arith.select %gt3A_840, %get3A_838, %broadcast_in_dim3A : vector<16xi1>, vector<16xf32>
      %swap3A = arith.constant 0 : i32
      %swap3A_841 = arith.index_cast %swap3A : i32 to index
      %swap3A_842 = arith.index_cast %mul3A_834 : i32 to index
      %swap3A_843 = tpu.vector_load %arg9[%swap3A_841, %swap3A_842] {strides = array<i32>} : memref<4x4096xf32, #tpu.memory_space<vmem>>, vector<1x16xf32>,
      %swap3A_844 = vector.shape_cast %swap3A_843 : vector<1x16xf32> to vector<16xf32>
      %swap3A_845 = vector.shape_cast %select_n3A : vector<16xf32> to vector<1x16xf32>
      tpu.vector_store %arg9[%swap3A_841, %swap3A_842], %swap3A_845 {strides = array<i32>} : memref<4x4096xf32, #tpu.memory_space<vmem>>, vector<1x16xf32>,
      %get3A_846 = arith.constant 1 : i32
      %get3A_847 = arith.index_cast %get3A_846 : i32 to index
      %get3A_848 = arith.index_cast %mul3A_834 : i32 to index
      %get3A_849 = tpu.vector_load %arg6[%get3A_847, %get3A_848] {strides = array<i32>} : memref<4x4096xf32, #tpu.memory_space<vmem>>, vector<1x16xf32>,
      %get3A_850 = vector.shape_cast %get3A_849 : vector<1x16xf32> to vector<16xf32>
      %gt3A_851 = arith.constant 5.000000e-01 : f32
      %gt3A_852 = vector.broadcast %gt3A_851 : f32 to vector<16xf32>
      %gt3A_853 = arith.cmpf ogt, %get3A_850, %gt3A_852 : vector<16xf32>
      %jit3A_854 = arith.constant 0.000000e+00 : f32
      %broadcast_in_dim3A_855 = vector.broadcast %jit3A_854 : f32 to vector<16xf32>
      %select_n3A_856 = arith.select %gt3A_853, %get3A_850, %broadcast_in_dim3A_855 : vector<16xi1>, vector<16xf32>
      %swap3A_857 = arith.constant 1 : i32
      %swap3A_858 = arith.index_cast %swap3A_857 : i32 to index
      %swap3A_859 = arith.index_cast %mul3A_834 : i32 to index
      %swap3A_860 = tpu.vector_load %arg9[%swap3A_858, %swap3A_859] {strides = array<i32>} : memref<4x4096xf32, #tpu.memory_space<vmem>>, vector<1x16xf32>,
      %swap3A_861 = vector.shape_cast %swap3A_860 : vector<1x16xf32> to vector<16xf32>
      %swap3A_862 = vector.shape_cast %select_n3A_856 : vector<16xf32> to vector<1x16xf32>
      tpu.vector_store %arg9[%swap3A_858, %swap3A_859], %swap3A_862 {strides = array<i32>} : memref<4x4096xf32, #tpu.memory_space<vmem>>, vector<1x16xf32>,
      %get3A_863 = arith.constant 2 : i32
      %get3A_864 = arith.index_cast %get3A_863 : i32 to index
      %get3A_865 = arith.index_cast %mul3A_834 : i32 to index
      %get3A_866 = tpu.vector_load %arg6[%get3A_864, %get3A_865] {strides = array<i32>} : memref<4x4096xf32, #tpu.memory_space<vmem>>, vector<1x16xf32>,
      %get3A_867 = vector.shape_cast %get3A_866 : vector<1x16xf32> to vector<16xf32>
      %gt3A_868 = arith.constant 5.000000e-01 : f32
      %gt3A_869 = vector.broadcast %gt3A_868 : f32 to vector<16xf32>
      %gt3A_870 = arith.cmpf ogt, %get3A_867, %gt3A_869 : vector<16xf32>
      %jit3A_871 = arith.constant 0.000000e+00 : f32
      %broadcast_in_dim3A_872 = vector.broadcast %jit3A_871 : f32 to vector<16xf32>
      %select_n3A_873 = arith.select %gt3A_870, %get3A_867, %broadcast_in_dim3A_872 : vector<16xi1>, vector<16xf32>
      %swap3A_874 = arith.constant 2 : i32
      %swap3A_875 = arith.index_cast %swap3A_874 : i32 to index
      %swap3A_876 = arith.index_cast %mul3A_834 : i32 to index
      %swap3A_877 = tpu.vector_load %arg9[%swap3A_875, %swap3A_876] {strides = array<i32>} : memref<4x4096xf32, #tpu.memory_space<vmem>>, vector<1x16xf32>,
      %swap3A_878 = vector.shape_cast %swap3A_877 : vector<1x16xf32> to vector<16xf32>
      %swap3A_879 = vector.shape_cast %select_n3A_873 : vector<16xf32> to vector<1x16xf32>
      tpu.vector_store %arg9[%swap3A_875, %swap3A_876], %swap3A_879 {strides = array<i32>} : memref<4x4096xf32, #tpu.memory_space<vmem>>, vector<1x16xf32>,
      %get3A_880 = arith.constant 3 : i32
      %get3A_881 = arith.index_cast %get3A_880 : i32 to index
      %get3A_882 = arith.index_cast %mul3A_834 : i32 to index
      %get3A_883 = tpu.vector_load %arg6[%get3A_881, %get3A_882] {strides = array<i32>} : memref<4x4096xf32, #tpu.memory_space<vmem>>, vector<1x16xf32>,
      %get3A_884 = vector.shape_cast %get3A_883 : vector<1x16xf32> to vector<16xf32>
      %gt3A_885 = arith.constant 5.000000e-01 : f32
      %gt3A_886 = vector.broadcast %gt3A_885 : f32 to vector<16xf32>
      %gt3A_887 = arith.cmpf ogt, %get3A_884, %gt3A_886 : vector<16xf32>
      %jit3A_888 = arith.constant 0.000000e+00 : f32
      %broadcast_in_dim3A_889 = vector.broadcast %jit3A_888 : f32 to vector<16xf32>
      %select_n3A_890 = arith.select %gt3A_887, %get3A_884, %broadcast_in_dim3A_889 : vector<16xi1>, vector<16xf32>
      %swap3A_891 = arith.constant 3 : i32
      %swap3A_892 = arith.index_cast %swap3A_891 : i32 to index
      %swap3A_893 = arith.index_cast %mul3A_834 : i32 to index
      %swap3A_894 = tpu.vector_load %arg9[%swap3A_892, %swap3A_893] {strides = array<i32>} : memref<4x4096xf32, #tpu.memory_space<vmem>>, vector<1x16xf32>,
      %swap3A_895 = vector.shape_cast %swap3A_894 : vector<1x16xf32> to vector<16xf32>
      %swap3A_896 = vector.shape_cast %select_n3A_890 : vector<16xf32> to vector<1x16xf32>
      tpu.vector_store %arg9[%swap3A_892, %swap3A_893], %swap3A_896 {strides = array<i32>} : memref<4x4096xf32, #tpu.memory_space<vmem>>, vector<1x16xf32>,
    }
    %scan3A_539 = arith.constant 256 : i32
    %add3A_540 = arith.constant 80 : i32
    %add3A_541 = arith.addi %mul3A_2, %add3A_540 : i32
    %dma_start3A_542 = arith.constant 0 : i32
    %dma_start3A_543 = tpu.memref_slice %arg3[%add3A_541, %dma_start3A_542] : memref<4096x4096xf32, #tpu.memory_space<hbm>> -> memref<4x4096xf32, #tpu.memory_space<hbm>>
    %dma_start3A_544 = arith.constant 0 : i32
    %dma_start3A_545 = tpu.memref_slice %arg3[%add3A_541, %dma_start3A_544] : memref<4096x4096xf32, #tpu.memory_space<hbm>> -> memref<4x4096xf32, #tpu.memory_space<hbm>>
    tpu.enqueue_dma source(%arg9 : memref<4x4096xf32, #tpu.memory_space<vmem>>) target(%dma_start3A_545 : memref<4x4096xf32, #tpu.memory_space<hbm>>) target_semaphore(%arg15 : memref<!tpu.dma_semaphore, #tpu.memory_space<semaphore_mem>>)
    %add3A_546 = arith.constant 92 : i32
    %add3A_547 = arith.addi %mul3A_2, %add3A_546 : i32
    %dma_start3A_548 = arith.constant 0 : i32
    %dma_start3A_549 = tpu.memref_slice %arg2[%add3A_547, %dma_start3A_548] : memref<4096x4096xf32, #tpu.memory_space<hbm>> -> memref<4x4096xf32, #tpu.memory_space<hbm>>
    %dma_start3A_550 = arith.constant 0 : i32
    %dma_start3A_551 = tpu.memref_slice %arg2[%add3A_547, %dma_start3A_550] : memref<4096x4096xf32, #tpu.memory_space<hbm>> -> memref<4x4096xf32, #tpu.memory_space<hbm>>
    tpu.enqueue_dma source(%dma_start3A_551 : memref<4x4096xf32, #tpu.memory_space<hbm>>) target(%arg6 : memref<4x4096xf32, #tpu.memory_space<vmem>>) target_semaphore(%arg12 : memref<!tpu.dma_semaphore, #tpu.memory_space<semaphore_mem>>)
    %dma_wait3A_552 = arith.constant 0 : i32
    %dma_wait3A_553 = tpu.memref_slice %arg2[%add3A_495, %dma_wait3A_552] : memref<4096x4096xf32, #tpu.memory_space<hbm>> -> memref<4x4096xf32, #tpu.memory_space<hbm>>
    %dma_wait3A_554 = arith.constant 0 : i32
    %dma_wait3A_555 = tpu.memref_slice %arg2[%add3A_495, %dma_wait3A_554] : memref<4096x4096xf32, #tpu.memory_space<hbm>> -> memref<4x4096xf32, #tpu.memory_space<hbm>>
    tpu.wait_dma2 semaphore(%arg10 : memref<!tpu.dma_semaphore, #tpu.memory_space<semaphore_mem>>) src(%dma_wait3A_555 : memref<4x4096xf32, #tpu.memory_space<hbm>>) dst(%arg4 : memref<4x4096xf32, #tpu.memory_space<vmem>>)
    %dma_wait3A_556 = arith.constant 0 : i32
    %dma_wait3A_557 = tpu.memref_slice %arg3[%add3A_489, %dma_wait3A_556] : memref<4096x4096xf32, #tpu.memory_space<hbm>> -> memref<4x4096xf32, #tpu.memory_space<hbm>>
    %dma_wait3A_558 = arith.constant 0 : i32
    %dma_wait3A_559 = tpu.memref_slice %arg3[%add3A_489, %dma_wait3A_558] : memref<4096x4096xf32, #tpu.memory_space<hbm>> -> memref<4x4096xf32, #tpu.memory_space<hbm>>
    tpu.wait_dma2 semaphore(%arg13 : memref<!tpu.dma_semaphore, #tpu.memory_space<semaphore_mem>>) src(%arg7 : memref<4x4096xf32, #tpu.memory_space<vmem>>) dst(%dma_wait3A_559 : memref<4x4096xf32, #tpu.memory_space<hbm>>)
    %scan3A_560 = arith.constant 0 : i32
    %scan3A_561 = arith.constant 0 : i32
    %scan3A_562 = arith.constant 256 : i32
    %scan3A_563 = arith.addi %scan3A_561, %scan3A_562 : i32
    %scan3A_564 = arith.constant 1 : i32
    scf.for %scan3A_832 = %scan3A_561 to %scan3A_563 step %scan3A_564  : i32 {
      %mul3A_833 = arith.constant 16 : i32
      %mul3A_834 = arith.muli %scan3A_832, %mul3A_833 : i32
      %get3A = arith.constant 0 : i32
      %get3A_835 = arith.index_cast %get3A : i32 to index
      %get3A_836 = arith.index_cast %mul3A_834 : i32 to index
      %get3A_837 = tpu.vector_load %arg4[%get3A_835, %get3A_836] {strides = array<i32>} : memref<4x4096xf32, #tpu.memory_space<vmem>>, vector<1x16xf32>,
      %get3A_838 = vector.shape_cast %get3A_837 : vector<1x16xf32> to vector<16xf32>
      %gt3A = arith.constant 5.000000e-01 : f32
      %gt3A_839 = vector.broadcast %gt3A : f32 to vector<16xf32>
      %gt3A_840 = arith.cmpf ogt, %get3A_838, %gt3A_839 : vector<16xf32>
      %jit3A = arith.constant 0.000000e+00 : f32
      %broadcast_in_dim3A = vector.broadcast %jit3A : f32 to vector<16xf32>
      %select_n3A = arith.select %gt3A_840, %get3A_838, %broadcast_in_dim3A : vector<16xi1>, vector<16xf32>
      %swap3A = arith.constant 0 : i32
      %swap3A_841 = arith.index_cast %swap3A : i32 to index
      %swap3A_842 = arith.index_cast %mul3A_834 : i32 to index
      %swap3A_843 = tpu.vector_load %arg7[%swap3A_841, %swap3A_842] {strides = array<i32>} : memref<4x4096xf32, #tpu.memory_space<vmem>>, vector<1x16xf32>,
      %swap3A_844 = vector.shape_cast %swap3A_843 : vector<1x16xf32> to vector<16xf32>
      %swap3A_845 = vector.shape_cast %select_n3A : vector<16xf32> to vector<1x16xf32>
      tpu.vector_store %arg7[%swap3A_841, %swap3A_842], %swap3A_845 {strides = array<i32>} : memref<4x4096xf32, #tpu.memory_space<vmem>>, vector<1x16xf32>,
      %get3A_846 = arith.constant 1 : i32
      %get3A_847 = arith.index_cast %get3A_846 : i32 to index
      %get3A_848 = arith.index_cast %mul3A_834 : i32 to index
      %get3A_849 = tpu.vector_load %arg4[%get3A_847, %get3A_848] {strides = array<i32>} : memref<4x4096xf32, #tpu.memory_space<vmem>>, vector<1x16xf32>,
      %get3A_850 = vector.shape_cast %get3A_849 : vector<1x16xf32> to vector<16xf32>
      %gt3A_851 = arith.constant 5.000000e-01 : f32
      %gt3A_852 = vector.broadcast %gt3A_851 : f32 to vector<16xf32>
      %gt3A_853 = arith.cmpf ogt, %get3A_850, %gt3A_852 : vector<16xf32>
      %jit3A_854 = arith.constant 0.000000e+00 : f32
      %broadcast_in_dim3A_855 = vector.broadcast %jit3A_854 : f32 to vector<16xf32>
      %select_n3A_856 = arith.select %gt3A_853, %get3A_850, %broadcast_in_dim3A_855 : vector<16xi1>, vector<16xf32>
      %swap3A_857 = arith.constant 1 : i32
      %swap3A_858 = arith.index_cast %swap3A_857 : i32 to index
      %swap3A_859 = arith.index_cast %mul3A_834 : i32 to index
      %swap3A_860 = tpu.vector_load %arg7[%swap3A_858, %swap3A_859] {strides = array<i32>} : memref<4x4096xf32, #tpu.memory_space<vmem>>, vector<1x16xf32>,
      %swap3A_861 = vector.shape_cast %swap3A_860 : vector<1x16xf32> to vector<16xf32>
      %swap3A_862 = vector.shape_cast %select_n3A_856 : vector<16xf32> to vector<1x16xf32>
      tpu.vector_store %arg7[%swap3A_858, %swap3A_859], %swap3A_862 {strides = array<i32>} : memref<4x4096xf32, #tpu.memory_space<vmem>>, vector<1x16xf32>,
      %get3A_863 = arith.constant 2 : i32
      %get3A_864 = arith.index_cast %get3A_863 : i32 to index
      %get3A_865 = arith.index_cast %mul3A_834 : i32 to index
      %get3A_866 = tpu.vector_load %arg4[%get3A_864, %get3A_865] {strides = array<i32>} : memref<4x4096xf32, #tpu.memory_space<vmem>>, vector<1x16xf32>,
      %get3A_867 = vector.shape_cast %get3A_866 : vector<1x16xf32> to vector<16xf32>
      %gt3A_868 = arith.constant 5.000000e-01 : f32
      %gt3A_869 = vector.broadcast %gt3A_868 : f32 to vector<16xf32>
      %gt3A_870 = arith.cmpf ogt, %get3A_867, %gt3A_869 : vector<16xf32>
      %jit3A_871 = arith.constant 0.000000e+00 : f32
      %broadcast_in_dim3A_872 = vector.broadcast %jit3A_871 : f32 to vector<16xf32>
      %select_n3A_873 = arith.select %gt3A_870, %get3A_867, %broadcast_in_dim3A_872 : vector<16xi1>, vector<16xf32>
      %swap3A_874 = arith.constant 2 : i32
      %swap3A_875 = arith.index_cast %swap3A_874 : i32 to index
      %swap3A_876 = arith.index_cast %mul3A_834 : i32 to index
      %swap3A_877 = tpu.vector_load %arg7[%swap3A_875, %swap3A_876] {strides = array<i32>} : memref<4x4096xf32, #tpu.memory_space<vmem>>, vector<1x16xf32>,
      %swap3A_878 = vector.shape_cast %swap3A_877 : vector<1x16xf32> to vector<16xf32>
      %swap3A_879 = vector.shape_cast %select_n3A_873 : vector<16xf32> to vector<1x16xf32>
      tpu.vector_store %arg7[%swap3A_875, %swap3A_876], %swap3A_879 {strides = array<i32>} : memref<4x4096xf32, #tpu.memory_space<vmem>>, vector<1x16xf32>,
      %get3A_880 = arith.constant 3 : i32
      %get3A_881 = arith.index_cast %get3A_880 : i32 to index
      %get3A_882 = arith.index_cast %mul3A_834 : i32 to index
      %get3A_883 = tpu.vector_load %arg4[%get3A_881, %get3A_882] {strides = array<i32>} : memref<4x4096xf32, #tpu.memory_space<vmem>>, vector<1x16xf32>,
      %get3A_884 = vector.shape_cast %get3A_883 : vector<1x16xf32> to vector<16xf32>
      %gt3A_885 = arith.constant 5.000000e-01 : f32
      %gt3A_886 = vector.broadcast %gt3A_885 : f32 to vector<16xf32>
      %gt3A_887 = arith.cmpf ogt, %get3A_884, %gt3A_886 : vector<16xf32>
      %jit3A_888 = arith.constant 0.000000e+00 : f32
      %broadcast_in_dim3A_889 = vector.broadcast %jit3A_888 : f32 to vector<16xf32>
      %select_n3A_890 = arith.select %gt3A_887, %get3A_884, %broadcast_in_dim3A_889 : vector<16xi1>, vector<16xf32>
      %swap3A_891 = arith.constant 3 : i32
      %swap3A_892 = arith.index_cast %swap3A_891 : i32 to index
      %swap3A_893 = arith.index_cast %mul3A_834 : i32 to index
      %swap3A_894 = tpu.vector_load %arg7[%swap3A_892, %swap3A_893] {strides = array<i32>} : memref<4x4096xf32, #tpu.memory_space<vmem>>, vector<1x16xf32>,
      %swap3A_895 = vector.shape_cast %swap3A_894 : vector<1x16xf32> to vector<16xf32>
      %swap3A_896 = vector.shape_cast %select_n3A_890 : vector<16xf32> to vector<1x16xf32>
      tpu.vector_store %arg7[%swap3A_892, %swap3A_893], %swap3A_896 {strides = array<i32>} : memref<4x4096xf32, #tpu.memory_space<vmem>>, vector<1x16xf32>,
    }
    %scan3A_565 = arith.constant 256 : i32
    %add3A_566 = arith.constant 84 : i32
    %add3A_567 = arith.addi %mul3A_2, %add3A_566 : i32
    %dma_start3A_568 = arith.constant 0 : i32
    %dma_start3A_569 = tpu.memref_slice %arg3[%add3A_567, %dma_start3A_568] : memref<4096x4096xf32, #tpu.memory_space<hbm>> -> memref<4x4096xf32, #tpu.memory_space<hbm>>
    %dma_start3A_570 = arith.constant 0 : i32
    %dma_start3A_571 = tpu.memref_slice %arg3[%add3A_567, %dma_start3A_570] : memref<4096x4096xf32, #tpu.memory_space<hbm>> -> memref<4x4096xf32, #tpu.memory_space<hbm>>
    tpu.enqueue_dma source(%arg7 : memref<4x4096xf32, #tpu.memory_space<vmem>>) target(%dma_start3A_571 : memref<4x4096xf32, #tpu.memory_space<hbm>>) target_semaphore(%arg13 : memref<!tpu.dma_semaphore, #tpu.memory_space<semaphore_mem>>)
    %add3A_572 = arith.constant 96 : i32
    %add3A_573 = arith.addi %mul3A_2, %add3A_572 : i32
    %dma_start3A_574 = arith.constant 0 : i32
    %dma_start3A_575 = tpu.memref_slice %arg2[%add3A_573, %dma_start3A_574] : memref<4096x4096xf32, #tpu.memory_space<hbm>> -> memref<4x4096xf32, #tpu.memory_space<hbm>>
    %dma_start3A_576 = arith.constant 0 : i32
    %dma_start3A_577 = tpu.memref_slice %arg2[%add3A_573, %dma_start3A_576] : memref<4096x4096xf32, #tpu.memory_space<hbm>> -> memref<4x4096xf32, #tpu.memory_space<hbm>>
    tpu.enqueue_dma source(%dma_start3A_577 : memref<4x4096xf32, #tpu.memory_space<hbm>>) target(%arg4 : memref<4x4096xf32, #tpu.memory_space<vmem>>) target_semaphore(%arg10 : memref<!tpu.dma_semaphore, #tpu.memory_space<semaphore_mem>>)
    %dma_wait3A_578 = arith.constant 0 : i32
    %dma_wait3A_579 = tpu.memref_slice %arg2[%add3A_521, %dma_wait3A_578] : memref<4096x4096xf32, #tpu.memory_space<hbm>> -> memref<4x4096xf32, #tpu.memory_space<hbm>>
    %dma_wait3A_580 = arith.constant 0 : i32
    %dma_wait3A_581 = tpu.memref_slice %arg2[%add3A_521, %dma_wait3A_580] : memref<4096x4096xf32, #tpu.memory_space<hbm>> -> memref<4x4096xf32, #tpu.memory_space<hbm>>
    tpu.wait_dma2 semaphore(%arg11 : memref<!tpu.dma_semaphore, #tpu.memory_space<semaphore_mem>>) src(%dma_wait3A_581 : memref<4x4096xf32, #tpu.memory_space<hbm>>) dst(%arg5 : memref<4x4096xf32, #tpu.memory_space<vmem>>)
    %dma_wait3A_582 = arith.constant 0 : i32
    %dma_wait3A_583 = tpu.memref_slice %arg3[%add3A_515, %dma_wait3A_582] : memref<4096x4096xf32, #tpu.memory_space<hbm>> -> memref<4x4096xf32, #tpu.memory_space<hbm>>
    %dma_wait3A_584 = arith.constant 0 : i32
    %dma_wait3A_585 = tpu.memref_slice %arg3[%add3A_515, %dma_wait3A_584] : memref<4096x4096xf32, #tpu.memory_space<hbm>> -> memref<4x4096xf32, #tpu.memory_space<hbm>>
    tpu.wait_dma2 semaphore(%arg14 : memref<!tpu.dma_semaphore, #tpu.memory_space<semaphore_mem>>) src(%arg8 : memref<4x4096xf32, #tpu.memory_space<vmem>>) dst(%dma_wait3A_585 : memref<4x4096xf32, #tpu.memory_space<hbm>>)
    %scan3A_586 = arith.constant 0 : i32
    %scan3A_587 = arith.constant 0 : i32
    %scan3A_588 = arith.constant 256 : i32
    %scan3A_589 = arith.addi %scan3A_587, %scan3A_588 : i32
    %scan3A_590 = arith.constant 1 : i32
    scf.for %scan3A_832 = %scan3A_587 to %scan3A_589 step %scan3A_590  : i32 {
      %mul3A_833 = arith.constant 16 : i32
      %mul3A_834 = arith.muli %scan3A_832, %mul3A_833 : i32
      %get3A = arith.constant 0 : i32
      %get3A_835 = arith.index_cast %get3A : i32 to index
      %get3A_836 = arith.index_cast %mul3A_834 : i32 to index
      %get3A_837 = tpu.vector_load %arg5[%get3A_835, %get3A_836] {strides = array<i32>} : memref<4x4096xf32, #tpu.memory_space<vmem>>, vector<1x16xf32>,
      %get3A_838 = vector.shape_cast %get3A_837 : vector<1x16xf32> to vector<16xf32>
      %gt3A = arith.constant 5.000000e-01 : f32
      %gt3A_839 = vector.broadcast %gt3A : f32 to vector<16xf32>
      %gt3A_840 = arith.cmpf ogt, %get3A_838, %gt3A_839 : vector<16xf32>
      %jit3A = arith.constant 0.000000e+00 : f32
      %broadcast_in_dim3A = vector.broadcast %jit3A : f32 to vector<16xf32>
      %select_n3A = arith.select %gt3A_840, %get3A_838, %broadcast_in_dim3A : vector<16xi1>, vector<16xf32>
      %swap3A = arith.constant 0 : i32
      %swap3A_841 = arith.index_cast %swap3A : i32 to index
      %swap3A_842 = arith.index_cast %mul3A_834 : i32 to index
      %swap3A_843 = tpu.vector_load %arg8[%swap3A_841, %swap3A_842] {strides = array<i32>} : memref<4x4096xf32, #tpu.memory_space<vmem>>, vector<1x16xf32>,
      %swap3A_844 = vector.shape_cast %swap3A_843 : vector<1x16xf32> to vector<16xf32>
      %swap3A_845 = vector.shape_cast %select_n3A : vector<16xf32> to vector<1x16xf32>
      tpu.vector_store %arg8[%swap3A_841, %swap3A_842], %swap3A_845 {strides = array<i32>} : memref<4x4096xf32, #tpu.memory_space<vmem>>, vector<1x16xf32>,
      %get3A_846 = arith.constant 1 : i32
      %get3A_847 = arith.index_cast %get3A_846 : i32 to index
      %get3A_848 = arith.index_cast %mul3A_834 : i32 to index
      %get3A_849 = tpu.vector_load %arg5[%get3A_847, %get3A_848] {strides = array<i32>} : memref<4x4096xf32, #tpu.memory_space<vmem>>, vector<1x16xf32>,
      %get3A_850 = vector.shape_cast %get3A_849 : vector<1x16xf32> to vector<16xf32>
      %gt3A_851 = arith.constant 5.000000e-01 : f32
      %gt3A_852 = vector.broadcast %gt3A_851 : f32 to vector<16xf32>
      %gt3A_853 = arith.cmpf ogt, %get3A_850, %gt3A_852 : vector<16xf32>
      %jit3A_854 = arith.constant 0.000000e+00 : f32
      %broadcast_in_dim3A_855 = vector.broadcast %jit3A_854 : f32 to vector<16xf32>
      %select_n3A_856 = arith.select %gt3A_853, %get3A_850, %broadcast_in_dim3A_855 : vector<16xi1>, vector<16xf32>
      %swap3A_857 = arith.constant 1 : i32
      %swap3A_858 = arith.index_cast %swap3A_857 : i32 to index
      %swap3A_859 = arith.index_cast %mul3A_834 : i32 to index
      %swap3A_860 = tpu.vector_load %arg8[%swap3A_858, %swap3A_859] {strides = array<i32>} : memref<4x4096xf32, #tpu.memory_space<vmem>>, vector<1x16xf32>,
      %swap3A_861 = vector.shape_cast %swap3A_860 : vector<1x16xf32> to vector<16xf32>
      %swap3A_862 = vector.shape_cast %select_n3A_856 : vector<16xf32> to vector<1x16xf32>
      tpu.vector_store %arg8[%swap3A_858, %swap3A_859], %swap3A_862 {strides = array<i32>} : memref<4x4096xf32, #tpu.memory_space<vmem>>, vector<1x16xf32>,
      %get3A_863 = arith.constant 2 : i32
      %get3A_864 = arith.index_cast %get3A_863 : i32 to index
      %get3A_865 = arith.index_cast %mul3A_834 : i32 to index
      %get3A_866 = tpu.vector_load %arg5[%get3A_864, %get3A_865] {strides = array<i32>} : memref<4x4096xf32, #tpu.memory_space<vmem>>, vector<1x16xf32>,
      %get3A_867 = vector.shape_cast %get3A_866 : vector<1x16xf32> to vector<16xf32>
      %gt3A_868 = arith.constant 5.000000e-01 : f32
      %gt3A_869 = vector.broadcast %gt3A_868 : f32 to vector<16xf32>
      %gt3A_870 = arith.cmpf ogt, %get3A_867, %gt3A_869 : vector<16xf32>
      %jit3A_871 = arith.constant 0.000000e+00 : f32
      %broadcast_in_dim3A_872 = vector.broadcast %jit3A_871 : f32 to vector<16xf32>
      %select_n3A_873 = arith.select %gt3A_870, %get3A_867, %broadcast_in_dim3A_872 : vector<16xi1>, vector<16xf32>
      %swap3A_874 = arith.constant 2 : i32
      %swap3A_875 = arith.index_cast %swap3A_874 : i32 to index
      %swap3A_876 = arith.index_cast %mul3A_834 : i32 to index
      %swap3A_877 = tpu.vector_load %arg8[%swap3A_875, %swap3A_876] {strides = array<i32>} : memref<4x4096xf32, #tpu.memory_space<vmem>>, vector<1x16xf32>,
      %swap3A_878 = vector.shape_cast %swap3A_877 : vector<1x16xf32> to vector<16xf32>
      %swap3A_879 = vector.shape_cast %select_n3A_873 : vector<16xf32> to vector<1x16xf32>
      tpu.vector_store %arg8[%swap3A_875, %swap3A_876], %swap3A_879 {strides = array<i32>} : memref<4x4096xf32, #tpu.memory_space<vmem>>, vector<1x16xf32>,
      %get3A_880 = arith.constant 3 : i32
      %get3A_881 = arith.index_cast %get3A_880 : i32 to index
      %get3A_882 = arith.index_cast %mul3A_834 : i32 to index
      %get3A_883 = tpu.vector_load %arg5[%get3A_881, %get3A_882] {strides = array<i32>} : memref<4x4096xf32, #tpu.memory_space<vmem>>, vector<1x16xf32>,
      %get3A_884 = vector.shape_cast %get3A_883 : vector<1x16xf32> to vector<16xf32>
      %gt3A_885 = arith.constant 5.000000e-01 : f32
      %gt3A_886 = vector.broadcast %gt3A_885 : f32 to vector<16xf32>
      %gt3A_887 = arith.cmpf ogt, %get3A_884, %gt3A_886 : vector<16xf32>
      %jit3A_888 = arith.constant 0.000000e+00 : f32
      %broadcast_in_dim3A_889 = vector.broadcast %jit3A_888 : f32 to vector<16xf32>
      %select_n3A_890 = arith.select %gt3A_887, %get3A_884, %broadcast_in_dim3A_889 : vector<16xi1>, vector<16xf32>
      %swap3A_891 = arith.constant 3 : i32
      %swap3A_892 = arith.index_cast %swap3A_891 : i32 to index
      %swap3A_893 = arith.index_cast %mul3A_834 : i32 to index
      %swap3A_894 = tpu.vector_load %arg8[%swap3A_892, %swap3A_893] {strides = array<i32>} : memref<4x4096xf32, #tpu.memory_space<vmem>>, vector<1x16xf32>,
      %swap3A_895 = vector.shape_cast %swap3A_894 : vector<1x16xf32> to vector<16xf32>
      %swap3A_896 = vector.shape_cast %select_n3A_890 : vector<16xf32> to vector<1x16xf32>
      tpu.vector_store %arg8[%swap3A_892, %swap3A_893], %swap3A_896 {strides = array<i32>} : memref<4x4096xf32, #tpu.memory_space<vmem>>, vector<1x16xf32>,
    }
    %scan3A_591 = arith.constant 256 : i32
    %add3A_592 = arith.constant 88 : i32
    %add3A_593 = arith.addi %mul3A_2, %add3A_592 : i32
    %dma_start3A_594 = arith.constant 0 : i32
    %dma_start3A_595 = tpu.memref_slice %arg3[%add3A_593, %dma_start3A_594] : memref<4096x4096xf32, #tpu.memory_space<hbm>> -> memref<4x4096xf32, #tpu.memory_space<hbm>>
    %dma_start3A_596 = arith.constant 0 : i32
    %dma_start3A_597 = tpu.memref_slice %arg3[%add3A_593, %dma_start3A_596] : memref<4096x4096xf32, #tpu.memory_space<hbm>> -> memref<4x4096xf32, #tpu.memory_space<hbm>>
    tpu.enqueue_dma source(%arg8 : memref<4x4096xf32, #tpu.memory_space<vmem>>) target(%dma_start3A_597 : memref<4x4096xf32, #tpu.memory_space<hbm>>) target_semaphore(%arg14 : memref<!tpu.dma_semaphore, #tpu.memory_space<semaphore_mem>>)
    %add3A_598 = arith.constant 100 : i32
    %add3A_599 = arith.addi %mul3A_2, %add3A_598 : i32
    %dma_start3A_600 = arith.constant 0 : i32
    %dma_start3A_601 = tpu.memref_slice %arg2[%add3A_599, %dma_start3A_600] : memref<4096x4096xf32, #tpu.memory_space<hbm>> -> memref<4x4096xf32, #tpu.memory_space<hbm>>
    %dma_start3A_602 = arith.constant 0 : i32
    %dma_start3A_603 = tpu.memref_slice %arg2[%add3A_599, %dma_start3A_602] : memref<4096x4096xf32, #tpu.memory_space<hbm>> -> memref<4x4096xf32, #tpu.memory_space<hbm>>
    tpu.enqueue_dma source(%dma_start3A_603 : memref<4x4096xf32, #tpu.memory_space<hbm>>) target(%arg5 : memref<4x4096xf32, #tpu.memory_space<vmem>>) target_semaphore(%arg11 : memref<!tpu.dma_semaphore, #tpu.memory_space<semaphore_mem>>)
    %dma_wait3A_604 = arith.constant 0 : i32
    %dma_wait3A_605 = tpu.memref_slice %arg2[%add3A_547, %dma_wait3A_604] : memref<4096x4096xf32, #tpu.memory_space<hbm>> -> memref<4x4096xf32, #tpu.memory_space<hbm>>
    %dma_wait3A_606 = arith.constant 0 : i32
    %dma_wait3A_607 = tpu.memref_slice %arg2[%add3A_547, %dma_wait3A_606] : memref<4096x4096xf32, #tpu.memory_space<hbm>> -> memref<4x4096xf32, #tpu.memory_space<hbm>>
    tpu.wait_dma2 semaphore(%arg12 : memref<!tpu.dma_semaphore, #tpu.memory_space<semaphore_mem>>) src(%dma_wait3A_607 : memref<4x4096xf32, #tpu.memory_space<hbm>>) dst(%arg6 : memref<4x4096xf32, #tpu.memory_space<vmem>>)
    %dma_wait3A_608 = arith.constant 0 : i32
    %dma_wait3A_609 = tpu.memref_slice %arg3[%add3A_541, %dma_wait3A_608] : memref<4096x4096xf32, #tpu.memory_space<hbm>> -> memref<4x4096xf32, #tpu.memory_space<hbm>>
    %dma_wait3A_610 = arith.constant 0 : i32
    %dma_wait3A_611 = tpu.memref_slice %arg3[%add3A_541, %dma_wait3A_610] : memref<4096x4096xf32, #tpu.memory_space<hbm>> -> memref<4x4096xf32, #tpu.memory_space<hbm>>
    tpu.wait_dma2 semaphore(%arg15 : memref<!tpu.dma_semaphore, #tpu.memory_space<semaphore_mem>>) src(%arg9 : memref<4x4096xf32, #tpu.memory_space<vmem>>) dst(%dma_wait3A_611 : memref<4x4096xf32, #tpu.memory_space<hbm>>)
    %scan3A_612 = arith.constant 0 : i32
    %scan3A_613 = arith.constant 0 : i32
    %scan3A_614 = arith.constant 256 : i32
    %scan3A_615 = arith.addi %scan3A_613, %scan3A_614 : i32
    %scan3A_616 = arith.constant 1 : i32
    scf.for %scan3A_832 = %scan3A_613 to %scan3A_615 step %scan3A_616  : i32 {
      %mul3A_833 = arith.constant 16 : i32
      %mul3A_834 = arith.muli %scan3A_832, %mul3A_833 : i32
      %get3A = arith.constant 0 : i32
      %get3A_835 = arith.index_cast %get3A : i32 to index
      %get3A_836 = arith.index_cast %mul3A_834 : i32 to index
      %get3A_837 = tpu.vector_load %arg6[%get3A_835, %get3A_836] {strides = array<i32>} : memref<4x4096xf32, #tpu.memory_space<vmem>>, vector<1x16xf32>,
      %get3A_838 = vector.shape_cast %get3A_837 : vector<1x16xf32> to vector<16xf32>
      %gt3A = arith.constant 5.000000e-01 : f32
      %gt3A_839 = vector.broadcast %gt3A : f32 to vector<16xf32>
      %gt3A_840 = arith.cmpf ogt, %get3A_838, %gt3A_839 : vector<16xf32>
      %jit3A = arith.constant 0.000000e+00 : f32
      %broadcast_in_dim3A = vector.broadcast %jit3A : f32 to vector<16xf32>
      %select_n3A = arith.select %gt3A_840, %get3A_838, %broadcast_in_dim3A : vector<16xi1>, vector<16xf32>
      %swap3A = arith.constant 0 : i32
      %swap3A_841 = arith.index_cast %swap3A : i32 to index
      %swap3A_842 = arith.index_cast %mul3A_834 : i32 to index
      %swap3A_843 = tpu.vector_load %arg9[%swap3A_841, %swap3A_842] {strides = array<i32>} : memref<4x4096xf32, #tpu.memory_space<vmem>>, vector<1x16xf32>,
      %swap3A_844 = vector.shape_cast %swap3A_843 : vector<1x16xf32> to vector<16xf32>
      %swap3A_845 = vector.shape_cast %select_n3A : vector<16xf32> to vector<1x16xf32>
      tpu.vector_store %arg9[%swap3A_841, %swap3A_842], %swap3A_845 {strides = array<i32>} : memref<4x4096xf32, #tpu.memory_space<vmem>>, vector<1x16xf32>,
      %get3A_846 = arith.constant 1 : i32
      %get3A_847 = arith.index_cast %get3A_846 : i32 to index
      %get3A_848 = arith.index_cast %mul3A_834 : i32 to index
      %get3A_849 = tpu.vector_load %arg6[%get3A_847, %get3A_848] {strides = array<i32>} : memref<4x4096xf32, #tpu.memory_space<vmem>>, vector<1x16xf32>,
      %get3A_850 = vector.shape_cast %get3A_849 : vector<1x16xf32> to vector<16xf32>
      %gt3A_851 = arith.constant 5.000000e-01 : f32
      %gt3A_852 = vector.broadcast %gt3A_851 : f32 to vector<16xf32>
      %gt3A_853 = arith.cmpf ogt, %get3A_850, %gt3A_852 : vector<16xf32>
      %jit3A_854 = arith.constant 0.000000e+00 : f32
      %broadcast_in_dim3A_855 = vector.broadcast %jit3A_854 : f32 to vector<16xf32>
      %select_n3A_856 = arith.select %gt3A_853, %get3A_850, %broadcast_in_dim3A_855 : vector<16xi1>, vector<16xf32>
      %swap3A_857 = arith.constant 1 : i32
      %swap3A_858 = arith.index_cast %swap3A_857 : i32 to index
      %swap3A_859 = arith.index_cast %mul3A_834 : i32 to index
      %swap3A_860 = tpu.vector_load %arg9[%swap3A_858, %swap3A_859] {strides = array<i32>} : memref<4x4096xf32, #tpu.memory_space<vmem>>, vector<1x16xf32>,
      %swap3A_861 = vector.shape_cast %swap3A_860 : vector<1x16xf32> to vector<16xf32>
      %swap3A_862 = vector.shape_cast %select_n3A_856 : vector<16xf32> to vector<1x16xf32>
      tpu.vector_store %arg9[%swap3A_858, %swap3A_859], %swap3A_862 {strides = array<i32>} : memref<4x4096xf32, #tpu.memory_space<vmem>>, vector<1x16xf32>,
      %get3A_863 = arith.constant 2 : i32
      %get3A_864 = arith.index_cast %get3A_863 : i32 to index
      %get3A_865 = arith.index_cast %mul3A_834 : i32 to index
      %get3A_866 = tpu.vector_load %arg6[%get3A_864, %get3A_865] {strides = array<i32>} : memref<4x4096xf32, #tpu.memory_space<vmem>>, vector<1x16xf32>,
      %get3A_867 = vector.shape_cast %get3A_866 : vector<1x16xf32> to vector<16xf32>
      %gt3A_868 = arith.constant 5.000000e-01 : f32
      %gt3A_869 = vector.broadcast %gt3A_868 : f32 to vector<16xf32>
      %gt3A_870 = arith.cmpf ogt, %get3A_867, %gt3A_869 : vector<16xf32>
      %jit3A_871 = arith.constant 0.000000e+00 : f32
      %broadcast_in_dim3A_872 = vector.broadcast %jit3A_871 : f32 to vector<16xf32>
      %select_n3A_873 = arith.select %gt3A_870, %get3A_867, %broadcast_in_dim3A_872 : vector<16xi1>, vector<16xf32>
      %swap3A_874 = arith.constant 2 : i32
      %swap3A_875 = arith.index_cast %swap3A_874 : i32 to index
      %swap3A_876 = arith.index_cast %mul3A_834 : i32 to index
      %swap3A_877 = tpu.vector_load %arg9[%swap3A_875, %swap3A_876] {strides = array<i32>} : memref<4x4096xf32, #tpu.memory_space<vmem>>, vector<1x16xf32>,
      %swap3A_878 = vector.shape_cast %swap3A_877 : vector<1x16xf32> to vector<16xf32>
      %swap3A_879 = vector.shape_cast %select_n3A_873 : vector<16xf32> to vector<1x16xf32>
      tpu.vector_store %arg9[%swap3A_875, %swap3A_876], %swap3A_879 {strides = array<i32>} : memref<4x4096xf32, #tpu.memory_space<vmem>>, vector<1x16xf32>,
      %get3A_880 = arith.constant 3 : i32
      %get3A_881 = arith.index_cast %get3A_880 : i32 to index
      %get3A_882 = arith.index_cast %mul3A_834 : i32 to index
      %get3A_883 = tpu.vector_load %arg6[%get3A_881, %get3A_882] {strides = array<i32>} : memref<4x4096xf32, #tpu.memory_space<vmem>>, vector<1x16xf32>,
      %get3A_884 = vector.shape_cast %get3A_883 : vector<1x16xf32> to vector<16xf32>
      %gt3A_885 = arith.constant 5.000000e-01 : f32
      %gt3A_886 = vector.broadcast %gt3A_885 : f32 to vector<16xf32>
      %gt3A_887 = arith.cmpf ogt, %get3A_884, %gt3A_886 : vector<16xf32>
      %jit3A_888 = arith.constant 0.000000e+00 : f32
      %broadcast_in_dim3A_889 = vector.broadcast %jit3A_888 : f32 to vector<16xf32>
      %select_n3A_890 = arith.select %gt3A_887, %get3A_884, %broadcast_in_dim3A_889 : vector<16xi1>, vector<16xf32>
      %swap3A_891 = arith.constant 3 : i32
      %swap3A_892 = arith.index_cast %swap3A_891 : i32 to index
      %swap3A_893 = arith.index_cast %mul3A_834 : i32 to index
      %swap3A_894 = tpu.vector_load %arg9[%swap3A_892, %swap3A_893] {strides = array<i32>} : memref<4x4096xf32, #tpu.memory_space<vmem>>, vector<1x16xf32>,
      %swap3A_895 = vector.shape_cast %swap3A_894 : vector<1x16xf32> to vector<16xf32>
      %swap3A_896 = vector.shape_cast %select_n3A_890 : vector<16xf32> to vector<1x16xf32>
      tpu.vector_store %arg9[%swap3A_892, %swap3A_893], %swap3A_896 {strides = array<i32>} : memref<4x4096xf32, #tpu.memory_space<vmem>>, vector<1x16xf32>,
    }
    %scan3A_617 = arith.constant 256 : i32
    %add3A_618 = arith.constant 92 : i32
    %add3A_619 = arith.addi %mul3A_2, %add3A_618 : i32
    %dma_start3A_620 = arith.constant 0 : i32
    %dma_start3A_621 = tpu.memref_slice %arg3[%add3A_619, %dma_start3A_620] : memref<4096x4096xf32, #tpu.memory_space<hbm>> -> memref<4x4096xf32, #tpu.memory_space<hbm>>
    %dma_start3A_622 = arith.constant 0 : i32
    %dma_start3A_623 = tpu.memref_slice %arg3[%add3A_619, %dma_start3A_622] : memref<4096x4096xf32, #tpu.memory_space<hbm>> -> memref<4x4096xf32, #tpu.memory_space<hbm>>
    tpu.enqueue_dma source(%arg9 : memref<4x4096xf32, #tpu.memory_space<vmem>>) target(%dma_start3A_623 : memref<4x4096xf32, #tpu.memory_space<hbm>>) target_semaphore(%arg15 : memref<!tpu.dma_semaphore, #tpu.memory_space<semaphore_mem>>)
    %add3A_624 = arith.constant 104 : i32
    %add3A_625 = arith.addi %mul3A_2, %add3A_624 : i32
    %dma_start3A_626 = arith.constant 0 : i32
    %dma_start3A_627 = tpu.memref_slice %arg2[%add3A_625, %dma_start3A_626] : memref<4096x4096xf32, #tpu.memory_space<hbm>> -> memref<4x4096xf32, #tpu.memory_space<hbm>>
    %dma_start3A_628 = arith.constant 0 : i32
    %dma_start3A_629 = tpu.memref_slice %arg2[%add3A_625, %dma_start3A_628] : memref<4096x4096xf32, #tpu.memory_space<hbm>> -> memref<4x4096xf32, #tpu.memory_space<hbm>>
    tpu.enqueue_dma source(%dma_start3A_629 : memref<4x4096xf32, #tpu.memory_space<hbm>>) target(%arg6 : memref<4x4096xf32, #tpu.memory_space<vmem>>) target_semaphore(%arg12 : memref<!tpu.dma_semaphore, #tpu.memory_space<semaphore_mem>>)
    %dma_wait3A_630 = arith.constant 0 : i32
    %dma_wait3A_631 = tpu.memref_slice %arg2[%add3A_573, %dma_wait3A_630] : memref<4096x4096xf32, #tpu.memory_space<hbm>> -> memref<4x4096xf32, #tpu.memory_space<hbm>>
    %dma_wait3A_632 = arith.constant 0 : i32
    %dma_wait3A_633 = tpu.memref_slice %arg2[%add3A_573, %dma_wait3A_632] : memref<4096x4096xf32, #tpu.memory_space<hbm>> -> memref<4x4096xf32, #tpu.memory_space<hbm>>
    tpu.wait_dma2 semaphore(%arg10 : memref<!tpu.dma_semaphore, #tpu.memory_space<semaphore_mem>>) src(%dma_wait3A_633 : memref<4x4096xf32, #tpu.memory_space<hbm>>) dst(%arg4 : memref<4x4096xf32, #tpu.memory_space<vmem>>)
    %dma_wait3A_634 = arith.constant 0 : i32
    %dma_wait3A_635 = tpu.memref_slice %arg3[%add3A_567, %dma_wait3A_634] : memref<4096x4096xf32, #tpu.memory_space<hbm>> -> memref<4x4096xf32, #tpu.memory_space<hbm>>
    %dma_wait3A_636 = arith.constant 0 : i32
    %dma_wait3A_637 = tpu.memref_slice %arg3[%add3A_567, %dma_wait3A_636] : memref<4096x4096xf32, #tpu.memory_space<hbm>> -> memref<4x4096xf32, #tpu.memory_space<hbm>>
    tpu.wait_dma2 semaphore(%arg13 : memref<!tpu.dma_semaphore, #tpu.memory_space<semaphore_mem>>) src(%arg7 : memref<4x4096xf32, #tpu.memory_space<vmem>>) dst(%dma_wait3A_637 : memref<4x4096xf32, #tpu.memory_space<hbm>>)
    %scan3A_638 = arith.constant 0 : i32
    %scan3A_639 = arith.constant 0 : i32
    %scan3A_640 = arith.constant 256 : i32
    %scan3A_641 = arith.addi %scan3A_639, %scan3A_640 : i32
    %scan3A_642 = arith.constant 1 : i32
    scf.for %scan3A_832 = %scan3A_639 to %scan3A_641 step %scan3A_642  : i32 {
      %mul3A_833 = arith.constant 16 : i32
      %mul3A_834 = arith.muli %scan3A_832, %mul3A_833 : i32
      %get3A = arith.constant 0 : i32
      %get3A_835 = arith.index_cast %get3A : i32 to index
      %get3A_836 = arith.index_cast %mul3A_834 : i32 to index
      %get3A_837 = tpu.vector_load %arg4[%get3A_835, %get3A_836] {strides = array<i32>} : memref<4x4096xf32, #tpu.memory_space<vmem>>, vector<1x16xf32>,
      %get3A_838 = vector.shape_cast %get3A_837 : vector<1x16xf32> to vector<16xf32>
      %gt3A = arith.constant 5.000000e-01 : f32
      %gt3A_839 = vector.broadcast %gt3A : f32 to vector<16xf32>
      %gt3A_840 = arith.cmpf ogt, %get3A_838, %gt3A_839 : vector<16xf32>
      %jit3A = arith.constant 0.000000e+00 : f32
      %broadcast_in_dim3A = vector.broadcast %jit3A : f32 to vector<16xf32>
      %select_n3A = arith.select %gt3A_840, %get3A_838, %broadcast_in_dim3A : vector<16xi1>, vector<16xf32>
      %swap3A = arith.constant 0 : i32
      %swap3A_841 = arith.index_cast %swap3A : i32 to index
      %swap3A_842 = arith.index_cast %mul3A_834 : i32 to index
      %swap3A_843 = tpu.vector_load %arg7[%swap3A_841, %swap3A_842] {strides = array<i32>} : memref<4x4096xf32, #tpu.memory_space<vmem>>, vector<1x16xf32>,
      %swap3A_844 = vector.shape_cast %swap3A_843 : vector<1x16xf32> to vector<16xf32>
      %swap3A_845 = vector.shape_cast %select_n3A : vector<16xf32> to vector<1x16xf32>
      tpu.vector_store %arg7[%swap3A_841, %swap3A_842], %swap3A_845 {strides = array<i32>} : memref<4x4096xf32, #tpu.memory_space<vmem>>, vector<1x16xf32>,
      %get3A_846 = arith.constant 1 : i32
      %get3A_847 = arith.index_cast %get3A_846 : i32 to index
      %get3A_848 = arith.index_cast %mul3A_834 : i32 to index
      %get3A_849 = tpu.vector_load %arg4[%get3A_847, %get3A_848] {strides = array<i32>} : memref<4x4096xf32, #tpu.memory_space<vmem>>, vector<1x16xf32>,
      %get3A_850 = vector.shape_cast %get3A_849 : vector<1x16xf32> to vector<16xf32>
      %gt3A_851 = arith.constant 5.000000e-01 : f32
      %gt3A_852 = vector.broadcast %gt3A_851 : f32 to vector<16xf32>
      %gt3A_853 = arith.cmpf ogt, %get3A_850, %gt3A_852 : vector<16xf32>
      %jit3A_854 = arith.constant 0.000000e+00 : f32
      %broadcast_in_dim3A_855 = vector.broadcast %jit3A_854 : f32 to vector<16xf32>
      %select_n3A_856 = arith.select %gt3A_853, %get3A_850, %broadcast_in_dim3A_855 : vector<16xi1>, vector<16xf32>
      %swap3A_857 = arith.constant 1 : i32
      %swap3A_858 = arith.index_cast %swap3A_857 : i32 to index
      %swap3A_859 = arith.index_cast %mul3A_834 : i32 to index
      %swap3A_860 = tpu.vector_load %arg7[%swap3A_858, %swap3A_859] {strides = array<i32>} : memref<4x4096xf32, #tpu.memory_space<vmem>>, vector<1x16xf32>,
      %swap3A_861 = vector.shape_cast %swap3A_860 : vector<1x16xf32> to vector<16xf32>
      %swap3A_862 = vector.shape_cast %select_n3A_856 : vector<16xf32> to vector<1x16xf32>
      tpu.vector_store %arg7[%swap3A_858, %swap3A_859], %swap3A_862 {strides = array<i32>} : memref<4x4096xf32, #tpu.memory_space<vmem>>, vector<1x16xf32>,
      %get3A_863 = arith.constant 2 : i32
      %get3A_864 = arith.index_cast %get3A_863 : i32 to index
      %get3A_865 = arith.index_cast %mul3A_834 : i32 to index
      %get3A_866 = tpu.vector_load %arg4[%get3A_864, %get3A_865] {strides = array<i32>} : memref<4x4096xf32, #tpu.memory_space<vmem>>, vector<1x16xf32>,
      %get3A_867 = vector.shape_cast %get3A_866 : vector<1x16xf32> to vector<16xf32>
      %gt3A_868 = arith.constant 5.000000e-01 : f32
      %gt3A_869 = vector.broadcast %gt3A_868 : f32 to vector<16xf32>
      %gt3A_870 = arith.cmpf ogt, %get3A_867, %gt3A_869 : vector<16xf32>
      %jit3A_871 = arith.constant 0.000000e+00 : f32
      %broadcast_in_dim3A_872 = vector.broadcast %jit3A_871 : f32 to vector<16xf32>
      %select_n3A_873 = arith.select %gt3A_870, %get3A_867, %broadcast_in_dim3A_872 : vector<16xi1>, vector<16xf32>
      %swap3A_874 = arith.constant 2 : i32
      %swap3A_875 = arith.index_cast %swap3A_874 : i32 to index
      %swap3A_876 = arith.index_cast %mul3A_834 : i32 to index
      %swap3A_877 = tpu.vector_load %arg7[%swap3A_875, %swap3A_876] {strides = array<i32>} : memref<4x4096xf32, #tpu.memory_space<vmem>>, vector<1x16xf32>,
      %swap3A_878 = vector.shape_cast %swap3A_877 : vector<1x16xf32> to vector<16xf32>
      %swap3A_879 = vector.shape_cast %select_n3A_873 : vector<16xf32> to vector<1x16xf32>
      tpu.vector_store %arg7[%swap3A_875, %swap3A_876], %swap3A_879 {strides = array<i32>} : memref<4x4096xf32, #tpu.memory_space<vmem>>, vector<1x16xf32>,
      %get3A_880 = arith.constant 3 : i32
      %get3A_881 = arith.index_cast %get3A_880 : i32 to index
      %get3A_882 = arith.index_cast %mul3A_834 : i32 to index
      %get3A_883 = tpu.vector_load %arg4[%get3A_881, %get3A_882] {strides = array<i32>} : memref<4x4096xf32, #tpu.memory_space<vmem>>, vector<1x16xf32>,
      %get3A_884 = vector.shape_cast %get3A_883 : vector<1x16xf32> to vector<16xf32>
      %gt3A_885 = arith.constant 5.000000e-01 : f32
      %gt3A_886 = vector.broadcast %gt3A_885 : f32 to vector<16xf32>
      %gt3A_887 = arith.cmpf ogt, %get3A_884, %gt3A_886 : vector<16xf32>
      %jit3A_888 = arith.constant 0.000000e+00 : f32
      %broadcast_in_dim3A_889 = vector.broadcast %jit3A_888 : f32 to vector<16xf32>
      %select_n3A_890 = arith.select %gt3A_887, %get3A_884, %broadcast_in_dim3A_889 : vector<16xi1>, vector<16xf32>
      %swap3A_891 = arith.constant 3 : i32
      %swap3A_892 = arith.index_cast %swap3A_891 : i32 to index
      %swap3A_893 = arith.index_cast %mul3A_834 : i32 to index
      %swap3A_894 = tpu.vector_load %arg7[%swap3A_892, %swap3A_893] {strides = array<i32>} : memref<4x4096xf32, #tpu.memory_space<vmem>>, vector<1x16xf32>,
      %swap3A_895 = vector.shape_cast %swap3A_894 : vector<1x16xf32> to vector<16xf32>
      %swap3A_896 = vector.shape_cast %select_n3A_890 : vector<16xf32> to vector<1x16xf32>
      tpu.vector_store %arg7[%swap3A_892, %swap3A_893], %swap3A_896 {strides = array<i32>} : memref<4x4096xf32, #tpu.memory_space<vmem>>, vector<1x16xf32>,
    }
    %scan3A_643 = arith.constant 256 : i32
    %add3A_644 = arith.constant 96 : i32
    %add3A_645 = arith.addi %mul3A_2, %add3A_644 : i32
    %dma_start3A_646 = arith.constant 0 : i32
    %dma_start3A_647 = tpu.memref_slice %arg3[%add3A_645, %dma_start3A_646] : memref<4096x4096xf32, #tpu.memory_space<hbm>> -> memref<4x4096xf32, #tpu.memory_space<hbm>>
    %dma_start3A_648 = arith.constant 0 : i32
    %dma_start3A_649 = tpu.memref_slice %arg3[%add3A_645, %dma_start3A_648] : memref<4096x4096xf32, #tpu.memory_space<hbm>> -> memref<4x4096xf32, #tpu.memory_space<hbm>>
    tpu.enqueue_dma source(%arg7 : memref<4x4096xf32, #tpu.memory_space<vmem>>) target(%dma_start3A_649 : memref<4x4096xf32, #tpu.memory_space<hbm>>) target_semaphore(%arg13 : memref<!tpu.dma_semaphore, #tpu.memory_space<semaphore_mem>>)
    %add3A_650 = arith.constant 108 : i32
    %add3A_651 = arith.addi %mul3A_2, %add3A_650 : i32
    %dma_start3A_652 = arith.constant 0 : i32
    %dma_start3A_653 = tpu.memref_slice %arg2[%add3A_651, %dma_start3A_652] : memref<4096x4096xf32, #tpu.memory_space<hbm>> -> memref<4x4096xf32, #tpu.memory_space<hbm>>
    %dma_start3A_654 = arith.constant 0 : i32
    %dma_start3A_655 = tpu.memref_slice %arg2[%add3A_651, %dma_start3A_654] : memref<4096x4096xf32, #tpu.memory_space<hbm>> -> memref<4x4096xf32, #tpu.memory_space<hbm>>
    tpu.enqueue_dma source(%dma_start3A_655 : memref<4x4096xf32, #tpu.memory_space<hbm>>) target(%arg4 : memref<4x4096xf32, #tpu.memory_space<vmem>>) target_semaphore(%arg10 : memref<!tpu.dma_semaphore, #tpu.memory_space<semaphore_mem>>)
    %dma_wait3A_656 = arith.constant 0 : i32
    %dma_wait3A_657 = tpu.memref_slice %arg2[%add3A_599, %dma_wait3A_656] : memref<4096x4096xf32, #tpu.memory_space<hbm>> -> memref<4x4096xf32, #tpu.memory_space<hbm>>
    %dma_wait3A_658 = arith.constant 0 : i32
    %dma_wait3A_659 = tpu.memref_slice %arg2[%add3A_599, %dma_wait3A_658] : memref<4096x4096xf32, #tpu.memory_space<hbm>> -> memref<4x4096xf32, #tpu.memory_space<hbm>>
    tpu.wait_dma2 semaphore(%arg11 : memref<!tpu.dma_semaphore, #tpu.memory_space<semaphore_mem>>) src(%dma_wait3A_659 : memref<4x4096xf32, #tpu.memory_space<hbm>>) dst(%arg5 : memref<4x4096xf32, #tpu.memory_space<vmem>>)
    %dma_wait3A_660 = arith.constant 0 : i32
    %dma_wait3A_661 = tpu.memref_slice %arg3[%add3A_593, %dma_wait3A_660] : memref<4096x4096xf32, #tpu.memory_space<hbm>> -> memref<4x4096xf32, #tpu.memory_space<hbm>>
    %dma_wait3A_662 = arith.constant 0 : i32
    %dma_wait3A_663 = tpu.memref_slice %arg3[%add3A_593, %dma_wait3A_662] : memref<4096x4096xf32, #tpu.memory_space<hbm>> -> memref<4x4096xf32, #tpu.memory_space<hbm>>
    tpu.wait_dma2 semaphore(%arg14 : memref<!tpu.dma_semaphore, #tpu.memory_space<semaphore_mem>>) src(%arg8 : memref<4x4096xf32, #tpu.memory_space<vmem>>) dst(%dma_wait3A_663 : memref<4x4096xf32, #tpu.memory_space<hbm>>)
    %scan3A_664 = arith.constant 0 : i32
    %scan3A_665 = arith.constant 0 : i32
    %scan3A_666 = arith.constant 256 : i32
    %scan3A_667 = arith.addi %scan3A_665, %scan3A_666 : i32
    %scan3A_668 = arith.constant 1 : i32
    scf.for %scan3A_832 = %scan3A_665 to %scan3A_667 step %scan3A_668  : i32 {
      %mul3A_833 = arith.constant 16 : i32
      %mul3A_834 = arith.muli %scan3A_832, %mul3A_833 : i32
      %get3A = arith.constant 0 : i32
      %get3A_835 = arith.index_cast %get3A : i32 to index
      %get3A_836 = arith.index_cast %mul3A_834 : i32 to index
      %get3A_837 = tpu.vector_load %arg5[%get3A_835, %get3A_836] {strides = array<i32>} : memref<4x4096xf32, #tpu.memory_space<vmem>>, vector<1x16xf32>,
      %get3A_838 = vector.shape_cast %get3A_837 : vector<1x16xf32> to vector<16xf32>
      %gt3A = arith.constant 5.000000e-01 : f32
      %gt3A_839 = vector.broadcast %gt3A : f32 to vector<16xf32>
      %gt3A_840 = arith.cmpf ogt, %get3A_838, %gt3A_839 : vector<16xf32>
      %jit3A = arith.constant 0.000000e+00 : f32
      %broadcast_in_dim3A = vector.broadcast %jit3A : f32 to vector<16xf32>
      %select_n3A = arith.select %gt3A_840, %get3A_838, %broadcast_in_dim3A : vector<16xi1>, vector<16xf32>
      %swap3A = arith.constant 0 : i32
      %swap3A_841 = arith.index_cast %swap3A : i32 to index
      %swap3A_842 = arith.index_cast %mul3A_834 : i32 to index
      %swap3A_843 = tpu.vector_load %arg8[%swap3A_841, %swap3A_842] {strides = array<i32>} : memref<4x4096xf32, #tpu.memory_space<vmem>>, vector<1x16xf32>,
      %swap3A_844 = vector.shape_cast %swap3A_843 : vector<1x16xf32> to vector<16xf32>
      %swap3A_845 = vector.shape_cast %select_n3A : vector<16xf32> to vector<1x16xf32>
      tpu.vector_store %arg8[%swap3A_841, %swap3A_842], %swap3A_845 {strides = array<i32>} : memref<4x4096xf32, #tpu.memory_space<vmem>>, vector<1x16xf32>,
      %get3A_846 = arith.constant 1 : i32
      %get3A_847 = arith.index_cast %get3A_846 : i32 to index
      %get3A_848 = arith.index_cast %mul3A_834 : i32 to index
      %get3A_849 = tpu.vector_load %arg5[%get3A_847, %get3A_848] {strides = array<i32>} : memref<4x4096xf32, #tpu.memory_space<vmem>>, vector<1x16xf32>,
      %get3A_850 = vector.shape_cast %get3A_849 : vector<1x16xf32> to vector<16xf32>
      %gt3A_851 = arith.constant 5.000000e-01 : f32
      %gt3A_852 = vector.broadcast %gt3A_851 : f32 to vector<16xf32>
      %gt3A_853 = arith.cmpf ogt, %get3A_850, %gt3A_852 : vector<16xf32>
      %jit3A_854 = arith.constant 0.000000e+00 : f32
      %broadcast_in_dim3A_855 = vector.broadcast %jit3A_854 : f32 to vector<16xf32>
      %select_n3A_856 = arith.select %gt3A_853, %get3A_850, %broadcast_in_dim3A_855 : vector<16xi1>, vector<16xf32>
      %swap3A_857 = arith.constant 1 : i32
      %swap3A_858 = arith.index_cast %swap3A_857 : i32 to index
      %swap3A_859 = arith.index_cast %mul3A_834 : i32 to index
      %swap3A_860 = tpu.vector_load %arg8[%swap3A_858, %swap3A_859] {strides = array<i32>} : memref<4x4096xf32, #tpu.memory_space<vmem>>, vector<1x16xf32>,
      %swap3A_861 = vector.shape_cast %swap3A_860 : vector<1x16xf32> to vector<16xf32>
      %swap3A_862 = vector.shape_cast %select_n3A_856 : vector<16xf32> to vector<1x16xf32>
      tpu.vector_store %arg8[%swap3A_858, %swap3A_859], %swap3A_862 {strides = array<i32>} : memref<4x4096xf32, #tpu.memory_space<vmem>>, vector<1x16xf32>,
      %get3A_863 = arith.constant 2 : i32
      %get3A_864 = arith.index_cast %get3A_863 : i32 to index
      %get3A_865 = arith.index_cast %mul3A_834 : i32 to index
      %get3A_866 = tpu.vector_load %arg5[%get3A_864, %get3A_865] {strides = array<i32>} : memref<4x4096xf32, #tpu.memory_space<vmem>>, vector<1x16xf32>,
      %get3A_867 = vector.shape_cast %get3A_866 : vector<1x16xf32> to vector<16xf32>
      %gt3A_868 = arith.constant 5.000000e-01 : f32
      %gt3A_869 = vector.broadcast %gt3A_868 : f32 to vector<16xf32>
      %gt3A_870 = arith.cmpf ogt, %get3A_867, %gt3A_869 : vector<16xf32>
      %jit3A_871 = arith.constant 0.000000e+00 : f32
      %broadcast_in_dim3A_872 = vector.broadcast %jit3A_871 : f32 to vector<16xf32>
      %select_n3A_873 = arith.select %gt3A_870, %get3A_867, %broadcast_in_dim3A_872 : vector<16xi1>, vector<16xf32>
      %swap3A_874 = arith.constant 2 : i32
      %swap3A_875 = arith.index_cast %swap3A_874 : i32 to index
      %swap3A_876 = arith.index_cast %mul3A_834 : i32 to index
      %swap3A_877 = tpu.vector_load %arg8[%swap3A_875, %swap3A_876] {strides = array<i32>} : memref<4x4096xf32, #tpu.memory_space<vmem>>, vector<1x16xf32>,
      %swap3A_878 = vector.shape_cast %swap3A_877 : vector<1x16xf32> to vector<16xf32>
      %swap3A_879 = vector.shape_cast %select_n3A_873 : vector<16xf32> to vector<1x16xf32>
      tpu.vector_store %arg8[%swap3A_875, %swap3A_876], %swap3A_879 {strides = array<i32>} : memref<4x4096xf32, #tpu.memory_space<vmem>>, vector<1x16xf32>,
      %get3A_880 = arith.constant 3 : i32
      %get3A_881 = arith.index_cast %get3A_880 : i32 to index
      %get3A_882 = arith.index_cast %mul3A_834 : i32 to index
      %get3A_883 = tpu.vector_load %arg5[%get3A_881, %get3A_882] {strides = array<i32>} : memref<4x4096xf32, #tpu.memory_space<vmem>>, vector<1x16xf32>,
      %get3A_884 = vector.shape_cast %get3A_883 : vector<1x16xf32> to vector<16xf32>
      %gt3A_885 = arith.constant 5.000000e-01 : f32
      %gt3A_886 = vector.broadcast %gt3A_885 : f32 to vector<16xf32>
      %gt3A_887 = arith.cmpf ogt, %get3A_884, %gt3A_886 : vector<16xf32>
      %jit3A_888 = arith.constant 0.000000e+00 : f32
      %broadcast_in_dim3A_889 = vector.broadcast %jit3A_888 : f32 to vector<16xf32>
      %select_n3A_890 = arith.select %gt3A_887, %get3A_884, %broadcast_in_dim3A_889 : vector<16xi1>, vector<16xf32>
      %swap3A_891 = arith.constant 3 : i32
      %swap3A_892 = arith.index_cast %swap3A_891 : i32 to index
      %swap3A_893 = arith.index_cast %mul3A_834 : i32 to index
      %swap3A_894 = tpu.vector_load %arg8[%swap3A_892, %swap3A_893] {strides = array<i32>} : memref<4x4096xf32, #tpu.memory_space<vmem>>, vector<1x16xf32>,
      %swap3A_895 = vector.shape_cast %swap3A_894 : vector<1x16xf32> to vector<16xf32>
      %swap3A_896 = vector.shape_cast %select_n3A_890 : vector<16xf32> to vector<1x16xf32>
      tpu.vector_store %arg8[%swap3A_892, %swap3A_893], %swap3A_896 {strides = array<i32>} : memref<4x4096xf32, #tpu.memory_space<vmem>>, vector<1x16xf32>,
    }
    %scan3A_669 = arith.constant 256 : i32
    %add3A_670 = arith.constant 100 : i32
    %add3A_671 = arith.addi %mul3A_2, %add3A_670 : i32
    %dma_start3A_672 = arith.constant 0 : i32
    %dma_start3A_673 = tpu.memref_slice %arg3[%add3A_671, %dma_start3A_672] : memref<4096x4096xf32, #tpu.memory_space<hbm>> -> memref<4x4096xf32, #tpu.memory_space<hbm>>
    %dma_start3A_674 = arith.constant 0 : i32
    %dma_start3A_675 = tpu.memref_slice %arg3[%add3A_671, %dma_start3A_674] : memref<4096x4096xf32, #tpu.memory_space<hbm>> -> memref<4x4096xf32, #tpu.memory_space<hbm>>
    tpu.enqueue_dma source(%arg8 : memref<4x4096xf32, #tpu.memory_space<vmem>>) target(%dma_start3A_675 : memref<4x4096xf32, #tpu.memory_space<hbm>>) target_semaphore(%arg14 : memref<!tpu.dma_semaphore, #tpu.memory_space<semaphore_mem>>)
    %add3A_676 = arith.constant 112 : i32
    %add3A_677 = arith.addi %mul3A_2, %add3A_676 : i32
    %dma_start3A_678 = arith.constant 0 : i32
    %dma_start3A_679 = tpu.memref_slice %arg2[%add3A_677, %dma_start3A_678] : memref<4096x4096xf32, #tpu.memory_space<hbm>> -> memref<4x4096xf32, #tpu.memory_space<hbm>>
    %dma_start3A_680 = arith.constant 0 : i32
    %dma_start3A_681 = tpu.memref_slice %arg2[%add3A_677, %dma_start3A_680] : memref<4096x4096xf32, #tpu.memory_space<hbm>> -> memref<4x4096xf32, #tpu.memory_space<hbm>>
    tpu.enqueue_dma source(%dma_start3A_681 : memref<4x4096xf32, #tpu.memory_space<hbm>>) target(%arg5 : memref<4x4096xf32, #tpu.memory_space<vmem>>) target_semaphore(%arg11 : memref<!tpu.dma_semaphore, #tpu.memory_space<semaphore_mem>>)
    %dma_wait3A_682 = arith.constant 0 : i32
    %dma_wait3A_683 = tpu.memref_slice %arg2[%add3A_625, %dma_wait3A_682] : memref<4096x4096xf32, #tpu.memory_space<hbm>> -> memref<4x4096xf32, #tpu.memory_space<hbm>>
    %dma_wait3A_684 = arith.constant 0 : i32
    %dma_wait3A_685 = tpu.memref_slice %arg2[%add3A_625, %dma_wait3A_684] : memref<4096x4096xf32, #tpu.memory_space<hbm>> -> memref<4x4096xf32, #tpu.memory_space<hbm>>
    tpu.wait_dma2 semaphore(%arg12 : memref<!tpu.dma_semaphore, #tpu.memory_space<semaphore_mem>>) src(%dma_wait3A_685 : memref<4x4096xf32, #tpu.memory_space<hbm>>) dst(%arg6 : memref<4x4096xf32, #tpu.memory_space<vmem>>)
    %dma_wait3A_686 = arith.constant 0 : i32
    %dma_wait3A_687 = tpu.memref_slice %arg3[%add3A_619, %dma_wait3A_686] : memref<4096x4096xf32, #tpu.memory_space<hbm>> -> memref<4x4096xf32, #tpu.memory_space<hbm>>
    %dma_wait3A_688 = arith.constant 0 : i32
    %dma_wait3A_689 = tpu.memref_slice %arg3[%add3A_619, %dma_wait3A_688] : memref<4096x4096xf32, #tpu.memory_space<hbm>> -> memref<4x4096xf32, #tpu.memory_space<hbm>>
    tpu.wait_dma2 semaphore(%arg15 : memref<!tpu.dma_semaphore, #tpu.memory_space<semaphore_mem>>) src(%arg9 : memref<4x4096xf32, #tpu.memory_space<vmem>>) dst(%dma_wait3A_689 : memref<4x4096xf32, #tpu.memory_space<hbm>>)
    %scan3A_690 = arith.constant 0 : i32
    %scan3A_691 = arith.constant 0 : i32
    %scan3A_692 = arith.constant 256 : i32
    %scan3A_693 = arith.addi %scan3A_691, %scan3A_692 : i32
    %scan3A_694 = arith.constant 1 : i32
    scf.for %scan3A_832 = %scan3A_691 to %scan3A_693 step %scan3A_694  : i32 {
      %mul3A_833 = arith.constant 16 : i32
      %mul3A_834 = arith.muli %scan3A_832, %mul3A_833 : i32
      %get3A = arith.constant 0 : i32
      %get3A_835 = arith.index_cast %get3A : i32 to index
      %get3A_836 = arith.index_cast %mul3A_834 : i32 to index
      %get3A_837 = tpu.vector_load %arg6[%get3A_835, %get3A_836] {strides = array<i32>} : memref<4x4096xf32, #tpu.memory_space<vmem>>, vector<1x16xf32>,
      %get3A_838 = vector.shape_cast %get3A_837 : vector<1x16xf32> to vector<16xf32>
      %gt3A = arith.constant 5.000000e-01 : f32
      %gt3A_839 = vector.broadcast %gt3A : f32 to vector<16xf32>
      %gt3A_840 = arith.cmpf ogt, %get3A_838, %gt3A_839 : vector<16xf32>
      %jit3A = arith.constant 0.000000e+00 : f32
      %broadcast_in_dim3A = vector.broadcast %jit3A : f32 to vector<16xf32>
      %select_n3A = arith.select %gt3A_840, %get3A_838, %broadcast_in_dim3A : vector<16xi1>, vector<16xf32>
      %swap3A = arith.constant 0 : i32
      %swap3A_841 = arith.index_cast %swap3A : i32 to index
      %swap3A_842 = arith.index_cast %mul3A_834 : i32 to index
      %swap3A_843 = tpu.vector_load %arg9[%swap3A_841, %swap3A_842] {strides = array<i32>} : memref<4x4096xf32, #tpu.memory_space<vmem>>, vector<1x16xf32>,
      %swap3A_844 = vector.shape_cast %swap3A_843 : vector<1x16xf32> to vector<16xf32>
      %swap3A_845 = vector.shape_cast %select_n3A : vector<16xf32> to vector<1x16xf32>
      tpu.vector_store %arg9[%swap3A_841, %swap3A_842], %swap3A_845 {strides = array<i32>} : memref<4x4096xf32, #tpu.memory_space<vmem>>, vector<1x16xf32>,
      %get3A_846 = arith.constant 1 : i32
      %get3A_847 = arith.index_cast %get3A_846 : i32 to index
      %get3A_848 = arith.index_cast %mul3A_834 : i32 to index
      %get3A_849 = tpu.vector_load %arg6[%get3A_847, %get3A_848] {strides = array<i32>} : memref<4x4096xf32, #tpu.memory_space<vmem>>, vector<1x16xf32>,
      %get3A_850 = vector.shape_cast %get3A_849 : vector<1x16xf32> to vector<16xf32>
      %gt3A_851 = arith.constant 5.000000e-01 : f32
      %gt3A_852 = vector.broadcast %gt3A_851 : f32 to vector<16xf32>
      %gt3A_853 = arith.cmpf ogt, %get3A_850, %gt3A_852 : vector<16xf32>
      %jit3A_854 = arith.constant 0.000000e+00 : f32
      %broadcast_in_dim3A_855 = vector.broadcast %jit3A_854 : f32 to vector<16xf32>
      %select_n3A_856 = arith.select %gt3A_853, %get3A_850, %broadcast_in_dim3A_855 : vector<16xi1>, vector<16xf32>
      %swap3A_857 = arith.constant 1 : i32
      %swap3A_858 = arith.index_cast %swap3A_857 : i32 to index
      %swap3A_859 = arith.index_cast %mul3A_834 : i32 to index
      %swap3A_860 = tpu.vector_load %arg9[%swap3A_858, %swap3A_859] {strides = array<i32>} : memref<4x4096xf32, #tpu.memory_space<vmem>>, vector<1x16xf32>,
      %swap3A_861 = vector.shape_cast %swap3A_860 : vector<1x16xf32> to vector<16xf32>
      %swap3A_862 = vector.shape_cast %select_n3A_856 : vector<16xf32> to vector<1x16xf32>
      tpu.vector_store %arg9[%swap3A_858, %swap3A_859], %swap3A_862 {strides = array<i32>} : memref<4x4096xf32, #tpu.memory_space<vmem>>, vector<1x16xf32>,
      %get3A_863 = arith.constant 2 : i32
      %get3A_864 = arith.index_cast %get3A_863 : i32 to index
      %get3A_865 = arith.index_cast %mul3A_834 : i32 to index
      %get3A_866 = tpu.vector_load %arg6[%get3A_864, %get3A_865] {strides = array<i32>} : memref<4x4096xf32, #tpu.memory_space<vmem>>, vector<1x16xf32>,
      %get3A_867 = vector.shape_cast %get3A_866 : vector<1x16xf32> to vector<16xf32>
      %gt3A_868 = arith.constant 5.000000e-01 : f32
      %gt3A_869 = vector.broadcast %gt3A_868 : f32 to vector<16xf32>
      %gt3A_870 = arith.cmpf ogt, %get3A_867, %gt3A_869 : vector<16xf32>
      %jit3A_871 = arith.constant 0.000000e+00 : f32
      %broadcast_in_dim3A_872 = vector.broadcast %jit3A_871 : f32 to vector<16xf32>
      %select_n3A_873 = arith.select %gt3A_870, %get3A_867, %broadcast_in_dim3A_872 : vector<16xi1>, vector<16xf32>
      %swap3A_874 = arith.constant 2 : i32
      %swap3A_875 = arith.index_cast %swap3A_874 : i32 to index
      %swap3A_876 = arith.index_cast %mul3A_834 : i32 to index
      %swap3A_877 = tpu.vector_load %arg9[%swap3A_875, %swap3A_876] {strides = array<i32>} : memref<4x4096xf32, #tpu.memory_space<vmem>>, vector<1x16xf32>,
      %swap3A_878 = vector.shape_cast %swap3A_877 : vector<1x16xf32> to vector<16xf32>
      %swap3A_879 = vector.shape_cast %select_n3A_873 : vector<16xf32> to vector<1x16xf32>
      tpu.vector_store %arg9[%swap3A_875, %swap3A_876], %swap3A_879 {strides = array<i32>} : memref<4x4096xf32, #tpu.memory_space<vmem>>, vector<1x16xf32>,
      %get3A_880 = arith.constant 3 : i32
      %get3A_881 = arith.index_cast %get3A_880 : i32 to index
      %get3A_882 = arith.index_cast %mul3A_834 : i32 to index
      %get3A_883 = tpu.vector_load %arg6[%get3A_881, %get3A_882] {strides = array<i32>} : memref<4x4096xf32, #tpu.memory_space<vmem>>, vector<1x16xf32>,
      %get3A_884 = vector.shape_cast %get3A_883 : vector<1x16xf32> to vector<16xf32>
      %gt3A_885 = arith.constant 5.000000e-01 : f32
      %gt3A_886 = vector.broadcast %gt3A_885 : f32 to vector<16xf32>
      %gt3A_887 = arith.cmpf ogt, %get3A_884, %gt3A_886 : vector<16xf32>
      %jit3A_888 = arith.constant 0.000000e+00 : f32
      %broadcast_in_dim3A_889 = vector.broadcast %jit3A_888 : f32 to vector<16xf32>
      %select_n3A_890 = arith.select %gt3A_887, %get3A_884, %broadcast_in_dim3A_889 : vector<16xi1>, vector<16xf32>
      %swap3A_891 = arith.constant 3 : i32
      %swap3A_892 = arith.index_cast %swap3A_891 : i32 to index
      %swap3A_893 = arith.index_cast %mul3A_834 : i32 to index
      %swap3A_894 = tpu.vector_load %arg9[%swap3A_892, %swap3A_893] {strides = array<i32>} : memref<4x4096xf32, #tpu.memory_space<vmem>>, vector<1x16xf32>,
      %swap3A_895 = vector.shape_cast %swap3A_894 : vector<1x16xf32> to vector<16xf32>
      %swap3A_896 = vector.shape_cast %select_n3A_890 : vector<16xf32> to vector<1x16xf32>
      tpu.vector_store %arg9[%swap3A_892, %swap3A_893], %swap3A_896 {strides = array<i32>} : memref<4x4096xf32, #tpu.memory_space<vmem>>, vector<1x16xf32>,
    }
    %scan3A_695 = arith.constant 256 : i32
    %add3A_696 = arith.constant 104 : i32
    %add3A_697 = arith.addi %mul3A_2, %add3A_696 : i32
    %dma_start3A_698 = arith.constant 0 : i32
    %dma_start3A_699 = tpu.memref_slice %arg3[%add3A_697, %dma_start3A_698] : memref<4096x4096xf32, #tpu.memory_space<hbm>> -> memref<4x4096xf32, #tpu.memory_space<hbm>>
    %dma_start3A_700 = arith.constant 0 : i32
    %dma_start3A_701 = tpu.memref_slice %arg3[%add3A_697, %dma_start3A_700] : memref<4096x4096xf32, #tpu.memory_space<hbm>> -> memref<4x4096xf32, #tpu.memory_space<hbm>>
    tpu.enqueue_dma source(%arg9 : memref<4x4096xf32, #tpu.memory_space<vmem>>) target(%dma_start3A_701 : memref<4x4096xf32, #tpu.memory_space<hbm>>) target_semaphore(%arg15 : memref<!tpu.dma_semaphore, #tpu.memory_space<semaphore_mem>>)
    %add3A_702 = arith.constant 116 : i32
    %add3A_703 = arith.addi %mul3A_2, %add3A_702 : i32
    %dma_start3A_704 = arith.constant 0 : i32
    %dma_start3A_705 = tpu.memref_slice %arg2[%add3A_703, %dma_start3A_704] : memref<4096x4096xf32, #tpu.memory_space<hbm>> -> memref<4x4096xf32, #tpu.memory_space<hbm>>
    %dma_start3A_706 = arith.constant 0 : i32
    %dma_start3A_707 = tpu.memref_slice %arg2[%add3A_703, %dma_start3A_706] : memref<4096x4096xf32, #tpu.memory_space<hbm>> -> memref<4x4096xf32, #tpu.memory_space<hbm>>
    tpu.enqueue_dma source(%dma_start3A_707 : memref<4x4096xf32, #tpu.memory_space<hbm>>) target(%arg6 : memref<4x4096xf32, #tpu.memory_space<vmem>>) target_semaphore(%arg12 : memref<!tpu.dma_semaphore, #tpu.memory_space<semaphore_mem>>)
    %dma_wait3A_708 = arith.constant 0 : i32
    %dma_wait3A_709 = tpu.memref_slice %arg2[%add3A_651, %dma_wait3A_708] : memref<4096x4096xf32, #tpu.memory_space<hbm>> -> memref<4x4096xf32, #tpu.memory_space<hbm>>
    %dma_wait3A_710 = arith.constant 0 : i32
    %dma_wait3A_711 = tpu.memref_slice %arg2[%add3A_651, %dma_wait3A_710] : memref<4096x4096xf32, #tpu.memory_space<hbm>> -> memref<4x4096xf32, #tpu.memory_space<hbm>>
    tpu.wait_dma2 semaphore(%arg10 : memref<!tpu.dma_semaphore, #tpu.memory_space<semaphore_mem>>) src(%dma_wait3A_711 : memref<4x4096xf32, #tpu.memory_space<hbm>>) dst(%arg4 : memref<4x4096xf32, #tpu.memory_space<vmem>>)
    %dma_wait3A_712 = arith.constant 0 : i32
    %dma_wait3A_713 = tpu.memref_slice %arg3[%add3A_645, %dma_wait3A_712] : memref<4096x4096xf32, #tpu.memory_space<hbm>> -> memref<4x4096xf32, #tpu.memory_space<hbm>>
    %dma_wait3A_714 = arith.constant 0 : i32
    %dma_wait3A_715 = tpu.memref_slice %arg3[%add3A_645, %dma_wait3A_714] : memref<4096x4096xf32, #tpu.memory_space<hbm>> -> memref<4x4096xf32, #tpu.memory_space<hbm>>
    tpu.wait_dma2 semaphore(%arg13 : memref<!tpu.dma_semaphore, #tpu.memory_space<semaphore_mem>>) src(%arg7 : memref<4x4096xf32, #tpu.memory_space<vmem>>) dst(%dma_wait3A_715 : memref<4x4096xf32, #tpu.memory_space<hbm>>)
    %scan3A_716 = arith.constant 0 : i32
    %scan3A_717 = arith.constant 0 : i32
    %scan3A_718 = arith.constant 256 : i32
    %scan3A_719 = arith.addi %scan3A_717, %scan3A_718 : i32
    %scan3A_720 = arith.constant 1 : i32
    scf.for %scan3A_832 = %scan3A_717 to %scan3A_719 step %scan3A_720  : i32 {
      %mul3A_833 = arith.constant 16 : i32
      %mul3A_834 = arith.muli %scan3A_832, %mul3A_833 : i32
      %get3A = arith.constant 0 : i32
      %get3A_835 = arith.index_cast %get3A : i32 to index
      %get3A_836 = arith.index_cast %mul3A_834 : i32 to index
      %get3A_837 = tpu.vector_load %arg4[%get3A_835, %get3A_836] {strides = array<i32>} : memref<4x4096xf32, #tpu.memory_space<vmem>>, vector<1x16xf32>,
      %get3A_838 = vector.shape_cast %get3A_837 : vector<1x16xf32> to vector<16xf32>
      %gt3A = arith.constant 5.000000e-01 : f32
      %gt3A_839 = vector.broadcast %gt3A : f32 to vector<16xf32>
      %gt3A_840 = arith.cmpf ogt, %get3A_838, %gt3A_839 : vector<16xf32>
      %jit3A = arith.constant 0.000000e+00 : f32
      %broadcast_in_dim3A = vector.broadcast %jit3A : f32 to vector<16xf32>
      %select_n3A = arith.select %gt3A_840, %get3A_838, %broadcast_in_dim3A : vector<16xi1>, vector<16xf32>
      %swap3A = arith.constant 0 : i32
      %swap3A_841 = arith.index_cast %swap3A : i32 to index
      %swap3A_842 = arith.index_cast %mul3A_834 : i32 to index
      %swap3A_843 = tpu.vector_load %arg7[%swap3A_841, %swap3A_842] {strides = array<i32>} : memref<4x4096xf32, #tpu.memory_space<vmem>>, vector<1x16xf32>,
      %swap3A_844 = vector.shape_cast %swap3A_843 : vector<1x16xf32> to vector<16xf32>
      %swap3A_845 = vector.shape_cast %select_n3A : vector<16xf32> to vector<1x16xf32>
      tpu.vector_store %arg7[%swap3A_841, %swap3A_842], %swap3A_845 {strides = array<i32>} : memref<4x4096xf32, #tpu.memory_space<vmem>>, vector<1x16xf32>,
      %get3A_846 = arith.constant 1 : i32
      %get3A_847 = arith.index_cast %get3A_846 : i32 to index
      %get3A_848 = arith.index_cast %mul3A_834 : i32 to index
      %get3A_849 = tpu.vector_load %arg4[%get3A_847, %get3A_848] {strides = array<i32>} : memref<4x4096xf32, #tpu.memory_space<vmem>>, vector<1x16xf32>,
      %get3A_850 = vector.shape_cast %get3A_849 : vector<1x16xf32> to vector<16xf32>
      %gt3A_851 = arith.constant 5.000000e-01 : f32
      %gt3A_852 = vector.broadcast %gt3A_851 : f32 to vector<16xf32>
      %gt3A_853 = arith.cmpf ogt, %get3A_850, %gt3A_852 : vector<16xf32>
      %jit3A_854 = arith.constant 0.000000e+00 : f32
      %broadcast_in_dim3A_855 = vector.broadcast %jit3A_854 : f32 to vector<16xf32>
      %select_n3A_856 = arith.select %gt3A_853, %get3A_850, %broadcast_in_dim3A_855 : vector<16xi1>, vector<16xf32>
      %swap3A_857 = arith.constant 1 : i32
      %swap3A_858 = arith.index_cast %swap3A_857 : i32 to index
      %swap3A_859 = arith.index_cast %mul3A_834 : i32 to index
      %swap3A_860 = tpu.vector_load %arg7[%swap3A_858, %swap3A_859] {strides = array<i32>} : memref<4x4096xf32, #tpu.memory_space<vmem>>, vector<1x16xf32>,
      %swap3A_861 = vector.shape_cast %swap3A_860 : vector<1x16xf32> to vector<16xf32>
      %swap3A_862 = vector.shape_cast %select_n3A_856 : vector<16xf32> to vector<1x16xf32>
      tpu.vector_store %arg7[%swap3A_858, %swap3A_859], %swap3A_862 {strides = array<i32>} : memref<4x4096xf32, #tpu.memory_space<vmem>>, vector<1x16xf32>,
      %get3A_863 = arith.constant 2 : i32
      %get3A_864 = arith.index_cast %get3A_863 : i32 to index
      %get3A_865 = arith.index_cast %mul3A_834 : i32 to index
      %get3A_866 = tpu.vector_load %arg4[%get3A_864, %get3A_865] {strides = array<i32>} : memref<4x4096xf32, #tpu.memory_space<vmem>>, vector<1x16xf32>,
      %get3A_867 = vector.shape_cast %get3A_866 : vector<1x16xf32> to vector<16xf32>
      %gt3A_868 = arith.constant 5.000000e-01 : f32
      %gt3A_869 = vector.broadcast %gt3A_868 : f32 to vector<16xf32>
      %gt3A_870 = arith.cmpf ogt, %get3A_867, %gt3A_869 : vector<16xf32>
      %jit3A_871 = arith.constant 0.000000e+00 : f32
      %broadcast_in_dim3A_872 = vector.broadcast %jit3A_871 : f32 to vector<16xf32>
      %select_n3A_873 = arith.select %gt3A_870, %get3A_867, %broadcast_in_dim3A_872 : vector<16xi1>, vector<16xf32>
      %swap3A_874 = arith.constant 2 : i32
      %swap3A_875 = arith.index_cast %swap3A_874 : i32 to index
      %swap3A_876 = arith.index_cast %mul3A_834 : i32 to index
      %swap3A_877 = tpu.vector_load %arg7[%swap3A_875, %swap3A_876] {strides = array<i32>} : memref<4x4096xf32, #tpu.memory_space<vmem>>, vector<1x16xf32>,
      %swap3A_878 = vector.shape_cast %swap3A_877 : vector<1x16xf32> to vector<16xf32>
      %swap3A_879 = vector.shape_cast %select_n3A_873 : vector<16xf32> to vector<1x16xf32>
      tpu.vector_store %arg7[%swap3A_875, %swap3A_876], %swap3A_879 {strides = array<i32>} : memref<4x4096xf32, #tpu.memory_space<vmem>>, vector<1x16xf32>,
      %get3A_880 = arith.constant 3 : i32
      %get3A_881 = arith.index_cast %get3A_880 : i32 to index
      %get3A_882 = arith.index_cast %mul3A_834 : i32 to index
      %get3A_883 = tpu.vector_load %arg4[%get3A_881, %get3A_882] {strides = array<i32>} : memref<4x4096xf32, #tpu.memory_space<vmem>>, vector<1x16xf32>,
      %get3A_884 = vector.shape_cast %get3A_883 : vector<1x16xf32> to vector<16xf32>
      %gt3A_885 = arith.constant 5.000000e-01 : f32
      %gt3A_886 = vector.broadcast %gt3A_885 : f32 to vector<16xf32>
      %gt3A_887 = arith.cmpf ogt, %get3A_884, %gt3A_886 : vector<16xf32>
      %jit3A_888 = arith.constant 0.000000e+00 : f32
      %broadcast_in_dim3A_889 = vector.broadcast %jit3A_888 : f32 to vector<16xf32>
      %select_n3A_890 = arith.select %gt3A_887, %get3A_884, %broadcast_in_dim3A_889 : vector<16xi1>, vector<16xf32>
      %swap3A_891 = arith.constant 3 : i32
      %swap3A_892 = arith.index_cast %swap3A_891 : i32 to index
      %swap3A_893 = arith.index_cast %mul3A_834 : i32 to index
      %swap3A_894 = tpu.vector_load %arg7[%swap3A_892, %swap3A_893] {strides = array<i32>} : memref<4x4096xf32, #tpu.memory_space<vmem>>, vector<1x16xf32>,
      %swap3A_895 = vector.shape_cast %swap3A_894 : vector<1x16xf32> to vector<16xf32>
      %swap3A_896 = vector.shape_cast %select_n3A_890 : vector<16xf32> to vector<1x16xf32>
      tpu.vector_store %arg7[%swap3A_892, %swap3A_893], %swap3A_896 {strides = array<i32>} : memref<4x4096xf32, #tpu.memory_space<vmem>>, vector<1x16xf32>,
    }
    %scan3A_721 = arith.constant 256 : i32
    %add3A_722 = arith.constant 108 : i32
    %add3A_723 = arith.addi %mul3A_2, %add3A_722 : i32
    %dma_start3A_724 = arith.constant 0 : i32
    %dma_start3A_725 = tpu.memref_slice %arg3[%add3A_723, %dma_start3A_724] : memref<4096x4096xf32, #tpu.memory_space<hbm>> -> memref<4x4096xf32, #tpu.memory_space<hbm>>
    %dma_start3A_726 = arith.constant 0 : i32
    %dma_start3A_727 = tpu.memref_slice %arg3[%add3A_723, %dma_start3A_726] : memref<4096x4096xf32, #tpu.memory_space<hbm>> -> memref<4x4096xf32, #tpu.memory_space<hbm>>
    tpu.enqueue_dma source(%arg7 : memref<4x4096xf32, #tpu.memory_space<vmem>>) target(%dma_start3A_727 : memref<4x4096xf32, #tpu.memory_space<hbm>>) target_semaphore(%arg13 : memref<!tpu.dma_semaphore, #tpu.memory_space<semaphore_mem>>)
    %add3A_728 = arith.constant 120 : i32
    %add3A_729 = arith.addi %mul3A_2, %add3A_728 : i32
    %dma_start3A_730 = arith.constant 0 : i32
    %dma_start3A_731 = tpu.memref_slice %arg2[%add3A_729, %dma_start3A_730] : memref<4096x4096xf32, #tpu.memory_space<hbm>> -> memref<4x4096xf32, #tpu.memory_space<hbm>>
    %dma_start3A_732 = arith.constant 0 : i32
    %dma_start3A_733 = tpu.memref_slice %arg2[%add3A_729, %dma_start3A_732] : memref<4096x4096xf32, #tpu.memory_space<hbm>> -> memref<4x4096xf32, #tpu.memory_space<hbm>>
    tpu.enqueue_dma source(%dma_start3A_733 : memref<4x4096xf32, #tpu.memory_space<hbm>>) target(%arg4 : memref<4x4096xf32, #tpu.memory_space<vmem>>) target_semaphore(%arg10 : memref<!tpu.dma_semaphore, #tpu.memory_space<semaphore_mem>>)
    %dma_wait3A_734 = arith.constant 0 : i32
    %dma_wait3A_735 = tpu.memref_slice %arg2[%add3A_677, %dma_wait3A_734] : memref<4096x4096xf32, #tpu.memory_space<hbm>> -> memref<4x4096xf32, #tpu.memory_space<hbm>>
    %dma_wait3A_736 = arith.constant 0 : i32
    %dma_wait3A_737 = tpu.memref_slice %arg2[%add3A_677, %dma_wait3A_736] : memref<4096x4096xf32, #tpu.memory_space<hbm>> -> memref<4x4096xf32, #tpu.memory_space<hbm>>
    tpu.wait_dma2 semaphore(%arg11 : memref<!tpu.dma_semaphore, #tpu.memory_space<semaphore_mem>>) src(%dma_wait3A_737 : memref<4x4096xf32, #tpu.memory_space<hbm>>) dst(%arg5 : memref<4x4096xf32, #tpu.memory_space<vmem>>)
    %dma_wait3A_738 = arith.constant 0 : i32
    %dma_wait3A_739 = tpu.memref_slice %arg3[%add3A_671, %dma_wait3A_738] : memref<4096x4096xf32, #tpu.memory_space<hbm>> -> memref<4x4096xf32, #tpu.memory_space<hbm>>
    %dma_wait3A_740 = arith.constant 0 : i32
    %dma_wait3A_741 = tpu.memref_slice %arg3[%add3A_671, %dma_wait3A_740] : memref<4096x4096xf32, #tpu.memory_space<hbm>> -> memref<4x4096xf32, #tpu.memory_space<hbm>>
    tpu.wait_dma2 semaphore(%arg14 : memref<!tpu.dma_semaphore, #tpu.memory_space<semaphore_mem>>) src(%arg8 : memref<4x4096xf32, #tpu.memory_space<vmem>>) dst(%dma_wait3A_741 : memref<4x4096xf32, #tpu.memory_space<hbm>>)
    %scan3A_742 = arith.constant 0 : i32
    %scan3A_743 = arith.constant 0 : i32
    %scan3A_744 = arith.constant 256 : i32
    %scan3A_745 = arith.addi %scan3A_743, %scan3A_744 : i32
    %scan3A_746 = arith.constant 1 : i32
    scf.for %scan3A_832 = %scan3A_743 to %scan3A_745 step %scan3A_746  : i32 {
      %mul3A_833 = arith.constant 16 : i32
      %mul3A_834 = arith.muli %scan3A_832, %mul3A_833 : i32
      %get3A = arith.constant 0 : i32
      %get3A_835 = arith.index_cast %get3A : i32 to index
      %get3A_836 = arith.index_cast %mul3A_834 : i32 to index
      %get3A_837 = tpu.vector_load %arg5[%get3A_835, %get3A_836] {strides = array<i32>} : memref<4x4096xf32, #tpu.memory_space<vmem>>, vector<1x16xf32>,
      %get3A_838 = vector.shape_cast %get3A_837 : vector<1x16xf32> to vector<16xf32>
      %gt3A = arith.constant 5.000000e-01 : f32
      %gt3A_839 = vector.broadcast %gt3A : f32 to vector<16xf32>
      %gt3A_840 = arith.cmpf ogt, %get3A_838, %gt3A_839 : vector<16xf32>
      %jit3A = arith.constant 0.000000e+00 : f32
      %broadcast_in_dim3A = vector.broadcast %jit3A : f32 to vector<16xf32>
      %select_n3A = arith.select %gt3A_840, %get3A_838, %broadcast_in_dim3A : vector<16xi1>, vector<16xf32>
      %swap3A = arith.constant 0 : i32
      %swap3A_841 = arith.index_cast %swap3A : i32 to index
      %swap3A_842 = arith.index_cast %mul3A_834 : i32 to index
      %swap3A_843 = tpu.vector_load %arg8[%swap3A_841, %swap3A_842] {strides = array<i32>} : memref<4x4096xf32, #tpu.memory_space<vmem>>, vector<1x16xf32>,
      %swap3A_844 = vector.shape_cast %swap3A_843 : vector<1x16xf32> to vector<16xf32>
      %swap3A_845 = vector.shape_cast %select_n3A : vector<16xf32> to vector<1x16xf32>
      tpu.vector_store %arg8[%swap3A_841, %swap3A_842], %swap3A_845 {strides = array<i32>} : memref<4x4096xf32, #tpu.memory_space<vmem>>, vector<1x16xf32>,
      %get3A_846 = arith.constant 1 : i32
      %get3A_847 = arith.index_cast %get3A_846 : i32 to index
      %get3A_848 = arith.index_cast %mul3A_834 : i32 to index
      %get3A_849 = tpu.vector_load %arg5[%get3A_847, %get3A_848] {strides = array<i32>} : memref<4x4096xf32, #tpu.memory_space<vmem>>, vector<1x16xf32>,
      %get3A_850 = vector.shape_cast %get3A_849 : vector<1x16xf32> to vector<16xf32>
      %gt3A_851 = arith.constant 5.000000e-01 : f32
      %gt3A_852 = vector.broadcast %gt3A_851 : f32 to vector<16xf32>
      %gt3A_853 = arith.cmpf ogt, %get3A_850, %gt3A_852 : vector<16xf32>
      %jit3A_854 = arith.constant 0.000000e+00 : f32
      %broadcast_in_dim3A_855 = vector.broadcast %jit3A_854 : f32 to vector<16xf32>
      %select_n3A_856 = arith.select %gt3A_853, %get3A_850, %broadcast_in_dim3A_855 : vector<16xi1>, vector<16xf32>
      %swap3A_857 = arith.constant 1 : i32
      %swap3A_858 = arith.index_cast %swap3A_857 : i32 to index
      %swap3A_859 = arith.index_cast %mul3A_834 : i32 to index
      %swap3A_860 = tpu.vector_load %arg8[%swap3A_858, %swap3A_859] {strides = array<i32>} : memref<4x4096xf32, #tpu.memory_space<vmem>>, vector<1x16xf32>,
      %swap3A_861 = vector.shape_cast %swap3A_860 : vector<1x16xf32> to vector<16xf32>
      %swap3A_862 = vector.shape_cast %select_n3A_856 : vector<16xf32> to vector<1x16xf32>
      tpu.vector_store %arg8[%swap3A_858, %swap3A_859], %swap3A_862 {strides = array<i32>} : memref<4x4096xf32, #tpu.memory_space<vmem>>, vector<1x16xf32>,
      %get3A_863 = arith.constant 2 : i32
      %get3A_864 = arith.index_cast %get3A_863 : i32 to index
      %get3A_865 = arith.index_cast %mul3A_834 : i32 to index
      %get3A_866 = tpu.vector_load %arg5[%get3A_864, %get3A_865] {strides = array<i32>} : memref<4x4096xf32, #tpu.memory_space<vmem>>, vector<1x16xf32>,
      %get3A_867 = vector.shape_cast %get3A_866 : vector<1x16xf32> to vector<16xf32>
      %gt3A_868 = arith.constant 5.000000e-01 : f32
      %gt3A_869 = vector.broadcast %gt3A_868 : f32 to vector<16xf32>
      %gt3A_870 = arith.cmpf ogt, %get3A_867, %gt3A_869 : vector<16xf32>
      %jit3A_871 = arith.constant 0.000000e+00 : f32
      %broadcast_in_dim3A_872 = vector.broadcast %jit3A_871 : f32 to vector<16xf32>
      %select_n3A_873 = arith.select %gt3A_870, %get3A_867, %broadcast_in_dim3A_872 : vector<16xi1>, vector<16xf32>
      %swap3A_874 = arith.constant 2 : i32
      %swap3A_875 = arith.index_cast %swap3A_874 : i32 to index
      %swap3A_876 = arith.index_cast %mul3A_834 : i32 to index
      %swap3A_877 = tpu.vector_load %arg8[%swap3A_875, %swap3A_876] {strides = array<i32>} : memref<4x4096xf32, #tpu.memory_space<vmem>>, vector<1x16xf32>,
      %swap3A_878 = vector.shape_cast %swap3A_877 : vector<1x16xf32> to vector<16xf32>
      %swap3A_879 = vector.shape_cast %select_n3A_873 : vector<16xf32> to vector<1x16xf32>
      tpu.vector_store %arg8[%swap3A_875, %swap3A_876], %swap3A_879 {strides = array<i32>} : memref<4x4096xf32, #tpu.memory_space<vmem>>, vector<1x16xf32>,
      %get3A_880 = arith.constant 3 : i32
      %get3A_881 = arith.index_cast %get3A_880 : i32 to index
      %get3A_882 = arith.index_cast %mul3A_834 : i32 to index
      %get3A_883 = tpu.vector_load %arg5[%get3A_881, %get3A_882] {strides = array<i32>} : memref<4x4096xf32, #tpu.memory_space<vmem>>, vector<1x16xf32>,
      %get3A_884 = vector.shape_cast %get3A_883 : vector<1x16xf32> to vector<16xf32>
      %gt3A_885 = arith.constant 5.000000e-01 : f32
      %gt3A_886 = vector.broadcast %gt3A_885 : f32 to vector<16xf32>
      %gt3A_887 = arith.cmpf ogt, %get3A_884, %gt3A_886 : vector<16xf32>
      %jit3A_888 = arith.constant 0.000000e+00 : f32
      %broadcast_in_dim3A_889 = vector.broadcast %jit3A_888 : f32 to vector<16xf32>
      %select_n3A_890 = arith.select %gt3A_887, %get3A_884, %broadcast_in_dim3A_889 : vector<16xi1>, vector<16xf32>
      %swap3A_891 = arith.constant 3 : i32
      %swap3A_892 = arith.index_cast %swap3A_891 : i32 to index
      %swap3A_893 = arith.index_cast %mul3A_834 : i32 to index
      %swap3A_894 = tpu.vector_load %arg8[%swap3A_892, %swap3A_893] {strides = array<i32>} : memref<4x4096xf32, #tpu.memory_space<vmem>>, vector<1x16xf32>,
      %swap3A_895 = vector.shape_cast %swap3A_894 : vector<1x16xf32> to vector<16xf32>
      %swap3A_896 = vector.shape_cast %select_n3A_890 : vector<16xf32> to vector<1x16xf32>
      tpu.vector_store %arg8[%swap3A_892, %swap3A_893], %swap3A_896 {strides = array<i32>} : memref<4x4096xf32, #tpu.memory_space<vmem>>, vector<1x16xf32>,
    }
    %scan3A_747 = arith.constant 256 : i32
    %add3A_748 = arith.constant 112 : i32
    %add3A_749 = arith.addi %mul3A_2, %add3A_748 : i32
    %dma_start3A_750 = arith.constant 0 : i32
    %dma_start3A_751 = tpu.memref_slice %arg3[%add3A_749, %dma_start3A_750] : memref<4096x4096xf32, #tpu.memory_space<hbm>> -> memref<4x4096xf32, #tpu.memory_space<hbm>>
    %dma_start3A_752 = arith.constant 0 : i32
    %dma_start3A_753 = tpu.memref_slice %arg3[%add3A_749, %dma_start3A_752] : memref<4096x4096xf32, #tpu.memory_space<hbm>> -> memref<4x4096xf32, #tpu.memory_space<hbm>>
    tpu.enqueue_dma source(%arg8 : memref<4x4096xf32, #tpu.memory_space<vmem>>) target(%dma_start3A_753 : memref<4x4096xf32, #tpu.memory_space<hbm>>) target_semaphore(%arg14 : memref<!tpu.dma_semaphore, #tpu.memory_space<semaphore_mem>>)
    %add3A_754 = arith.constant 124 : i32
    %add3A_755 = arith.addi %mul3A_2, %add3A_754 : i32
    %dma_start3A_756 = arith.constant 0 : i32
    %dma_start3A_757 = tpu.memref_slice %arg2[%add3A_755, %dma_start3A_756] : memref<4096x4096xf32, #tpu.memory_space<hbm>> -> memref<4x4096xf32, #tpu.memory_space<hbm>>
    %dma_start3A_758 = arith.constant 0 : i32
    %dma_start3A_759 = tpu.memref_slice %arg2[%add3A_755, %dma_start3A_758] : memref<4096x4096xf32, #tpu.memory_space<hbm>> -> memref<4x4096xf32, #tpu.memory_space<hbm>>
    tpu.enqueue_dma source(%dma_start3A_759 : memref<4x4096xf32, #tpu.memory_space<hbm>>) target(%arg5 : memref<4x4096xf32, #tpu.memory_space<vmem>>) target_semaphore(%arg11 : memref<!tpu.dma_semaphore, #tpu.memory_space<semaphore_mem>>)
    %dma_wait3A_760 = arith.constant 0 : i32
    %dma_wait3A_761 = tpu.memref_slice %arg2[%add3A_703, %dma_wait3A_760] : memref<4096x4096xf32, #tpu.memory_space<hbm>> -> memref<4x4096xf32, #tpu.memory_space<hbm>>
    %dma_wait3A_762 = arith.constant 0 : i32
    %dma_wait3A_763 = tpu.memref_slice %arg2[%add3A_703, %dma_wait3A_762] : memref<4096x4096xf32, #tpu.memory_space<hbm>> -> memref<4x4096xf32, #tpu.memory_space<hbm>>
    tpu.wait_dma2 semaphore(%arg12 : memref<!tpu.dma_semaphore, #tpu.memory_space<semaphore_mem>>) src(%dma_wait3A_763 : memref<4x4096xf32, #tpu.memory_space<hbm>>) dst(%arg6 : memref<4x4096xf32, #tpu.memory_space<vmem>>)
    %dma_wait3A_764 = arith.constant 0 : i32
    %dma_wait3A_765 = tpu.memref_slice %arg3[%add3A_697, %dma_wait3A_764] : memref<4096x4096xf32, #tpu.memory_space<hbm>> -> memref<4x4096xf32, #tpu.memory_space<hbm>>
    %dma_wait3A_766 = arith.constant 0 : i32
    %dma_wait3A_767 = tpu.memref_slice %arg3[%add3A_697, %dma_wait3A_766] : memref<4096x4096xf32, #tpu.memory_space<hbm>> -> memref<4x4096xf32, #tpu.memory_space<hbm>>
    tpu.wait_dma2 semaphore(%arg15 : memref<!tpu.dma_semaphore, #tpu.memory_space<semaphore_mem>>) src(%arg9 : memref<4x4096xf32, #tpu.memory_space<vmem>>) dst(%dma_wait3A_767 : memref<4x4096xf32, #tpu.memory_space<hbm>>)
    %scan3A_768 = arith.constant 0 : i32
    %scan3A_769 = arith.constant 0 : i32
    %scan3A_770 = arith.constant 256 : i32
    %scan3A_771 = arith.addi %scan3A_769, %scan3A_770 : i32
    %scan3A_772 = arith.constant 1 : i32
    scf.for %scan3A_832 = %scan3A_769 to %scan3A_771 step %scan3A_772  : i32 {
      %mul3A_833 = arith.constant 16 : i32
      %mul3A_834 = arith.muli %scan3A_832, %mul3A_833 : i32
      %get3A = arith.constant 0 : i32
      %get3A_835 = arith.index_cast %get3A : i32 to index
      %get3A_836 = arith.index_cast %mul3A_834 : i32 to index
      %get3A_837 = tpu.vector_load %arg6[%get3A_835, %get3A_836] {strides = array<i32>} : memref<4x4096xf32, #tpu.memory_space<vmem>>, vector<1x16xf32>,
      %get3A_838 = vector.shape_cast %get3A_837 : vector<1x16xf32> to vector<16xf32>
      %gt3A = arith.constant 5.000000e-01 : f32
      %gt3A_839 = vector.broadcast %gt3A : f32 to vector<16xf32>
      %gt3A_840 = arith.cmpf ogt, %get3A_838, %gt3A_839 : vector<16xf32>
      %jit3A = arith.constant 0.000000e+00 : f32
      %broadcast_in_dim3A = vector.broadcast %jit3A : f32 to vector<16xf32>
      %select_n3A = arith.select %gt3A_840, %get3A_838, %broadcast_in_dim3A : vector<16xi1>, vector<16xf32>
      %swap3A = arith.constant 0 : i32
      %swap3A_841 = arith.index_cast %swap3A : i32 to index
      %swap3A_842 = arith.index_cast %mul3A_834 : i32 to index
      %swap3A_843 = tpu.vector_load %arg9[%swap3A_841, %swap3A_842] {strides = array<i32>} : memref<4x4096xf32, #tpu.memory_space<vmem>>, vector<1x16xf32>,
      %swap3A_844 = vector.shape_cast %swap3A_843 : vector<1x16xf32> to vector<16xf32>
      %swap3A_845 = vector.shape_cast %select_n3A : vector<16xf32> to vector<1x16xf32>
      tpu.vector_store %arg9[%swap3A_841, %swap3A_842], %swap3A_845 {strides = array<i32>} : memref<4x4096xf32, #tpu.memory_space<vmem>>, vector<1x16xf32>,
      %get3A_846 = arith.constant 1 : i32
      %get3A_847 = arith.index_cast %get3A_846 : i32 to index
      %get3A_848 = arith.index_cast %mul3A_834 : i32 to index
      %get3A_849 = tpu.vector_load %arg6[%get3A_847, %get3A_848] {strides = array<i32>} : memref<4x4096xf32, #tpu.memory_space<vmem>>, vector<1x16xf32>,
      %get3A_850 = vector.shape_cast %get3A_849 : vector<1x16xf32> to vector<16xf32>
      %gt3A_851 = arith.constant 5.000000e-01 : f32
      %gt3A_852 = vector.broadcast %gt3A_851 : f32 to vector<16xf32>
      %gt3A_853 = arith.cmpf ogt, %get3A_850, %gt3A_852 : vector<16xf32>
      %jit3A_854 = arith.constant 0.000000e+00 : f32
      %broadcast_in_dim3A_855 = vector.broadcast %jit3A_854 : f32 to vector<16xf32>
      %select_n3A_856 = arith.select %gt3A_853, %get3A_850, %broadcast_in_dim3A_855 : vector<16xi1>, vector<16xf32>
      %swap3A_857 = arith.constant 1 : i32
      %swap3A_858 = arith.index_cast %swap3A_857 : i32 to index
      %swap3A_859 = arith.index_cast %mul3A_834 : i32 to index
      %swap3A_860 = tpu.vector_load %arg9[%swap3A_858, %swap3A_859] {strides = array<i32>} : memref<4x4096xf32, #tpu.memory_space<vmem>>, vector<1x16xf32>,
      %swap3A_861 = vector.shape_cast %swap3A_860 : vector<1x16xf32> to vector<16xf32>
      %swap3A_862 = vector.shape_cast %select_n3A_856 : vector<16xf32> to vector<1x16xf32>
      tpu.vector_store %arg9[%swap3A_858, %swap3A_859], %swap3A_862 {strides = array<i32>} : memref<4x4096xf32, #tpu.memory_space<vmem>>, vector<1x16xf32>,
      %get3A_863 = arith.constant 2 : i32
      %get3A_864 = arith.index_cast %get3A_863 : i32 to index
      %get3A_865 = arith.index_cast %mul3A_834 : i32 to index
      %get3A_866 = tpu.vector_load %arg6[%get3A_864, %get3A_865] {strides = array<i32>} : memref<4x4096xf32, #tpu.memory_space<vmem>>, vector<1x16xf32>,
      %get3A_867 = vector.shape_cast %get3A_866 : vector<1x16xf32> to vector<16xf32>
      %gt3A_868 = arith.constant 5.000000e-01 : f32
      %gt3A_869 = vector.broadcast %gt3A_868 : f32 to vector<16xf32>
      %gt3A_870 = arith.cmpf ogt, %get3A_867, %gt3A_869 : vector<16xf32>
      %jit3A_871 = arith.constant 0.000000e+00 : f32
      %broadcast_in_dim3A_872 = vector.broadcast %jit3A_871 : f32 to vector<16xf32>
      %select_n3A_873 = arith.select %gt3A_870, %get3A_867, %broadcast_in_dim3A_872 : vector<16xi1>, vector<16xf32>
      %swap3A_874 = arith.constant 2 : i32
      %swap3A_875 = arith.index_cast %swap3A_874 : i32 to index
      %swap3A_876 = arith.index_cast %mul3A_834 : i32 to index
      %swap3A_877 = tpu.vector_load %arg9[%swap3A_875, %swap3A_876] {strides = array<i32>} : memref<4x4096xf32, #tpu.memory_space<vmem>>, vector<1x16xf32>,
      %swap3A_878 = vector.shape_cast %swap3A_877 : vector<1x16xf32> to vector<16xf32>
      %swap3A_879 = vector.shape_cast %select_n3A_873 : vector<16xf32> to vector<1x16xf32>
      tpu.vector_store %arg9[%swap3A_875, %swap3A_876], %swap3A_879 {strides = array<i32>} : memref<4x4096xf32, #tpu.memory_space<vmem>>, vector<1x16xf32>,
      %get3A_880 = arith.constant 3 : i32
      %get3A_881 = arith.index_cast %get3A_880 : i32 to index
      %get3A_882 = arith.index_cast %mul3A_834 : i32 to index
      %get3A_883 = tpu.vector_load %arg6[%get3A_881, %get3A_882] {strides = array<i32>} : memref<4x4096xf32, #tpu.memory_space<vmem>>, vector<1x16xf32>,
      %get3A_884 = vector.shape_cast %get3A_883 : vector<1x16xf32> to vector<16xf32>
      %gt3A_885 = arith.constant 5.000000e-01 : f32
      %gt3A_886 = vector.broadcast %gt3A_885 : f32 to vector<16xf32>
      %gt3A_887 = arith.cmpf ogt, %get3A_884, %gt3A_886 : vector<16xf32>
      %jit3A_888 = arith.constant 0.000000e+00 : f32
      %broadcast_in_dim3A_889 = vector.broadcast %jit3A_888 : f32 to vector<16xf32>
      %select_n3A_890 = arith.select %gt3A_887, %get3A_884, %broadcast_in_dim3A_889 : vector<16xi1>, vector<16xf32>
      %swap3A_891 = arith.constant 3 : i32
      %swap3A_892 = arith.index_cast %swap3A_891 : i32 to index
      %swap3A_893 = arith.index_cast %mul3A_834 : i32 to index
      %swap3A_894 = tpu.vector_load %arg9[%swap3A_892, %swap3A_893] {strides = array<i32>} : memref<4x4096xf32, #tpu.memory_space<vmem>>, vector<1x16xf32>,
      %swap3A_895 = vector.shape_cast %swap3A_894 : vector<1x16xf32> to vector<16xf32>
      %swap3A_896 = vector.shape_cast %select_n3A_890 : vector<16xf32> to vector<1x16xf32>
      tpu.vector_store %arg9[%swap3A_892, %swap3A_893], %swap3A_896 {strides = array<i32>} : memref<4x4096xf32, #tpu.memory_space<vmem>>, vector<1x16xf32>,
    }
    %scan3A_773 = arith.constant 256 : i32
    %add3A_774 = arith.constant 116 : i32
    %add3A_775 = arith.addi %mul3A_2, %add3A_774 : i32
    %dma_start3A_776 = arith.constant 0 : i32
    %dma_start3A_777 = tpu.memref_slice %arg3[%add3A_775, %dma_start3A_776] : memref<4096x4096xf32, #tpu.memory_space<hbm>> -> memref<4x4096xf32, #tpu.memory_space<hbm>>
    %dma_start3A_778 = arith.constant 0 : i32
    %dma_start3A_779 = tpu.memref_slice %arg3[%add3A_775, %dma_start3A_778] : memref<4096x4096xf32, #tpu.memory_space<hbm>> -> memref<4x4096xf32, #tpu.memory_space<hbm>>
    tpu.enqueue_dma source(%arg9 : memref<4x4096xf32, #tpu.memory_space<vmem>>) target(%dma_start3A_779 : memref<4x4096xf32, #tpu.memory_space<hbm>>) target_semaphore(%arg15 : memref<!tpu.dma_semaphore, #tpu.memory_space<semaphore_mem>>)
    %dma_wait3A_780 = arith.constant 0 : i32
    %dma_wait3A_781 = tpu.memref_slice %arg2[%add3A_729, %dma_wait3A_780] : memref<4096x4096xf32, #tpu.memory_space<hbm>> -> memref<4x4096xf32, #tpu.memory_space<hbm>>
    %dma_wait3A_782 = arith.constant 0 : i32
    %dma_wait3A_783 = tpu.memref_slice %arg2[%add3A_729, %dma_wait3A_782] : memref<4096x4096xf32, #tpu.memory_space<hbm>> -> memref<4x4096xf32, #tpu.memory_space<hbm>>
    tpu.wait_dma2 semaphore(%arg10 : memref<!tpu.dma_semaphore, #tpu.memory_space<semaphore_mem>>) src(%dma_wait3A_783 : memref<4x4096xf32, #tpu.memory_space<hbm>>) dst(%arg4 : memref<4x4096xf32, #tpu.memory_space<vmem>>)
    %dma_wait3A_784 = arith.constant 0 : i32
    %dma_wait3A_785 = tpu.memref_slice %arg3[%add3A_723, %dma_wait3A_784] : memref<4096x4096xf32, #tpu.memory_space<hbm>> -> memref<4x4096xf32, #tpu.memory_space<hbm>>
    %dma_wait3A_786 = arith.constant 0 : i32
    %dma_wait3A_787 = tpu.memref_slice %arg3[%add3A_723, %dma_wait3A_786] : memref<4096x4096xf32, #tpu.memory_space<hbm>> -> memref<4x4096xf32, #tpu.memory_space<hbm>>
    tpu.wait_dma2 semaphore(%arg13 : memref<!tpu.dma_semaphore, #tpu.memory_space<semaphore_mem>>) src(%arg7 : memref<4x4096xf32, #tpu.memory_space<vmem>>) dst(%dma_wait3A_787 : memref<4x4096xf32, #tpu.memory_space<hbm>>)
    %scan3A_788 = arith.constant 0 : i32
    %scan3A_789 = arith.constant 0 : i32
    %scan3A_790 = arith.constant 256 : i32
    %scan3A_791 = arith.addi %scan3A_789, %scan3A_790 : i32
    %scan3A_792 = arith.constant 1 : i32
    scf.for %scan3A_832 = %scan3A_789 to %scan3A_791 step %scan3A_792  : i32 {
      %mul3A_833 = arith.constant 16 : i32
      %mul3A_834 = arith.muli %scan3A_832, %mul3A_833 : i32
      %get3A = arith.constant 0 : i32
      %get3A_835 = arith.index_cast %get3A : i32 to index
      %get3A_836 = arith.index_cast %mul3A_834 : i32 to index
      %get3A_837 = tpu.vector_load %arg4[%get3A_835, %get3A_836] {strides = array<i32>} : memref<4x4096xf32, #tpu.memory_space<vmem>>, vector<1x16xf32>,
      %get3A_838 = vector.shape_cast %get3A_837 : vector<1x16xf32> to vector<16xf32>
      %gt3A = arith.constant 5.000000e-01 : f32
      %gt3A_839 = vector.broadcast %gt3A : f32 to vector<16xf32>
      %gt3A_840 = arith.cmpf ogt, %get3A_838, %gt3A_839 : vector<16xf32>
      %jit3A = arith.constant 0.000000e+00 : f32
      %broadcast_in_dim3A = vector.broadcast %jit3A : f32 to vector<16xf32>
      %select_n3A = arith.select %gt3A_840, %get3A_838, %broadcast_in_dim3A : vector<16xi1>, vector<16xf32>
      %swap3A = arith.constant 0 : i32
      %swap3A_841 = arith.index_cast %swap3A : i32 to index
      %swap3A_842 = arith.index_cast %mul3A_834 : i32 to index
      %swap3A_843 = tpu.vector_load %arg7[%swap3A_841, %swap3A_842] {strides = array<i32>} : memref<4x4096xf32, #tpu.memory_space<vmem>>, vector<1x16xf32>,
      %swap3A_844 = vector.shape_cast %swap3A_843 : vector<1x16xf32> to vector<16xf32>
      %swap3A_845 = vector.shape_cast %select_n3A : vector<16xf32> to vector<1x16xf32>
      tpu.vector_store %arg7[%swap3A_841, %swap3A_842], %swap3A_845 {strides = array<i32>} : memref<4x4096xf32, #tpu.memory_space<vmem>>, vector<1x16xf32>,
      %get3A_846 = arith.constant 1 : i32
      %get3A_847 = arith.index_cast %get3A_846 : i32 to index
      %get3A_848 = arith.index_cast %mul3A_834 : i32 to index
      %get3A_849 = tpu.vector_load %arg4[%get3A_847, %get3A_848] {strides = array<i32>} : memref<4x4096xf32, #tpu.memory_space<vmem>>, vector<1x16xf32>,
      %get3A_850 = vector.shape_cast %get3A_849 : vector<1x16xf32> to vector<16xf32>
      %gt3A_851 = arith.constant 5.000000e-01 : f32
      %gt3A_852 = vector.broadcast %gt3A_851 : f32 to vector<16xf32>
      %gt3A_853 = arith.cmpf ogt, %get3A_850, %gt3A_852 : vector<16xf32>
      %jit3A_854 = arith.constant 0.000000e+00 : f32
      %broadcast_in_dim3A_855 = vector.broadcast %jit3A_854 : f32 to vector<16xf32>
      %select_n3A_856 = arith.select %gt3A_853, %get3A_850, %broadcast_in_dim3A_855 : vector<16xi1>, vector<16xf32>
      %swap3A_857 = arith.constant 1 : i32
      %swap3A_858 = arith.index_cast %swap3A_857 : i32 to index
      %swap3A_859 = arith.index_cast %mul3A_834 : i32 to index
      %swap3A_860 = tpu.vector_load %arg7[%swap3A_858, %swap3A_859] {strides = array<i32>} : memref<4x4096xf32, #tpu.memory_space<vmem>>, vector<1x16xf32>,
      %swap3A_861 = vector.shape_cast %swap3A_860 : vector<1x16xf32> to vector<16xf32>
      %swap3A_862 = vector.shape_cast %select_n3A_856 : vector<16xf32> to vector<1x16xf32>
      tpu.vector_store %arg7[%swap3A_858, %swap3A_859], %swap3A_862 {strides = array<i32>} : memref<4x4096xf32, #tpu.memory_space<vmem>>, vector<1x16xf32>,
      %get3A_863 = arith.constant 2 : i32
      %get3A_864 = arith.index_cast %get3A_863 : i32 to index
      %get3A_865 = arith.index_cast %mul3A_834 : i32 to index
      %get3A_866 = tpu.vector_load %arg4[%get3A_864, %get3A_865] {strides = array<i32>} : memref<4x4096xf32, #tpu.memory_space<vmem>>, vector<1x16xf32>,
      %get3A_867 = vector.shape_cast %get3A_866 : vector<1x16xf32> to vector<16xf32>
      %gt3A_868 = arith.constant 5.000000e-01 : f32
      %gt3A_869 = vector.broadcast %gt3A_868 : f32 to vector<16xf32>
      %gt3A_870 = arith.cmpf ogt, %get3A_867, %gt3A_869 : vector<16xf32>
      %jit3A_871 = arith.constant 0.000000e+00 : f32
      %broadcast_in_dim3A_872 = vector.broadcast %jit3A_871 : f32 to vector<16xf32>
      %select_n3A_873 = arith.select %gt3A_870, %get3A_867, %broadcast_in_dim3A_872 : vector<16xi1>, vector<16xf32>
      %swap3A_874 = arith.constant 2 : i32
      %swap3A_875 = arith.index_cast %swap3A_874 : i32 to index
      %swap3A_876 = arith.index_cast %mul3A_834 : i32 to index
      %swap3A_877 = tpu.vector_load %arg7[%swap3A_875, %swap3A_876] {strides = array<i32>} : memref<4x4096xf32, #tpu.memory_space<vmem>>, vector<1x16xf32>,
      %swap3A_878 = vector.shape_cast %swap3A_877 : vector<1x16xf32> to vector<16xf32>
      %swap3A_879 = vector.shape_cast %select_n3A_873 : vector<16xf32> to vector<1x16xf32>
      tpu.vector_store %arg7[%swap3A_875, %swap3A_876], %swap3A_879 {strides = array<i32>} : memref<4x4096xf32, #tpu.memory_space<vmem>>, vector<1x16xf32>,
      %get3A_880 = arith.constant 3 : i32
      %get3A_881 = arith.index_cast %get3A_880 : i32 to index
      %get3A_882 = arith.index_cast %mul3A_834 : i32 to index
      %get3A_883 = tpu.vector_load %arg4[%get3A_881, %get3A_882] {strides = array<i32>} : memref<4x4096xf32, #tpu.memory_space<vmem>>, vector<1x16xf32>,
      %get3A_884 = vector.shape_cast %get3A_883 : vector<1x16xf32> to vector<16xf32>
      %gt3A_885 = arith.constant 5.000000e-01 : f32
      %gt3A_886 = vector.broadcast %gt3A_885 : f32 to vector<16xf32>
      %gt3A_887 = arith.cmpf ogt, %get3A_884, %gt3A_886 : vector<16xf32>
      %jit3A_888 = arith.constant 0.000000e+00 : f32
      %broadcast_in_dim3A_889 = vector.broadcast %jit3A_888 : f32 to vector<16xf32>
      %select_n3A_890 = arith.select %gt3A_887, %get3A_884, %broadcast_in_dim3A_889 : vector<16xi1>, vector<16xf32>
      %swap3A_891 = arith.constant 3 : i32
      %swap3A_892 = arith.index_cast %swap3A_891 : i32 to index
      %swap3A_893 = arith.index_cast %mul3A_834 : i32 to index
      %swap3A_894 = tpu.vector_load %arg7[%swap3A_892, %swap3A_893] {strides = array<i32>} : memref<4x4096xf32, #tpu.memory_space<vmem>>, vector<1x16xf32>,
      %swap3A_895 = vector.shape_cast %swap3A_894 : vector<1x16xf32> to vector<16xf32>
      %swap3A_896 = vector.shape_cast %select_n3A_890 : vector<16xf32> to vector<1x16xf32>
      tpu.vector_store %arg7[%swap3A_892, %swap3A_893], %swap3A_896 {strides = array<i32>} : memref<4x4096xf32, #tpu.memory_space<vmem>>, vector<1x16xf32>,
    }
    %scan3A_793 = arith.constant 256 : i32
    %add3A_794 = arith.constant 120 : i32
    %add3A_795 = arith.addi %mul3A_2, %add3A_794 : i32
    %dma_start3A_796 = arith.constant 0 : i32
    %dma_start3A_797 = tpu.memref_slice %arg3[%add3A_795, %dma_start3A_796] : memref<4096x4096xf32, #tpu.memory_space<hbm>> -> memref<4x4096xf32, #tpu.memory_space<hbm>>
    %dma_start3A_798 = arith.constant 0 : i32
    %dma_start3A_799 = tpu.memref_slice %arg3[%add3A_795, %dma_start3A_798] : memref<4096x4096xf32, #tpu.memory_space<hbm>> -> memref<4x4096xf32, #tpu.memory_space<hbm>>
    tpu.enqueue_dma source(%arg7 : memref<4x4096xf32, #tpu.memory_space<vmem>>) target(%dma_start3A_799 : memref<4x4096xf32, #tpu.memory_space<hbm>>) target_semaphore(%arg13 : memref<!tpu.dma_semaphore, #tpu.memory_space<semaphore_mem>>)
    %dma_wait3A_800 = arith.constant 0 : i32
    %dma_wait3A_801 = tpu.memref_slice %arg2[%add3A_755, %dma_wait3A_800] : memref<4096x4096xf32, #tpu.memory_space<hbm>> -> memref<4x4096xf32, #tpu.memory_space<hbm>>
    %dma_wait3A_802 = arith.constant 0 : i32
    %dma_wait3A_803 = tpu.memref_slice %arg2[%add3A_755, %dma_wait3A_802] : memref<4096x4096xf32, #tpu.memory_space<hbm>> -> memref<4x4096xf32, #tpu.memory_space<hbm>>
    tpu.wait_dma2 semaphore(%arg11 : memref<!tpu.dma_semaphore, #tpu.memory_space<semaphore_mem>>) src(%dma_wait3A_803 : memref<4x4096xf32, #tpu.memory_space<hbm>>) dst(%arg5 : memref<4x4096xf32, #tpu.memory_space<vmem>>)
    %dma_wait3A_804 = arith.constant 0 : i32
    %dma_wait3A_805 = tpu.memref_slice %arg3[%add3A_749, %dma_wait3A_804] : memref<4096x4096xf32, #tpu.memory_space<hbm>> -> memref<4x4096xf32, #tpu.memory_space<hbm>>
    %dma_wait3A_806 = arith.constant 0 : i32
    %dma_wait3A_807 = tpu.memref_slice %arg3[%add3A_749, %dma_wait3A_806] : memref<4096x4096xf32, #tpu.memory_space<hbm>> -> memref<4x4096xf32, #tpu.memory_space<hbm>>
    tpu.wait_dma2 semaphore(%arg14 : memref<!tpu.dma_semaphore, #tpu.memory_space<semaphore_mem>>) src(%arg8 : memref<4x4096xf32, #tpu.memory_space<vmem>>) dst(%dma_wait3A_807 : memref<4x4096xf32, #tpu.memory_space<hbm>>)
    %scan3A_808 = arith.constant 0 : i32
    %scan3A_809 = arith.constant 0 : i32
    %scan3A_810 = arith.constant 256 : i32
    %scan3A_811 = arith.addi %scan3A_809, %scan3A_810 : i32
    %scan3A_812 = arith.constant 1 : i32
    scf.for %scan3A_832 = %scan3A_809 to %scan3A_811 step %scan3A_812  : i32 {
      %mul3A_833 = arith.constant 16 : i32
      %mul3A_834 = arith.muli %scan3A_832, %mul3A_833 : i32
      %get3A = arith.constant 0 : i32
      %get3A_835 = arith.index_cast %get3A : i32 to index
      %get3A_836 = arith.index_cast %mul3A_834 : i32 to index
      %get3A_837 = tpu.vector_load %arg5[%get3A_835, %get3A_836] {strides = array<i32>} : memref<4x4096xf32, #tpu.memory_space<vmem>>, vector<1x16xf32>,
      %get3A_838 = vector.shape_cast %get3A_837 : vector<1x16xf32> to vector<16xf32>
      %gt3A = arith.constant 5.000000e-01 : f32
      %gt3A_839 = vector.broadcast %gt3A : f32 to vector<16xf32>
      %gt3A_840 = arith.cmpf ogt, %get3A_838, %gt3A_839 : vector<16xf32>
      %jit3A = arith.constant 0.000000e+00 : f32
      %broadcast_in_dim3A = vector.broadcast %jit3A : f32 to vector<16xf32>
      %select_n3A = arith.select %gt3A_840, %get3A_838, %broadcast_in_dim3A : vector<16xi1>, vector<16xf32>
      %swap3A = arith.constant 0 : i32
      %swap3A_841 = arith.index_cast %swap3A : i32 to index
      %swap3A_842 = arith.index_cast %mul3A_834 : i32 to index
      %swap3A_843 = tpu.vector_load %arg8[%swap3A_841, %swap3A_842] {strides = array<i32>} : memref<4x4096xf32, #tpu.memory_space<vmem>>, vector<1x16xf32>,
      %swap3A_844 = vector.shape_cast %swap3A_843 : vector<1x16xf32> to vector<16xf32>
      %swap3A_845 = vector.shape_cast %select_n3A : vector<16xf32> to vector<1x16xf32>
      tpu.vector_store %arg8[%swap3A_841, %swap3A_842], %swap3A_845 {strides = array<i32>} : memref<4x4096xf32, #tpu.memory_space<vmem>>, vector<1x16xf32>,
      %get3A_846 = arith.constant 1 : i32
      %get3A_847 = arith.index_cast %get3A_846 : i32 to index
      %get3A_848 = arith.index_cast %mul3A_834 : i32 to index
      %get3A_849 = tpu.vector_load %arg5[%get3A_847, %get3A_848] {strides = array<i32>} : memref<4x4096xf32, #tpu.memory_space<vmem>>, vector<1x16xf32>,
      %get3A_850 = vector.shape_cast %get3A_849 : vector<1x16xf32> to vector<16xf32>
      %gt3A_851 = arith.constant 5.000000e-01 : f32
      %gt3A_852 = vector.broadcast %gt3A_851 : f32 to vector<16xf32>
      %gt3A_853 = arith.cmpf ogt, %get3A_850, %gt3A_852 : vector<16xf32>
      %jit3A_854 = arith.constant 0.000000e+00 : f32
      %broadcast_in_dim3A_855 = vector.broadcast %jit3A_854 : f32 to vector<16xf32>
      %select_n3A_856 = arith.select %gt3A_853, %get3A_850, %broadcast_in_dim3A_855 : vector<16xi1>, vector<16xf32>
      %swap3A_857 = arith.constant 1 : i32
      %swap3A_858 = arith.index_cast %swap3A_857 : i32 to index
      %swap3A_859 = arith.index_cast %mul3A_834 : i32 to index
      %swap3A_860 = tpu.vector_load %arg8[%swap3A_858, %swap3A_859] {strides = array<i32>} : memref<4x4096xf32, #tpu.memory_space<vmem>>, vector<1x16xf32>,
      %swap3A_861 = vector.shape_cast %swap3A_860 : vector<1x16xf32> to vector<16xf32>
      %swap3A_862 = vector.shape_cast %select_n3A_856 : vector<16xf32> to vector<1x16xf32>
      tpu.vector_store %arg8[%swap3A_858, %swap3A_859], %swap3A_862 {strides = array<i32>} : memref<4x4096xf32, #tpu.memory_space<vmem>>, vector<1x16xf32>,
      %get3A_863 = arith.constant 2 : i32
      %get3A_864 = arith.index_cast %get3A_863 : i32 to index
      %get3A_865 = arith.index_cast %mul3A_834 : i32 to index
      %get3A_866 = tpu.vector_load %arg5[%get3A_864, %get3A_865] {strides = array<i32>} : memref<4x4096xf32, #tpu.memory_space<vmem>>, vector<1x16xf32>,
      %get3A_867 = vector.shape_cast %get3A_866 : vector<1x16xf32> to vector<16xf32>
      %gt3A_868 = arith.constant 5.000000e-01 : f32
      %gt3A_869 = vector.broadcast %gt3A_868 : f32 to vector<16xf32>
      %gt3A_870 = arith.cmpf ogt, %get3A_867, %gt3A_869 : vector<16xf32>
      %jit3A_871 = arith.constant 0.000000e+00 : f32
      %broadcast_in_dim3A_872 = vector.broadcast %jit3A_871 : f32 to vector<16xf32>
      %select_n3A_873 = arith.select %gt3A_870, %get3A_867, %broadcast_in_dim3A_872 : vector<16xi1>, vector<16xf32>
      %swap3A_874 = arith.constant 2 : i32
      %swap3A_875 = arith.index_cast %swap3A_874 : i32 to index
      %swap3A_876 = arith.index_cast %mul3A_834 : i32 to index
      %swap3A_877 = tpu.vector_load %arg8[%swap3A_875, %swap3A_876] {strides = array<i32>} : memref<4x4096xf32, #tpu.memory_space<vmem>>, vector<1x16xf32>,
      %swap3A_878 = vector.shape_cast %swap3A_877 : vector<1x16xf32> to vector<16xf32>
      %swap3A_879 = vector.shape_cast %select_n3A_873 : vector<16xf32> to vector<1x16xf32>
      tpu.vector_store %arg8[%swap3A_875, %swap3A_876], %swap3A_879 {strides = array<i32>} : memref<4x4096xf32, #tpu.memory_space<vmem>>, vector<1x16xf32>,
      %get3A_880 = arith.constant 3 : i32
      %get3A_881 = arith.index_cast %get3A_880 : i32 to index
      %get3A_882 = arith.index_cast %mul3A_834 : i32 to index
      %get3A_883 = tpu.vector_load %arg5[%get3A_881, %get3A_882] {strides = array<i32>} : memref<4x4096xf32, #tpu.memory_space<vmem>>, vector<1x16xf32>,
      %get3A_884 = vector.shape_cast %get3A_883 : vector<1x16xf32> to vector<16xf32>
      %gt3A_885 = arith.constant 5.000000e-01 : f32
      %gt3A_886 = vector.broadcast %gt3A_885 : f32 to vector<16xf32>
      %gt3A_887 = arith.cmpf ogt, %get3A_884, %gt3A_886 : vector<16xf32>
      %jit3A_888 = arith.constant 0.000000e+00 : f32
      %broadcast_in_dim3A_889 = vector.broadcast %jit3A_888 : f32 to vector<16xf32>
      %select_n3A_890 = arith.select %gt3A_887, %get3A_884, %broadcast_in_dim3A_889 : vector<16xi1>, vector<16xf32>
      %swap3A_891 = arith.constant 3 : i32
      %swap3A_892 = arith.index_cast %swap3A_891 : i32 to index
      %swap3A_893 = arith.index_cast %mul3A_834 : i32 to index
      %swap3A_894 = tpu.vector_load %arg8[%swap3A_892, %swap3A_893] {strides = array<i32>} : memref<4x4096xf32, #tpu.memory_space<vmem>>, vector<1x16xf32>,
      %swap3A_895 = vector.shape_cast %swap3A_894 : vector<1x16xf32> to vector<16xf32>
      %swap3A_896 = vector.shape_cast %select_n3A_890 : vector<16xf32> to vector<1x16xf32>
      tpu.vector_store %arg8[%swap3A_892, %swap3A_893], %swap3A_896 {strides = array<i32>} : memref<4x4096xf32, #tpu.memory_space<vmem>>, vector<1x16xf32>,
    }
    %scan3A_813 = arith.constant 256 : i32
    %add3A_814 = arith.constant 124 : i32
    %add3A_815 = arith.addi %mul3A_2, %add3A_814 : i32
    %dma_start3A_816 = arith.constant 0 : i32
    %dma_start3A_817 = tpu.memref_slice %arg3[%add3A_815, %dma_start3A_816] : memref<4096x4096xf32, #tpu.memory_space<hbm>> -> memref<4x4096xf32, #tpu.memory_space<hbm>>
    %dma_start3A_818 = arith.constant 0 : i32
    %dma_start3A_819 = tpu.memref_slice %arg3[%add3A_815, %dma_start3A_818] : memref<4096x4096xf32, #tpu.memory_space<hbm>> -> memref<4x4096xf32, #tpu.memory_space<hbm>>
    tpu.enqueue_dma source(%arg8 : memref<4x4096xf32, #tpu.memory_space<vmem>>) target(%dma_start3A_819 : memref<4x4096xf32, #tpu.memory_space<hbm>>) target_semaphore(%arg14 : memref<!tpu.dma_semaphore, #tpu.memory_space<semaphore_mem>>)
    %dma_wait3A_820 = arith.constant 0 : i32
    %dma_wait3A_821 = tpu.memref_slice %arg3[%add3A_795, %dma_wait3A_820] : memref<4096x4096xf32, #tpu.memory_space<hbm>> -> memref<4x4096xf32, #tpu.memory_space<hbm>>
    %dma_wait3A_822 = arith.constant 0 : i32
    %dma_wait3A_823 = tpu.memref_slice %arg3[%add3A_795, %dma_wait3A_822] : memref<4096x4096xf32, #tpu.memory_space<hbm>> -> memref<4x4096xf32, #tpu.memory_space<hbm>>
    tpu.wait_dma2 semaphore(%arg13 : memref<!tpu.dma_semaphore, #tpu.memory_space<semaphore_mem>>) src(%arg7 : memref<4x4096xf32, #tpu.memory_space<vmem>>) dst(%dma_wait3A_823 : memref<4x4096xf32, #tpu.memory_space<hbm>>)
    %dma_wait3A_824 = arith.constant 0 : i32
    %dma_wait3A_825 = tpu.memref_slice %arg3[%add3A_815, %dma_wait3A_824] : memref<4096x4096xf32, #tpu.memory_space<hbm>> -> memref<4x4096xf32, #tpu.memory_space<hbm>>
    %dma_wait3A_826 = arith.constant 0 : i32
    %dma_wait3A_827 = tpu.memref_slice %arg3[%add3A_815, %dma_wait3A_826] : memref<4096x4096xf32, #tpu.memory_space<hbm>> -> memref<4x4096xf32, #tpu.memory_space<hbm>>
    tpu.wait_dma2 semaphore(%arg14 : memref<!tpu.dma_semaphore, #tpu.memory_space<semaphore_mem>>) src(%arg8 : memref<4x4096xf32, #tpu.memory_space<vmem>>) dst(%dma_wait3A_827 : memref<4x4096xf32, #tpu.memory_space<hbm>>)
    %dma_wait3A_828 = arith.constant 0 : i32
    %dma_wait3A_829 = tpu.memref_slice %arg3[%add3A_775, %dma_wait3A_828] : memref<4096x4096xf32, #tpu.memory_space<hbm>> -> memref<4x4096xf32, #tpu.memory_space<hbm>>
    %dma_wait3A_830 = arith.constant 0 : i32
    %dma_wait3A_831 = tpu.memref_slice %arg3[%add3A_775, %dma_wait3A_830] : memref<4096x4096xf32, #tpu.memory_space<hbm>> -> memref<4x4096xf32, #tpu.memory_space<hbm>>
    tpu.wait_dma2 semaphore(%arg15 : memref<!tpu.dma_semaphore, #tpu.memory_space<semaphore_mem>>) src(%arg9 : memref<4x4096xf32, #tpu.memory_space<vmem>>) dst(%dma_wait3A_831 : memref<4x4096xf32, #tpu.memory_space<hbm>>)
    return
  }
}

</mosaic_0001>

<sc_bundles>
// kernel: kernel.3.cloned.1.call-start
scs
__scs_entry_jumppad:
0x0: {  	(pc) =	sbr.rel $0x88, $3  }
0x1: {  	(tag) =	ssettag $0x0;
	lr =	simm.s32 $0x1  }
0x2: {  	[smem:$0x3FA0] =	sst lr;
	_ =	strace $0xD0000000  }
0x3: {  	_ = 	snop  }
0x4: {  	_ = 	snop  }
0x5: {  	_ = 	snop  }
0x6: {  	_ = 	snop  }
0x7: {  	_ = 	snop  }
__scs_overlays_trampoline_lowered:
0x8: {  	[smem:$0x3FAF] =	sst s0  }
0x9: {  	[smem:$0x3FB0] =	sst s1  }
0xa: {  	[smem:$0x3FB1] =	sst s2  }
0xb: {  	[smem:$0x3FB2] =	sst s3  }
0xc: {  	[smem:$0x3FB3] =	sst s4  }
0xd: {  	[smem:$0x3FB4] =	sst s5  }
0xe: {  	[smem:$0x3FB5] =	sst s6  }
0xf: {  	[smem:$0x3FB6] =	sst s7  }
0x10: {  	[smem:$0x3FB7] =	sst s8  }
0x11: {  	[smem:$0x3FB8] =	sst s9;
	s0 =	simm.s32 @!p0 $0x0  }
0x12: {  	s1 =	sld [smem:$0x3F9E];
	s0 =	simm.s32 @p0 $0x1  }
0x13: {  	[smem:$0x3FB9] =	sst s0;
	s0 =	simm.s32 @!p1 $0x0  }
0x14: {  	s2 =	sld [smem:$0x3F9D];
	s0 =	simm.s32 @p1 $0x1  }
0x15: {  	[smem:$0x3FBA] =	sst s0;
	s0 =	simm.s32 @!p2 $0x0  }
0x16: {  	s3 =	sld [smem:$0x3FDB];
	s0 =	simm.s32 @p2 $0x1  }
0x17: {  	s4 =	simm.s32 $0x1BF5;
	[smem:$0x3FBC] =	sst s0  }
0x18: {  	s0 =	sld [smem:$0x3F9F];
	_ =	swait.ge [sflag:s4], $0x0  }
0x19: {  	s7 =	sld [smem:$0x3FA0]  }
0x1a: {  	s8 =	sadd.s32 $0xFFFFE003, lr  }
0x1b: {  	s9 =	sadd.s32 $0xFFFFFEF7, lr;
	s5 =	simm.s32 $0xFFFFFFFF;
	p2 =	slt.u32 s8, $0xFFFFF086  }
0x1c: {  	p1 =	slt.u32 s9, $0xF7A;
	s5 =	simm.s32 @!p2 $0x0  }
0x1d: {  	s5 =	simm.s32 @p1 $0x1;
	p0 =	seq.s32 s7, s2  }
0x1e: {  	s7 =	smul.u32 @!p0 $0xF7A, s2;
	p2 =	seq.s32 @!p0 s5, $0x0  }
0x1f: {  	s9 =	smul.u32 $0xF7A, s1;
	s8 =	simm.s32 @!p0 $0x1BF5;
	p2 =	por !p2, p0  }
0x20: {  	[sflag:s8] =	ssyncset.s32 @!p0 $0xFFFFF086;
	s6 =	sadd.s32 @!p0 s3, s7;
	s7 =	simm.s32 @!p0 $0x108  }
0x21: {  	s3 =	sadd.s32 s3, s9;
	s6 =	sadd.s32 @!p0 $0x88, s6;
	s7 =	simm.s32 @p2 $0x1082  }
0x22: {  	[simem:s7], [sflag:s8] =	dma.local @!p0 [hbm:s6], $0xF7A  }
0x23: {  	s9 =	sor.u32 $0xD0000000, s2;
	s6 =	simm.s32 $0x108;
	_ =	swait.ge @!p0 [sflag:s8], $0x0  }
0x24: {  	s3 =	sadd.s32 $0x88, s3;
	s6 =	simm.s32 @!p1 $0x1082;
	[sflag:s4] =	ssyncset.s32 $0xFFFFF086  }
0x25: {  	[simem:s6], [sflag:s4] =	dma.local [hbm:s3], $0xF7A  }
0x26: {  	[smem:$0x3FA0] =	sst s1;
	(tag) =	ssettag s2;
	_ =	strace s9  }
0x27: {  	s1 =	sld [smem:$0x3FB0]  }
0x28: {  	s2 =	sld [smem:$0x3FB1]  }
0x29: {  	s4 =	sld [smem:$0x3FB3]  }
0x2a: {  	p0 =	seq.s32 s5, $0x0;
	s5 =	sld [smem:$0x3FB4]  }
0x2b: {  	s6 =	sld [smem:$0x3FB5]  }
0x2c: {  	s7 =	sld [smem:$0x3FB6]  }
0x2d: {  	s3 =	simm.s32 $0x108;
	s8 =	sld [smem:$0x3FB7]  }
0x2e: {  	s3 =	simm.s32 @!p0 $0x1082;
	s9 =	sld [smem:$0x3FB8]  }
0x2f: {  	lr =	sadd.s32 s0, s3;
	s0 =	sld [smem:$0x3FAF]  }
0x30: {  	s3 =	sld [smem:$0x3FB2]  }
0x31: {  	[smem:$0x3FBB] =	sst s10  }
0x32: {  	s10 =	sld [smem:$0x3FB9];
	_ =	sdelay $0x3  }
0x33: {  	p0 =	seq.s32 s10, $0x1;
	s10 =	sld [smem:$0x3FBB];
	_ =	sdelay $0x3  }
0x34: {  	[smem:$0x3FBB] =	sst s10  }
0x35: {  	s10 =	sld [smem:$0x3FBA];
	_ =	sdelay $0x3  }
0x36: {  	p1 =	seq.s32 s10, $0x1;
	s10 =	sld [smem:$0x3FBB];
	_ =	sdelay $0x3  }
0x37: {  	[smem:$0x3FBB] =	sst s10  }
0x38: {  	s10 =	sld [smem:$0x3FBC]  }
0x39: {  	_ = 	snop;
	(pc) =	sbr.ind lr, $3  }
0x3a: {  	_ = 	snop  }
0x3b: {  	_ = 	snop  }
0x3c: {  	p2 =	seq.s32 s10, $0x1;
	s10 =	sld [smem:$0x3FBB]  }
0x3d: {  	_ =	shalt  }
0x3e: {  	_ =	shalt  }
0x3f: {  	_ =	shalt  }
0x40: {  	_ =	shalt  }
0x41: {  	_ =	shalt  }
0x42: {  	_ =	shalt  }
0x43: {  	_ =	shalt  }
0x44: {  	_ =	shalt  }
0x45: {  	_ =	shalt  }
0x46: {  	_ =	shalt  }
0x47: {  	_ =	shalt  }
0x48: {  	_ =	shalt  }
0x49: {  	_ =	shalt  }
0x4a: {  	_ =	shalt  }
0x4b: {  	_ =	shalt  }
0x4c: {  	_ =	shalt  }
0x4d: {  	_ =	shalt  }
0x4e: {  	_ =	shalt  }
0x4f: {  	_ =	shalt  }
0x50: {  	_ =	shalt  }
0x51: {  	_ =	shalt  }
0x52: {  	_ =	shalt  }
0x53: {  	_ =	shalt  }
0x54: {  	_ =	shalt  }
0x55: {  	_ =	shalt  }
0x56: {  	_ =	shalt  }
0x57: {  	_ =	shalt  }
0x58: {  	_ =	shalt  }
0x59: {  	_ =	shalt  }
0x5a: {  	_ =	shalt  }
0x5b: {  	_ =	shalt  }
0x5c: {  	_ =	shalt  }
0x5d: {  	_ =	shalt  }
0x5e: {  	_ =	shalt  }
0x5f: {  	_ =	shalt  }
0x60: {  	_ =	shalt  }
0x61: {  	_ =	shalt  }
0x62: {  	_ =	shalt  }
0x63: {  	_ =	shalt  }
0x64: {  	_ =	shalt  }
0x65: {  	_ =	shalt  }
0x66: {  	_ =	shalt  }
0x67: {  	_ =	shalt  }
0x68: {  	_ =	shalt  }
0x69: {  	_ =	shalt  }
0x6a: {  	_ =	shalt  }
0x6b: {  	_ =	shalt  }
0x6c: {  	_ =	shalt  }
0x6d: {  	_ =	shalt  }
0x6e: {  	_ =	shalt  }
0x6f: {  	_ =	shalt  }
0x70: {  	_ =	shalt  }
0x71: {  	_ =	shalt  }
0x72: {  	_ =	shalt  }
0x73: {  	_ =	shalt  }
0x74: {  	_ =	shalt  }
0x75: {  	_ =	shalt  }
0x76: {  	_ =	shalt  }
0x77: {  	_ =	shalt  }
0x78: {  	_ =	shalt  }
0x79: {  	_ =	shalt  }
0x7a: {  	_ =	shalt  }
0x7b: {  	_ =	shalt  }
0x7c: {  	_ =	shalt  }
0x7d: {  	_ =	shalt  }
0x7e: {  	_ =	shalt  }
0x7f: {  	_ =	shalt  }
0x80: {  	_ =	shalt  }
0x81: {  	_ =	shalt  }
0x82: {  	_ =	shalt  }
0x83: {  	_ =	shalt  }
0x84: {  	_ =	shalt  }
0x85: {  	_ =	shalt  }
0x86: {  	_ =	shalt  }
0x87: {  	_ =	shalt  }
.Lfunc_end0:
.L_simem_size_0:
called_computation_lowered:
.L_overlay_start_0:
0x88: {  	s2 =	sld [smem:$0x3FD9]  }
0x89: {  	s3 =	sld [smem:$0x3FFE];
	_ =	sdelay $0x1  }
0x8a: {  	s1 =	srdreg.scid  }
0x8b: {  	s0 =	sand.u32 $0x1, s1  }
0x8c: {  	s18 =	sshll.u32 s0, $0xA;
	s2 =	sadd.s32 s3, s2  }
0x8d: {  	s2 =	sadd.s32 s2, s18  }
0x8e: {  	[smem:$0x3FC7] =	sst s2  }
0x8f: {  	_ = 	snop  }
0x90: {  	s2 =	sld [smem:$0x3FC9]  }
0x91: {  	s19 =	sld [smem:$0x3FD0];
	(tm) =	ssettm $0x1  }
0x92: {  	s4 =	sld [smem:$0x3FFB];
	_ =	sdelay $0x3  }
0x93: {  	_ =	strace s4  }
0x94: {  	s4 =	sld [smem:$0x3FFC];
	_ =	sdelay $0x3  }
0x95: {  	_ =	strace s4  }
0x96: {  	s4 =	sld [smem:$0x3FFD];
	_ =	sdelay $0x3  }
0x97: {  	_ =	strace s4  }
0x98: {  	_ =	strace $0x8FFFFFFF  }
0x99: {  	s20 =	sld [smem:$0x3FDB];
	_ =	sdelay $0x1  }
0x9a: {  	s5 =	simm.s32 $_scs_section_size  }
0x9b: {  	s6 =	simm.s32 $_size__tile_overlayer_lowered;
	s7 =	simm.s32 $_tile_overlayer_lowered  }
0x9c: {  	s23 =	simm.s32 $0x1BFF;
	s22 =	sshll.u32 s7, $0x1;
	s4 =	sadd.s32 s5, s20  }
0x9d: {  	s8 =	simm.s32 $0x0;
	s21 =	sshll.u32 s6, $0x1;
	s6 =	sadd.s32 s22, s4  }
0x9e: {  	[timem:s8], [sflag:s23] =	dma.local [hbm:s6], s21  }
0x9f: {  	_ =	swait.ge [sflag:s23], s21  }
0xa0: {  	s5 =	ssub.s32 $0x0, s21;
	[sflag:s23] =	ssyncset.done $0x0  }
0xa1: {  	[sflag:s23] =	ssyncadd.s32 s5;
	_ =	sdelay $0x1  }
0xa2: {  	s24 =	simm.s32 $0x1B8B  }
0xa3: {  	_ =	swait.ge [sflag:s24], $0x1  }
0xa4: {  	[sflag:s24] =	ssyncset.done $0x0  }
0xa5: {  	s25 =	simm.s32 $0x1B8E;
	[sflag:s24] =	ssyncadd.s32 $0xFFFFFFFF  }
0xa6: {  	s26 =	simm.s32 $execute0_lowered;
	[smem:$0x3FD2] =	sst s25  }
0xa7: {  	s5 =	sshll.u32 s26, $0x1;
	_ =	strace $0x80000046;
	[dreg:$0x1] =	wrdreg $0xFFFFFFFF  }
0xa8: {  	s28 =	simm.s32 $_size_execute0_lowered;
	s4 =	sadd.s32 s4, s5;
	[dreg:$0x0] =	wrdreg $0x0  }
0xa9: {  	s5 =	sshll.u32 s28, $0x1;
	[dreg:$0x2] =	wrdreg s4  }
0xaa: {  	[dreg:$0x3] =	wrdreg s5  }
0xab: {  	[dreg:$0x4] =	wrdreg $0xC0  }
0xac: {  	_ =	task [dreg:s8], $0x5FFFF  }
0xad: {  	[dreg:$0x1] =	wrdreg $0xFFFFFFFF  }
0xae: {  	[dreg:$0x0] =	wrdreg $0x60  }
0xaf: {  	[dreg:$0x2] =	wrdreg s2  }
0xb0: {  	[dreg:$0x3] =	wrdreg s19  }
0xb1: {  	[dreg:$0x4] =	wrdreg $0x9  }
0xb2: {  	_ =	task.clear_ibuf [dreg:s8], $0x5FFFF;
	_ =	strace $0x90000046  }
0xb3: {  	s29 =	simm.s32 $0x9;
	_ =	strace $0x80000048  }
0xb4: {  	_ =	swait.ge [sflag:s29], $0x1  }
0xb5: {  	[sflag:s29] =	ssyncadd.s32 $0xFFFFFFFF  }
0xb6: {  	_ =	strace $0x90000048  }
0xb7: {  	_ =	sfence  }
0xb8: {  	s30 =	sld [smem:$0x0];
	_ =	sdelay $0x2  }
0xb9: {  	s31 =	sshll.u32 s1, $0xD;
	s1 =	sshrl.u32 s1, $0x2  }
0xba: {  	s3 =	sand.u32 $0x4000, s31;
	s1 =	sadd.s32 s1, s30  }
0xbb: {  	s0 =	sor.u32 s3, s0;
	s1 =	sshll.u32 s1, $0x11  }
0xbc: {  	s0 =	sor.u32 s1, s0  }
0xbd: {  	s0 =	sadd.s32 $0x8F2B, s0  }
0xbe: {  	[sflag:s0] =	ssyncadd.remote.s32 $0x1  }
0xbf: {  	_ =	sfence.sel $0xFFFF  }
0xc0: {  	[dreg:$0x0] =	wrdreg $0xFFFFFFFF;
	(pc) =	sbr.abs _section_cstart, $3  }
0xc1: {  	[dreg:$0x1] =	wrdreg $0xFFFFFFFF  }
0xc2: {  	_ =	task.clear_ibuf [dreg:s8], $0x2FFFF;
	_ =	strace $0x9FFFFFFF  }
0xc3: {  	(tm) =	ssettm $0x7FFFFFFF  }
tec
execute0_lowered:
.L_overlay_start_1:
0x0: {  	(tag) =	ssettag $0x1  }
0x1: {  	s0 =	srdreg.scid  }
0x2: {  	s2 =	rddreg [dreg:$0x0];
	s1 =	stileid.u32;
	s0 =	sand.u32 $0x1, s0  }
0x3: {  	s4 =	sshll.u32 s1, $0x11;
	s3 =	ssub.s32 $0x2, s0;
	s0 =	sshll.u32 s0, $0x10  }
0x4: {  	s5 =	rddreg [dreg:$0x1];
	s1 =	simm.s32 $0x0;
	s0 =	sor.u32 s0, s4  }
0x5: {  	[smem:$0x7FF] =	sst s1;
	s26 =	sor.u32 $0x40, s0  }
0x6: {  	s6 =	sshrl.u32 s3, $0x1;
	s10 =	sor.u32 $0x1000, s0;
	s9 =	sadd.s32 s2, s26  }
0x7: {  	s7 =	sor.u32 $0x1040, s0;
	s8 =	sadd.s32 s2, s10;
	[dreg:$0x3] =	wrdreg s9  }
0x8: {  	s6 =	ssub.s32 s3, s6;
	s11 =	sadd.s32 s2, s7;
	[dreg:$0x4] =	wrdreg s8  }
0x9: {  	s12 =	sor.u32 $0x2000, s0;
	s3 =	sadd.s32 s5, s26;
	[dreg:$0x5] =	wrdreg s11  }
0xa: {  	s13 =	sadd.s32 s2, s12;
	[dreg:$0x6] =	wrdreg s3  }
0xb: {  	s14 =	sor.u32 $0x2040, s0;
	s4 =	sadd.s32 s5, s10;
	[dreg:$0x7] =	wrdreg s13  }
0xc: {  	s15 =	sadd.s32 s2, s14;
	[dreg:$0x8] =	wrdreg s4  }
0xd: {  	s16 =	sor.u32 $0x3000, s0;
	s7 =	sadd.s32 s5, s7;
	[dreg:$0x9] =	wrdreg s15  }
0xe: {  	s18 =	sor.u32 $0x3040, s0;
	s17 =	sadd.s32 s2, s16;
	[dreg:$0xa] =	wrdreg s7  }
0xf: {  	s20 =	sor.u32 $0x4000, s0;
	s19 =	sadd.s32 s2, s18;
	[dreg:$0xb] =	wrdreg s17  }
0x10: {  	s22 =	sor.u32 $0x4040, s0;
	s21 =	sadd.s32 s2, s20;
	[dreg:$0xd] =	wrdreg s19  }
0x11: {  	s24 =	sor.u32 $0x5000, s0;
	s23 =	sadd.s32 s2, s22;
	[dreg:$0xf] =	wrdreg s21  }
0x12: {  	s25 =	sadd.s32 s2, s24;
	[dreg:$0x11] =	wrdreg s23  }
0x13: {  	s26 =	sadd.s32 s5, s20;
	[dreg:$0x13] =	wrdreg s25  }
0x14: {  	s8 =	sadd.s32 s5, s12;
	[dreg:$0x14] =	wrdreg s26  }
0x15: {  	s3 =	sadd.s32 s5, s14;
	[dreg:$0xc] =	wrdreg s8  }
0x16: {  	s4 =	sadd.s32 s5, s16;
	[dreg:$0xe] =	wrdreg s3  }
0x17: {  	s10 =	sor.u32 $0x6000, s0;
	s7 =	sadd.s32 s5, s18;
	[dreg:$0x10] =	wrdreg s4  }
0x18: {  	s20 =	sor.u32 $0x8040, s0;
	s11 =	sadd.s32 s2, s10;
	[dreg:$0x12] =	wrdreg s7  }
0x19: {  	s29 =	sadd.s32 s2, s0;
	s21 =	sadd.s32 s2, s20;
	[dreg:$0x19] =	wrdreg s11  }
0x1a: {  	s30 =	sadd.s32 s5, s0;
	s3 =	sadd.s32 s5, s22;
	[smem:$0x7E7] =	sst s21  }
0x1b: {  	s12 =	sor.u32 $0x6040, s0;
	s7 =	sadd.s32 s5, s24;
	[dreg:$0x15] =	wrdreg s3  }
0x1c: {  	s14 =	sor.u32 $0x7000, s0;
	s13 =	sadd.s32 s2, s12;
	[dreg:$0x16] =	wrdreg s7  }
0x1d: {  	s16 =	sor.u32 $0x7040, s0;
	s15 =	sadd.s32 s2, s14;
	[dreg:$0x1b] =	wrdreg s13  }
0x1e: {  	s18 =	sor.u32 $0x8000, s0;
	s17 =	sadd.s32 s2, s16;
	[dreg:$0x1d] =	wrdreg s15  }
0x1f: {  	s8 =	sor.u32 $0x5040, s0;
	s19 =	sadd.s32 s2, s18;
	[dreg:$0x1f] =	wrdreg s17  }
0x20: {  	s6 =	smax.u32 s6, $0x1;
	s9 =	sadd.s32 s2, s8;
	[smem:$0x7E5] =	sst s19  }
0x21: {  	s22 =	sor.u32 $0x9000, s0;
	s3 =	sadd.s32 s5, s8;
	[dreg:$0x17] =	wrdreg s9  }
0x22: {  	s24 =	sor.u32 $0x9040, s0;
	s23 =	sadd.s32 s2, s22;
	[dreg:$0x18] =	wrdreg s3  }
0x23: {  	s26 =	sor.u32 $0xA000, s0;
	s25 =	sadd.s32 s2, s24;
	[smem:$0x7E9] =	sst s23  }
0x24: {  	s7 =	sadd.s32 s2, s26;
	s8 =	sor.u32 $0xA040, s0;
	[smem:$0x7EB] =	sst s25  }
0x25: {  	s3 =	sadd.s32 s5, s10;
	[smem:$0x7ED] =	sst s7;
	s9 =	sadd.s32 s2, s8  }
0x26: {  	s10 =	sor.u32 $0xB000, s0;
	s25 =	sor.u32 $0xF000, s0;
	[dreg:$0x1a] =	wrdreg s3  }
0x27: {  	s7 =	simm.s32 $0x200;
	s3 =	sadd.s32 s5, s12;
	[smem:$0x7EF] =	sst s9  }
0x28: {  	s11 =	sadd.s32 s2, s10;
	s12 =	sor.u32 $0xB040, s0;
	s4 =	sadd.s32 s5, s25  }
0x29: {  	s9 =	simm.s32 $0x4000;
	[dreg:$0x1c] =	wrdreg s3;
	s3 =	sadd.s32 s5, s14  }
0x2a: {  	[smem:$0x7F1] =	sst s11;
	s13 =	sadd.s32 s2, s12;
	s14 =	sor.u32 $0xC000, s0  }
0x2b: {  	s11 =	simm.s32 $0x1;
	[dreg:$0x1e] =	wrdreg s3;
	s3 =	sadd.s32 s5, s16  }
0x2c: {  	[smem:$0x7F3] =	sst s13;
	s15 =	sadd.s32 s2, s14;
	s16 =	sor.u32 $0xC040, s0  }
0x2d: {  	s13 =	simm.s32 $0x2;
	[smem:$0x7E4] =	sst s3;
	s3 =	sadd.s32 s5, s18  }
0x2e: {  	[smem:$0x7F5] =	sst s15;
	s17 =	sadd.s32 s2, s16;
	s18 =	sor.u32 $0xD000, s0  }
0x2f: {  	s15 =	simm.s32 $0x3;
	[smem:$0x7E6] =	sst s3;
	s3 =	sadd.s32 s5, s20  }
0x30: {  	[smem:$0x7F7] =	sst s17;
	s19 =	sadd.s32 s2, s18;
	s20 =	sor.u32 $0xD040, s0  }
0x31: {  	s17 =	simm.s32 $0x4;
	[smem:$0x7E8] =	sst s3;
	s3 =	sadd.s32 s5, s22  }
0x32: {  	[smem:$0x7F9] =	sst s19;
	s21 =	sadd.s32 s2, s20;
	s22 =	sor.u32 $0xE000, s0  }
0x33: {  	s19 =	simm.s32 $0x6;
	[smem:$0x7EA] =	sst s3;
	s3 =	sadd.s32 s5, s24  }
0x34: {  	[smem:$0x7FB] =	sst s21;
	s23 =	sadd.s32 s2, s22;
	s28 =	sadd.s32 s5, s22  }
0x35: {  	s24 =	sor.u32 $0xE040, s0;
	[smem:$0x7EC] =	sst s3;
	s3 =	sadd.s32 s5, s26  }
0x36: {  	[smem:$0x7FD] =	sst s23;
	s26 =	sor.u32 $0xF040, s0;
	s31 =	sadd.s32 s2, s24  }
0x37: {  	s0 =	sadd.s32 s2, s25;
	[smem:$0x7EE] =	sst s3;
	s3 =	sadd.s32 s5, s8  }
0x38: {  	s2 =	sadd.s32 s2, s26;
	[smem:$0x7F0] =	sst s3;
	s3 =	sadd.s32 s5, s10  }
0x39: {  	s8 =	simm.s32 $0x400;
	[smem:$0x7F2] =	sst s3;
	s3 =	sadd.s32 s5, s12  }
0x3a: {  	s10 =	simm.s32 $0x8000;
	[smem:$0x7F4] =	sst s3;
	s3 =	sadd.s32 s5, s14  }
0x3b: {  	s12 =	simm.s32 $0xC000;
	[smem:$0x7F6] =	sst s3;
	s3 =	sadd.s32 s5, s16  }
0x3c: {  	s14 =	simm.s32 $0x10000;
	[smem:$0x7F8] =	sst s3;
	s3 =	sadd.s32 s5, s18  }
0x3d: {  	s16 =	simm.s32 $0x14000;
	[smem:$0x7FA] =	sst s3;
	s3 =	sadd.s32 s5, s20  }
0x3e: {  	s18 =	simm.s32 $0x5;
	s20 =	simm.s32 $0x0;
	[smem:$0x7FC] =	sst s3  }
0x3f: {  	s3 =	sadd.s32 s5, s24;
	s5 =	sadd.s32 s5, s26;
	_ =	strace $0x80000047  }
.LBB2_1:
0x40: {  	[tilespmem:s1], [sflag:$0x1] =	stream.strided.gather [hbm4b:s29+s7], $0x4000, s8, s7, $0x38;
	[tilespmem:$0x18000] =	vst v63  }
0x41: {  	s21 =	rddreg [dreg:$0x3]  }
0x42: {  	[tilespmem:s9], [sflag:$0x2] =	stream.strided.gather [hbm4b:s21+s7], $0x4000, s8, s7, $0x38;
	[tilespmem:$0x18000] =	vst v63  }
0x43: {  	s24 =	rddreg [dreg:$0x4]  }
0x44: {  	[tilespmem:s10], [sflag:$0x3] =	stream.strided.gather [hbm4b:s24+s7], $0x4000, s8, s7, $0x38;
	[tilespmem:$0x18000] =	vst v63  }
0x45: {  	_ =	swait.ge [sflag:s11], $0x4000  }
0x46: {  	s25 =	sand.u32 $0x70, s1;
	s22 =	sand.u32 $0x3E00, s1;
	[sflag:s11] =	ssyncset.done $0x0  }
0x47: {  	s22 =	sor.u32 s25, s22;
	[sflag:s11] =	ssyncadd.s32 $0xFFFFC000  }
0x48: {  	v2 =	vld [tilespmem:s22+$0x180]  }
0x49: {  	v3 =	vld [tilespmem:s22+$0x0]  }
0x4a: {  	v4 =	vld [tilespmem:s22+$0x80]  }
0x4b: {  	s26 =	simm.s32 $0x10;
	s23 =	simm.s32 $0x40;
	v1 =	vld [tilespmem:s22+$0x100]  }
0x4c: {  	s21 =	sand.u32 $0x70, s26;
	s24 =	sand.u32 $0x3E00, s23  }
0x4d: {  	s21 =	sor.u32 s21, s24;
	vm0 =	vgt.f32 v2, $5.000000000e-01  }
0x4e: {  	v0 =	vld [tilespmem:s21+$0x180];
	v5 =	vnsel vm0, $0x0, v2;
	vm0 =	vgt.f32 v3, $5.000000000e-01  }
0x4f: {  	v2 =	vld [tilespmem:s21+$0x0];
	[tilespmem:s22+$0xC180] =	vst v5;
	v5 =	vnsel vm0, $0x0, v3;
	vm0 =	vgt.f32 v4, $5.000000000e-01  }
0x50: {  	s24 =	simm.s32 $0x20;
	v3 =	vld [tilespmem:s21+$0x80];
	[tilespmem:s22+$0xC000] =	vst v5;
	v4 =	vnsel vm0, $0x0, v4;
	vm0 =	vgt.f32 v1, $5.000000000e-01  }
.LBB2_2:
0x51: {  	s25 =	sand.u32 $0x70, s24;
	s23 =	sadd.s32 $0x40, s23;
	[tilespmem:s22+$0xC080] =	vst v4;
	v4 =	vnsel vm0, $0x0, v1;
	v1 =	vld [tilespmem:s21+$0x100];
	p0 =	sne.s32 s24, $0xFF0  }
.Ltmp0:
0x52: {  	s24 =	sadd.s32 $0x10, s24;
	s26 =	sand.u32 $0x3E00, s23;
	[tilespmem:s22+$0xC100] =	vst v4;
	(pc) =	sbr.rel @p0 .LBB2_2-.Ltmp0, $4  }
0x53: {  	s22 =	smov.u32 s21;
	vm0 =	vgt.f32 v0, $5.000000000e-01;
	s21 =	sor.u32 s25, s26  }
0x54: {  	vm1 =	vgt.f32 v2, $5.000000000e-01;
	v4 =	vnsel vm0, $0x0, v0;
	v0 =	vld [tilespmem:s21+$0x180]  }
0x55: {  	v5 =	vnsel vm1, $0x0, v2;
	v2 =	vld [tilespmem:s21+$0x0];
	vm0 =	vgt.f32 v3, $5.000000000e-01;
	[tilespmem:s22+$0xC180] =	vst v4  }
0x56: {  	[tilespmem:s22+$0xC000] =	vst v5;
	v4 =	vnsel vm0, $0x0, v3;
	v3 =	vld [tilespmem:s21+$0x80];
	vm0 =	vgt.f32 v1, $5.000000000e-01  }
0x57: {  	v5 =	vld [tilespmem:s21+$0x100];
	_ =	sdelay $0x1  }
0x58: {  	[tilespmem:s22+$0xC080] =	vst v4;
	v1 =	vnsel vm0, $0x0, v1;
	vm0 =	vgt.f32 v0, $5.000000000e-01  }
0x59: {  	[tilespmem:s22+$0xC100] =	vst v1;
	vm1 =	vgt.f32 v2, $5.000000000e-01;
	v0 =	vnsel vm0, $0x0, v0  }
0x5a: {  	v1 =	vnsel vm1, $0x0, v2;
	vm0 =	vgt.f32 v3, $5.000000000e-01;
	[tilespmem:s21+$0xC180] =	vst v0  }
0x5b: {  	[tilespmem:s21+$0xC000] =	vst v1;
	v0 =	vnsel vm0, $0x0, v3;
	vm0 =	vgt.f32 v5, $5.000000000e-01  }
0x5c: {  	[tilespmem:s21+$0xC080] =	vst v0;
	v0 =	vnsel vm0, $0x0, v5  }
0x5d: {  	[tilespmem:s21+$0xC100] =	vst v0  }
0x5e: {  	[hbm4b:s30+s7] =	stream.strided.scatter [tilespmem:s12], [sflag:$0x4], $0x4000, s8, s7, $0x38;
	[tilespmem:$0x18000] =	vst v63  }
0x5f: {  	s23 =	simm.s32 $0x0;
	s24 =	rddreg [dreg:$0x5]  }
0x60: {  	[tilespmem:s23], [sflag:$0x1] =	stream.strided.gather [hbm4b:s24+s7], $0x4000, s8, s7, $0x38;
	[tilespmem:$0x18000] =	vst v63  }
0x61: {  	_ =	swait.ge [sflag:s13], $0x4000  }
0x62: {  	s25 =	sand.u32 $0x70, s23;
	s21 =	sand.u32 $0x3E00, s23;
	[sflag:s13] =	ssyncset.done $0x0  }
0x63: {  	s22 =	sor.u32 s25, s21;
	[sflag:s13] =	ssyncadd.s32 $0xFFFFC000  }
0x64: {  	v2 =	vld [tilespmem:s22+$0x4180]  }
0x65: {  	v3 =	vld [tilespmem:s22+$0x4000]  }
0x66: {  	v4 =	vld [tilespmem:s22+$0x4080]  }
0x67: {  	s26 =	simm.s32 $0x10;
	s23 =	simm.s32 $0x40;
	v1 =	vld [tilespmem:s22+$0x4100]  }
0x68: {  	s21 =	sand.u32 $0x70, s26;
	s24 =	sand.u32 $0x3E00, s23  }
0x69: {  	s21 =	sor.u32 s21, s24;
	vm0 =	vgt.f32 v2, $5.000000000e-01  }
0x6a: {  	v0 =	vld [tilespmem:s21+$0x4180];
	v5 =	vnsel vm0, $0x0, v2;
	vm0 =	vgt.f32 v3, $5.000000000e-01  }
0x6b: {  	v2 =	vld [tilespmem:s21+$0x4000];
	[tilespmem:s22+$0x10180] =	vst v5;
	v5 =	vnsel vm0, $0x0, v3;
	vm0 =	vgt.f32 v4, $5.000000000e-01  }
0x6c: {  	s24 =	simm.s32 $0x20;
	v3 =	vld [tilespmem:s21+$0x4080];
	[tilespmem:s22+$0x10000] =	vst v5;
	v4 =	vnsel vm0, $0x0, v4;
	vm0 =	vgt.f32 v1, $5.000000000e-01  }
.LBB2_4:
0x6d: {  	s25 =	sand.u32 $0x70, s24;
	s23 =	sadd.s32 $0x40, s23;
	[tilespmem:s22+$0x10080] =	vst v4;
	v4 =	vnsel vm0, $0x0, v1;
	v1 =	vld [tilespmem:s21+$0x4100];
	p0 =	sne.s32 s24, $0xFF0  }
.Ltmp1:
0x6e: {  	s24 =	sadd.s32 $0x10, s24;
	s26 =	sand.u32 $0x3E00, s23;
	[tilespmem:s22+$0x10100] =	vst v4;
	(pc) =	sbr.rel @p0 .LBB2_4-.Ltmp1, $4  }
0x6f: {  	s22 =	smov.u32 s21;
	vm0 =	vgt.f32 v0, $5.000000000e-01;
	s21 =	sor.u32 s25, s26  }
0x70: {  	vm1 =	vgt.f32 v2, $5.000000000e-01;
	v4 =	vnsel vm0, $0x0, v0;
	v0 =	vld [tilespmem:s21+$0x4180]  }
0x71: {  	v5 =	vnsel vm1, $0x0, v2;
	v2 =	vld [tilespmem:s21+$0x4000];
	vm0 =	vgt.f32 v3, $5.000000000e-01;
	[tilespmem:s22+$0x10180] =	vst v4  }
0x72: {  	[tilespmem:s22+$0x10000] =	vst v5;
	v4 =	vnsel vm0, $0x0, v3;
	v3 =	vld [tilespmem:s21+$0x4080];
	vm0 =	vgt.f32 v1, $5.000000000e-01  }
0x73: {  	v5 =	vld [tilespmem:s21+$0x4100];
	_ =	sdelay $0x1  }
0x74: {  	[tilespmem:s22+$0x10080] =	vst v4;
	v1 =	vnsel vm0, $0x0, v1;
	vm0 =	vgt.f32 v0, $5.000000000e-01  }
0x75: {  	[tilespmem:s22+$0x10100] =	vst v1;
	vm1 =	vgt.f32 v2, $5.000000000e-01;
	v0 =	vnsel vm0, $0x0, v0  }
0x76: {  	v1 =	vnsel vm1, $0x0, v2;
	vm0 =	vgt.f32 v3, $5.000000000e-01;
	[tilespmem:s21+$0x10180] =	vst v0  }
0x77: {  	[tilespmem:s21+$0x10000] =	vst v1;
	v0 =	vnsel vm0, $0x0, v3;
	vm0 =	vgt.f32 v5, $5.000000000e-01  }
0x78: {  	[tilespmem:s21+$0x10080] =	vst v0;
	v0 =	vnsel vm0, $0x0, v5  }
0x79: {  	s22 =	rddreg [dreg:$0x6];
	[tilespmem:s21+$0x10100] =	vst v0  }
0x7a: {  	[hbm4b:s22+s7] =	stream.strided.scatter [tilespmem:s14], [sflag:$0x5], $0x4000, s8, s7, $0x38;
	[tilespmem:$0x18000] =	vst v63  }
0x7b: {  	s23 =	rddreg [dreg:$0x7]  }
0x7c: {  	[tilespmem:s9], [sflag:$0x2] =	stream.strided.gather [hbm4b:s23+s7], $0x4000, s8, s7, $0x38;
	[tilespmem:$0x18000] =	vst v63  }
0x7d: {  	s24 =	simm.s32 $0x0;
	_ =	swait.ge [sflag:s15], $0x4000  }
0x7e: {  	s25 =	sand.u32 $0x70, s24;
	s21 =	sand.u32 $0x3E00, s24;
	[sflag:s15] =	ssyncset.done $0x0  }
0x7f: {  	s22 =	sor.u32 s25, s21;
	[sflag:s15] =	ssyncadd.s32 $0xFFFFC000  }
0x80: {  	v2 =	vld [tilespmem:s22+$0x8180]  }
0x81: {  	v3 =	vld [tilespmem:s22+$0x8000]  }
0x82: {  	v4 =	vld [tilespmem:s22+$0x8080]  }
0x83: {  	s26 =	simm.s32 $0x10;
	s23 =	simm.s32 $0x40;
	v1 =	vld [tilespmem:s22+$0x8100]  }
0x84: {  	s21 =	sand.u32 $0x70, s26;
	s24 =	sand.u32 $0x3E00, s23  }
0x85: {  	s21 =	sor.u32 s21, s24;
	vm0 =	vgt.f32 v2, $5.000000000e-01  }
0x86: {  	v0 =	vld [tilespmem:s21+$0x8180];
	v5 =	vnsel vm0, $0x0, v2;
	vm0 =	vgt.f32 v3, $5.000000000e-01  }
0x87: {  	v2 =	vld [tilespmem:s21+$0x8000];
	[tilespmem:s22+$0x14180] =	vst v5;
	v5 =	vnsel vm0, $0x0, v3;
	vm0 =	vgt.f32 v4, $5.000000000e-01  }
0x88: {  	s24 =	simm.s32 $0x20;
	v3 =	vld [tilespmem:s21+$0x8080];
	[tilespmem:s22+$0x14000] =	vst v5;
	v4 =	vnsel vm0, $0x0, v4;
	vm0 =	vgt.f32 v1, $5.000000000e-01  }
.LBB2_6:
0x89: {  	s25 =	sand.u32 $0x70, s24;
	s23 =	sadd.s32 $0x40, s23;
	[tilespmem:s22+$0x14080] =	vst v4;
	v4 =	vnsel vm0, $0x0, v1;
	v1 =	vld [tilespmem:s21+$0x8100];
	p0 =	sne.s32 s24, $0xFF0  }
.Ltmp2:
0x8a: {  	s24 =	sadd.s32 $0x10, s24;
	s26 =	sand.u32 $0x3E00, s23;
	[tilespmem:s22+$0x14100] =	vst v4;
	(pc) =	sbr.rel @p0 .LBB2_6-.Ltmp2, $4  }
0x8b: {  	s22 =	smov.u32 s21;
	vm0 =	vgt.f32 v0, $5.000000000e-01;
	s21 =	sor.u32 s25, s26  }
0x8c: {  	vm1 =	vgt.f32 v2, $5.000000000e-01;
	v4 =	vnsel vm0, $0x0, v0;
	v0 =	vld [tilespmem:s21+$0x8180]  }
0x8d: {  	v5 =	vnsel vm1, $0x0, v2;
	v2 =	vld [tilespmem:s21+$0x8000];
	vm0 =	vgt.f32 v3, $5.000000000e-01;
	[tilespmem:s22+$0x14180] =	vst v4  }
0x8e: {  	[tilespmem:s22+$0x14000] =	vst v5;
	v4 =	vnsel vm0, $0x0, v3;
	v3 =	vld [tilespmem:s21+$0x8080];
	vm0 =	vgt.f32 v1, $5.000000000e-01  }
0x8f: {  	v5 =	vld [tilespmem:s21+$0x8100];
	_ =	sdelay $0x1  }
0x90: {  	[tilespmem:s22+$0x14080] =	vst v4;
	v1 =	vnsel vm0, $0x0, v1;
	vm0 =	vgt.f32 v0, $5.000000000e-01  }
0x91: {  	[tilespmem:s22+$0x14100] =	vst v1;
	vm1 =	vgt.f32 v2, $5.000000000e-01;
	v0 =	vnsel vm0, $0x0, v0  }
0x92: {  	v1 =	vnsel vm1, $0x0, v2;
	vm0 =	vgt.f32 v3, $5.000000000e-01;
	[tilespmem:s21+$0x14180] =	vst v0  }
0x93: {  	[tilespmem:s21+$0x14000] =	vst v1;
	v0 =	vnsel vm0, $0x0, v3;
	vm0 =	vgt.f32 v5, $5.000000000e-01  }
0x94: {  	[tilespmem:s21+$0x14080] =	vst v0;
	v0 =	vnsel vm0, $0x0, v5  }
0x95: {  	s22 =	rddreg [dreg:$0x8];
	[tilespmem:s21+$0x14100] =	vst v0  }
0x96: {  	[hbm4b:s22+s7] =	stream.strided.scatter [tilespmem:s16], [sflag:$0x6], $0x4000, s8, s7, $0x38;
	[tilespmem:$0x18000] =	vst v63  }
0x97: {  	s23 =	rddreg [dreg:$0x9]  }
0x98: {  	[tilespmem:s10], [sflag:$0x3] =	stream.strided.gather [hbm4b:s23+s7], $0x4000, s8, s7, $0x38;
	[tilespmem:$0x18000] =	vst v63  }
0x99: {  	_ =	swait.ge [sflag:s11], $0x4000  }
0x9a: {  	[sflag:s11] =	ssyncset.done $0x0  }
0x9b: {  	[sflag:s11] =	ssyncadd.s32 $0xFFFFC000  }
0x9c: {  	s24 =	simm.s32 $0x0;
	_ =	swait.ge [sflag:s17], $0x4000  }
0x9d: {  	s25 =	sand.u32 $0x70, s24;
	s21 =	sand.u32 $0x3E00, s24;
	[sflag:s17] =	ssyncset.done $0x0  }
0x9e: {  	s22 =	sor.u32 s25, s21;
	[sflag:s17] =	ssyncadd.s32 $0xFFFFC000  }
0x9f: {  	v2 =	vld [tilespmem:s22+$0x180]  }
0xa0: {  	v3 =	vld [tilespmem:s22+$0x0]  }
0xa1: {  	v4 =	vld [tilespmem:s22+$0x80]  }
0xa2: {  	s26 =	simm.s32 $0x10;
	s23 =	simm.s32 $0x40;
	v1 =	vld [tilespmem:s22+$0x100]  }
0xa3: {  	s21 =	sand.u32 $0x70, s26;
	s24 =	sand.u32 $0x3E00, s23  }
0xa4: {  	s21 =	sor.u32 s21, s24;
	vm0 =	vgt.f32 v2, $5.000000000e-01  }
0xa5: {  	v0 =	vld [tilespmem:s21+$0x180];
	v5 =	vnsel vm0, $0x0, v2;
	vm0 =	vgt.f32 v3, $5.000000000e-01  }
0xa6: {  	v2 =	vld [tilespmem:s21+$0x0];
	[tilespmem:s22+$0xC180] =	vst v5;
	v5 =	vnsel vm0, $0x0, v3;
	vm0 =	vgt.f32 v4, $5.000000000e-01  }
0xa7: {  	s24 =	simm.s32 $0x20;
	v3 =	vld [tilespmem:s21+$0x80];
	[tilespmem:s22+$0xC000] =	vst v5;
	v4 =	vnsel vm0, $0x0, v4;
	vm0 =	vgt.f32 v1, $5.000000000e-01  }
.LBB2_8:
0xa8: {  	s25 =	sand.u32 $0x70, s24;
	s23 =	sadd.s32 $0x40, s23;
	[tilespmem:s22+$0xC080] =	vst v4;
	v4 =	vnsel vm0, $0x0, v1;
	v1 =	vld [tilespmem:s21+$0x100];
	p0 =	sne.s32 s24, $0xFF0  }
.Ltmp3:
0xa9: {  	s24 =	sadd.s32 $0x10, s24;
	s26 =	sand.u32 $0x3E00, s23;
	[tilespmem:s22+$0xC100] =	vst v4;
	(pc) =	sbr.rel @p0 .LBB2_8-.Ltmp3, $4  }
0xaa: {  	s22 =	smov.u32 s21;
	vm0 =	vgt.f32 v0, $5.000000000e-01;
	s21 =	sor.u32 s25, s26  }
0xab: {  	vm1 =	vgt.f32 v2, $5.000000000e-01;
	v4 =	vnsel vm0, $0x0, v0;
	v0 =	vld [tilespmem:s21+$0x180]  }
0xac: {  	v5 =	vnsel vm1, $0x0, v2;
	v2 =	vld [tilespmem:s21+$0x0];
	vm0 =	vgt.f32 v3, $5.000000000e-01;
	[tilespmem:s22+$0xC180] =	vst v4  }
0xad: {  	[tilespmem:s22+$0xC000] =	vst v5;
	v4 =	vnsel vm0, $0x0, v3;
	v3 =	vld [tilespmem:s21+$0x80];
	vm0 =	vgt.f32 v1, $5.000000000e-01  }
0xae: {  	v5 =	vld [tilespmem:s21+$0x100];
	_ =	sdelay $0x1  }
0xaf: {  	[tilespmem:s22+$0xC080] =	vst v4;
	v1 =	vnsel vm0, $0x0, v1;
	vm0 =	vgt.f32 v0, $5.000000000e-01  }
0xb0: {  	[tilespmem:s22+$0xC100] =	vst v1;
	vm1 =	vgt.f32 v2, $5.000000000e-01;
	v0 =	vnsel vm0, $0x0, v0  }
0xb1: {  	v1 =	vnsel vm1, $0x0, v2;
	vm0 =	vgt.f32 v3, $5.000000000e-01;
	[tilespmem:s21+$0xC180] =	vst v0  }
0xb2: {  	[tilespmem:s21+$0xC000] =	vst v1;
	v0 =	vnsel vm0, $0x0, v3;
	vm0 =	vgt.f32 v5, $5.000000000e-01  }
0xb3: {  	[tilespmem:s21+$0xC080] =	vst v0;
	v0 =	vnsel vm0, $0x0, v5  }
0xb4: {  	s22 =	rddreg [dreg:$0xa];
	[tilespmem:s21+$0xC100] =	vst v0  }
0xb5: {  	[hbm4b:s22+s7] =	stream.strided.scatter [tilespmem:s12], [sflag:$0x4], $0x4000, s8, s7, $0x38;
	[tilespmem:$0x18000] =	vst v63  }
0xb6: {  	s23 =	simm.s32 $0x0;
	s24 =	rddreg [dreg:$0xb]  }
0xb7: {  	[tilespmem:s23], [sflag:$0x1] =	stream.strided.gather [hbm4b:s24+s7], $0x4000, s8, s7, $0x38;
	[tilespmem:$0x18000] =	vst v63  }
0xb8: {  	_ =	swait.ge [sflag:s13], $0x4000  }
0xb9: {  	[sflag:s13] =	ssyncset.done $0x0  }
0xba: {  	[sflag:s13] =	ssyncadd.s32 $0xFFFFC000  }
0xbb: {  	_ =	swait.ge [sflag:s18], $0x4000  }
0xbc: {  	s25 =	sand.u32 $0x70, s23;
	s21 =	sand.u32 $0x3E00, s23;
	[sflag:s18] =	ssyncset.done $0x0  }
0xbd: {  	s22 =	sor.u32 s25, s21;
	[sflag:s18] =	ssyncadd.s32 $0xFFFFC000  }
0xbe: {  	v2 =	vld [tilespmem:s22+$0x4180]  }
0xbf: {  	v3 =	vld [tilespmem:s22+$0x4000]  }
0xc0: {  	v4 =	vld [tilespmem:s22+$0x4080]  }
0xc1: {  	s26 =	simm.s32 $0x10;
	s23 =	simm.s32 $0x40;
	v1 =	vld [tilespmem:s22+$0x4100]  }
0xc2: {  	s21 =	sand.u32 $0x70, s26;
	s24 =	sand.u32 $0x3E00, s23  }
0xc3: {  	s21 =	sor.u32 s21, s24;
	vm0 =	vgt.f32 v2, $5.000000000e-01  }
0xc4: {  	v0 =	vld [tilespmem:s21+$0x4180];
	v5 =	vnsel vm0, $0x0, v2;
	vm0 =	vgt.f32 v3, $5.000000000e-01  }
0xc5: {  	v2 =	vld [tilespmem:s21+$0x4000];
	[tilespmem:s22+$0x10180] =	vst v5;
	v5 =	vnsel vm0, $0x0, v3;
	vm0 =	vgt.f32 v4, $5.000000000e-01  }
0xc6: {  	s24 =	simm.s32 $0x20;
	v3 =	vld [tilespmem:s21+$0x4080];
	[tilespmem:s22+$0x10000] =	vst v5;
	v4 =	vnsel vm0, $0x0, v4;
	vm0 =	vgt.f32 v1, $5.000000000e-01  }
.LBB2_10:
0xc7: {  	s25 =	sand.u32 $0x70, s24;
	s23 =	sadd.s32 $0x40, s23;
	[tilespmem:s22+$0x10080] =	vst v4;
	v4 =	vnsel vm0, $0x0, v1;
	v1 =	vld [tilespmem:s21+$0x4100];
	p0 =	sne.s32 s24, $0xFF0  }
.Ltmp4:
0xc8: {  	s24 =	sadd.s32 $0x10, s24;
	s26 =	sand.u32 $0x3E00, s23;
	[tilespmem:s22+$0x10100] =	vst v4;
	(pc) =	sbr.rel @p0 .LBB2_10-.Ltmp4, $4  }
0xc9: {  	s22 =	smov.u32 s21;
	vm0 =	vgt.f32 v0, $5.000000000e-01;
	s21 =	sor.u32 s25, s26  }
0xca: {  	vm1 =	vgt.f32 v2, $5.000000000e-01;
	v4 =	vnsel vm0, $0x0, v0;
	v0 =	vld [tilespmem:s21+$0x4180]  }
0xcb: {  	v5 =	vnsel vm1, $0x0, v2;
	v2 =	vld [tilespmem:s21+$0x4000];
	vm0 =	vgt.f32 v3, $5.000000000e-01;
	[tilespmem:s22+$0x10180] =	vst v4  }
0xcc: {  	[tilespmem:s22+$0x10000] =	vst v5;
	v4 =	vnsel vm0, $0x0, v3;
	v3 =	vld [tilespmem:s21+$0x4080];
	vm0 =	vgt.f32 v1, $5.000000000e-01  }
0xcd: {  	v5 =	vld [tilespmem:s21+$0x4100];
	_ =	sdelay $0x1  }
0xce: {  	[tilespmem:s22+$0x10080] =	vst v4;
	v1 =	vnsel vm0, $0x0, v1;
	vm0 =	vgt.f32 v0, $5.000000000e-01  }
0xcf: {  	[tilespmem:s22+$0x10100] =	vst v1;
	vm1 =	vgt.f32 v2, $5.000000000e-01;
	v0 =	vnsel vm0, $0x0, v0  }
0xd0: {  	v1 =	vnsel vm1, $0x0, v2;
	vm0 =	vgt.f32 v3, $5.000000000e-01;
	[tilespmem:s21+$0x10180] =	vst v0  }
0xd1: {  	[tilespmem:s21+$0x10000] =	vst v1;
	v0 =	vnsel vm0, $0x0, v3;
	vm0 =	vgt.f32 v5, $5.000000000e-01  }
0xd2: {  	[tilespmem:s21+$0x10080] =	vst v0;
	v0 =	vnsel vm0, $0x0, v5  }
0xd3: {  	s22 =	rddreg [dreg:$0xc];
	[tilespmem:s21+$0x10100] =	vst v0  }
0xd4: {  	[hbm4b:s22+s7] =	stream.strided.scatter [tilespmem:s14], [sflag:$0x5], $0x4000, s8, s7, $0x38;
	[tilespmem:$0x18000] =	vst v63  }
0xd5: {  	s23 =	rddreg [dreg:$0xd]  }
0xd6: {  	[tilespmem:s9], [sflag:$0x2] =	stream.strided.gather [hbm4b:s23+s7], $0x4000, s8, s7, $0x38;
	[tilespmem:$0x18000] =	vst v63  }
0xd7: {  	_ =	swait.ge [sflag:s15], $0x4000  }
0xd8: {  	[sflag:s15] =	ssyncset.done $0x0  }
0xd9: {  	[sflag:s15] =	ssyncadd.s32 $0xFFFFC000  }
0xda: {  	s24 =	simm.s32 $0x0;
	_ =	swait.ge [sflag:s19], $0x4000  }
0xdb: {  	s25 =	sand.u32 $0x70, s24;
	s21 =	sand.u32 $0x3E00, s24;
	[sflag:s19] =	ssyncset.done $0x0  }
0xdc: {  	s22 =	sor.u32 s25, s21;
	[sflag:s19] =	ssyncadd.s32 $0xFFFFC000  }
0xdd: {  	v2 =	vld [tilespmem:s22+$0x8180]  }
0xde: {  	v3 =	vld [tilespmem:s22+$0x8000]  }
0xdf: {  	v4 =	vld [tilespmem:s22+$0x8080]  }
0xe0: {  	s26 =	simm.s32 $0x10;
	s23 =	simm.s32 $0x40;
	v1 =	vld [tilespmem:s22+$0x8100]  }
0xe1: {  	s21 =	sand.u32 $0x70, s26;
	s24 =	sand.u32 $0x3E00, s23  }
0xe2: {  	s21 =	sor.u32 s21, s24;
	vm0 =	vgt.f32 v2, $5.000000000e-01  }
0xe3: {  	v0 =	vld [tilespmem:s21+$0x8180];
	v5 =	vnsel vm0, $0x0, v2;
	vm0 =	vgt.f32 v3, $5.000000000e-01  }
0xe4: {  	v2 =	vld [tilespmem:s21+$0x8000];
	[tilespmem:s22+$0x14180] =	vst v5;
	v5 =	vnsel vm0, $0x0, v3;
	vm0 =	vgt.f32 v4, $5.000000000e-01  }
0xe5: {  	s24 =	simm.s32 $0x20;
	v3 =	vld [tilespmem:s21+$0x8080];
	[tilespmem:s22+$0x14000] =	vst v5;
	v4 =	vnsel vm0, $0x0, v4;
	vm0 =	vgt.f32 v1, $5.000000000e-01  }
.LBB2_12:
0xe6: {  	s25 =	sand.u32 $0x70, s24;
	s23 =	sadd.s32 $0x40, s23;
	[tilespmem:s22+$0x14080] =	vst v4;
	v4 =	vnsel vm0, $0x0, v1;
	v1 =	vld [tilespmem:s21+$0x8100];
	p0 =	sne.s32 s24, $0xFF0  }
.Ltmp5:
0xe7: {  	s24 =	sadd.s32 $0x10, s24;
	s26 =	sand.u32 $0x3E00, s23;
	[tilespmem:s22+$0x14100] =	vst v4;
	(pc) =	sbr.rel @p0 .LBB2_12-.Ltmp5, $4  }
0xe8: {  	s22 =	smov.u32 s21;
	vm0 =	vgt.f32 v0, $5.000000000e-01;
	s21 =	sor.u32 s25, s26  }
0xe9: {  	vm1 =	vgt.f32 v2, $5.000000000e-01;
	v4 =	vnsel vm0, $0x0, v0;
	v0 =	vld [tilespmem:s21+$0x8180]  }
0xea: {  	v5 =	vnsel vm1, $0x0, v2;
	v2 =	vld [tilespmem:s21+$0x8000];
	vm0 =	vgt.f32 v3, $5.000000000e-01;
	[tilespmem:s22+$0x14180] =	vst v4  }
0xeb: {  	[tilespmem:s22+$0x14000] =	vst v5;
	v4 =	vnsel vm0, $0x0, v3;
	v3 =	vld [tilespmem:s21+$0x8080];
	vm0 =	vgt.f32 v1, $5.000000000e-01  }
0xec: {  	v5 =	vld [tilespmem:s21+$0x8100];
	_ =	sdelay $0x1  }
0xed: {  	[tilespmem:s22+$0x14080] =	vst v4;
	v1 =	vnsel vm0, $0x0, v1;
	vm0 =	vgt.f32 v0, $5.000000000e-01  }
0xee: {  	[tilespmem:s22+$0x14100] =	vst v1;
	vm1 =	vgt.f32 v2, $5.000000000e-01;
	v0 =	vnsel vm0, $0x0, v0  }
0xef: {  	v1 =	vnsel vm1, $0x0, v2;
	vm0 =	vgt.f32 v3, $5.000000000e-01;
	[tilespmem:s21+$0x14180] =	vst v0  }
0xf0: {  	[tilespmem:s21+$0x14000] =	vst v1;
	v0 =	vnsel vm0, $0x0, v3;
	vm0 =	vgt.f32 v5, $5.000000000e-01  }
0xf1: {  	[tilespmem:s21+$0x14080] =	vst v0;
	v0 =	vnsel vm0, $0x0, v5  }
0xf2: {  	s22 =	rddreg [dreg:$0xe];
	[tilespmem:s21+$0x14100] =	vst v0  }
0xf3: {  	[hbm4b:s22+s7] =	stream.strided.scatter [tilespmem:s16], [sflag:$0x6], $0x4000, s8, s7, $0x38;
	[tilespmem:$0x18000] =	vst v63  }
0xf4: {  	s23 =	rddreg [dreg:$0xf]  }
0xf5: {  	[tilespmem:s10], [sflag:$0x3] =	stream.strided.gather [hbm4b:s23+s7], $0x4000, s8, s7, $0x38;
	[tilespmem:$0x18000] =	vst v63  }
0xf6: {  	_ =	swait.ge [sflag:s11], $0x4000  }
0xf7: {  	[sflag:s11] =	ssyncset.done $0x0  }
0xf8: {  	[sflag:s11] =	ssyncadd.s32 $0xFFFFC000  }
0xf9: {  	s24 =	simm.s32 $0x0;
	_ =	swait.ge [sflag:s17], $0x4000  }
0xfa: {  	s25 =	sand.u32 $0x70, s24;
	s21 =	sand.u32 $0x3E00, s24;
	[sflag:s17] =	ssyncset.done $0x0  }
0xfb: {  	s22 =	sor.u32 s25, s21;
	[sflag:s17] =	ssyncadd.s32 $0xFFFFC000  }
0xfc: {  	v2 =	vld [tilespmem:s22+$0x180]  }
0xfd: {  	v3 =	vld [tilespmem:s22+$0x0]  }
0xfe: {  	v4 =	vld [tilespmem:s22+$0x80]  }
0xff: {  	s26 =	simm.s32 $0x10;
	s23 =	simm.s32 $0x40;
	v1 =	vld [tilespmem:s22+$0x100]  }
0x100: {  	s21 =	sand.u32 $0x70, s26;
	s24 =	sand.u32 $0x3E00, s23  }
0x101: {  	s21 =	sor.u32 s21, s24;
	vm0 =	vgt.f32 v2, $5.000000000e-01  }
0x102: {  	v0 =	vld [tilespmem:s21+$0x180];
	v5 =	vnsel vm0, $0x0, v2;
	vm0 =	vgt.f32 v3, $5.000000000e-01  }
0x103: {  	v2 =	vld [tilespmem:s21+$0x0];
	[tilespmem:s22+$0xC180] =	vst v5;
	v5 =	vnsel vm0, $0x0, v3;
	vm0 =	vgt.f32 v4, $5.000000000e-01  }
0x104: {  	s24 =	simm.s32 $0x20;
	v3 =	vld [tilespmem:s21+$0x80];
	[tilespmem:s22+$0xC000] =	vst v5;
	v4 =	vnsel vm0, $0x0, v4;
	vm0 =	vgt.f32 v1, $5.000000000e-01  }
.LBB2_14:
0x105: {  	s25 =	sand.u32 $0x70, s24;
	s23 =	sadd.s32 $0x40, s23;
	[tilespmem:s22+$0xC080] =	vst v4;
	v4 =	vnsel vm0, $0x0, v1;
	v1 =	vld [tilespmem:s21+$0x100];
	p0 =	sne.s32 s24, $0xFF0  }
.Ltmp6:
0x106: {  	s24 =	sadd.s32 $0x10, s24;
	s26 =	sand.u32 $0x3E00, s23;
	[tilespmem:s22+$0xC100] =	vst v4;
	(pc) =	sbr.rel @p0 .LBB2_14-.Ltmp6, $4  }
0x107: {  	s22 =	smov.u32 s21;
	vm0 =	vgt.f32 v0, $5.000000000e-01;
	s21 =	sor.u32 s25, s26  }
0x108: {  	vm1 =	vgt.f32 v2, $5.000000000e-01;
	v4 =	vnsel vm0, $0x0, v0;
	v0 =	vld [tilespmem:s21+$0x180]  }
0x109: {  	v5 =	vnsel vm1, $0x0, v2;
	v2 =	vld [tilespmem:s21+$0x0];
	vm0 =	vgt.f32 v3, $5.000000000e-01;
	[tilespmem:s22+$0xC180] =	vst v4  }
0x10a: {  	[tilespmem:s22+$0xC000] =	vst v5;
	v4 =	vnsel vm0, $0x0, v3;
	v3 =	vld [tilespmem:s21+$0x80];
	vm0 =	vgt.f32 v1, $5.000000000e-01  }
0x10b: {  	v5 =	vld [tilespmem:s21+$0x100];
	_ =	sdelay $0x1  }
0x10c: {  	[tilespmem:s22+$0xC080] =	vst v4;
	v1 =	vnsel vm0, $0x0, v1;
	vm0 =	vgt.f32 v0, $5.000000000e-01  }
0x10d: {  	[tilespmem:s22+$0xC100] =	vst v1;
	vm1 =	vgt.f32 v2, $5.000000000e-01;
	v0 =	vnsel vm0, $0x0, v0  }
0x10e: {  	v1 =	vnsel vm1, $0x0, v2;
	vm0 =	vgt.f32 v3, $5.000000000e-01;
	[tilespmem:s21+$0xC180] =	vst v0  }
0x10f: {  	[tilespmem:s21+$0xC000] =	vst v1;
	v0 =	vnsel vm0, $0x0, v3;
	vm0 =	vgt.f32 v5, $5.000000000e-01  }
0x110: {  	[tilespmem:s21+$0xC080] =	vst v0;
	v0 =	vnsel vm0, $0x0, v5  }
0x111: {  	s22 =	rddreg [dreg:$0x10];
	[tilespmem:s21+$0xC100] =	vst v0  }
0x112: {  	[hbm4b:s22+s7] =	stream.strided.scatter [tilespmem:s12], [sflag:$0x4], $0x4000, s8, s7, $0x38;
	[tilespmem:$0x18000] =	vst v63  }
0x113: {  	s23 =	simm.s32 $0x0;
	s24 =	rddreg [dreg:$0x11]  }
0x114: {  	[tilespmem:s23], [sflag:$0x1] =	stream.strided.gather [hbm4b:s24+s7], $0x4000, s8, s7, $0x38;
	[tilespmem:$0x18000] =	vst v63  }
0x115: {  	_ =	swait.ge [sflag:s13], $0x4000  }
0x116: {  	[sflag:s13] =	ssyncset.done $0x0  }
0x117: {  	[sflag:s13] =	ssyncadd.s32 $0xFFFFC000  }
0x118: {  	_ =	swait.ge [sflag:s18], $0x4000  }
0x119: {  	s25 =	sand.u32 $0x70, s23;
	s21 =	sand.u32 $0x3E00, s23;
	[sflag:s18] =	ssyncset.done $0x0  }
0x11a: {  	s22 =	sor.u32 s25, s21;
	[sflag:s18] =	ssyncadd.s32 $0xFFFFC000  }
0x11b: {  	v2 =	vld [tilespmem:s22+$0x4180]  }
0x11c: {  	v3 =	vld [tilespmem:s22+$0x4000]  }
0x11d: {  	v4 =	vld [tilespmem:s22+$0x4080]  }
0x11e: {  	s26 =	simm.s32 $0x10;
	s23 =	simm.s32 $0x40;
	v1 =	vld [tilespmem:s22+$0x4100]  }
0x11f: {  	s21 =	sand.u32 $0x70, s26;
	s24 =	sand.u32 $0x3E00, s23  }
0x120: {  	s21 =	sor.u32 s21, s24;
	vm0 =	vgt.f32 v2, $5.000000000e-01  }
0x121: {  	v0 =	vld [tilespmem:s21+$0x4180];
	v5 =	vnsel vm0, $0x0, v2;
	vm0 =	vgt.f32 v3, $5.000000000e-01  }
0x122: {  	v2 =	vld [tilespmem:s21+$0x4000];
	[tilespmem:s22+$0x10180] =	vst v5;
	v5 =	vnsel vm0, $0x0, v3;
	vm0 =	vgt.f32 v4, $5.000000000e-01  }
0x123: {  	s24 =	simm.s32 $0x20;
	v3 =	vld [tilespmem:s21+$0x4080];
	[tilespmem:s22+$0x10000] =	vst v5;
	v4 =	vnsel vm0, $0x0, v4;
	vm0 =	vgt.f32 v1, $5.000000000e-01  }
.LBB2_16:
0x124: {  	s25 =	sand.u32 $0x70, s24;
	s23 =	sadd.s32 $0x40, s23;
	[tilespmem:s22+$0x10080] =	vst v4;
	v4 =	vnsel vm0, $0x0, v1;
	v1 =	vld [tilespmem:s21+$0x4100];
	p0 =	sne.s32 s24, $0xFF0  }
.Ltmp7:
0x125: {  	s24 =	sadd.s32 $0x10, s24;
	s26 =	sand.u32 $0x3E00, s23;
	[tilespmem:s22+$0x10100] =	vst v4;
	(pc) =	sbr.rel @p0 .LBB2_16-.Ltmp7, $4  }
0x126: {  	s22 =	smov.u32 s21;
	vm0 =	vgt.f32 v0, $5.000000000e-01;
	s21 =	sor.u32 s25, s26  }
0x127: {  	vm1 =	vgt.f32 v2, $5.000000000e-01;
	v4 =	vnsel vm0, $0x0, v0;
	v0 =	vld [tilespmem:s21+$0x4180]  }
0x128: {  	v5 =	vnsel vm1, $0x0, v2;
	v2 =	vld [tilespmem:s21+$0x4000];
	vm0 =	vgt.f32 v3, $5.000000000e-01;
	[tilespmem:s22+$0x10180] =	vst v4  }
0x129: {  	[tilespmem:s22+$0x10000] =	vst v5;
	v4 =	vnsel vm0, $0x0, v3;
	v3 =	vld [tilespmem:s21+$0x4080];
	vm0 =	vgt.f32 v1, $5.000000000e-01  }
0x12a: {  	v5 =	vld [tilespmem:s21+$0x4100];
	_ =	sdelay $0x1  }
0x12b: {  	[tilespmem:s22+$0x10080] =	vst v4;
	v1 =	vnsel vm0, $0x0, v1;
	vm0 =	vgt.f32 v0, $5.000000000e-01  }
0x12c: {  	[tilespmem:s22+$0x10100] =	vst v1;
	vm1 =	vgt.f32 v2, $5.000000000e-01;
	v0 =	vnsel vm0, $0x0, v0  }
0x12d: {  	v1 =	vnsel vm1, $0x0, v2;
	vm0 =	vgt.f32 v3, $5.000000000e-01;
	[tilespmem:s21+$0x10180] =	vst v0  }
0x12e: {  	[tilespmem:s21+$0x10000] =	vst v1;
	v0 =	vnsel vm0, $0x0, v3;
	vm0 =	vgt.f32 v5, $5.000000000e-01  }
0x12f: {  	[tilespmem:s21+$0x10080] =	vst v0;
	v0 =	vnsel vm0, $0x0, v5  }
0x130: {  	s22 =	rddreg [dreg:$0x12];
	[tilespmem:s21+$0x10100] =	vst v0  }
0x131: {  	[hbm4b:s22+s7] =	stream.strided.scatter [tilespmem:s14], [sflag:$0x5], $0x4000, s8, s7, $0x38;
	[tilespmem:$0x18000] =	vst v63  }
0x132: {  	s23 =	rddreg [dreg:$0x13]  }
0x133: {  	[tilespmem:s9], [sflag:$0x2] =	stream.strided.gather [hbm4b:s23+s7], $0x4000, s8, s7, $0x38;
	[tilespmem:$0x18000] =	vst v63  }
0x134: {  	_ =	swait.ge [sflag:s15], $0x4000  }
0x135: {  	[sflag:s15] =	ssyncset.done $0x0  }
0x136: {  	[sflag:s15] =	ssyncadd.s32 $0xFFFFC000  }
0x137: {  	s24 =	simm.s32 $0x0;
	_ =	swait.ge [sflag:s19], $0x4000  }
0x138: {  	s25 =	sand.u32 $0x70, s24;
	s21 =	sand.u32 $0x3E00, s24;
	[sflag:s19] =	ssyncset.done $0x0  }
0x139: {  	s22 =	sor.u32 s25, s21;
	[sflag:s19] =	ssyncadd.s32 $0xFFFFC000  }
0x13a: {  	v2 =	vld [tilespmem:s22+$0x8180]  }
0x13b: {  	v3 =	vld [tilespmem:s22+$0x8000]  }
0x13c: {  	v4 =	vld [tilespmem:s22+$0x8080]  }
0x13d: {  	s26 =	simm.s32 $0x10;
	s23 =	simm.s32 $0x40;
	v1 =	vld [tilespmem:s22+$0x8100]  }
0x13e: {  	s21 =	sand.u32 $0x70, s26;
	s24 =	sand.u32 $0x3E00, s23  }
0x13f: {  	s21 =	sor.u32 s21, s24;
	vm0 =	vgt.f32 v2, $5.000000000e-01  }
0x140: {  	v0 =	vld [tilespmem:s21+$0x8180];
	v5 =	vnsel vm0, $0x0, v2;
	vm0 =	vgt.f32 v3, $5.000000000e-01  }
0x141: {  	v2 =	vld [tilespmem:s21+$0x8000];
	[tilespmem:s22+$0x14180] =	vst v5;
	v5 =	vnsel vm0, $0x0, v3;
	vm0 =	vgt.f32 v4, $5.000000000e-01  }
0x142: {  	s24 =	simm.s32 $0x20;
	v3 =	vld [tilespmem:s21+$0x8080];
	[tilespmem:s22+$0x14000] =	vst v5;
	v4 =	vnsel vm0, $0x0, v4;
	vm0 =	vgt.f32 v1, $5.000000000e-01  }
.LBB2_18:
0x143: {  	s25 =	sand.u32 $0x70, s24;
	s23 =	sadd.s32 $0x40, s23;
	[tilespmem:s22+$0x14080] =	vst v4;
	v4 =	vnsel vm0, $0x0, v1;
	v1 =	vld [tilespmem:s21+$0x8100];
	p0 =	sne.s32 s24, $0xFF0  }
.Ltmp8:
0x144: {  	s24 =	sadd.s32 $0x10, s24;
	s26 =	sand.u32 $0x3E00, s23;
	[tilespmem:s22+$0x14100] =	vst v4;
	(pc) =	sbr.rel @p0 .LBB2_18-.Ltmp8, $4  }
0x145: {  	s22 =	smov.u32 s21;
	vm0 =	vgt.f32 v0, $5.000000000e-01;
	s21 =	sor.u32 s25, s26  }
0x146: {  	vm1 =	vgt.f32 v2, $5.000000000e-01;
	v4 =	vnsel vm0, $0x0, v0;
	v0 =	vld [tilespmem:s21+$0x8180]  }
0x147: {  	v5 =	vnsel vm1, $0x0, v2;
	v2 =	vld [tilespmem:s21+$0x8000];
	vm0 =	vgt.f32 v3, $5.000000000e-01;
	[tilespmem:s22+$0x14180] =	vst v4  }
0x148: {  	[tilespmem:s22+$0x14000] =	vst v5;
	v4 =	vnsel vm0, $0x0, v3;
	v3 =	vld [tilespmem:s21+$0x8080];
	vm0 =	vgt.f32 v1, $5.000000000e-01  }
0x149: {  	v5 =	vld [tilespmem:s21+$0x8100];
	_ =	sdelay $0x1  }
0x14a: {  	[tilespmem:s22+$0x14080] =	vst v4;
	v1 =	vnsel vm0, $0x0, v1;
	vm0 =	vgt.f32 v0, $5.000000000e-01  }
0x14b: {  	[tilespmem:s22+$0x14100] =	vst v1;
	vm1 =	vgt.f32 v2, $5.000000000e-01;
	v0 =	vnsel vm0, $0x0, v0  }
0x14c: {  	v1 =	vnsel vm1, $0x0, v2;
	vm0 =	vgt.f32 v3, $5.000000000e-01;
	[tilespmem:s21+$0x14180] =	vst v0  }
0x14d: {  	[tilespmem:s21+$0x14000] =	vst v1;
	v0 =	vnsel vm0, $0x0, v3;
	vm0 =	vgt.f32 v5, $5.000000000e-01  }
0x14e: {  	[tilespmem:s21+$0x14080] =	vst v0;
	v0 =	vnsel vm0, $0x0, v5  }
0x14f: {  	s22 =	rddreg [dreg:$0x14];
	[tilespmem:s21+$0x14100] =	vst v0  }
0x150: {  	[hbm4b:s22+s7] =	stream.strided.scatter [tilespmem:s16], [sflag:$0x6], $0x4000, s8, s7, $0x38;
	[tilespmem:$0x18000] =	vst v63  }
0x151: {  	s23 =	rddreg [dreg:$0x17]  }
0x152: {  	[tilespmem:s10], [sflag:$0x3] =	stream.strided.gather [hbm4b:s23+s7], $0x4000, s8, s7, $0x38;
	[tilespmem:$0x18000] =	vst v63  }
0x153: {  	_ =	swait.ge [sflag:s11], $0x4000  }
0x154: {  	[sflag:s11] =	ssyncset.done $0x0  }
0x155: {  	[sflag:s11] =	ssyncadd.s32 $0xFFFFC000  }
0x156: {  	s24 =	simm.s32 $0x0;
	_ =	swait.ge [sflag:s17], $0x4000  }
0x157: {  	s25 =	sand.u32 $0x70, s24;
	s21 =	sand.u32 $0x3E00, s24;
	[sflag:s17] =	ssyncset.done $0x0  }
0x158: {  	s22 =	sor.u32 s25, s21;
	[sflag:s17] =	ssyncadd.s32 $0xFFFFC000  }
0x159: {  	v2 =	vld [tilespmem:s22+$0x180]  }
0x15a: {  	v3 =	vld [tilespmem:s22+$0x0]  }
0x15b: {  	v4 =	vld [tilespmem:s22+$0x80]  }
0x15c: {  	s26 =	simm.s32 $0x10;
	s23 =	simm.s32 $0x40;
	v1 =	vld [tilespmem:s22+$0x100]  }
0x15d: {  	s21 =	sand.u32 $0x70, s26;
	s24 =	sand.u32 $0x3E00, s23  }
0x15e: {  	s21 =	sor.u32 s21, s24;
	vm0 =	vgt.f32 v2, $5.000000000e-01  }
0x15f: {  	v0 =	vld [tilespmem:s21+$0x180];
	v5 =	vnsel vm0, $0x0, v2;
	vm0 =	vgt.f32 v3, $5.000000000e-01  }
0x160: {  	v2 =	vld [tilespmem:s21+$0x0];
	[tilespmem:s22+$0xC180] =	vst v5;
	v5 =	vnsel vm0, $0x0, v3;
	vm0 =	vgt.f32 v4, $5.000000000e-01  }
0x161: {  	s24 =	simm.s32 $0x20;
	v3 =	vld [tilespmem:s21+$0x80];
	[tilespmem:s22+$0xC000] =	vst v5;
	v4 =	vnsel vm0, $0x0, v4;
	vm0 =	vgt.f32 v1, $5.000000000e-01  }
.LBB2_20:
0x162: {  	s25 =	sand.u32 $0x70, s24;
	s23 =	sadd.s32 $0x40, s23;
	[tilespmem:s22+$0xC080] =	vst v4;
	v4 =	vnsel vm0, $0x0, v1;
	v1 =	vld [tilespmem:s21+$0x100];
	p0 =	sne.s32 s24, $0xFF0  }
.Ltmp9:
0x163: {  	s24 =	sadd.s32 $0x10, s24;
	s26 =	sand.u32 $0x3E00, s23;
	[tilespmem:s22+$0xC100] =	vst v4;
	(pc) =	sbr.rel @p0 .LBB2_20-.Ltmp9, $4  }
0x164: {  	s22 =	smov.u32 s21;
	vm0 =	vgt.f32 v0, $5.000000000e-01;
	s21 =	sor.u32 s25, s26  }
0x165: {  	vm1 =	vgt.f32 v2, $5.000000000e-01;
	v4 =	vnsel vm0, $0x0, v0;
	v0 =	vld [tilespmem:s21+$0x180]  }
0x166: {  	v5 =	vnsel vm1, $0x0, v2;
	v2 =	vld [tilespmem:s21+$0x0];
	vm0 =	vgt.f32 v3, $5.000000000e-01;
	[tilespmem:s22+$0xC180] =	vst v4  }
0x167: {  	[tilespmem:s22+$0xC000] =	vst v5;
	v4 =	vnsel vm0, $0x0, v3;
	v3 =	vld [tilespmem:s21+$0x80];
	vm0 =	vgt.f32 v1, $5.000000000e-01  }
0x168: {  	v5 =	vld [tilespmem:s21+$0x100];
	_ =	sdelay $0x1  }
0x169: {  	[tilespmem:s22+$0xC080] =	vst v4;
	v1 =	vnsel vm0, $0x0, v1;
	vm0 =	vgt.f32 v0, $5.000000000e-01  }
0x16a: {  	[tilespmem:s22+$0xC100] =	vst v1;
	vm1 =	vgt.f32 v2, $5.000000000e-01;
	v0 =	vnsel vm0, $0x0, v0  }
0x16b: {  	v1 =	vnsel vm1, $0x0, v2;
	vm0 =	vgt.f32 v3, $5.000000000e-01;
	[tilespmem:s21+$0xC180] =	vst v0  }
0x16c: {  	[tilespmem:s21+$0xC000] =	vst v1;
	v0 =	vnsel vm0, $0x0, v3;
	vm0 =	vgt.f32 v5, $5.000000000e-01  }
0x16d: {  	[tilespmem:s21+$0xC080] =	vst v0;
	v0 =	vnsel vm0, $0x0, v5  }
0x16e: {  	s22 =	rddreg [dreg:$0x15];
	[tilespmem:s21+$0xC100] =	vst v0  }
0x16f: {  	[hbm4b:s22+s7] =	stream.strided.scatter [tilespmem:s12], [sflag:$0x4], $0x4000, s8, s7, $0x38;
	[tilespmem:$0x18000] =	vst v63  }
0x170: {  	s23 =	simm.s32 $0x0;
	s24 =	rddreg [dreg:$0x19]  }
0x171: {  	[tilespmem:s23], [sflag:$0x1] =	stream.strided.gather [hbm4b:s24+s7], $0x4000, s8, s7, $0x38;
	[tilespmem:$0x18000] =	vst v63  }
0x172: {  	_ =	swait.ge [sflag:s13], $0x4000  }
0x173: {  	[sflag:s13] =	ssyncset.done $0x0  }
0x174: {  	[sflag:s13] =	ssyncadd.s32 $0xFFFFC000  }
0x175: {  	_ =	swait.ge [sflag:s18], $0x4000  }
0x176: {  	s25 =	sand.u32 $0x70, s23;
	s21 =	sand.u32 $0x3E00, s23;
	[sflag:s18] =	ssyncset.done $0x0  }
0x177: {  	s22 =	sor.u32 s25, s21;
	[sflag:s18] =	ssyncadd.s32 $0xFFFFC000  }
0x178: {  	v2 =	vld [tilespmem:s22+$0x4180]  }
0x179: {  	v3 =	vld [tilespmem:s22+$0x4000]  }
0x17a: {  	v4 =	vld [tilespmem:s22+$0x4080]  }
0x17b: {  	s26 =	simm.s32 $0x10;
	s23 =	simm.s32 $0x40;
	v1 =	vld [tilespmem:s22+$0x4100]  }
0x17c: {  	s21 =	sand.u32 $0x70, s26;
	s24 =	sand.u32 $0x3E00, s23  }
0x17d: {  	s21 =	sor.u32 s21, s24;
	vm0 =	vgt.f32 v2, $5.000000000e-01  }
0x17e: {  	v0 =	vld [tilespmem:s21+$0x4180];
	v5 =	vnsel vm0, $0x0, v2;
	vm0 =	vgt.f32 v3, $5.000000000e-01  }
0x17f: {  	v2 =	vld [tilespmem:s21+$0x4000];
	[tilespmem:s22+$0x10180] =	vst v5;
	v5 =	vnsel vm0, $0x0, v3;
	vm0 =	vgt.f32 v4, $5.000000000e-01  }
0x180: {  	s24 =	simm.s32 $0x20;
	v3 =	vld [tilespmem:s21+$0x4080];
	[tilespmem:s22+$0x10000] =	vst v5;
	v4 =	vnsel vm0, $0x0, v4;
	vm0 =	vgt.f32 v1, $5.000000000e-01  }
.LBB2_22:
0x181: {  	s25 =	sand.u32 $0x70, s24;
	s23 =	sadd.s32 $0x40, s23;
	[tilespmem:s22+$0x10080] =	vst v4;
	v4 =	vnsel vm0, $0x0, v1;
	v1 =	vld [tilespmem:s21+$0x4100];
	p0 =	sne.s32 s24, $0xFF0  }
.Ltmp10:
0x182: {  	s24 =	sadd.s32 $0x10, s24;
	s26 =	sand.u32 $0x3E00, s23;
	[tilespmem:s22+$0x10100] =	vst v4;
	(pc) =	sbr.rel @p0 .LBB2_22-.Ltmp10, $4  }
0x183: {  	s22 =	smov.u32 s21;
	vm0 =	vgt.f32 v0, $5.000000000e-01;
	s21 =	sor.u32 s25, s26  }
0x184: {  	vm1 =	vgt.f32 v2, $5.000000000e-01;
	v4 =	vnsel vm0, $0x0, v0;
	v0 =	vld [tilespmem:s21+$0x4180]  }
0x185: {  	v5 =	vnsel vm1, $0x0, v2;
	v2 =	vld [tilespmem:s21+$0x4000];
	vm0 =	vgt.f32 v3, $5.000000000e-01;
	[tilespmem:s22+$0x10180] =	vst v4  }
0x186: {  	[tilespmem:s22+$0x10000] =	vst v5;
	v4 =	vnsel vm0, $0x0, v3;
	v3 =	vld [tilespmem:s21+$0x4080];
	vm0 =	vgt.f32 v1, $5.000000000e-01  }
0x187: {  	v5 =	vld [tilespmem:s21+$0x4100];
	_ =	sdelay $0x1  }
0x188: {  	[tilespmem:s22+$0x10080] =	vst v4;
	v1 =	vnsel vm0, $0x0, v1;
	vm0 =	vgt.f32 v0, $5.000000000e-01  }
0x189: {  	[tilespmem:s22+$0x10100] =	vst v1;
	vm1 =	vgt.f32 v2, $5.000000000e-01;
	v0 =	vnsel vm0, $0x0, v0  }
0x18a: {  	v1 =	vnsel vm1, $0x0, v2;
	vm0 =	vgt.f32 v3, $5.000000000e-01;
	[tilespmem:s21+$0x10180] =	vst v0  }
0x18b: {  	[tilespmem:s21+$0x10000] =	vst v1;
	v0 =	vnsel vm0, $0x0, v3;
	vm0 =	vgt.f32 v5, $5.000000000e-01  }
0x18c: {  	[tilespmem:s21+$0x10080] =	vst v0;
	v0 =	vnsel vm0, $0x0, v5  }
0x18d: {  	s22 =	rddreg [dreg:$0x16];
	[tilespmem:s21+$0x10100] =	vst v0  }
0x18e: {  	[hbm4b:s22+s7] =	stream.strided.scatter [tilespmem:s14], [sflag:$0x5], $0x4000, s8, s7, $0x38;
	[tilespmem:$0x18000] =	vst v63  }
0x18f: {  	s23 =	rddreg [dreg:$0x1b]  }
0x190: {  	[tilespmem:s9], [sflag:$0x2] =	stream.strided.gather [hbm4b:s23+s7], $0x4000, s8, s7, $0x38;
	[tilespmem:$0x18000] =	vst v63  }
0x191: {  	_ =	swait.ge [sflag:s15], $0x4000  }
0x192: {  	[sflag:s15] =	ssyncset.done $0x0  }
0x193: {  	[sflag:s15] =	ssyncadd.s32 $0xFFFFC000  }
0x194: {  	s24 =	simm.s32 $0x0;
	_ =	swait.ge [sflag:s19], $0x4000  }
0x195: {  	s25 =	sand.u32 $0x70, s24;
	s21 =	sand.u32 $0x3E00, s24;
	[sflag:s19] =	ssyncset.done $0x0  }
0x196: {  	s22 =	sor.u32 s25, s21;
	[sflag:s19] =	ssyncadd.s32 $0xFFFFC000  }
0x197: {  	v2 =	vld [tilespmem:s22+$0x8180]  }
0x198: {  	v3 =	vld [tilespmem:s22+$0x8000]  }
0x199: {  	v4 =	vld [tilespmem:s22+$0x8080]  }
0x19a: {  	s26 =	simm.s32 $0x10;
	s23 =	simm.s32 $0x40;
	v1 =	vld [tilespmem:s22+$0x8100]  }
0x19b: {  	s21 =	sand.u32 $0x70, s26;
	s24 =	sand.u32 $0x3E00, s23  }
0x19c: {  	s21 =	sor.u32 s21, s24;
	vm0 =	vgt.f32 v2, $5.000000000e-01  }
0x19d: {  	v0 =	vld [tilespmem:s21+$0x8180];
	v5 =	vnsel vm0, $0x0, v2;
	vm0 =	vgt.f32 v3, $5.000000000e-01  }
0x19e: {  	v2 =	vld [tilespmem:s21+$0x8000];
	[tilespmem:s22+$0x14180] =	vst v5;
	v5 =	vnsel vm0, $0x0, v3;
	vm0 =	vgt.f32 v4, $5.000000000e-01  }
0x19f: {  	s24 =	simm.s32 $0x20;
	v3 =	vld [tilespmem:s21+$0x8080];
	[tilespmem:s22+$0x14000] =	vst v5;
	v4 =	vnsel vm0, $0x0, v4;
	vm0 =	vgt.f32 v1, $5.000000000e-01  }
.LBB2_24:
0x1a0: {  	s25 =	sand.u32 $0x70, s24;
	s23 =	sadd.s32 $0x40, s23;
	[tilespmem:s22+$0x14080] =	vst v4;
	v4 =	vnsel vm0, $0x0, v1;
	v1 =	vld [tilespmem:s21+$0x8100];
	p0 =	sne.s32 s24, $0xFF0  }
.Ltmp11:
0x1a1: {  	s24 =	sadd.s32 $0x10, s24;
	s26 =	sand.u32 $0x3E00, s23;
	[tilespmem:s22+$0x14100] =	vst v4;
	(pc) =	sbr.rel @p0 .LBB2_24-.Ltmp11, $4  }
0x1a2: {  	s22 =	smov.u32 s21;
	vm0 =	vgt.f32 v0, $5.000000000e-01;
	s21 =	sor.u32 s25, s26  }
0x1a3: {  	vm1 =	vgt.f32 v2, $5.000000000e-01;
	v4 =	vnsel vm0, $0x0, v0;
	v0 =	vld [tilespmem:s21+$0x8180]  }
0x1a4: {  	v5 =	vnsel vm1, $0x0, v2;
	v2 =	vld [tilespmem:s21+$0x8000];
	vm0 =	vgt.f32 v3, $5.000000000e-01;
	[tilespmem:s22+$0x14180] =	vst v4  }
0x1a5: {  	[tilespmem:s22+$0x14000] =	vst v5;
	v4 =	vnsel vm0, $0x0, v3;
	v3 =	vld [tilespmem:s21+$0x8080];
	vm0 =	vgt.f32 v1, $5.000000000e-01  }
0x1a6: {  	v5 =	vld [tilespmem:s21+$0x8100];
	_ =	sdelay $0x1  }
0x1a7: {  	[tilespmem:s22+$0x14080] =	vst v4;
	v1 =	vnsel vm0, $0x0, v1;
	vm0 =	vgt.f32 v0, $5.000000000e-01  }
0x1a8: {  	[tilespmem:s22+$0x14100] =	vst v1;
	vm1 =	vgt.f32 v2, $5.000000000e-01;
	v0 =	vnsel vm0, $0x0, v0  }
0x1a9: {  	v1 =	vnsel vm1, $0x0, v2;
	vm0 =	vgt.f32 v3, $5.000000000e-01;
	[tilespmem:s21+$0x14180] =	vst v0  }
0x1aa: {  	[tilespmem:s21+$0x14000] =	vst v1;
	v0 =	vnsel vm0, $0x0, v3;
	vm0 =	vgt.f32 v5, $5.000000000e-01  }
0x1ab: {  	[tilespmem:s21+$0x14080] =	vst v0;
	v0 =	vnsel vm0, $0x0, v5  }
0x1ac: {  	s22 =	rddreg [dreg:$0x18];
	[tilespmem:s21+$0x14100] =	vst v0  }
0x1ad: {  	[hbm4b:s22+s7] =	stream.strided.scatter [tilespmem:s16], [sflag:$0x6], $0x4000, s8, s7, $0x38;
	[tilespmem:$0x18000] =	vst v63  }
0x1ae: {  	s23 =	rddreg [dreg:$0x1d]  }
0x1af: {  	[tilespmem:s10], [sflag:$0x3] =	stream.strided.gather [hbm4b:s23+s7], $0x4000, s8, s7, $0x38;
	[tilespmem:$0x18000] =	vst v63  }
0x1b0: {  	_ =	swait.ge [sflag:s11], $0x4000  }
0x1b1: {  	[sflag:s11] =	ssyncset.done $0x0  }
0x1b2: {  	[sflag:s11] =	ssyncadd.s32 $0xFFFFC000  }
0x1b3: {  	s24 =	simm.s32 $0x0;
	_ =	swait.ge [sflag:s17], $0x4000  }
0x1b4: {  	s25 =	sand.u32 $0x70, s24;
	s21 =	sand.u32 $0x3E00, s24;
	[sflag:s17] =	ssyncset.done $0x0  }
0x1b5: {  	s22 =	sor.u32 s25, s21;
	[sflag:s17] =	ssyncadd.s32 $0xFFFFC000  }
0x1b6: {  	v2 =	vld [tilespmem:s22+$0x180]  }
0x1b7: {  	v3 =	vld [tilespmem:s22+$0x0]  }
0x1b8: {  	v4 =	vld [tilespmem:s22+$0x80]  }
0x1b9: {  	s26 =	simm.s32 $0x10;
	s23 =	simm.s32 $0x40;
	v1 =	vld [tilespmem:s22+$0x100]  }
0x1ba: {  	s21 =	sand.u32 $0x70, s26;
	s24 =	sand.u32 $0x3E00, s23  }
0x1bb: {  	s21 =	sor.u32 s21, s24;
	vm0 =	vgt.f32 v2, $5.000000000e-01  }
0x1bc: {  	v0 =	vld [tilespmem:s21+$0x180];
	v5 =	vnsel vm0, $0x0, v2;
	vm0 =	vgt.f32 v3, $5.000000000e-01  }
0x1bd: {  	v2 =	vld [tilespmem:s21+$0x0];
	[tilespmem:s22+$0xC180] =	vst v5;
	v5 =	vnsel vm0, $0x0, v3;
	vm0 =	vgt.f32 v4, $5.000000000e-01  }
0x1be: {  	s24 =	simm.s32 $0x20;
	v3 =	vld [tilespmem:s21+$0x80];
	[tilespmem:s22+$0xC000] =	vst v5;
	v4 =	vnsel vm0, $0x0, v4;
	vm0 =	vgt.f32 v1, $5.000000000e-01  }
.LBB2_26:
0x1bf: {  	s25 =	sand.u32 $0x70, s24;
	s23 =	sadd.s32 $0x40, s23;
	[tilespmem:s22+$0xC080] =	vst v4;
	v4 =	vnsel vm0, $0x0, v1;
	v1 =	vld [tilespmem:s21+$0x100];
	p0 =	sne.s32 s24, $0xFF0  }
.Ltmp12:
0x1c0: {  	s24 =	sadd.s32 $0x10, s24;
	s26 =	sand.u32 $0x3E00, s23;
	[tilespmem:s22+$0xC100] =	vst v4;
	(pc) =	sbr.rel @p0 .LBB2_26-.Ltmp12, $4  }
0x1c1: {  	s22 =	smov.u32 s21;
	vm0 =	vgt.f32 v0, $5.000000000e-01;
	s21 =	sor.u32 s25, s26  }
0x1c2: {  	vm1 =	vgt.f32 v2, $5.000000000e-01;
	v4 =	vnsel vm0, $0x0, v0;
	v0 =	vld [tilespmem:s21+$0x180]  }
0x1c3: {  	v5 =	vnsel vm1, $0x0, v2;
	v2 =	vld [tilespmem:s21+$0x0];
	vm0 =	vgt.f32 v3, $5.000000000e-01;
	[tilespmem:s22+$0xC180] =	vst v4  }
0x1c4: {  	[tilespmem:s22+$0xC000] =	vst v5;
	v4 =	vnsel vm0, $0x0, v3;
	v3 =	vld [tilespmem:s21+$0x80];
	vm0 =	vgt.f32 v1, $5.000000000e-01  }
0x1c5: {  	v5 =	vld [tilespmem:s21+$0x100];
	_ =	sdelay $0x1  }
0x1c6: {  	[tilespmem:s22+$0xC080] =	vst v4;
	v1 =	vnsel vm0, $0x0, v1;
	vm0 =	vgt.f32 v0, $5.000000000e-01  }
0x1c7: {  	[tilespmem:s22+$0xC100] =	vst v1;
	vm1 =	vgt.f32 v2, $5.000000000e-01;
	v0 =	vnsel vm0, $0x0, v0  }
0x1c8: {  	v1 =	vnsel vm1, $0x0, v2;
	vm0 =	vgt.f32 v3, $5.000000000e-01;
	[tilespmem:s21+$0xC180] =	vst v0  }
0x1c9: {  	[tilespmem:s21+$0xC000] =	vst v1;
	v0 =	vnsel vm0, $0x0, v3;
	vm0 =	vgt.f32 v5, $5.000000000e-01  }
0x1ca: {  	[tilespmem:s21+$0xC080] =	vst v0;
	v0 =	vnsel vm0, $0x0, v5  }
0x1cb: {  	s22 =	rddreg [dreg:$0x1a];
	[tilespmem:s21+$0xC100] =	vst v0  }
0x1cc: {  	[hbm4b:s22+s7] =	stream.strided.scatter [tilespmem:s12], [sflag:$0x4], $0x4000, s8, s7, $0x38;
	[tilespmem:$0x18000] =	vst v63  }
0x1cd: {  	s23 =	simm.s32 $0x0;
	s24 =	rddreg [dreg:$0x1f]  }
0x1ce: {  	[tilespmem:s23], [sflag:$0x1] =	stream.strided.gather [hbm4b:s24+s7], $0x4000, s8, s7, $0x38;
	[tilespmem:$0x18000] =	vst v63  }
0x1cf: {  	_ =	swait.ge [sflag:s13], $0x4000  }
0x1d0: {  	[sflag:s13] =	ssyncset.done $0x0  }
0x1d1: {  	[sflag:s13] =	ssyncadd.s32 $0xFFFFC000  }
0x1d2: {  	_ =	swait.ge [sflag:s18], $0x4000  }
0x1d3: {  	s25 =	sand.u32 $0x70, s23;
	s21 =	sand.u32 $0x3E00, s23;
	[sflag:s18] =	ssyncset.done $0x0  }
0x1d4: {  	s22 =	sor.u32 s25, s21;
	[sflag:s18] =	ssyncadd.s32 $0xFFFFC000  }
0x1d5: {  	v2 =	vld [tilespmem:s22+$0x4180]  }
0x1d6: {  	v3 =	vld [tilespmem:s22+$0x4000]  }
0x1d7: {  	v4 =	vld [tilespmem:s22+$0x4080]  }
0x1d8: {  	s26 =	simm.s32 $0x10;
	s23 =	simm.s32 $0x40;
	v1 =	vld [tilespmem:s22+$0x4100]  }
0x1d9: {  	s21 =	sand.u32 $0x70, s26;
	s24 =	sand.u32 $0x3E00, s23  }
0x1da: {  	s21 =	sor.u32 s21, s24;
	vm0 =	vgt.f32 v2, $5.000000000e-01  }
0x1db: {  	v0 =	vld [tilespmem:s21+$0x4180];
	v5 =	vnsel vm0, $0x0, v2;
	vm0 =	vgt.f32 v3, $5.000000000e-01  }
0x1dc: {  	v2 =	vld [tilespmem:s21+$0x4000];
	[tilespmem:s22+$0x10180] =	vst v5;
	v5 =	vnsel vm0, $0x0, v3;
	vm0 =	vgt.f32 v4, $5.000000000e-01  }
0x1dd: {  	s24 =	simm.s32 $0x20;
	v3 =	vld [tilespmem:s21+$0x4080];
	[tilespmem:s22+$0x10000] =	vst v5;
	v4 =	vnsel vm0, $0x0, v4;
	vm0 =	vgt.f32 v1, $5.000000000e-01  }
.LBB2_28:
0x1de: {  	s25 =	sand.u32 $0x70, s24;
	s23 =	sadd.s32 $0x40, s23;
	[tilespmem:s22+$0x10080] =	vst v4;
	v4 =	vnsel vm0, $0x0, v1;
	v1 =	vld [tilespmem:s21+$0x4100];
	p0 =	sne.s32 s24, $0xFF0  }
.Ltmp13:
0x1df: {  	s24 =	sadd.s32 $0x10, s24;
	s26 =	sand.u32 $0x3E00, s23;
	[tilespmem:s22+$0x10100] =	vst v4;
	(pc) =	sbr.rel @p0 .LBB2_28-.Ltmp13, $4  }
0x1e0: {  	s22 =	smov.u32 s21;
	vm0 =	vgt.f32 v0, $5.000000000e-01;
	s21 =	sor.u32 s25, s26  }
0x1e1: {  	vm1 =	vgt.f32 v2, $5.000000000e-01;
	v4 =	vnsel vm0, $0x0, v0;
	v0 =	vld [tilespmem:s21+$0x4180]  }
0x1e2: {  	v5 =	vnsel vm1, $0x0, v2;
	v2 =	vld [tilespmem:s21+$0x4000];
	vm0 =	vgt.f32 v3, $5.000000000e-01;
	[tilespmem:s22+$0x10180] =	vst v4  }
0x1e3: {  	[tilespmem:s22+$0x10000] =	vst v5;
	v4 =	vnsel vm0, $0x0, v3;
	v3 =	vld [tilespmem:s21+$0x4080];
	vm0 =	vgt.f32 v1, $5.000000000e-01  }
0x1e4: {  	v5 =	vld [tilespmem:s21+$0x4100];
	_ =	sdelay $0x1  }
0x1e5: {  	[tilespmem:s22+$0x10080] =	vst v4;
	v1 =	vnsel vm0, $0x0, v1;
	vm0 =	vgt.f32 v0, $5.000000000e-01  }
0x1e6: {  	[tilespmem:s22+$0x10100] =	vst v1;
	vm1 =	vgt.f32 v2, $5.000000000e-01;
	v0 =	vnsel vm0, $0x0, v0  }
0x1e7: {  	v1 =	vnsel vm1, $0x0, v2;
	vm0 =	vgt.f32 v3, $5.000000000e-01;
	[tilespmem:s21+$0x10180] =	vst v0  }
0x1e8: {  	[tilespmem:s21+$0x10000] =	vst v1;
	v0 =	vnsel vm0, $0x0, v3;
	vm0 =	vgt.f32 v5, $5.000000000e-01  }
0x1e9: {  	s23 =	sld [smem:$0x7E5];
	[tilespmem:s21+$0x10080] =	vst v0;
	v0 =	vnsel vm0, $0x0, v5  }
0x1ea: {  	s22 =	rddreg [dreg:$0x1c];
	[tilespmem:s21+$0x10100] =	vst v0  }
0x1eb: {  	[hbm4b:s22+s7] =	stream.strided.scatter [tilespmem:s14], [sflag:$0x5], $0x4000, s8, s7, $0x38;
	[tilespmem:$0x18000] =	vst v63  }
0x1ec: {  	_ = 	snop  }
0x1ed: {  	[tilespmem:s9], [sflag:$0x2] =	stream.strided.gather [hbm4b:s23+s7], $0x4000, s8, s7, $0x38;
	[tilespmem:$0x18000] =	vst v63  }
0x1ee: {  	_ =	swait.ge [sflag:s15], $0x4000  }
0x1ef: {  	[sflag:s15] =	ssyncset.done $0x0  }
0x1f0: {  	[sflag:s15] =	ssyncadd.s32 $0xFFFFC000  }
0x1f1: {  	s24 =	simm.s32 $0x0;
	_ =	swait.ge [sflag:s19], $0x4000  }
0x1f2: {  	s25 =	sand.u32 $0x70, s24;
	s21 =	sand.u32 $0x3E00, s24;
	[sflag:s19] =	ssyncset.done $0x0  }
0x1f3: {  	s22 =	sor.u32 s25, s21;
	[sflag:s19] =	ssyncadd.s32 $0xFFFFC000  }
0x1f4: {  	v2 =	vld [tilespmem:s22+$0x8180]  }
0x1f5: {  	v3 =	vld [tilespmem:s22+$0x8000]  }
0x1f6: {  	v4 =	vld [tilespmem:s22+$0x8080]  }
0x1f7: {  	s26 =	simm.s32 $0x10;
	s23 =	simm.s32 $0x40;
	v1 =	vld [tilespmem:s22+$0x8100]  }
0x1f8: {  	s21 =	sand.u32 $0x70, s26;
	s24 =	sand.u32 $0x3E00, s23  }
0x1f9: {  	s21 =	sor.u32 s21, s24;
	vm0 =	vgt.f32 v2, $5.000000000e-01  }
0x1fa: {  	v0 =	vld [tilespmem:s21+$0x8180];
	v5 =	vnsel vm0, $0x0, v2;
	vm0 =	vgt.f32 v3, $5.000000000e-01  }
0x1fb: {  	v2 =	vld [tilespmem:s21+$0x8000];
	[tilespmem:s22+$0x14180] =	vst v5;
	v5 =	vnsel vm0, $0x0, v3;
	vm0 =	vgt.f32 v4, $5.000000000e-01  }
0x1fc: {  	s24 =	simm.s32 $0x20;
	v3 =	vld [tilespmem:s21+$0x8080];
	[tilespmem:s22+$0x14000] =	vst v5;
	v4 =	vnsel vm0, $0x0, v4;
	vm0 =	vgt.f32 v1, $5.000000000e-01  }
.LBB2_30:
0x1fd: {  	s25 =	sand.u32 $0x70, s24;
	s23 =	sadd.s32 $0x40, s23;
	[tilespmem:s22+$0x14080] =	vst v4;
	v4 =	vnsel vm0, $0x0, v1;
	v1 =	vld [tilespmem:s21+$0x8100];
	p0 =	sne.s32 s24, $0xFF0  }
.Ltmp14:
0x1fe: {  	s24 =	sadd.s32 $0x10, s24;
	s26 =	sand.u32 $0x3E00, s23;
	[tilespmem:s22+$0x14100] =	vst v4;
	(pc) =	sbr.rel @p0 .LBB2_30-.Ltmp14, $4  }
0x1ff: {  	s22 =	smov.u32 s21;
	vm0 =	vgt.f32 v0, $5.000000000e-01;
	s21 =	sor.u32 s25, s26  }
0x200: {  	vm1 =	vgt.f32 v2, $5.000000000e-01;
	v4 =	vnsel vm0, $0x0, v0;
	v0 =	vld [tilespmem:s21+$0x8180]  }
0x201: {  	v5 =	vnsel vm1, $0x0, v2;
	v2 =	vld [tilespmem:s21+$0x8000];
	vm0 =	vgt.f32 v3, $5.000000000e-01;
	[tilespmem:s22+$0x14180] =	vst v4  }
0x202: {  	[tilespmem:s22+$0x14000] =	vst v5;
	v4 =	vnsel vm0, $0x0, v3;
	v3 =	vld [tilespmem:s21+$0x8080];
	vm0 =	vgt.f32 v1, $5.000000000e-01  }
0x203: {  	v5 =	vld [tilespmem:s21+$0x8100];
	_ =	sdelay $0x1  }
0x204: {  	[tilespmem:s22+$0x14080] =	vst v4;
	v1 =	vnsel vm0, $0x0, v1;
	vm0 =	vgt.f32 v0, $5.000000000e-01  }
0x205: {  	[tilespmem:s22+$0x14100] =	vst v1;
	vm1 =	vgt.f32 v2, $5.000000000e-01;
	v0 =	vnsel vm0, $0x0, v0  }
0x206: {  	v1 =	vnsel vm1, $0x0, v2;
	vm0 =	vgt.f32 v3, $5.000000000e-01;
	[tilespmem:s21+$0x14180] =	vst v0  }
0x207: {  	[tilespmem:s21+$0x14000] =	vst v1;
	v0 =	vnsel vm0, $0x0, v3;
	vm0 =	vgt.f32 v5, $5.000000000e-01  }
0x208: {  	s23 =	sld [smem:$0x7E7];
	[tilespmem:s21+$0x14080] =	vst v0;
	v0 =	vnsel vm0, $0x0, v5  }
0x209: {  	s22 =	rddreg [dreg:$0x1e];
	[tilespmem:s21+$0x14100] =	vst v0  }
0x20a: {  	[hbm4b:s22+s7] =	stream.strided.scatter [tilespmem:s16], [sflag:$0x6], $0x4000, s8, s7, $0x38;
	[tilespmem:$0x18000] =	vst v63  }
0x20b: {  	_ = 	snop  }
0x20c: {  	[tilespmem:s10], [sflag:$0x3] =	stream.strided.gather [hbm4b:s23+s7], $0x4000, s8, s7, $0x38;
	[tilespmem:$0x18000] =	vst v63  }
0x20d: {  	_ =	swait.ge [sflag:s11], $0x4000  }
0x20e: {  	[sflag:s11] =	ssyncset.done $0x0  }
0x20f: {  	[sflag:s11] =	ssyncadd.s32 $0xFFFFC000  }
0x210: {  	s24 =	simm.s32 $0x0;
	_ =	swait.ge [sflag:s17], $0x4000  }
0x211: {  	s25 =	sand.u32 $0x70, s24;
	s21 =	sand.u32 $0x3E00, s24;
	[sflag:s17] =	ssyncset.done $0x0  }
0x212: {  	s22 =	sor.u32 s25, s21;
	[sflag:s17] =	ssyncadd.s32 $0xFFFFC000  }
0x213: {  	v2 =	vld [tilespmem:s22+$0x180]  }
0x214: {  	v3 =	vld [tilespmem:s22+$0x0]  }
0x215: {  	v4 =	vld [tilespmem:s22+$0x80]  }
0x216: {  	s26 =	simm.s32 $0x10;
	s23 =	simm.s32 $0x40;
	v1 =	vld [tilespmem:s22+$0x100]  }
0x217: {  	s21 =	sand.u32 $0x70, s26;
	s24 =	sand.u32 $0x3E00, s23  }
0x218: {  	s21 =	sor.u32 s21, s24;
	vm0 =	vgt.f32 v2, $5.000000000e-01  }
0x219: {  	v0 =	vld [tilespmem:s21+$0x180];
	v5 =	vnsel vm0, $0x0, v2;
	vm0 =	vgt.f32 v3, $5.000000000e-01  }
0x21a: {  	v2 =	vld [tilespmem:s21+$0x0];
	[tilespmem:s22+$0xC180] =	vst v5;
	v5 =	vnsel vm0, $0x0, v3;
	vm0 =	vgt.f32 v4, $5.000000000e-01  }
0x21b: {  	s24 =	simm.s32 $0x20;
	v3 =	vld [tilespmem:s21+$0x80];
	[tilespmem:s22+$0xC000] =	vst v5;
	v4 =	vnsel vm0, $0x0, v4;
	vm0 =	vgt.f32 v1, $5.000000000e-01  }
.LBB2_32:
0x21c: {  	s25 =	sand.u32 $0x70, s24;
	s23 =	sadd.s32 $0x40, s23;
	[tilespmem:s22+$0xC080] =	vst v4;
	v4 =	vnsel vm0, $0x0, v1;
	v1 =	vld [tilespmem:s21+$0x100];
	p0 =	sne.s32 s24, $0xFF0  }
.Ltmp15:
0x21d: {  	s24 =	sadd.s32 $0x10, s24;
	s26 =	sand.u32 $0x3E00, s23;
	[tilespmem:s22+$0xC100] =	vst v4;
	(pc) =	sbr.rel @p0 .LBB2_32-.Ltmp15, $4  }
0x21e: {  	s22 =	smov.u32 s21;
	vm0 =	vgt.f32 v0, $5.000000000e-01;
	s21 =	sor.u32 s25, s26  }
0x21f: {  	vm1 =	vgt.f32 v2, $5.000000000e-01;
	v4 =	vnsel vm0, $0x0, v0;
	v0 =	vld [tilespmem:s21+$0x180]  }
0x220: {  	v5 =	vnsel vm1, $0x0, v2;
	v2 =	vld [tilespmem:s21+$0x0];
	vm0 =	vgt.f32 v3, $5.000000000e-01;
	[tilespmem:s22+$0xC180] =	vst v4  }
0x221: {  	[tilespmem:s22+$0xC000] =	vst v5;
	v4 =	vnsel vm0, $0x0, v3;
	v3 =	vld [tilespmem:s21+$0x80];
	vm0 =	vgt.f32 v1, $5.000000000e-01  }
0x222: {  	v5 =	vld [tilespmem:s21+$0x100];
	_ =	sdelay $0x1  }
0x223: {  	[tilespmem:s22+$0xC080] =	vst v4;
	v1 =	vnsel vm0, $0x0, v1;
	vm0 =	vgt.f32 v0, $5.000000000e-01  }
0x224: {  	[tilespmem:s22+$0xC100] =	vst v1;
	vm1 =	vgt.f32 v2, $5.000000000e-01;
	v0 =	vnsel vm0, $0x0, v0  }
0x225: {  	v1 =	vnsel vm1, $0x0, v2;
	vm0 =	vgt.f32 v3, $5.000000000e-01;
	[tilespmem:s21+$0xC180] =	vst v0  }
0x226: {  	s22 =	sld [smem:$0x7E4];
	[tilespmem:s21+$0xC000] =	vst v1;
	v0 =	vnsel vm0, $0x0, v3;
	vm0 =	vgt.f32 v5, $5.000000000e-01  }
0x227: {  	[tilespmem:s21+$0xC080] =	vst v0;
	v0 =	vnsel vm0, $0x0, v5  }
0x228: {  	s24 =	sld [smem:$0x7E9];
	[tilespmem:s21+$0xC100] =	vst v0  }
0x229: {  	[hbm4b:s22+s7] =	stream.strided.scatter [tilespmem:s12], [sflag:$0x4], $0x4000, s8, s7, $0x38;
	[tilespmem:$0x18000] =	vst v63  }
0x22a: {  	s23 =	simm.s32 $0x0  }
0x22b: {  	[tilespmem:s23], [sflag:$0x1] =	stream.strided.gather [hbm4b:s24+s7], $0x4000, s8, s7, $0x38;
	[tilespmem:$0x18000] =	vst v63  }
0x22c: {  	_ =	swait.ge [sflag:s13], $0x4000  }
0x22d: {  	[sflag:s13] =	ssyncset.done $0x0  }
0x22e: {  	[sflag:s13] =	ssyncadd.s32 $0xFFFFC000  }
0x22f: {  	_ =	swait.ge [sflag:s18], $0x4000  }
0x230: {  	s25 =	sand.u32 $0x70, s23;
	s21 =	sand.u32 $0x3E00, s23;
	[sflag:s18] =	ssyncset.done $0x0  }
0x231: {  	s22 =	sor.u32 s25, s21;
	[sflag:s18] =	ssyncadd.s32 $0xFFFFC000  }
0x232: {  	v2 =	vld [tilespmem:s22+$0x4180]  }
0x233: {  	v3 =	vld [tilespmem:s22+$0x4000]  }
0x234: {  	v4 =	vld [tilespmem:s22+$0x4080]  }
0x235: {  	s26 =	simm.s32 $0x10;
	s23 =	simm.s32 $0x40;
	v1 =	vld [tilespmem:s22+$0x4100]  }
0x236: {  	s21 =	sand.u32 $0x70, s26;
	s24 =	sand.u32 $0x3E00, s23  }
0x237: {  	s21 =	sor.u32 s21, s24;
	vm0 =	vgt.f32 v2, $5.000000000e-01  }
0x238: {  	v0 =	vld [tilespmem:s21+$0x4180];
	v5 =	vnsel vm0, $0x0, v2;
	vm0 =	vgt.f32 v3, $5.000000000e-01  }
0x239: {  	v2 =	vld [tilespmem:s21+$0x4000];
	[tilespmem:s22+$0x10180] =	vst v5;
	v5 =	vnsel vm0, $0x0, v3;
	vm0 =	vgt.f32 v4, $5.000000000e-01  }
0x23a: {  	s24 =	simm.s32 $0x20;
	v3 =	vld [tilespmem:s21+$0x4080];
	[tilespmem:s22+$0x10000] =	vst v5;
	v4 =	vnsel vm0, $0x0, v4;
	vm0 =	vgt.f32 v1, $5.000000000e-01  }
.LBB2_34:
0x23b: {  	s25 =	sand.u32 $0x70, s24;
	s23 =	sadd.s32 $0x40, s23;
	[tilespmem:s22+$0x10080] =	vst v4;
	v4 =	vnsel vm0, $0x0, v1;
	v1 =	vld [tilespmem:s21+$0x4100];
	p0 =	sne.s32 s24, $0xFF0  }
.Ltmp16:
0x23c: {  	s24 =	sadd.s32 $0x10, s24;
	s26 =	sand.u32 $0x3E00, s23;
	[tilespmem:s22+$0x10100] =	vst v4;
	(pc) =	sbr.rel @p0 .LBB2_34-.Ltmp16, $4  }
0x23d: {  	s22 =	smov.u32 s21;
	vm0 =	vgt.f32 v0, $5.000000000e-01;
	s21 =	sor.u32 s25, s26  }
0x23e: {  	vm1 =	vgt.f32 v2, $5.000000000e-01;
	v4 =	vnsel vm0, $0x0, v0;
	v0 =	vld [tilespmem:s21+$0x4180]  }
0x23f: {  	v5 =	vnsel vm1, $0x0, v2;
	v2 =	vld [tilespmem:s21+$0x4000];
	vm0 =	vgt.f32 v3, $5.000000000e-01;
	[tilespmem:s22+$0x10180] =	vst v4  }
0x240: {  	[tilespmem:s22+$0x10000] =	vst v5;
	v4 =	vnsel vm0, $0x0, v3;
	v3 =	vld [tilespmem:s21+$0x4080];
	vm0 =	vgt.f32 v1, $5.000000000e-01  }
0x241: {  	v5 =	vld [tilespmem:s21+$0x4100];
	_ =	sdelay $0x1  }
0x242: {  	[tilespmem:s22+$0x10080] =	vst v4;
	v1 =	vnsel vm0, $0x0, v1;
	vm0 =	vgt.f32 v0, $5.000000000e-01  }
0x243: {  	[tilespmem:s22+$0x10100] =	vst v1;
	vm1 =	vgt.f32 v2, $5.000000000e-01;
	v0 =	vnsel vm0, $0x0, v0  }
0x244: {  	v1 =	vnsel vm1, $0x0, v2;
	vm0 =	vgt.f32 v3, $5.000000000e-01;
	[tilespmem:s21+$0x10180] =	vst v0  }
0x245: {  	s22 =	sld [smem:$0x7E6];
	[tilespmem:s21+$0x10000] =	vst v1;
	v0 =	vnsel vm0, $0x0, v3;
	vm0 =	vgt.f32 v5, $5.000000000e-01  }
0x246: {  	[tilespmem:s21+$0x10080] =	vst v0;
	v0 =	vnsel vm0, $0x0, v5  }
0x247: {  	s23 =	sld [smem:$0x7EB];
	[tilespmem:s21+$0x10100] =	vst v0  }
0x248: {  	[hbm4b:s22+s7] =	stream.strided.scatter [tilespmem:s14], [sflag:$0x5], $0x4000, s8, s7, $0x38;
	[tilespmem:$0x18000] =	vst v63  }
0x249: {  	_ = 	snop  }
0x24a: {  	[tilespmem:s9], [sflag:$0x2] =	stream.strided.gather [hbm4b:s23+s7], $0x4000, s8, s7, $0x38;
	[tilespmem:$0x18000] =	vst v63  }
0x24b: {  	_ =	swait.ge [sflag:s15], $0x4000  }
0x24c: {  	[sflag:s15] =	ssyncset.done $0x0  }
0x24d: {  	[sflag:s15] =	ssyncadd.s32 $0xFFFFC000  }
0x24e: {  	s24 =	simm.s32 $0x0;
	_ =	swait.ge [sflag:s19], $0x4000  }
0x24f: {  	s25 =	sand.u32 $0x70, s24;
	s21 =	sand.u32 $0x3E00, s24;
	[sflag:s19] =	ssyncset.done $0x0  }
0x250: {  	s22 =	sor.u32 s25, s21;
	[sflag:s19] =	ssyncadd.s32 $0xFFFFC000  }
0x251: {  	v2 =	vld [tilespmem:s22+$0x8180]  }
0x252: {  	v3 =	vld [tilespmem:s22+$0x8000]  }
0x253: {  	v4 =	vld [tilespmem:s22+$0x8080]  }
0x254: {  	s26 =	simm.s32 $0x10;
	s23 =	simm.s32 $0x40;
	v1 =	vld [tilespmem:s22+$0x8100]  }
0x255: {  	s21 =	sand.u32 $0x70, s26;
	s24 =	sand.u32 $0x3E00, s23  }
0x256: {  	s21 =	sor.u32 s21, s24;
	vm0 =	vgt.f32 v2, $5.000000000e-01  }
0x257: {  	v0 =	vld [tilespmem:s21+$0x8180];
	v5 =	vnsel vm0, $0x0, v2;
	vm0 =	vgt.f32 v3, $5.000000000e-01  }
0x258: {  	v2 =	vld [tilespmem:s21+$0x8000];
	[tilespmem:s22+$0x14180] =	vst v5;
	v5 =	vnsel vm0, $0x0, v3;
	vm0 =	vgt.f32 v4, $5.000000000e-01  }
0x259: {  	s24 =	simm.s32 $0x20;
	v3 =	vld [tilespmem:s21+$0x8080];
	[tilespmem:s22+$0x14000] =	vst v5;
	v4 =	vnsel vm0, $0x0, v4;
	vm0 =	vgt.f32 v1, $5.000000000e-01  }
.LBB2_36:
0x25a: {  	s25 =	sand.u32 $0x70, s24;
	s23 =	sadd.s32 $0x40, s23;
	[tilespmem:s22+$0x14080] =	vst v4;
	v4 =	vnsel vm0, $0x0, v1;
	v1 =	vld [tilespmem:s21+$0x8100];
	p0 =	sne.s32 s24, $0xFF0  }
.Ltmp17:
0x25b: {  	s24 =	sadd.s32 $0x10, s24;
	s26 =	sand.u32 $0x3E00, s23;
	[tilespmem:s22+$0x14100] =	vst v4;
	(pc) =	sbr.rel @p0 .LBB2_36-.Ltmp17, $4  }
0x25c: {  	s22 =	smov.u32 s21;
	vm0 =	vgt.f32 v0, $5.000000000e-01;
	s21 =	sor.u32 s25, s26  }
0x25d: {  	vm1 =	vgt.f32 v2, $5.000000000e-01;
	v4 =	vnsel vm0, $0x0, v0;
	v0 =	vld [tilespmem:s21+$0x8180]  }
0x25e: {  	v5 =	vnsel vm1, $0x0, v2;
	v2 =	vld [tilespmem:s21+$0x8000];
	vm0 =	vgt.f32 v3, $5.000000000e-01;
	[tilespmem:s22+$0x14180] =	vst v4  }
0x25f: {  	[tilespmem:s22+$0x14000] =	vst v5;
	v4 =	vnsel vm0, $0x0, v3;
	v3 =	vld [tilespmem:s21+$0x8080];
	vm0 =	vgt.f32 v1, $5.000000000e-01  }
0x260: {  	v5 =	vld [tilespmem:s21+$0x8100];
	_ =	sdelay $0x1  }
0x261: {  	[tilespmem:s22+$0x14080] =	vst v4;
	v1 =	vnsel vm0, $0x0, v1;
	vm0 =	vgt.f32 v0, $5.000000000e-01  }
0x262: {  	[tilespmem:s22+$0x14100] =	vst v1;
	vm1 =	vgt.f32 v2, $5.000000000e-01;
	v0 =	vnsel vm0, $0x0, v0  }
0x263: {  	v1 =	vnsel vm1, $0x0, v2;
	vm0 =	vgt.f32 v3, $5.000000000e-01;
	[tilespmem:s21+$0x14180] =	vst v0  }
0x264: {  	s22 =	sld [smem:$0x7E8];
	[tilespmem:s21+$0x14000] =	vst v1;
	v0 =	vnsel vm0, $0x0, v3;
	vm0 =	vgt.f32 v5, $5.000000000e-01  }
0x265: {  	[tilespmem:s21+$0x14080] =	vst v0;
	v0 =	vnsel vm0, $0x0, v5  }
0x266: {  	s23 =	sld [smem:$0x7ED];
	[tilespmem:s21+$0x14100] =	vst v0  }
0x267: {  	[hbm4b:s22+s7] =	stream.strided.scatter [tilespmem:s16], [sflag:$0x6], $0x4000, s8, s7, $0x38;
	[tilespmem:$0x18000] =	vst v63  }
0x268: {  	_ = 	snop  }
0x269: {  	[tilespmem:s10], [sflag:$0x3] =	stream.strided.gather [hbm4b:s23+s7], $0x4000, s8, s7, $0x38;
	[tilespmem:$0x18000] =	vst v63  }
0x26a: {  	_ =	swait.ge [sflag:s11], $0x4000  }
0x26b: {  	[sflag:s11] =	ssyncset.done $0x0  }
0x26c: {  	[sflag:s11] =	ssyncadd.s32 $0xFFFFC000  }
0x26d: {  	s24 =	simm.s32 $0x0;
	_ =	swait.ge [sflag:s17], $0x4000  }
0x26e: {  	s25 =	sand.u32 $0x70, s24;
	s21 =	sand.u32 $0x3E00, s24;
	[sflag:s17] =	ssyncset.done $0x0  }
0x26f: {  	s22 =	sor.u32 s25, s21;
	[sflag:s17] =	ssyncadd.s32 $0xFFFFC000  }
0x270: {  	v2 =	vld [tilespmem:s22+$0x180]  }
0x271: {  	v3 =	vld [tilespmem:s22+$0x0]  }
0x272: {  	v4 =	vld [tilespmem:s22+$0x80]  }
0x273: {  	s26 =	simm.s32 $0x10;
	s23 =	simm.s32 $0x40;
	v1 =	vld [tilespmem:s22+$0x100]  }
0x274: {  	s21 =	sand.u32 $0x70, s26;
	s24 =	sand.u32 $0x3E00, s23  }
0x275: {  	s21 =	sor.u32 s21, s24;
	vm0 =	vgt.f32 v2, $5.000000000e-01  }
0x276: {  	v0 =	vld [tilespmem:s21+$0x180];
	v5 =	vnsel vm0, $0x0, v2;
	vm0 =	vgt.f32 v3, $5.000000000e-01  }
0x277: {  	v2 =	vld [tilespmem:s21+$0x0];
	[tilespmem:s22+$0xC180] =	vst v5;
	v5 =	vnsel vm0, $0x0, v3;
	vm0 =	vgt.f32 v4, $5.000000000e-01  }
0x278: {  	s24 =	simm.s32 $0x20;
	v3 =	vld [tilespmem:s21+$0x80];
	[tilespmem:s22+$0xC000] =	vst v5;
	v4 =	vnsel vm0, $0x0, v4;
	vm0 =	vgt.f32 v1, $5.000000000e-01  }
.LBB2_38:
0x279: {  	s25 =	sand.u32 $0x70, s24;
	s23 =	sadd.s32 $0x40, s23;
	[tilespmem:s22+$0xC080] =	vst v4;
	v4 =	vnsel vm0, $0x0, v1;
	v1 =	vld [tilespmem:s21+$0x100];
	p0 =	sne.s32 s24, $0xFF0  }
.Ltmp18:
0x27a: {  	s24 =	sadd.s32 $0x10, s24;
	s26 =	sand.u32 $0x3E00, s23;
	[tilespmem:s22+$0xC100] =	vst v4;
	(pc) =	sbr.rel @p0 .LBB2_38-.Ltmp18, $4  }
0x27b: {  	s22 =	smov.u32 s21;
	vm0 =	vgt.f32 v0, $5.000000000e-01;
	s21 =	sor.u32 s25, s26  }
0x27c: {  	vm1 =	vgt.f32 v2, $5.000000000e-01;
	v4 =	vnsel vm0, $0x0, v0;
	v0 =	vld [tilespmem:s21+$0x180]  }
0x27d: {  	v5 =	vnsel vm1, $0x0, v2;
	v2 =	vld [tilespmem:s21+$0x0];
	vm0 =	vgt.f32 v3, $5.000000000e-01;
	[tilespmem:s22+$0xC180] =	vst v4  }
0x27e: {  	[tilespmem:s22+$0xC000] =	vst v5;
	v4 =	vnsel vm0, $0x0, v3;
	v3 =	vld [tilespmem:s21+$0x80];
	vm0 =	vgt.f32 v1, $5.000000000e-01  }
0x27f: {  	v5 =	vld [tilespmem:s21+$0x100];
	_ =	sdelay $0x1  }
0x280: {  	[tilespmem:s22+$0xC080] =	vst v4;
	v1 =	vnsel vm0, $0x0, v1;
	vm0 =	vgt.f32 v0, $5.000000000e-01  }
0x281: {  	[tilespmem:s22+$0xC100] =	vst v1;
	vm1 =	vgt.f32 v2, $5.000000000e-01;
	v0 =	vnsel vm0, $0x0, v0  }
0x282: {  	v1 =	vnsel vm1, $0x0, v2;
	vm0 =	vgt.f32 v3, $5.000000000e-01;
	[tilespmem:s21+$0xC180] =	vst v0  }
0x283: {  	s22 =	sld [smem:$0x7EA];
	[tilespmem:s21+$0xC000] =	vst v1;
	v0 =	vnsel vm0, $0x0, v3;
	vm0 =	vgt.f32 v5, $5.000000000e-01  }
0x284: {  	[tilespmem:s21+$0xC080] =	vst v0;
	v0 =	vnsel vm0, $0x0, v5  }
0x285: {  	s24 =	sld [smem:$0x7EF];
	[tilespmem:s21+$0xC100] =	vst v0  }
0x286: {  	[hbm4b:s22+s7] =	stream.strided.scatter [tilespmem:s12], [sflag:$0x4], $0x4000, s8, s7, $0x38;
	[tilespmem:$0x18000] =	vst v63  }
0x287: {  	s23 =	simm.s32 $0x0  }
0x288: {  	[tilespmem:s23], [sflag:$0x1] =	stream.strided.gather [hbm4b:s24+s7], $0x4000, s8, s7, $0x38;
	[tilespmem:$0x18000] =	vst v63  }
0x289: {  	_ =	swait.ge [sflag:s13], $0x4000  }
0x28a: {  	[sflag:s13] =	ssyncset.done $0x0  }
0x28b: {  	[sflag:s13] =	ssyncadd.s32 $0xFFFFC000  }
0x28c: {  	_ =	swait.ge [sflag:s18], $0x4000  }
0x28d: {  	s25 =	sand.u32 $0x70, s23;
	s21 =	sand.u32 $0x3E00, s23;
	[sflag:s18] =	ssyncset.done $0x0  }
0x28e: {  	s22 =	sor.u32 s25, s21;
	[sflag:s18] =	ssyncadd.s32 $0xFFFFC000  }
0x28f: {  	v2 =	vld [tilespmem:s22+$0x4180]  }
0x290: {  	v3 =	vld [tilespmem:s22+$0x4000]  }
0x291: {  	v4 =	vld [tilespmem:s22+$0x4080]  }
0x292: {  	s26 =	simm.s32 $0x10;
	s23 =	simm.s32 $0x40;
	v1 =	vld [tilespmem:s22+$0x4100]  }
0x293: {  	s21 =	sand.u32 $0x70, s26;
	s24 =	sand.u32 $0x3E00, s23  }
0x294: {  	s21 =	sor.u32 s21, s24;
	vm0 =	vgt.f32 v2, $5.000000000e-01  }
0x295: {  	v0 =	vld [tilespmem:s21+$0x4180];
	v5 =	vnsel vm0, $0x0, v2;
	vm0 =	vgt.f32 v3, $5.000000000e-01  }
0x296: {  	v2 =	vld [tilespmem:s21+$0x4000];
	[tilespmem:s22+$0x10180] =	vst v5;
	v5 =	vnsel vm0, $0x0, v3;
	vm0 =	vgt.f32 v4, $5.000000000e-01  }
0x297: {  	s24 =	simm.s32 $0x20;
	v3 =	vld [tilespmem:s21+$0x4080];
	[tilespmem:s22+$0x10000] =	vst v5;
	v4 =	vnsel vm0, $0x0, v4;
	vm0 =	vgt.f32 v1, $5.000000000e-01  }
.LBB2_40:
0x298: {  	s25 =	sand.u32 $0x70, s24;
	s23 =	sadd.s32 $0x40, s23;
	[tilespmem:s22+$0x10080] =	vst v4;
	v4 =	vnsel vm0, $0x0, v1;
	v1 =	vld [tilespmem:s21+$0x4100];
	p0 =	sne.s32 s24, $0xFF0  }
.Ltmp19:
0x299: {  	s24 =	sadd.s32 $0x10, s24;
	s26 =	sand.u32 $0x3E00, s23;
	[tilespmem:s22+$0x10100] =	vst v4;
	(pc) =	sbr.rel @p0 .LBB2_40-.Ltmp19, $4  }
0x29a: {  	s22 =	smov.u32 s21;
	vm0 =	vgt.f32 v0, $5.000000000e-01;
	s21 =	sor.u32 s25, s26  }
0x29b: {  	vm1 =	vgt.f32 v2, $5.000000000e-01;
	v4 =	vnsel vm0, $0x0, v0;
	v0 =	vld [tilespmem:s21+$0x4180]  }
0x29c: {  	v5 =	vnsel vm1, $0x0, v2;
	v2 =	vld [tilespmem:s21+$0x4000];
	vm0 =	vgt.f32 v3, $5.000000000e-01;
	[tilespmem:s22+$0x10180] =	vst v4  }
0x29d: {  	[tilespmem:s22+$0x10000] =	vst v5;
	v4 =	vnsel vm0, $0x0, v3;
	v3 =	vld [tilespmem:s21+$0x4080];
	vm0 =	vgt.f32 v1, $5.000000000e-01  }
0x29e: {  	v5 =	vld [tilespmem:s21+$0x4100];
	_ =	sdelay $0x1  }
0x29f: {  	[tilespmem:s22+$0x10080] =	vst v4;
	v1 =	vnsel vm0, $0x0, v1;
	vm0 =	vgt.f32 v0, $5.000000000e-01  }
0x2a0: {  	[tilespmem:s22+$0x10100] =	vst v1;
	vm1 =	vgt.f32 v2, $5.000000000e-01;
	v0 =	vnsel vm0, $0x0, v0  }
0x2a1: {  	v1 =	vnsel vm1, $0x0, v2;
	vm0 =	vgt.f32 v3, $5.000000000e-01;
	[tilespmem:s21+$0x10180] =	vst v0  }
0x2a2: {  	s22 =	sld [smem:$0x7EC];
	[tilespmem:s21+$0x10000] =	vst v1;
	v0 =	vnsel vm0, $0x0, v3;
	vm0 =	vgt.f32 v5, $5.000000000e-01  }
0x2a3: {  	[tilespmem:s21+$0x10080] =	vst v0;
	v0 =	vnsel vm0, $0x0, v5  }
0x2a4: {  	s23 =	sld [smem:$0x7F1];
	[tilespmem:s21+$0x10100] =	vst v0  }
0x2a5: {  	[hbm4b:s22+s7] =	stream.strided.scatter [tilespmem:s14], [sflag:$0x5], $0x4000, s8, s7, $0x38;
	[tilespmem:$0x18000] =	vst v63  }
0x2a6: {  	_ = 	snop  }
0x2a7: {  	[tilespmem:s9], [sflag:$0x2] =	stream.strided.gather [hbm4b:s23+s7], $0x4000, s8, s7, $0x38;
	[tilespmem:$0x18000] =	vst v63  }
0x2a8: {  	_ =	swait.ge [sflag:s15], $0x4000  }
0x2a9: {  	[sflag:s15] =	ssyncset.done $0x0  }
0x2aa: {  	[sflag:s15] =	ssyncadd.s32 $0xFFFFC000  }
0x2ab: {  	s24 =	simm.s32 $0x0;
	_ =	swait.ge [sflag:s19], $0x4000  }
0x2ac: {  	s25 =	sand.u32 $0x70, s24;
	s21 =	sand.u32 $0x3E00, s24;
	[sflag:s19] =	ssyncset.done $0x0  }
0x2ad: {  	s22 =	sor.u32 s25, s21;
	[sflag:s19] =	ssyncadd.s32 $0xFFFFC000  }
0x2ae: {  	v2 =	vld [tilespmem:s22+$0x8180]  }
0x2af: {  	v3 =	vld [tilespmem:s22+$0x8000]  }
0x2b0: {  	v4 =	vld [tilespmem:s22+$0x8080]  }
0x2b1: {  	s26 =	simm.s32 $0x10;
	s23 =	simm.s32 $0x40;
	v1 =	vld [tilespmem:s22+$0x8100]  }
0x2b2: {  	s21 =	sand.u32 $0x70, s26;
	s24 =	sand.u32 $0x3E00, s23  }
0x2b3: {  	s21 =	sor.u32 s21, s24;
	vm0 =	vgt.f32 v2, $5.000000000e-01  }
0x2b4: {  	v0 =	vld [tilespmem:s21+$0x8180];
	v5 =	vnsel vm0, $0x0, v2;
	vm0 =	vgt.f32 v3, $5.000000000e-01  }
0x2b5: {  	v2 =	vld [tilespmem:s21+$0x8000];
	[tilespmem:s22+$0x14180] =	vst v5;
	v5 =	vnsel vm0, $0x0, v3;
	vm0 =	vgt.f32 v4, $5.000000000e-01  }
0x2b6: {  	s24 =	simm.s32 $0x20;
	v3 =	vld [tilespmem:s21+$0x8080];
	[tilespmem:s22+$0x14000] =	vst v5;
	v4 =	vnsel vm0, $0x0, v4;
	vm0 =	vgt.f32 v1, $5.000000000e-01  }
.LBB2_42:
0x2b7: {  	s25 =	sand.u32 $0x70, s24;
	s23 =	sadd.s32 $0x40, s23;
	[tilespmem:s22+$0x14080] =	vst v4;
	v4 =	vnsel vm0, $0x0, v1;
	v1 =	vld [tilespmem:s21+$0x8100];
	p0 =	sne.s32 s24, $0xFF0  }
.Ltmp20:
0x2b8: {  	s24 =	sadd.s32 $0x10, s24;
	s26 =	sand.u32 $0x3E00, s23;
	[tilespmem:s22+$0x14100] =	vst v4;
	(pc) =	sbr.rel @p0 .LBB2_42-.Ltmp20, $4  }
0x2b9: {  	s22 =	smov.u32 s21;
	vm0 =	vgt.f32 v0, $5.000000000e-01;
	s21 =	sor.u32 s25, s26  }
0x2ba: {  	vm1 =	vgt.f32 v2, $5.000000000e-01;
	v4 =	vnsel vm0, $0x0, v0;
	v0 =	vld [tilespmem:s21+$0x8180]  }
0x2bb: {  	v5 =	vnsel vm1, $0x0, v2;
	v2 =	vld [tilespmem:s21+$0x8000];
	vm0 =	vgt.f32 v3, $5.000000000e-01;
	[tilespmem:s22+$0x14180] =	vst v4  }
0x2bc: {  	[tilespmem:s22+$0x14000] =	vst v5;
	v4 =	vnsel vm0, $0x0, v3;
	v3 =	vld [tilespmem:s21+$0x8080];
	vm0 =	vgt.f32 v1, $5.000000000e-01  }
0x2bd: {  	v5 =	vld [tilespmem:s21+$0x8100];
	_ =	sdelay $0x1  }
0x2be: {  	[tilespmem:s22+$0x14080] =	vst v4;
	v1 =	vnsel vm0, $0x0, v1;
	vm0 =	vgt.f32 v0, $5.000000000e-01  }
0x2bf: {  	[tilespmem:s22+$0x14100] =	vst v1;
	vm1 =	vgt.f32 v2, $5.000000000e-01;
	v0 =	vnsel vm0, $0x0, v0  }
0x2c0: {  	v1 =	vnsel vm1, $0x0, v2;
	vm0 =	vgt.f32 v3, $5.000000000e-01;
	[tilespmem:s21+$0x14180] =	vst v0  }
0x2c1: {  	s22 =	sld [smem:$0x7EE];
	[tilespmem:s21+$0x14000] =	vst v1;
	v0 =	vnsel vm0, $0x0, v3;
	vm0 =	vgt.f32 v5, $5.000000000e-01  }
0x2c2: {  	[tilespmem:s21+$0x14080] =	vst v0;
	v0 =	vnsel vm0, $0x0, v5  }
0x2c3: {  	s23 =	sld [smem:$0x7F3];
	[tilespmem:s21+$0x14100] =	vst v0  }
0x2c4: {  	[hbm4b:s22+s7] =	stream.strided.scatter [tilespmem:s16], [sflag:$0x6], $0x4000, s8, s7, $0x38;
	[tilespmem:$0x18000] =	vst v63  }
0x2c5: {  	_ = 	snop  }
0x2c6: {  	[tilespmem:s10], [sflag:$0x3] =	stream.strided.gather [hbm4b:s23+s7], $0x4000, s8, s7, $0x38;
	[tilespmem:$0x18000] =	vst v63  }
0x2c7: {  	_ =	swait.ge [sflag:s11], $0x4000  }
0x2c8: {  	[sflag:s11] =	ssyncset.done $0x0  }
0x2c9: {  	[sflag:s11] =	ssyncadd.s32 $0xFFFFC000  }
0x2ca: {  	s24 =	simm.s32 $0x0;
	_ =	swait.ge [sflag:s17], $0x4000  }
0x2cb: {  	s25 =	sand.u32 $0x70, s24;
	s21 =	sand.u32 $0x3E00, s24;
	[sflag:s17] =	ssyncset.done $0x0  }
0x2cc: {  	s22 =	sor.u32 s25, s21;
	[sflag:s17] =	ssyncadd.s32 $0xFFFFC000  }
0x2cd: {  	v2 =	vld [tilespmem:s22+$0x180]  }
0x2ce: {  	v3 =	vld [tilespmem:s22+$0x0]  }
0x2cf: {  	v4 =	vld [tilespmem:s22+$0x80]  }
0x2d0: {  	s26 =	simm.s32 $0x10;
	s23 =	simm.s32 $0x40;
	v1 =	vld [tilespmem:s22+$0x100]  }
0x2d1: {  	s21 =	sand.u32 $0x70, s26;
	s24 =	sand.u32 $0x3E00, s23  }
0x2d2: {  	s21 =	sor.u32 s21, s24;
	vm0 =	vgt.f32 v2, $5.000000000e-01  }
0x2d3: {  	v0 =	vld [tilespmem:s21+$0x180];
	v5 =	vnsel vm0, $0x0, v2;
	vm0 =	vgt.f32 v3, $5.000000000e-01  }
0x2d4: {  	v2 =	vld [tilespmem:s21+$0x0];
	[tilespmem:s22+$0xC180] =	vst v5;
	v5 =	vnsel vm0, $0x0, v3;
	vm0 =	vgt.f32 v4, $5.000000000e-01  }
0x2d5: {  	s24 =	simm.s32 $0x20;
	v3 =	vld [tilespmem:s21+$0x80];
	[tilespmem:s22+$0xC000] =	vst v5;
	v4 =	vnsel vm0, $0x0, v4;
	vm0 =	vgt.f32 v1, $5.000000000e-01  }
.LBB2_44:
0x2d6: {  	s25 =	sand.u32 $0x70, s24;
	s23 =	sadd.s32 $0x40, s23;
	[tilespmem:s22+$0xC080] =	vst v4;
	v4 =	vnsel vm0, $0x0, v1;
	v1 =	vld [tilespmem:s21+$0x100];
	p0 =	sne.s32 s24, $0xFF0  }
.Ltmp21:
0x2d7: {  	s24 =	sadd.s32 $0x10, s24;
	s26 =	sand.u32 $0x3E00, s23;
	[tilespmem:s22+$0xC100] =	vst v4;
	(pc) =	sbr.rel @p0 .LBB2_44-.Ltmp21, $4  }
0x2d8: {  	s22 =	smov.u32 s21;
	vm0 =	vgt.f32 v0, $5.000000000e-01;
	s21 =	sor.u32 s25, s26  }
0x2d9: {  	vm1 =	vgt.f32 v2, $5.000000000e-01;
	v4 =	vnsel vm0, $0x0, v0;
	v0 =	vld [tilespmem:s21+$0x180]  }
0x2da: {  	v5 =	vnsel vm1, $0x0, v2;
	v2 =	vld [tilespmem:s21+$0x0];
	vm0 =	vgt.f32 v3, $5.000000000e-01;
	[tilespmem:s22+$0xC180] =	vst v4  }
0x2db: {  	[tilespmem:s22+$0xC000] =	vst v5;
	v4 =	vnsel vm0, $0x0, v3;
	v3 =	vld [tilespmem:s21+$0x80];
	vm0 =	vgt.f32 v1, $5.000000000e-01  }
0x2dc: {  	v5 =	vld [tilespmem:s21+$0x100];
	_ =	sdelay $0x1  }
0x2dd: {  	[tilespmem:s22+$0xC080] =	vst v4;
	v1 =	vnsel vm0, $0x0, v1;
	vm0 =	vgt.f32 v0, $5.000000000e-01  }
0x2de: {  	[tilespmem:s22+$0xC100] =	vst v1;
	vm1 =	vgt.f32 v2, $5.000000000e-01;
	v0 =	vnsel vm0, $0x0, v0  }
0x2df: {  	v1 =	vnsel vm1, $0x0, v2;
	vm0 =	vgt.f32 v3, $5.000000000e-01;
	[tilespmem:s21+$0xC180] =	vst v0  }
0x2e0: {  	s22 =	sld [smem:$0x7F0];
	[tilespmem:s21+$0xC000] =	vst v1;
	v0 =	vnsel vm0, $0x0, v3;
	vm0 =	vgt.f32 v5, $5.000000000e-01  }
0x2e1: {  	[tilespmem:s21+$0xC080] =	vst v0;
	v0 =	vnsel vm0, $0x0, v5  }
0x2e2: {  	s24 =	sld [smem:$0x7F5];
	[tilespmem:s21+$0xC100] =	vst v0  }
0x2e3: {  	[hbm4b:s22+s7] =	stream.strided.scatter [tilespmem:s12], [sflag:$0x4], $0x4000, s8, s7, $0x38;
	[tilespmem:$0x18000] =	vst v63  }
0x2e4: {  	s23 =	simm.s32 $0x0  }
0x2e5: {  	[tilespmem:s23], [sflag:$0x1] =	stream.strided.gather [hbm4b:s24+s7], $0x4000, s8, s7, $0x38;
	[tilespmem:$0x18000] =	vst v63  }
0x2e6: {  	_ =	swait.ge [sflag:s13], $0x4000  }
0x2e7: {  	[sflag:s13] =	ssyncset.done $0x0  }
0x2e8: {  	[sflag:s13] =	ssyncadd.s32 $0xFFFFC000  }
0x2e9: {  	_ =	swait.ge [sflag:s18], $0x4000  }
0x2ea: {  	s25 =	sand.u32 $0x70, s23;
	s21 =	sand.u32 $0x3E00, s23;
	[sflag:s18] =	ssyncset.done $0x0  }
0x2eb: {  	s22 =	sor.u32 s25, s21;
	[sflag:s18] =	ssyncadd.s32 $0xFFFFC000  }
0x2ec: {  	v2 =	vld [tilespmem:s22+$0x4180]  }
0x2ed: {  	v3 =	vld [tilespmem:s22+$0x4000]  }
0x2ee: {  	v4 =	vld [tilespmem:s22+$0x4080]  }
0x2ef: {  	s26 =	simm.s32 $0x10;
	s23 =	simm.s32 $0x40;
	v1 =	vld [tilespmem:s22+$0x4100]  }
0x2f0: {  	s21 =	sand.u32 $0x70, s26;
	s24 =	sand.u32 $0x3E00, s23  }
0x2f1: {  	s21 =	sor.u32 s21, s24;
	vm0 =	vgt.f32 v2, $5.000000000e-01  }
0x2f2: {  	v0 =	vld [tilespmem:s21+$0x4180];
	v5 =	vnsel vm0, $0x0, v2;
	vm0 =	vgt.f32 v3, $5.000000000e-01  }
0x2f3: {  	v2 =	vld [tilespmem:s21+$0x4000];
	[tilespmem:s22+$0x10180] =	vst v5;
	v5 =	vnsel vm0, $0x0, v3;
	vm0 =	vgt.f32 v4, $5.000000000e-01  }
0x2f4: {  	s24 =	simm.s32 $0x20;
	v3 =	vld [tilespmem:s21+$0x4080];
	[tilespmem:s22+$0x10000] =	vst v5;
	v4 =	vnsel vm0, $0x0, v4;
	vm0 =	vgt.f32 v1, $5.000000000e-01  }
.LBB2_46:
0x2f5: {  	s25 =	sand.u32 $0x70, s24;
	s23 =	sadd.s32 $0x40, s23;
	[tilespmem:s22+$0x10080] =	vst v4;
	v4 =	vnsel vm0, $0x0, v1;
	v1 =	vld [tilespmem:s21+$0x4100];
	p0 =	sne.s32 s24, $0xFF0  }
.Ltmp22:
0x2f6: {  	s24 =	sadd.s32 $0x10, s24;
	s26 =	sand.u32 $0x3E00, s23;
	[tilespmem:s22+$0x10100] =	vst v4;
	(pc) =	sbr.rel @p0 .LBB2_46-.Ltmp22, $4  }
0x2f7: {  	s22 =	smov.u32 s21;
	vm0 =	vgt.f32 v0, $5.000000000e-01;
	s21 =	sor.u32 s25, s26  }
0x2f8: {  	vm1 =	vgt.f32 v2, $5.000000000e-01;
	v4 =	vnsel vm0, $0x0, v0;
	v0 =	vld [tilespmem:s21+$0x4180]  }
0x2f9: {  	v5 =	vnsel vm1, $0x0, v2;
	v2 =	vld [tilespmem:s21+$0x4000];
	vm0 =	vgt.f32 v3, $5.000000000e-01;
	[tilespmem:s22+$0x10180] =	vst v4  }
0x2fa: {  	[tilespmem:s22+$0x10000] =	vst v5;
	v4 =	vnsel vm0, $0x0, v3;
	v3 =	vld [tilespmem:s21+$0x4080];
	vm0 =	vgt.f32 v1, $5.000000000e-01  }
0x2fb: {  	v5 =	vld [tilespmem:s21+$0x4100];
	_ =	sdelay $0x1  }
0x2fc: {  	[tilespmem:s22+$0x10080] =	vst v4;
	v1 =	vnsel vm0, $0x0, v1;
	vm0 =	vgt.f32 v0, $5.000000000e-01  }
0x2fd: {  	[tilespmem:s22+$0x10100] =	vst v1;
	vm1 =	vgt.f32 v2, $5.000000000e-01;
	v0 =	vnsel vm0, $0x0, v0  }
0x2fe: {  	v1 =	vnsel vm1, $0x0, v2;
	vm0 =	vgt.f32 v3, $5.000000000e-01;
	[tilespmem:s21+$0x10180] =	vst v0  }
0x2ff: {  	s22 =	sld [smem:$0x7F2];
	[tilespmem:s21+$0x10000] =	vst v1;
	v0 =	vnsel vm0, $0x0, v3;
	vm0 =	vgt.f32 v5, $5.000000000e-01  }
0x300: {  	[tilespmem:s21+$0x10080] =	vst v0;
	v0 =	vnsel vm0, $0x0, v5  }
0x301: {  	s23 =	sld [smem:$0x7F7];
	[tilespmem:s21+$0x10100] =	vst v0  }
0x302: {  	[hbm4b:s22+s7] =	stream.strided.scatter [tilespmem:s14], [sflag:$0x5], $0x4000, s8, s7, $0x38;
	[tilespmem:$0x18000] =	vst v63  }
0x303: {  	_ = 	snop  }
0x304: {  	[tilespmem:s9], [sflag:$0x2] =	stream.strided.gather [hbm4b:s23+s7], $0x4000, s8, s7, $0x38;
	[tilespmem:$0x18000] =	vst v63  }
0x305: {  	_ =	swait.ge [sflag:s15], $0x4000  }
0x306: {  	[sflag:s15] =	ssyncset.done $0x0  }
0x307: {  	[sflag:s15] =	ssyncadd.s32 $0xFFFFC000  }
0x308: {  	s24 =	simm.s32 $0x0;
	_ =	swait.ge [sflag:s19], $0x4000  }
0x309: {  	s25 =	sand.u32 $0x70, s24;
	s21 =	sand.u32 $0x3E00, s24;
	[sflag:s19] =	ssyncset.done $0x0  }
0x30a: {  	s22 =	sor.u32 s25, s21;
	[sflag:s19] =	ssyncadd.s32 $0xFFFFC000  }
0x30b: {  	v2 =	vld [tilespmem:s22+$0x8180]  }
0x30c: {  	v3 =	vld [tilespmem:s22+$0x8000]  }
0x30d: {  	v4 =	vld [tilespmem:s22+$0x8080]  }
0x30e: {  	s26 =	simm.s32 $0x10;
	s23 =	simm.s32 $0x40;
	v1 =	vld [tilespmem:s22+$0x8100]  }
0x30f: {  	s21 =	sand.u32 $0x70, s26;
	s24 =	sand.u32 $0x3E00, s23  }
0x310: {  	s21 =	sor.u32 s21, s24;
	vm0 =	vgt.f32 v2, $5.000000000e-01  }
0x311: {  	v0 =	vld [tilespmem:s21+$0x8180];
	v5 =	vnsel vm0, $0x0, v2;
	vm0 =	vgt.f32 v3, $5.000000000e-01  }
0x312: {  	v2 =	vld [tilespmem:s21+$0x8000];
	[tilespmem:s22+$0x14180] =	vst v5;
	v5 =	vnsel vm0, $0x0, v3;
	vm0 =	vgt.f32 v4, $5.000000000e-01  }
0x313: {  	s24 =	simm.s32 $0x20;
	v3 =	vld [tilespmem:s21+$0x8080];
	[tilespmem:s22+$0x14000] =	vst v5;
	v4 =	vnsel vm0, $0x0, v4;
	vm0 =	vgt.f32 v1, $5.000000000e-01  }
.LBB2_48:
0x314: {  	s25 =	sand.u32 $0x70, s24;
	s23 =	sadd.s32 $0x40, s23;
	[tilespmem:s22+$0x14080] =	vst v4;
	v4 =	vnsel vm0, $0x0, v1;
	v1 =	vld [tilespmem:s21+$0x8100];
	p0 =	sne.s32 s24, $0xFF0  }
.Ltmp23:
0x315: {  	s24 =	sadd.s32 $0x10, s24;
	s26 =	sand.u32 $0x3E00, s23;
	[tilespmem:s22+$0x14100] =	vst v4;
	(pc) =	sbr.rel @p0 .LBB2_48-.Ltmp23, $4  }
0x316: {  	s22 =	smov.u32 s21;
	vm0 =	vgt.f32 v0, $5.000000000e-01;
	s21 =	sor.u32 s25, s26  }
0x317: {  	vm1 =	vgt.f32 v2, $5.000000000e-01;
	v4 =	vnsel vm0, $0x0, v0;
	v0 =	vld [tilespmem:s21+$0x8180]  }
0x318: {  	v5 =	vnsel vm1, $0x0, v2;
	v2 =	vld [tilespmem:s21+$0x8000];
	vm0 =	vgt.f32 v3, $5.000000000e-01;
	[tilespmem:s22+$0x14180] =	vst v4  }
0x319: {  	[tilespmem:s22+$0x14000] =	vst v5;
	v4 =	vnsel vm0, $0x0, v3;
	v3 =	vld [tilespmem:s21+$0x8080];
	vm0 =	vgt.f32 v1, $5.000000000e-01  }
0x31a: {  	v5 =	vld [tilespmem:s21+$0x8100];
	_ =	sdelay $0x1  }
0x31b: {  	[tilespmem:s22+$0x14080] =	vst v4;
	v1 =	vnsel vm0, $0x0, v1;
	vm0 =	vgt.f32 v0, $5.000000000e-01  }
0x31c: {  	[tilespmem:s22+$0x14100] =	vst v1;
	vm1 =	vgt.f32 v2, $5.000000000e-01;
	v0 =	vnsel vm0, $0x0, v0  }
0x31d: {  	v1 =	vnsel vm1, $0x0, v2;
	vm0 =	vgt.f32 v3, $5.000000000e-01;
	[tilespmem:s21+$0x14180] =	vst v0  }
0x31e: {  	s22 =	sld [smem:$0x7F4];
	[tilespmem:s21+$0x14000] =	vst v1;
	v0 =	vnsel vm0, $0x0, v3;
	vm0 =	vgt.f32 v5, $5.000000000e-01  }
0x31f: {  	[tilespmem:s21+$0x14080] =	vst v0;
	v0 =	vnsel vm0, $0x0, v5  }
0x320: {  	s23 =	sld [smem:$0x7F9];
	[tilespmem:s21+$0x14100] =	vst v0  }
0x321: {  	[hbm4b:s22+s7] =	stream.strided.scatter [tilespmem:s16], [sflag:$0x6], $0x4000, s8, s7, $0x38;
	[tilespmem:$0x18000] =	vst v63  }
0x322: {  	_ = 	snop  }
0x323: {  	[tilespmem:s10], [sflag:$0x3] =	stream.strided.gather [hbm4b:s23+s7], $0x4000, s8, s7, $0x38;
	[tilespmem:$0x18000] =	vst v63  }
0x324: {  	_ =	swait.ge [sflag:s11], $0x4000  }
0x325: {  	[sflag:s11] =	ssyncset.done $0x0  }
0x326: {  	[sflag:s11] =	ssyncadd.s32 $0xFFFFC000  }
0x327: {  	s24 =	simm.s32 $0x0;
	_ =	swait.ge [sflag:s17], $0x4000  }
0x328: {  	s25 =	sand.u32 $0x70, s24;
	s21 =	sand.u32 $0x3E00, s24;
	[sflag:s17] =	ssyncset.done $0x0  }
0x329: {  	s22 =	sor.u32 s25, s21;
	[sflag:s17] =	ssyncadd.s32 $0xFFFFC000  }
0x32a: {  	v2 =	vld [tilespmem:s22+$0x180]  }
0x32b: {  	v3 =	vld [tilespmem:s22+$0x0]  }
0x32c: {  	v4 =	vld [tilespmem:s22+$0x80]  }
0x32d: {  	s26 =	simm.s32 $0x10;
	s23 =	simm.s32 $0x40;
	v1 =	vld [tilespmem:s22+$0x100]  }
0x32e: {  	s21 =	sand.u32 $0x70, s26;
	s24 =	sand.u32 $0x3E00, s23  }
0x32f: {  	s21 =	sor.u32 s21, s24;
	vm0 =	vgt.f32 v2, $5.000000000e-01  }
0x330: {  	v0 =	vld [tilespmem:s21+$0x180];
	v5 =	vnsel vm0, $0x0, v2;
	vm0 =	vgt.f32 v3, $5.000000000e-01  }
0x331: {  	v2 =	vld [tilespmem:s21+$0x0];
	[tilespmem:s22+$0xC180] =	vst v5;
	v5 =	vnsel vm0, $0x0, v3;
	vm0 =	vgt.f32 v4, $5.000000000e-01  }
0x332: {  	s24 =	simm.s32 $0x20;
	v3 =	vld [tilespmem:s21+$0x80];
	[tilespmem:s22+$0xC000] =	vst v5;
	v4 =	vnsel vm0, $0x0, v4;
	vm0 =	vgt.f32 v1, $5.000000000e-01  }
.LBB2_50:
0x333: {  	s25 =	sand.u32 $0x70, s24;
	s23 =	sadd.s32 $0x40, s23;
	[tilespmem:s22+$0xC080] =	vst v4;
	v4 =	vnsel vm0, $0x0, v1;
	v1 =	vld [tilespmem:s21+$0x100];
	p0 =	sne.s32 s24, $0xFF0  }
.Ltmp24:
0x334: {  	s24 =	sadd.s32 $0x10, s24;
	s26 =	sand.u32 $0x3E00, s23;
	[tilespmem:s22+$0xC100] =	vst v4;
	(pc) =	sbr.rel @p0 .LBB2_50-.Ltmp24, $4  }
0x335: {  	s22 =	smov.u32 s21;
	vm0 =	vgt.f32 v0, $5.000000000e-01;
	s21 =	sor.u32 s25, s26  }
0x336: {  	vm1 =	vgt.f32 v2, $5.000000000e-01;
	v4 =	vnsel vm0, $0x0, v0;
	v0 =	vld [tilespmem:s21+$0x180]  }
0x337: {  	v5 =	vnsel vm1, $0x0, v2;
	v2 =	vld [tilespmem:s21+$0x0];
	vm0 =	vgt.f32 v3, $5.000000000e-01;
	[tilespmem:s22+$0xC180] =	vst v4  }
0x338: {  	[tilespmem:s22+$0xC000] =	vst v5;
	v4 =	vnsel vm0, $0x0, v3;
	v3 =	vld [tilespmem:s21+$0x80];
	vm0 =	vgt.f32 v1, $5.000000000e-01  }
0x339: {  	v5 =	vld [tilespmem:s21+$0x100];
	_ =	sdelay $0x1  }
0x33a: {  	[tilespmem:s22+$0xC080] =	vst v4;
	v1 =	vnsel vm0, $0x0, v1;
	vm0 =	vgt.f32 v0, $5.000000000e-01  }
0x33b: {  	[tilespmem:s22+$0xC100] =	vst v1;
	vm1 =	vgt.f32 v2, $5.000000000e-01;
	v0 =	vnsel vm0, $0x0, v0  }
0x33c: {  	v1 =	vnsel vm1, $0x0, v2;
	vm0 =	vgt.f32 v3, $5.000000000e-01;
	[tilespmem:s21+$0xC180] =	vst v0  }
0x33d: {  	s22 =	sld [smem:$0x7F6];
	[tilespmem:s21+$0xC000] =	vst v1;
	v0 =	vnsel vm0, $0x0, v3;
	vm0 =	vgt.f32 v5, $5.000000000e-01  }
0x33e: {  	[tilespmem:s21+$0xC080] =	vst v0;
	v0 =	vnsel vm0, $0x0, v5  }
0x33f: {  	s24 =	sld [smem:$0x7FB];
	[tilespmem:s21+$0xC100] =	vst v0  }
0x340: {  	[hbm4b:s22+s7] =	stream.strided.scatter [tilespmem:s12], [sflag:$0x4], $0x4000, s8, s7, $0x38;
	[tilespmem:$0x18000] =	vst v63  }
0x341: {  	s23 =	simm.s32 $0x0  }
0x342: {  	[tilespmem:s23], [sflag:$0x1] =	stream.strided.gather [hbm4b:s24+s7], $0x4000, s8, s7, $0x38;
	[tilespmem:$0x18000] =	vst v63  }
0x343: {  	_ =	swait.ge [sflag:s13], $0x4000  }
0x344: {  	[sflag:s13] =	ssyncset.done $0x0  }
0x345: {  	[sflag:s13] =	ssyncadd.s32 $0xFFFFC000  }
0x346: {  	_ =	swait.ge [sflag:s18], $0x4000  }
0x347: {  	s25 =	sand.u32 $0x70, s23;
	s21 =	sand.u32 $0x3E00, s23;
	[sflag:s18] =	ssyncset.done $0x0  }
0x348: {  	s22 =	sor.u32 s25, s21;
	[sflag:s18] =	ssyncadd.s32 $0xFFFFC000  }
0x349: {  	v2 =	vld [tilespmem:s22+$0x4180]  }
0x34a: {  	v3 =	vld [tilespmem:s22+$0x4000]  }
0x34b: {  	v4 =	vld [tilespmem:s22+$0x4080]  }
0x34c: {  	s26 =	simm.s32 $0x10;
	s23 =	simm.s32 $0x40;
	v1 =	vld [tilespmem:s22+$0x4100]  }
0x34d: {  	s21 =	sand.u32 $0x70, s26;
	s24 =	sand.u32 $0x3E00, s23  }
0x34e: {  	s21 =	sor.u32 s21, s24;
	vm0 =	vgt.f32 v2, $5.000000000e-01  }
0x34f: {  	v0 =	vld [tilespmem:s21+$0x4180];
	v5 =	vnsel vm0, $0x0, v2;
	vm0 =	vgt.f32 v3, $5.000000000e-01  }
0x350: {  	v2 =	vld [tilespmem:s21+$0x4000];
	[tilespmem:s22+$0x10180] =	vst v5;
	v5 =	vnsel vm0, $0x0, v3;
	vm0 =	vgt.f32 v4, $5.000000000e-01  }
0x351: {  	s24 =	simm.s32 $0x20;
	v3 =	vld [tilespmem:s21+$0x4080];
	[tilespmem:s22+$0x10000] =	vst v5;
	v4 =	vnsel vm0, $0x0, v4;
	vm0 =	vgt.f32 v1, $5.000000000e-01  }
.LBB2_52:
0x352: {  	s25 =	sand.u32 $0x70, s24;
	s23 =	sadd.s32 $0x40, s23;
	[tilespmem:s22+$0x10080] =	vst v4;
	v4 =	vnsel vm0, $0x0, v1;
	v1 =	vld [tilespmem:s21+$0x4100];
	p0 =	sne.s32 s24, $0xFF0  }
.Ltmp25:
0x353: {  	s24 =	sadd.s32 $0x10, s24;
	s26 =	sand.u32 $0x3E00, s23;
	[tilespmem:s22+$0x10100] =	vst v4;
	(pc) =	sbr.rel @p0 .LBB2_52-.Ltmp25, $4  }
0x354: {  	s22 =	smov.u32 s21;
	vm0 =	vgt.f32 v0, $5.000000000e-01;
	s21 =	sor.u32 s25, s26  }
0x355: {  	vm1 =	vgt.f32 v2, $5.000000000e-01;
	v4 =	vnsel vm0, $0x0, v0;
	v0 =	vld [tilespmem:s21+$0x4180]  }
0x356: {  	v5 =	vnsel vm1, $0x0, v2;
	v2 =	vld [tilespmem:s21+$0x4000];
	vm0 =	vgt.f32 v3, $5.000000000e-01;
	[tilespmem:s22+$0x10180] =	vst v4  }
0x357: {  	[tilespmem:s22+$0x10000] =	vst v5;
	v4 =	vnsel vm0, $0x0, v3;
	v3 =	vld [tilespmem:s21+$0x4080];
	vm0 =	vgt.f32 v1, $5.000000000e-01  }
0x358: {  	v5 =	vld [tilespmem:s21+$0x4100];
	_ =	sdelay $0x1  }
0x359: {  	[tilespmem:s22+$0x10080] =	vst v4;
	v1 =	vnsel vm0, $0x0, v1;
	vm0 =	vgt.f32 v0, $5.000000000e-01  }
0x35a: {  	[tilespmem:s22+$0x10100] =	vst v1;
	vm1 =	vgt.f32 v2, $5.000000000e-01;
	v0 =	vnsel vm0, $0x0, v0  }
0x35b: {  	v1 =	vnsel vm1, $0x0, v2;
	vm0 =	vgt.f32 v3, $5.000000000e-01;
	[tilespmem:s21+$0x10180] =	vst v0  }
0x35c: {  	s22 =	sld [smem:$0x7F8];
	[tilespmem:s21+$0x10000] =	vst v1;
	v0 =	vnsel vm0, $0x0, v3;
	vm0 =	vgt.f32 v5, $5.000000000e-01  }
0x35d: {  	[tilespmem:s21+$0x10080] =	vst v0;
	v0 =	vnsel vm0, $0x0, v5  }
0x35e: {  	s23 =	sld [smem:$0x7FD];
	[tilespmem:s21+$0x10100] =	vst v0  }
0x35f: {  	[hbm4b:s22+s7] =	stream.strided.scatter [tilespmem:s14], [sflag:$0x5], $0x4000, s8, s7, $0x38;
	[tilespmem:$0x18000] =	vst v63  }
0x360: {  	_ = 	snop  }
0x361: {  	[tilespmem:s9], [sflag:$0x2] =	stream.strided.gather [hbm4b:s23+s7], $0x4000, s8, s7, $0x38;
	[tilespmem:$0x18000] =	vst v63  }
0x362: {  	_ =	swait.ge [sflag:s15], $0x4000  }
0x363: {  	[sflag:s15] =	ssyncset.done $0x0  }
0x364: {  	[sflag:s15] =	ssyncadd.s32 $0xFFFFC000  }
0x365: {  	s24 =	simm.s32 $0x0;
	_ =	swait.ge [sflag:s19], $0x4000  }
0x366: {  	s25 =	sand.u32 $0x70, s24;
	s21 =	sand.u32 $0x3E00, s24;
	[sflag:s19] =	ssyncset.done $0x0  }
0x367: {  	s22 =	sor.u32 s25, s21;
	[sflag:s19] =	ssyncadd.s32 $0xFFFFC000  }
0x368: {  	v2 =	vld [tilespmem:s22+$0x8180]  }
0x369: {  	v3 =	vld [tilespmem:s22+$0x8000]  }
0x36a: {  	v4 =	vld [tilespmem:s22+$0x8080]  }
0x36b: {  	s26 =	simm.s32 $0x10;
	s23 =	simm.s32 $0x40;
	v1 =	vld [tilespmem:s22+$0x8100]  }
0x36c: {  	s21 =	sand.u32 $0x70, s26;
	s24 =	sand.u32 $0x3E00, s23  }
0x36d: {  	s21 =	sor.u32 s21, s24;
	vm0 =	vgt.f32 v2, $5.000000000e-01  }
0x36e: {  	v0 =	vld [tilespmem:s21+$0x8180];
	v5 =	vnsel vm0, $0x0, v2;
	vm0 =	vgt.f32 v3, $5.000000000e-01  }
0x36f: {  	v2 =	vld [tilespmem:s21+$0x8000];
	[tilespmem:s22+$0x14180] =	vst v5;
	v5 =	vnsel vm0, $0x0, v3;
	vm0 =	vgt.f32 v4, $5.000000000e-01  }
0x370: {  	s24 =	simm.s32 $0x20;
	v3 =	vld [tilespmem:s21+$0x8080];
	[tilespmem:s22+$0x14000] =	vst v5;
	v4 =	vnsel vm0, $0x0, v4;
	vm0 =	vgt.f32 v1, $5.000000000e-01  }
.LBB2_54:
0x371: {  	s25 =	sand.u32 $0x70, s24;
	s23 =	sadd.s32 $0x40, s23;
	[tilespmem:s22+$0x14080] =	vst v4;
	v4 =	vnsel vm0, $0x0, v1;
	v1 =	vld [tilespmem:s21+$0x8100];
	p0 =	sne.s32 s24, $0xFF0  }
.Ltmp26:
0x372: {  	s24 =	sadd.s32 $0x10, s24;
	s26 =	sand.u32 $0x3E00, s23;
	[tilespmem:s22+$0x14100] =	vst v4;
	(pc) =	sbr.rel @p0 .LBB2_54-.Ltmp26, $4  }
0x373: {  	s22 =	smov.u32 s21;
	vm0 =	vgt.f32 v0, $5.000000000e-01;
	s21 =	sor.u32 s25, s26  }
0x374: {  	vm1 =	vgt.f32 v2, $5.000000000e-01;
	v4 =	vnsel vm0, $0x0, v0;
	v0 =	vld [tilespmem:s21+$0x8180]  }
0x375: {  	v5 =	vnsel vm1, $0x0, v2;
	v2 =	vld [tilespmem:s21+$0x8000];
	vm0 =	vgt.f32 v3, $5.000000000e-01;
	[tilespmem:s22+$0x14180] =	vst v4  }
0x376: {  	[tilespmem:s22+$0x14000] =	vst v5;
	v4 =	vnsel vm0, $0x0, v3;
	v3 =	vld [tilespmem:s21+$0x8080];
	vm0 =	vgt.f32 v1, $5.000000000e-01  }
0x377: {  	v5 =	vld [tilespmem:s21+$0x8100];
	_ =	sdelay $0x1  }
0x378: {  	[tilespmem:s22+$0x14080] =	vst v4;
	v1 =	vnsel vm0, $0x0, v1;
	vm0 =	vgt.f32 v0, $5.000000000e-01  }
0x379: {  	[tilespmem:s22+$0x14100] =	vst v1;
	vm1 =	vgt.f32 v2, $5.000000000e-01;
	v0 =	vnsel vm0, $0x0, v0  }
0x37a: {  	v1 =	vnsel vm1, $0x0, v2;
	vm0 =	vgt.f32 v3, $5.000000000e-01;
	[tilespmem:s21+$0x14180] =	vst v0  }
0x37b: {  	s23 =	sld [smem:$0x7FA];
	[tilespmem:s21+$0x14000] =	vst v1;
	v0 =	vnsel vm0, $0x0, v3;
	vm0 =	vgt.f32 v5, $5.000000000e-01  }
0x37c: {  	[tilespmem:s21+$0x14080] =	vst v0;
	v0 =	vnsel vm0, $0x0, v5  }
0x37d: {  	[tilespmem:s21+$0x14100] =	vst v0  }
0x37e: {  	[hbm4b:s23+s7] =	stream.strided.scatter [tilespmem:s16], [sflag:$0x6], $0x4000, s8, s7, $0x38;
	[tilespmem:$0x18000] =	vst v63  }
0x37f: {  	_ = 	snop  }
0x380: {  	[tilespmem:s10], [sflag:$0x3] =	stream.strided.gather [hbm4b:s31+s7], $0x4000, s8, s7, $0x38;
	[tilespmem:$0x18000] =	vst v63  }
0x381: {  	_ =	swait.ge [sflag:s11], $0x4000  }
0x382: {  	[sflag:s11] =	ssyncset.done $0x0  }
0x383: {  	[sflag:s11] =	ssyncadd.s32 $0xFFFFC000  }
0x384: {  	s24 =	simm.s32 $0x0;
	_ =	swait.ge [sflag:s17], $0x4000  }
0x385: {  	s25 =	sand.u32 $0x70, s24;
	s21 =	sand.u32 $0x3E00, s24;
	[sflag:s17] =	ssyncset.done $0x0  }
0x386: {  	s22 =	sor.u32 s25, s21;
	[sflag:s17] =	ssyncadd.s32 $0xFFFFC000  }
0x387: {  	v2 =	vld [tilespmem:s22+$0x180]  }
0x388: {  	v3 =	vld [tilespmem:s22+$0x0]  }
0x389: {  	v4 =	vld [tilespmem:s22+$0x80]  }
0x38a: {  	s26 =	simm.s32 $0x10;
	s23 =	simm.s32 $0x40;
	v1 =	vld [tilespmem:s22+$0x100]  }
0x38b: {  	s21 =	sand.u32 $0x70, s26;
	s24 =	sand.u32 $0x3E00, s23  }
0x38c: {  	s21 =	sor.u32 s21, s24;
	vm0 =	vgt.f32 v2, $5.000000000e-01  }
0x38d: {  	v0 =	vld [tilespmem:s21+$0x180];
	v5 =	vnsel vm0, $0x0, v2;
	vm0 =	vgt.f32 v3, $5.000000000e-01  }
0x38e: {  	v2 =	vld [tilespmem:s21+$0x0];
	[tilespmem:s22+$0xC180] =	vst v5;
	v5 =	vnsel vm0, $0x0, v3;
	vm0 =	vgt.f32 v4, $5.000000000e-01  }
0x38f: {  	s24 =	simm.s32 $0x20;
	v3 =	vld [tilespmem:s21+$0x80];
	[tilespmem:s22+$0xC000] =	vst v5;
	v4 =	vnsel vm0, $0x0, v4;
	vm0 =	vgt.f32 v1, $5.000000000e-01  }
.LBB2_56:
0x390: {  	s25 =	sand.u32 $0x70, s24;
	s23 =	sadd.s32 $0x40, s23;
	[tilespmem:s22+$0xC080] =	vst v4;
	v4 =	vnsel vm0, $0x0, v1;
	v1 =	vld [tilespmem:s21+$0x100];
	p0 =	sne.s32 s24, $0xFF0  }
.Ltmp27:
0x391: {  	s24 =	sadd.s32 $0x10, s24;
	s26 =	sand.u32 $0x3E00, s23;
	[tilespmem:s22+$0xC100] =	vst v4;
	(pc) =	sbr.rel @p0 .LBB2_56-.Ltmp27, $4  }
0x392: {  	s22 =	smov.u32 s21;
	vm0 =	vgt.f32 v0, $5.000000000e-01;
	s21 =	sor.u32 s25, s26  }
0x393: {  	vm1 =	vgt.f32 v2, $5.000000000e-01;
	v4 =	vnsel vm0, $0x0, v0;
	v0 =	vld [tilespmem:s21+$0x180]  }
0x394: {  	v5 =	vnsel vm1, $0x0, v2;
	v2 =	vld [tilespmem:s21+$0x0];
	vm0 =	vgt.f32 v3, $5.000000000e-01;
	[tilespmem:s22+$0xC180] =	vst v4  }
0x395: {  	[tilespmem:s22+$0xC000] =	vst v5;
	v4 =	vnsel vm0, $0x0, v3;
	v3 =	vld [tilespmem:s21+$0x80];
	vm0 =	vgt.f32 v1, $5.000000000e-01  }
0x396: {  	v5 =	vld [tilespmem:s21+$0x100];
	_ =	sdelay $0x1  }
0x397: {  	[tilespmem:s22+$0xC080] =	vst v4;
	v1 =	vnsel vm0, $0x0, v1;
	vm0 =	vgt.f32 v0, $5.000000000e-01  }
0x398: {  	[tilespmem:s22+$0xC100] =	vst v1;
	vm1 =	vgt.f32 v2, $5.000000000e-01;
	v0 =	vnsel vm0, $0x0, v0  }
0x399: {  	v1 =	vnsel vm1, $0x0, v2;
	vm0 =	vgt.f32 v3, $5.000000000e-01;
	[tilespmem:s21+$0xC180] =	vst v0  }
0x39a: {  	s23 =	sld [smem:$0x7FC];
	[tilespmem:s21+$0xC000] =	vst v1;
	v0 =	vnsel vm0, $0x0, v3;
	vm0 =	vgt.f32 v5, $5.000000000e-01  }
0x39b: {  	[tilespmem:s21+$0xC080] =	vst v0;
	v0 =	vnsel vm0, $0x0, v5  }
0x39c: {  	[tilespmem:s21+$0xC100] =	vst v0  }
0x39d: {  	[hbm4b:s23+s7] =	stream.strided.scatter [tilespmem:s12], [sflag:$0x4], $0x4000, s8, s7, $0x38;
	[tilespmem:$0x18000] =	vst v63  }
0x39e: {  	s24 =	simm.s32 $0x0  }
0x39f: {  	[tilespmem:s24], [sflag:$0x1] =	stream.strided.gather [hbm4b:s0+s7], $0x4000, s8, s7, $0x38;
	[tilespmem:$0x18000] =	vst v63  }
0x3a0: {  	_ =	swait.ge [sflag:s13], $0x4000  }
0x3a1: {  	[sflag:s13] =	ssyncset.done $0x0  }
0x3a2: {  	[sflag:s13] =	ssyncadd.s32 $0xFFFFC000  }
0x3a3: {  	_ =	swait.ge [sflag:s18], $0x4000  }
0x3a4: {  	s25 =	sand.u32 $0x70, s24;
	s21 =	sand.u32 $0x3E00, s24;
	[sflag:s18] =	ssyncset.done $0x0  }
0x3a5: {  	s22 =	sor.u32 s25, s21;
	[sflag:s18] =	ssyncadd.s32 $0xFFFFC000  }
0x3a6: {  	v2 =	vld [tilespmem:s22+$0x4180]  }
0x3a7: {  	v3 =	vld [tilespmem:s22+$0x4000]  }
0x3a8: {  	v4 =	vld [tilespmem:s22+$0x4080]  }
0x3a9: {  	s26 =	simm.s32 $0x10;
	s23 =	simm.s32 $0x40;
	v1 =	vld [tilespmem:s22+$0x4100]  }
0x3aa: {  	s21 =	sand.u32 $0x70, s26;
	s24 =	sand.u32 $0x3E00, s23  }
0x3ab: {  	s21 =	sor.u32 s21, s24;
	vm0 =	vgt.f32 v2, $5.000000000e-01  }
0x3ac: {  	v0 =	vld [tilespmem:s21+$0x4180];
	v5 =	vnsel vm0, $0x0, v2;
	vm0 =	vgt.f32 v3, $5.000000000e-01  }
0x3ad: {  	v2 =	vld [tilespmem:s21+$0x4000];
	[tilespmem:s22+$0x10180] =	vst v5;
	v5 =	vnsel vm0, $0x0, v3;
	vm0 =	vgt.f32 v4, $5.000000000e-01  }
0x3ae: {  	s24 =	simm.s32 $0x20;
	v3 =	vld [tilespmem:s21+$0x4080];
	[tilespmem:s22+$0x10000] =	vst v5;
	v4 =	vnsel vm0, $0x0, v4;
	vm0 =	vgt.f32 v1, $5.000000000e-01  }
.LBB2_58:
0x3af: {  	s25 =	sand.u32 $0x70, s24;
	s23 =	sadd.s32 $0x40, s23;
	[tilespmem:s22+$0x10080] =	vst v4;
	v4 =	vnsel vm0, $0x0, v1;
	v1 =	vld [tilespmem:s21+$0x4100];
	p0 =	sne.s32 s24, $0xFF0  }
.Ltmp28:
0x3b0: {  	s24 =	sadd.s32 $0x10, s24;
	s26 =	sand.u32 $0x3E00, s23;
	[tilespmem:s22+$0x10100] =	vst v4;
	(pc) =	sbr.rel @p0 .LBB2_58-.Ltmp28, $4  }
0x3b1: {  	s22 =	smov.u32 s21;
	vm0 =	vgt.f32 v0, $5.000000000e-01;
	s21 =	sor.u32 s25, s26  }
0x3b2: {  	vm1 =	vgt.f32 v2, $5.000000000e-01;
	v4 =	vnsel vm0, $0x0, v0;
	v0 =	vld [tilespmem:s21+$0x4180]  }
0x3b3: {  	v5 =	vnsel vm1, $0x0, v2;
	v2 =	vld [tilespmem:s21+$0x4000];
	vm0 =	vgt.f32 v3, $5.000000000e-01;
	[tilespmem:s22+$0x10180] =	vst v4  }
0x3b4: {  	[tilespmem:s22+$0x10000] =	vst v5;
	v4 =	vnsel vm0, $0x0, v3;
	v3 =	vld [tilespmem:s21+$0x4080];
	vm0 =	vgt.f32 v1, $5.000000000e-01  }
0x3b5: {  	v5 =	vld [tilespmem:s21+$0x4100];
	_ =	sdelay $0x1  }
0x3b6: {  	[tilespmem:s22+$0x10080] =	vst v4;
	v1 =	vnsel vm0, $0x0, v1;
	vm0 =	vgt.f32 v0, $5.000000000e-01  }
0x3b7: {  	[tilespmem:s22+$0x10100] =	vst v1;
	vm1 =	vgt.f32 v2, $5.000000000e-01;
	v0 =	vnsel vm0, $0x0, v0  }
0x3b8: {  	v1 =	vnsel vm1, $0x0, v2;
	vm0 =	vgt.f32 v3, $5.000000000e-01;
	[tilespmem:s21+$0x10180] =	vst v0  }
0x3b9: {  	[tilespmem:s21+$0x10000] =	vst v1;
	v0 =	vnsel vm0, $0x0, v3;
	vm0 =	vgt.f32 v5, $5.000000000e-01  }
0x3ba: {  	[tilespmem:s21+$0x10080] =	vst v0;
	v0 =	vnsel vm0, $0x0, v5  }
0x3bb: {  	[tilespmem:s21+$0x10100] =	vst v0  }
0x3bc: {  	[hbm4b:s28+s7] =	stream.strided.scatter [tilespmem:s14], [sflag:$0x5], $0x4000, s8, s7, $0x38;
	[tilespmem:$0x18000] =	vst v63  }
0x3bd: {  	_ = 	snop  }
0x3be: {  	[tilespmem:s9], [sflag:$0x2] =	stream.strided.gather [hbm4b:s2+s7], $0x4000, s8, s7, $0x38;
	[tilespmem:$0x18000] =	vst v63  }
0x3bf: {  	_ =	swait.ge [sflag:s15], $0x4000  }
0x3c0: {  	[sflag:s15] =	ssyncset.done $0x0  }
0x3c1: {  	[sflag:s15] =	ssyncadd.s32 $0xFFFFC000  }
0x3c2: {  	s24 =	simm.s32 $0x0;
	_ =	swait.ge [sflag:s19], $0x4000  }
0x3c3: {  	s25 =	sand.u32 $0x70, s24;
	s21 =	sand.u32 $0x3E00, s24;
	[sflag:s19] =	ssyncset.done $0x0  }
0x3c4: {  	s22 =	sor.u32 s25, s21;
	[sflag:s19] =	ssyncadd.s32 $0xFFFFC000  }
0x3c5: {  	v2 =	vld [tilespmem:s22+$0x8180]  }
0x3c6: {  	v3 =	vld [tilespmem:s22+$0x8000]  }
0x3c7: {  	v4 =	vld [tilespmem:s22+$0x8080]  }
0x3c8: {  	s26 =	simm.s32 $0x10;
	s23 =	simm.s32 $0x40;
	v1 =	vld [tilespmem:s22+$0x8100]  }
0x3c9: {  	s24 =	sand.u32 $0x3E00, s23;
	s21 =	sand.u32 $0x70, s26  }
0x3ca: {  	s21 =	sor.u32 s21, s24;
	vm0 =	vgt.f32 v2, $5.000000000e-01  }
0x3cb: {  	v0 =	vld [tilespmem:s21+$0x8180];
	v5 =	vnsel vm0, $0x0, v2;
	vm0 =	vgt.f32 v3, $5.000000000e-01  }
0x3cc: {  	v2 =	vld [tilespmem:s21+$0x8000];
	[tilespmem:s22+$0x14180] =	vst v5;
	v5 =	vnsel vm0, $0x0, v3;
	vm0 =	vgt.f32 v4, $5.000000000e-01  }
0x3cd: {  	s24 =	simm.s32 $0x20;
	v3 =	vld [tilespmem:s21+$0x8080];
	[tilespmem:s22+$0x14000] =	vst v5;
	v4 =	vnsel vm0, $0x0, v4;
	vm0 =	vgt.f32 v1, $5.000000000e-01  }
.LBB2_60:
0x3ce: {  	s25 =	sand.u32 $0x70, s24;
	s23 =	sadd.s32 $0x40, s23;
	[tilespmem:s22+$0x14080] =	vst v4;
	v4 =	vnsel vm0, $0x0, v1;
	v1 =	vld [tilespmem:s21+$0x8100];
	p0 =	sne.s32 s24, $0xFF0  }
.Ltmp29:
0x3cf: {  	s24 =	sadd.s32 $0x10, s24;
	s26 =	sand.u32 $0x3E00, s23;
	[tilespmem:s22+$0x14100] =	vst v4;
	(pc) =	sbr.rel @p0 .LBB2_60-.Ltmp29, $4  }
0x3d0: {  	s22 =	smov.u32 s21;
	vm0 =	vgt.f32 v0, $5.000000000e-01;
	s21 =	sor.u32 s25, s26  }
0x3d1: {  	vm1 =	vgt.f32 v2, $5.000000000e-01;
	v4 =	vnsel vm0, $0x0, v0;
	v0 =	vld [tilespmem:s21+$0x8180]  }
0x3d2: {  	v5 =	vnsel vm1, $0x0, v2;
	v2 =	vld [tilespmem:s21+$0x8000];
	vm0 =	vgt.f32 v3, $5.000000000e-01;
	[tilespmem:s22+$0x14180] =	vst v4  }
0x3d3: {  	[tilespmem:s22+$0x14000] =	vst v5;
	v4 =	vnsel vm0, $0x0, v3;
	v3 =	vld [tilespmem:s21+$0x8080];
	vm0 =	vgt.f32 v1, $5.000000000e-01  }
0x3d4: {  	v5 =	vld [tilespmem:s21+$0x8100];
	_ =	sdelay $0x1  }
0x3d5: {  	[tilespmem:s22+$0x14080] =	vst v4;
	v1 =	vnsel vm0, $0x0, v1;
	vm0 =	vgt.f32 v0, $5.000000000e-01  }
0x3d6: {  	[tilespmem:s22+$0x14100] =	vst v1;
	vm1 =	vgt.f32 v2, $5.000000000e-01;
	v0 =	vnsel vm0, $0x0, v0  }
0x3d7: {  	v1 =	vnsel vm1, $0x0, v2;
	vm0 =	vgt.f32 v3, $5.000000000e-01;
	[tilespmem:s21+$0x14180] =	vst v0  }
0x3d8: {  	[tilespmem:s21+$0x14000] =	vst v1;
	v0 =	vnsel vm0, $0x0, v3;
	vm0 =	vgt.f32 v5, $5.000000000e-01  }
0x3d9: {  	[tilespmem:s21+$0x14080] =	vst v0;
	v0 =	vnsel vm0, $0x0, v5  }
0x3da: {  	[tilespmem:s21+$0x14100] =	vst v0  }
0x3db: {  	[hbm4b:s3+s7] =	stream.strided.scatter [tilespmem:s16], [sflag:$0x6], $0x4000, s8, s7, $0x38;
	[tilespmem:$0x18000] =	vst v63  }
0x3dc: {  	_ =	swait.ge [sflag:s11], $0x4000  }
0x3dd: {  	[sflag:s11] =	ssyncset.done $0x0  }
0x3de: {  	[sflag:s11] =	ssyncadd.s32 $0xFFFFC000  }
0x3df: {  	s24 =	simm.s32 $0x0;
	_ =	swait.ge [sflag:s17], $0x4000  }
0x3e0: {  	s25 =	sand.u32 $0x70, s24;
	s21 =	sand.u32 $0x3E00, s24;
	[sflag:s17] =	ssyncset.done $0x0  }
0x3e1: {  	s22 =	sor.u32 s25, s21;
	[sflag:s17] =	ssyncadd.s32 $0xFFFFC000  }
0x3e2: {  	v2 =	vld [tilespmem:s22+$0x180]  }
0x3e3: {  	v3 =	vld [tilespmem:s22+$0x0]  }
0x3e4: {  	v4 =	vld [tilespmem:s22+$0x80]  }
0x3e5: {  	s26 =	simm.s32 $0x10;
	s23 =	simm.s32 $0x40;
	v1 =	vld [tilespmem:s22+$0x100]  }
0x3e6: {  	s24 =	sand.u32 $0x3E00, s23;
	s21 =	sand.u32 $0x70, s26  }
0x3e7: {  	s21 =	sor.u32 s21, s24;
	vm0 =	vgt.f32 v2, $5.000000000e-01  }
0x3e8: {  	v0 =	vld [tilespmem:s21+$0x180];
	v5 =	vnsel vm0, $0x0, v2;
	vm0 =	vgt.f32 v3, $5.000000000e-01  }
0x3e9: {  	v2 =	vld [tilespmem:s21+$0x0];
	[tilespmem:s22+$0xC180] =	vst v5;
	v5 =	vnsel vm0, $0x0, v3;
	vm0 =	vgt.f32 v4, $5.000000000e-01  }
0x3ea: {  	s24 =	simm.s32 $0x20;
	v3 =	vld [tilespmem:s21+$0x80];
	[tilespmem:s22+$0xC000] =	vst v5;
	v4 =	vnsel vm0, $0x0, v4;
	vm0 =	vgt.f32 v1, $5.000000000e-01  }
.LBB2_62:
0x3eb: {  	s25 =	sand.u32 $0x70, s24;
	s23 =	sadd.s32 $0x40, s23;
	[tilespmem:s22+$0xC080] =	vst v4;
	v4 =	vnsel vm0, $0x0, v1;
	v1 =	vld [tilespmem:s21+$0x100];
	p0 =	sne.s32 s24, $0xFF0  }
.Ltmp30:
0x3ec: {  	s24 =	sadd.s32 $0x10, s24;
	s26 =	sand.u32 $0x3E00, s23;
	[tilespmem:s22+$0xC100] =	vst v4;
	(pc) =	sbr.rel @p0 .LBB2_62-.Ltmp30, $4  }
0x3ed: {  	s22 =	smov.u32 s21;
	vm0 =	vgt.f32 v0, $5.000000000e-01;
	s21 =	sor.u32 s25, s26  }
0x3ee: {  	vm1 =	vgt.f32 v2, $5.000000000e-01;
	v4 =	vnsel vm0, $0x0, v0;
	v0 =	vld [tilespmem:s21+$0x180]  }
0x3ef: {  	v5 =	vnsel vm1, $0x0, v2;
	v2 =	vld [tilespmem:s21+$0x0];
	vm0 =	vgt.f32 v3, $5.000000000e-01;
	[tilespmem:s22+$0xC180] =	vst v4  }
0x3f0: {  	[tilespmem:s22+$0xC000] =	vst v5;
	v4 =	vnsel vm0, $0x0, v3;
	v3 =	vld [tilespmem:s21+$0x80];
	vm0 =	vgt.f32 v1, $5.000000000e-01  }
0x3f1: {  	v5 =	vld [tilespmem:s21+$0x100];
	_ =	sdelay $0x1  }
0x3f2: {  	[tilespmem:s22+$0xC080] =	vst v4;
	v1 =	vnsel vm0, $0x0, v1;
	vm0 =	vgt.f32 v0, $5.000000000e-01  }
0x3f3: {  	[tilespmem:s22+$0xC100] =	vst v1;
	vm1 =	vgt.f32 v2, $5.000000000e-01;
	v0 =	vnsel vm0, $0x0, v0  }
0x3f4: {  	v1 =	vnsel vm1, $0x0, v2;
	vm0 =	vgt.f32 v3, $5.000000000e-01;
	[tilespmem:s21+$0xC180] =	vst v0  }
0x3f5: {  	[tilespmem:s21+$0xC000] =	vst v1;
	v0 =	vnsel vm0, $0x0, v3;
	vm0 =	vgt.f32 v5, $5.000000000e-01  }
0x3f6: {  	[tilespmem:s21+$0xC080] =	vst v0;
	v0 =	vnsel vm0, $0x0, v5  }
0x3f7: {  	[tilespmem:s21+$0xC100] =	vst v0  }
0x3f8: {  	[hbm4b:s4+s7] =	stream.strided.scatter [tilespmem:s12], [sflag:$0x4], $0x4000, s8, s7, $0x38;
	[tilespmem:$0x18000] =	vst v63  }
0x3f9: {  	_ =	swait.ge [sflag:s13], $0x4000  }
0x3fa: {  	[sflag:s13] =	ssyncset.done $0x0  }
0x3fb: {  	[sflag:s13] =	ssyncadd.s32 $0xFFFFC000  }
0x3fc: {  	s24 =	simm.s32 $0x0;
	_ =	swait.ge [sflag:s18], $0x4000  }
0x3fd: {  	s25 =	sand.u32 $0x70, s24;
	s21 =	sand.u32 $0x3E00, s24;
	[sflag:s18] =	ssyncset.done $0x0  }
0x3fe: {  	s22 =	sor.u32 s25, s21;
	[sflag:s18] =	ssyncadd.s32 $0xFFFFC000  }
0x3ff: {  	v2 =	vld [tilespmem:s22+$0x4180]  }
0x400: {  	v3 =	vld [tilespmem:s22+$0x4000]  }
0x401: {  	v4 =	vld [tilespmem:s22+$0x4080]  }
0x402: {  	s26 =	simm.s32 $0x10;
	s23 =	simm.s32 $0x40;
	v1 =	vld [tilespmem:s22+$0x4100]  }
0x403: {  	s24 =	sand.u32 $0x3E00, s23;
	s21 =	sand.u32 $0x70, s26  }
0x404: {  	s21 =	sor.u32 s21, s24;
	vm0 =	vgt.f32 v2, $5.000000000e-01  }
0x405: {  	v0 =	vld [tilespmem:s21+$0x4180];
	v5 =	vnsel vm0, $0x0, v2;
	vm0 =	vgt.f32 v3, $5.000000000e-01  }
0x406: {  	v2 =	vld [tilespmem:s21+$0x4000];
	[tilespmem:s22+$0x10180] =	vst v5;
	v5 =	vnsel vm0, $0x0, v3;
	vm0 =	vgt.f32 v4, $5.000000000e-01  }
0x407: {  	s24 =	simm.s32 $0x20;
	v3 =	vld [tilespmem:s21+$0x4080];
	[tilespmem:s22+$0x10000] =	vst v5;
	v4 =	vnsel vm0, $0x0, v4;
	vm0 =	vgt.f32 v1, $5.000000000e-01  }
.LBB2_64:
0x408: {  	s25 =	sand.u32 $0x70, s24;
	s23 =	sadd.s32 $0x40, s23;
	[tilespmem:s22+$0x10080] =	vst v4;
	v4 =	vnsel vm0, $0x0, v1;
	v1 =	vld [tilespmem:s21+$0x4100];
	p0 =	sne.s32 s24, $0xFF0  }
.Ltmp31:
0x409: {  	s24 =	sadd.s32 $0x10, s24;
	s26 =	sand.u32 $0x3E00, s23;
	[tilespmem:s22+$0x10100] =	vst v4;
	(pc) =	sbr.rel @p0 .LBB2_64-.Ltmp31, $4  }
0x40a: {  	s22 =	smov.u32 s21;
	vm0 =	vgt.f32 v0, $5.000000000e-01;
	s21 =	sor.u32 s25, s26  }
0x40b: {  	vm1 =	vgt.f32 v2, $5.000000000e-01;
	v4 =	vnsel vm0, $0x0, v0;
	v0 =	vld [tilespmem:s21+$0x4180]  }
0x40c: {  	v5 =	vnsel vm1, $0x0, v2;
	v2 =	vld [tilespmem:s21+$0x4000];
	vm0 =	vgt.f32 v3, $5.000000000e-01;
	[tilespmem:s22+$0x10180] =	vst v4  }
0x40d: {  	[tilespmem:s22+$0x10000] =	vst v5;
	v4 =	vnsel vm0, $0x0, v3;
	v3 =	vld [tilespmem:s21+$0x4080];
	vm0 =	vgt.f32 v1, $5.000000000e-01  }
0x40e: {  	v5 =	vld [tilespmem:s21+$0x4100];
	_ =	sdelay $0x1  }
0x40f: {  	[tilespmem:s22+$0x10080] =	vst v4;
	v1 =	vnsel vm0, $0x0, v1;
	vm13 =	vgt.f32 v0, $5.000000000e-01  }
0x410: {  	[tilespmem:s22+$0x10100] =	vst v1;
	vm1 =	vgt.f32 v2, $5.000000000e-01;
	v0 =	vnsel vm13, $0x0, v0  }
0x411: {  	v61 =	vnsel vm1, $0x0, v2;
	vm14 =	vgt.f32 v3, $5.000000000e-01;
	[tilespmem:s21+$0x10180] =	vst v0  }
0x412: {  	[tilespmem:s21+$0x10000] =	vst v61;
	v62 =	vnsel vm14, $0x0, v3;
	vm15 =	vgt.f32 v5, $5.000000000e-01  }
0x413: {  	[tilespmem:s21+$0x10080] =	vst v62;
	v63 =	vnsel vm15, $0x0, v5  }
0x414: {  	[tilespmem:s21+$0x10100] =	vst v63  }
0x415: {  	[hbm4b:s5+s7] =	stream.strided.scatter [tilespmem:s14], [sflag:$0x5], $0x4000, s8, s7, $0x38;
	[tilespmem:$0x18000] =	vst v63  }
0x416: {  	_ =	swait.ge [sflag:s17], $0x4000  }
0x417: {  	[sflag:s17] =	ssyncset.done $0x0  }
0x418: {  	s20 =	sadd.s32 $0x1, s20;
	[sflag:s17] =	ssyncadd.s32 $0xFFFFC000  }
0x419: {  	p0 =	sne.s32 s20, s6;
	_ =	swait.ge [sflag:s18], $0x4000  }
.Ltmp32:
0x41a: {  	[sflag:s18] =	ssyncset.done $0x0;
	(pc) =	sbr.rel @p0 .LBB2_1-.Ltmp32, $4  }
0x41b: {  	[sflag:s18] =	ssyncadd.s32 $0xFFFFC000  }
0x41c: {  	_ =	swait.ge [sflag:s19], $0x4000  }
0x41d: {  	[sflag:s19] =	ssyncset.done $0x0  }
0x41e: {  	[sflag:s19] =	ssyncadd.s32 $0xFFFFC000  }
0x41f: {  	_ =	sfence.sel $0x180000  }
0x420: {  	[bflag:$0x0] =	sbarrier.arrive $0xFFFF  }
0x421: {  	_ =	strace $0x90000047  }
0x422: {  	s0 =	stileid.u32;
	[bflag:$0x2] =	sbarrier.arrive $0xFFFF  }
0x423: {  	p0 =	sne.s32 s0, $0x0;
	s0 =	rddreg [dreg:$0x2]  }
0x424: {  	s0 =	sadd.s32 @!p0 $0x100000, s0  }
0x425: {  	[sflag:s0] =	ssyncadd.tile.s32 @!p0 $0x1;
	_ =	shalt  }
.Lfunc_end2:
_tile_overlayer_lowered:
.L_overlay_start_2:
0x426: {  	(tag) =	ssettag $0x2  }
0x427: {  	s0 =	rddreg [dreg:$0x0];
	s2 =	stileid.u32  }
0x428: {  	s1 =	rddreg [dreg:$0x1];
	p0 =	sne.s32 s2, $0x0  }
0x429: {  	s3 =	rddreg [dreg:$0x2];
	[bflag:$0x3] =	sbarrier.arrive $0xFFFF;
	s2 =	simm.s32 @!p0 $0x1C07  }
0x42a: {  	[timem:s3], [sflag:s2] =	dma.local @!p0 [hbm:s0], s1  }
0x42b: {  	s0 =	simm.s32 @!p0 $0x7  }
0x42c: {  	_ =	swait.ge @!p0 [sflag:s0], s1  }
0x42d: {  	s1 =	ssub.s32 @!p0 $0x0, s1;
	[sflag:s0] =	ssyncset.done @!p0 $0x0  }
0x42e: {  	[sflag:s0] =	ssyncadd.s32 @!p0 s1  }
0x42f: {  	[bflag:$0x3] =	sbarrier.arrive $0xFFFF  }
0x430: {  	_ =	shalt  }

</sc_bundles>
